<compile_context>
chip_gen: v7x
topology: tpu7x:2x2x1
jax: 0.10.2.dev20260603
libtpu: 0.0.44.dev20260713+nightly
codegen_flags: <defaults>
</compile_context>

<pallas_src>
import jax
import jax.numpy as jnp
from jax import lax
from jax.experimental import pallas as pl
from jax.experimental.pallas import tpu as pltpu
from jax.experimental.pallas import tpu_sc as plsc

_C = 150
_NBINS = _C * _C
_BINS_PAD = 22528
_N = 2097152
_NC = 2
_NS = 16
_L = 16
_NW = _NC * _NS
_PER_W = _N // _NW
_CHUNK = 8192
_NCHUNK = _PER_W // _CHUNK
_SLICE = _BINS_PAD // _NS
_U = 8


def _hist_body(pred_hbm, gt_hbm, out_hbm, pred_v, gt_v, hist_v, red_v,
               acc_v, shared, sem):
    c = lax.axis_index("c")
    s = lax.axis_index("s")
    wid = c * _NS + s
    base = wid * _PER_W

    zero = jnp.zeros((_L,), jnp.int32)

    def zero_body(i, carry):
        hist_v[pl.ds(i * _L, _L)] = zero
        return carry

    lax.fori_loop(0, _BINS_PAD // _L, zero_body, 0)

    def issue(k, buf):
        src = pl.ds(base + k * _CHUNK, _CHUNK)
        return (pltpu.async_copy(pred_hbm.at[src], pred_v.at[buf], sem),
                pltpu.async_copy(gt_hbm.at[src], gt_v.at[buf], sem))

    pending = issue(0, 0)
    for k in range(_NCHUNK):
        buf = k % 2
        pending[0].wait()
        pending[1].wait()
        if k + 1 < _NCHUNK:
            pending = issue(k + 1, (k + 1) % 2)

        def acc_body(i, carry):
            off = i * (_L * _U)
            ones = jnp.ones((_L,), jnp.int32)
            ps = [pred_v[buf, pl.ds(off + u * _L, _L)] for u in range(_U)]
            gs = [gt_v[buf, pl.ds(off + u * _L, _L)] for u in range(_U)]
            idxs = [g * _C + p for p, g in zip(ps, gs)]
            for idx in idxs:
                plsc.addupdate_scatter(hist_v, [idx], ones)
            return carry

        lax.fori_loop(0, _CHUNK // (_L * _U), acc_body, 0)

    pltpu.sync_copy(hist_v, shared.at[s])
    plsc.subcore_barrier()
    for t in range(_NS):
        pltpu.sync_copy(shared.at[t, pl.ds(s * _SLICE, _SLICE)], red_v.at[t])

    def red_body(j, carry):
        v = red_v[0, pl.ds(j * _L, _L)]
        for t in range(1, _NS):
            v = v + red_v[t, pl.ds(j * _L, _L)]
        acc_v[pl.ds(j * _L, _L)] = v
        return carry

    lax.fori_loop(0, _SLICE // _L, red_body, 0)
    pltpu.sync_copy(acc_v, out_hbm.at[c, pl.ds(s * _SLICE, _SLICE)])


_sc_hist = pl.kernel(
    _hist_body,
    out_type=jax.ShapeDtypeStruct((_NC, _BINS_PAD), jnp.int32),
    mesh=plsc.VectorSubcoreMesh(core_axis_name="c", subcore_axis_name="s"),
    compiler_params=pltpu.CompilerParams(needs_layout_passes=False),
    scratch_types=[
        pltpu.VMEM((2, _CHUNK), jnp.int32),
        pltpu.VMEM((2, _CHUNK), jnp.int32),
        pltpu.VMEM((_BINS_PAD,), jnp.int32),
        pltpu.VMEM((_NS, _SLICE), jnp.int32),
        pltpu.VMEM((_SLICE,), jnp.int32),
        pltpu.VMEM_SHARED((_NS, _BINS_PAD), jnp.int32),
        pltpu.SemaphoreType.DMA,
    ],
)


def _fin_body(m_ref, conf_ref, iou_ref, acc_ref):
    m = m_ref[...].astype(jnp.float32)
    conf = m[0] + m[1]
    rows = jnp.sum(conf, axis=1)
    cols = jnp.sum(conf, axis=0)
    ii = lax.broadcasted_iota(jnp.int32, (_C, _C), 0)
    jj = lax.broadcasted_iota(jnp.int32, (_C, _C), 1)
    tp = jnp.sum(jnp.where(ii == jj, conf, 0.0), axis=1)
    fp = rows - tp
    fn = cols - tp
    conf_ref[...] = conf
    iou_ref[...] = tp / (tp + fp + fn + 1e-15)
    acc_ref[...] = tp / (tp + fp)


_fin = pl.pallas_call(
    _fin_body,
    out_shape=(
        jax.ShapeDtypeStruct((_C, _C), jnp.float32),
        jax.ShapeDtypeStruct((_C,), jnp.float32),
        jax.ShapeDtypeStruct((_C,), jnp.float32),
    ),
)


@jax.jit
def kernel(pred_labels, gt_labels):
    parts = _sc_hist(pred_labels.astype(jnp.int32), gt_labels.astype(jnp.int32))
    m = parts[:, :_NBINS].reshape(_NC, _C, _C)
    return _fin(m)

# --- scband reference (transcript-rebuilt; emitter-appended) ---
"""Pipeline reference for scband-classification-metrics-62637803045631 (READ-ONLY COPY).

The authoritative reference and input builder live on the scoring server;
editing this copy changes nothing except your own understanding.
"""

import jax, jax.numpy as jnp
import numpy as np

N_CLASSES = 150
IGNORE_INDEX = 255
N = 2097152


def setup_inputs(seed: int = 0) -> dict:
    key = jax.random.key(seed)
    k1, k2 = jax.random.split(key)
    pred_labels = jax.random.randint(k1, (N,), 0, N_CLASSES)
    gt_labels = jax.random.randint(k2, (N,), 0, N_CLASSES)
    return {"pred_labels": pred_labels, "gt_labels": gt_labels}


def reference(pred_labels, gt_labels):
    C = N_CLASSES
    # torcheval MulticlassConfusionMatrix convention: rows = target (gt), cols = input (pred)
    # conf_mat = bincount(num_classes * target + input).reshape(C, C)
    flat = gt_labels.astype(jnp.int32) * C + pred_labels.astype(jnp.int32)
    conf_mat = jnp.bincount(flat, length=C * C).reshape(C, C).astype(jnp.float32)
    # get_stats
    tp = jnp.diag(conf_mat)
    fp = conf_mat.sum(axis=1) - tp
    fn = conf_mat.sum(axis=0) - tp
    # get_iou
    iou = tp / (tp + fp + fn + 1e-15)
    # get_acc
    acc = tp / (tp + fp)
    return (conf_mat, iou, acc)

if __name__ == "__main__":
    import jax
    _d = setup_inputs()
    print(jax.jit(kernel)(*tuple(_d.values())))

</pallas_src>

<mosaic_0001>
#map = affine_map<(d0, d1) -> (0)>
#map1 = affine_map<(d0, d1) -> (0, 0)>
module attributes {stable_mosaic.version = 14 : i64} {
  func.func @_hist_body(%arg0: i32, %arg1: i32, %arg2: memref<2097152xi32, #tpu.memory_space<hbm>>, %arg3: memref<2097152xi32, #tpu.memory_space<hbm>>, %arg4: memref<2x22528xi32, #tpu.memory_space<hbm>>, %arg5: memref<2x8192xi32, #tpu.memory_space<vmem>>, %arg6: memref<2x8192xi32, #tpu.memory_space<vmem>>, %arg7: memref<22528xi32, #tpu.memory_space<vmem>>, %arg8: memref<16x1408xi32, #tpu.memory_space<vmem>>, %arg9: memref<1408xi32, #tpu.memory_space<vmem>>, %arg10: memref<16x22528xi32, #tpu.memory_space<vmem_shared>>, %arg11: memref<!tpu.dma_semaphore, #tpu.memory_space<semaphore_mem>>) attributes {dimension_semantics = [#tpu.dimension_semantics<core_parallel>, #tpu.dimension_semantics<subcore_parallel>], iteration_bounds = array<i64: 2, 16>, scalar_prefetch = 0 : i64, scratch_operands = 7 : i64, tpu.core_type = #tpu.core_type<sc_vector_subcore>, window_params = [{transform_indices = #map}, {transform_indices = #map}, {transform_indices = #map1}]} {
    %mul3A = arith.constant 16 : i32
    %mul3A_0 = arith.muli %arg0, %mul3A : i32
    %add3A = arith.addi %mul3A_0, %arg1 : i32
    %mul3A_1 = arith.constant 65536 : i32
    %mul3A_2 = arith.muli %add3A, %mul3A_1 : i32
    %broadcast_in_dim3A = arith.constant 0 : i32
    %broadcast_in_dim3A_3 = vector.broadcast %broadcast_in_dim3A : i32 to vector<16xi32>
    %scan3A = arith.constant 0 : i32
    %scan3A_4 = arith.constant 0 : i32
    %scan3A_5 = arith.constant 1408 : i32
    %scan3A_6 = arith.addi %scan3A_4, %scan3A_5 : i32
    %scan3A_7 = arith.constant 1 : i32
    scf.for %scan3A_430 = %scan3A_4 to %scan3A_6 step %scan3A_7  : i32 {
      %mul3A_431 = arith.constant 16 : i32
      %mul3A_432 = arith.muli %scan3A_430, %mul3A_431 : i32
      %swap3A = arith.index_cast %mul3A_432 : i32 to index
      %swap3A_433 = tpu.vector_load %arg7[%swap3A] {strides = array<i32>} : memref<22528xi32, #tpu.memory_space<vmem>>, vector<16xi32>,
      tpu.vector_store %arg7[%swap3A], %broadcast_in_dim3A_3 {strides = array<i32>} : memref<22528xi32, #tpu.memory_space<vmem>>, vector<16xi32>,
    }
    %scan3A_8 = arith.constant 1408 : i32
    %add3A_9 = arith.constant 0 : i32
    %add3A_10 = arith.addi %mul3A_2, %add3A_9 : i32
    %dma_start3A = arith.constant 0 : i32
    %dma_start3A_11 = arith.constant 0 : i32
    %dma_start3A_12 = tpu.memref_slice %arg5[%dma_start3A, %dma_start3A_11] : memref<2x8192xi32, #tpu.memory_space<vmem>> -> memref<1x8192xi32, #tpu.memory_space<vmem>>
    %dma_start3A_13 = tpu.memref_squeeze %dma_start3A_12 : memref<1x8192xi32, #tpu.memory_space<vmem>> -> memref<8192xi32, #tpu.memory_space<vmem>>
    %dma_start3A_14 = tpu.memref_slice %arg2[%add3A_10] : memref<2097152xi32, #tpu.memory_space<hbm>> -> memref<8192xi32, #tpu.memory_space<hbm>>
    %dma_start3A_15 = arith.constant 0 : i32
    %dma_start3A_16 = tpu.memref_slice %arg5[%dma_start3A, %dma_start3A_15] : memref<2x8192xi32, #tpu.memory_space<vmem>> -> memref<1x8192xi32, #tpu.memory_space<vmem>>
    %dma_start3A_17 = tpu.memref_squeeze %dma_start3A_16 : memref<1x8192xi32, #tpu.memory_space<vmem>> -> memref<8192xi32, #tpu.memory_space<vmem>>
    %dma_start3A_18 = tpu.memref_slice %arg2[%add3A_10] : memref<2097152xi32, #tpu.memory_space<hbm>> -> memref<8192xi32, #tpu.memory_space<hbm>>
    tpu.enqueue_dma source(%dma_start3A_18 : memref<8192xi32, #tpu.memory_space<hbm>>) target(%dma_start3A_17 : memref<8192xi32, #tpu.memory_space<vmem>>) target_semaphore(%arg11 : memref<!tpu.dma_semaphore, #tpu.memory_space<semaphore_mem>>)
    %dma_start3A_19 = arith.constant 0 : i32
    %dma_start3A_20 = arith.constant 0 : i32
    %dma_start3A_21 = tpu.memref_slice %arg6[%dma_start3A_19, %dma_start3A_20] : memref<2x8192xi32, #tpu.memory_space<vmem>> -> memref<1x8192xi32, #tpu.memory_space<vmem>>
    %dma_start3A_22 = tpu.memref_squeeze %dma_start3A_21 : memref<1x8192xi32, #tpu.memory_space<vmem>> -> memref<8192xi32, #tpu.memory_space<vmem>>
    %dma_start3A_23 = tpu.memref_slice %arg3[%add3A_10] : memref<2097152xi32, #tpu.memory_space<hbm>> -> memref<8192xi32, #tpu.memory_space<hbm>>
    %dma_start3A_24 = arith.constant 0 : i32
    %dma_start3A_25 = tpu.memref_slice %arg6[%dma_start3A_19, %dma_start3A_24] : memref<2x8192xi32, #tpu.memory_space<vmem>> -> memref<1x8192xi32, #tpu.memory_space<vmem>>
    %dma_start3A_26 = tpu.memref_squeeze %dma_start3A_25 : memref<1x8192xi32, #tpu.memory_space<vmem>> -> memref<8192xi32, #tpu.memory_space<vmem>>
    %dma_start3A_27 = tpu.memref_slice %arg3[%add3A_10] : memref<2097152xi32, #tpu.memory_space<hbm>> -> memref<8192xi32, #tpu.memory_space<hbm>>
    tpu.enqueue_dma source(%dma_start3A_27 : memref<8192xi32, #tpu.memory_space<hbm>>) target(%dma_start3A_26 : memref<8192xi32, #tpu.memory_space<vmem>>) target_semaphore(%arg11 : memref<!tpu.dma_semaphore, #tpu.memory_space<semaphore_mem>>)
    %dma_wait3A = arith.constant 0 : i32
    %dma_wait3A_28 = arith.constant 0 : i32
    %dma_wait3A_29 = tpu.memref_slice %arg5[%dma_wait3A, %dma_wait3A_28] : memref<2x8192xi32, #tpu.memory_space<vmem>> -> memref<1x8192xi32, #tpu.memory_space<vmem>>
    %dma_wait3A_30 = tpu.memref_squeeze %dma_wait3A_29 : memref<1x8192xi32, #tpu.memory_space<vmem>> -> memref<8192xi32, #tpu.memory_space<vmem>>
    %dma_wait3A_31 = tpu.memref_slice %arg2[%add3A_10] : memref<2097152xi32, #tpu.memory_space<hbm>> -> memref<8192xi32, #tpu.memory_space<hbm>>
    %dma_wait3A_32 = arith.constant 0 : i32
    %dma_wait3A_33 = tpu.memref_slice %arg5[%dma_wait3A, %dma_wait3A_32] : memref<2x8192xi32, #tpu.memory_space<vmem>> -> memref<1x8192xi32, #tpu.memory_space<vmem>>
    %dma_wait3A_34 = tpu.memref_squeeze %dma_wait3A_33 : memref<1x8192xi32, #tpu.memory_space<vmem>> -> memref<8192xi32, #tpu.memory_space<vmem>>
    %dma_wait3A_35 = tpu.memref_slice %arg2[%add3A_10] : memref<2097152xi32, #tpu.memory_space<hbm>> -> memref<8192xi32, #tpu.memory_space<hbm>>
    tpu.wait_dma2 semaphore(%arg11 : memref<!tpu.dma_semaphore, #tpu.memory_space<semaphore_mem>>) src(%dma_wait3A_35 : memref<8192xi32, #tpu.memory_space<hbm>>) dst(%dma_wait3A_34 : memref<8192xi32, #tpu.memory_space<vmem>>)
    %dma_wait3A_36 = arith.constant 0 : i32
    %dma_wait3A_37 = arith.constant 0 : i32
    %dma_wait3A_38 = tpu.memref_slice %arg6[%dma_wait3A_36, %dma_wait3A_37] : memref<2x8192xi32, #tpu.memory_space<vmem>> -> memref<1x8192xi32, #tpu.memory_space<vmem>>
    %dma_wait3A_39 = tpu.memref_squeeze %dma_wait3A_38 : memref<1x8192xi32, #tpu.memory_space<vmem>> -> memref<8192xi32, #tpu.memory_space<vmem>>
    %dma_wait3A_40 = tpu.memref_slice %arg3[%add3A_10] : memref<2097152xi32, #tpu.memory_space<hbm>> -> memref<8192xi32, #tpu.memory_space<hbm>>
    %dma_wait3A_41 = arith.constant 0 : i32
    %dma_wait3A_42 = tpu.memref_slice %arg6[%dma_wait3A_36, %dma_wait3A_41] : memref<2x8192xi32, #tpu.memory_space<vmem>> -> memref<1x8192xi32, #tpu.memory_space<vmem>>
    %dma_wait3A_43 = tpu.memref_squeeze %dma_wait3A_42 : memref<1x8192xi32, #tpu.memory_space<vmem>> -> memref<8192xi32, #tpu.memory_space<vmem>>
    %dma_wait3A_44 = tpu.memref_slice %arg3[%add3A_10] : memref<2097152xi32, #tpu.memory_space<hbm>> -> memref<8192xi32, #tpu.memory_space<hbm>>
    tpu.wait_dma2 semaphore(%arg11 : memref<!tpu.dma_semaphore, #tpu.memory_space<semaphore_mem>>) src(%dma_wait3A_44 : memref<8192xi32, #tpu.memory_space<hbm>>) dst(%dma_wait3A_43 : memref<8192xi32, #tpu.memory_space<vmem>>)
    %add3A_45 = arith.constant 8192 : i32
    %add3A_46 = arith.addi %mul3A_2, %add3A_45 : i32
    %dma_start3A_47 = arith.constant 1 : i32
    %dma_start3A_48 = arith.constant 0 : i32
    %dma_start3A_49 = tpu.memref_slice %arg5[%dma_start3A_47, %dma_start3A_48] : memref<2x8192xi32, #tpu.memory_space<vmem>> -> memref<1x8192xi32, #tpu.memory_space<vmem>>
    %dma_start3A_50 = tpu.memref_squeeze %dma_start3A_49 : memref<1x8192xi32, #tpu.memory_space<vmem>> -> memref<8192xi32, #tpu.memory_space<vmem>>
    %dma_start3A_51 = tpu.memref_slice %arg2[%add3A_46] : memref<2097152xi32, #tpu.memory_space<hbm>> -> memref<8192xi32, #tpu.memory_space<hbm>>
    %dma_start3A_52 = arith.constant 0 : i32
    %dma_start3A_53 = tpu.memref_slice %arg5[%dma_start3A_47, %dma_start3A_52] : memref<2x8192xi32, #tpu.memory_space<vmem>> -> memref<1x8192xi32, #tpu.memory_space<vmem>>
    %dma_start3A_54 = tpu.memref_squeeze %dma_start3A_53 : memref<1x8192xi32, #tpu.memory_space<vmem>> -> memref<8192xi32, #tpu.memory_space<vmem>>
    %dma_start3A_55 = tpu.memref_slice %arg2[%add3A_46] : memref<2097152xi32, #tpu.memory_space<hbm>> -> memref<8192xi32, #tpu.memory_space<hbm>>
    tpu.enqueue_dma source(%dma_start3A_55 : memref<8192xi32, #tpu.memory_space<hbm>>) target(%dma_start3A_54 : memref<8192xi32, #tpu.memory_space<vmem>>) target_semaphore(%arg11 : memref<!tpu.dma_semaphore, #tpu.memory_space<semaphore_mem>>)
    %dma_start3A_56 = arith.constant 1 : i32
    %dma_start3A_57 = arith.constant 0 : i32
    %dma_start3A_58 = tpu.memref_slice %arg6[%dma_start3A_56, %dma_start3A_57] : memref<2x8192xi32, #tpu.memory_space<vmem>> -> memref<1x8192xi32, #tpu.memory_space<vmem>>
    %dma_start3A_59 = tpu.memref_squeeze %dma_start3A_58 : memref<1x8192xi32, #tpu.memory_space<vmem>> -> memref<8192xi32, #tpu.memory_space<vmem>>
    %dma_start3A_60 = tpu.memref_slice %arg3[%add3A_46] : memref<2097152xi32, #tpu.memory_space<hbm>> -> memref<8192xi32, #tpu.memory_space<hbm>>
    %dma_start3A_61 = arith.constant 0 : i32
    %dma_start3A_62 = tpu.memref_slice %arg6[%dma_start3A_56, %dma_start3A_61] : memref<2x8192xi32, #tpu.memory_space<vmem>> -> memref<1x8192xi32, #tpu.memory_space<vmem>>
    %dma_start3A_63 = tpu.memref_squeeze %dma_start3A_62 : memref<1x8192xi32, #tpu.memory_space<vmem>> -> memref<8192xi32, #tpu.memory_space<vmem>>
    %dma_start3A_64 = tpu.memref_slice %arg3[%add3A_46] : memref<2097152xi32, #tpu.memory_space<hbm>> -> memref<8192xi32, #tpu.memory_space<hbm>>
    tpu.enqueue_dma source(%dma_start3A_64 : memref<8192xi32, #tpu.memory_space<hbm>>) target(%dma_start3A_63 : memref<8192xi32, #tpu.memory_space<vmem>>) target_semaphore(%arg11 : memref<!tpu.dma_semaphore, #tpu.memory_space<semaphore_mem>>)
    %scan3A_65 = arith.constant 0 : i32
    %scan3A_66 = arith.constant 0 : i32
    %scan3A_67 = arith.constant 64 : i32
    %scan3A_68 = arith.addi %scan3A_66, %scan3A_67 : i32
    %scan3A_69 = arith.constant 1 : i32
    scf.for %scan3A_430 = %scan3A_66 to %scan3A_68 step %scan3A_69  : i32 {
      %mul3A_431 = arith.constant 128 : i32
      %mul3A_432 = arith.muli %scan3A_430, %mul3A_431 : i32
      %broadcast_in_dim3A_433 = arith.constant 1 : i32
      %broadcast_in_dim3A_434 = vector.broadcast %broadcast_in_dim3A_433 : i32 to vector<16xi32>
      %add3A_435 = arith.constant 0 : i32
      %add3A_436 = arith.addi %mul3A_432, %add3A_435 : i32
      %get3A = arith.constant 0 : i32
      %get3A_437 = arith.index_cast %get3A : i32 to index
      %get3A_438 = arith.index_cast %add3A_436 : i32 to index
      %get3A_439 = tpu.vector_load %arg5[%get3A_437, %get3A_438] {strides = array<i32>} : memref<2x8192xi32, #tpu.memory_space<vmem>>, vector<16xi32>,
      %add3A_440 = arith.constant 16 : i32
      %add3A_441 = arith.addi %mul3A_432, %add3A_440 : i32
      %get3A_442 = arith.constant 0 : i32
      %get3A_443 = arith.index_cast %get3A_442 : i32 to index
      %get3A_444 = arith.index_cast %add3A_441 : i32 to index
      %get3A_445 = tpu.vector_load %arg5[%get3A_443, %get3A_444] {strides = array<i32>} : memref<2x8192xi32, #tpu.memory_space<vmem>>, vector<16xi32>,
      %add3A_446 = arith.constant 32 : i32
      %add3A_447 = arith.addi %mul3A_432, %add3A_446 : i32
      %get3A_448 = arith.constant 0 : i32
      %get3A_449 = arith.index_cast %get3A_448 : i32 to index
      %get3A_450 = arith.index_cast %add3A_447 : i32 to index
      %get3A_451 = tpu.vector_load %arg5[%get3A_449, %get3A_450] {strides = array<i32>} : memref<2x8192xi32, #tpu.memory_space<vmem>>, vector<16xi32>,
      %add3A_452 = arith.constant 48 : i32
      %add3A_453 = arith.addi %mul3A_432, %add3A_452 : i32
      %get3A_454 = arith.constant 0 : i32
      %get3A_455 = arith.index_cast %get3A_454 : i32 to index
      %get3A_456 = arith.index_cast %add3A_453 : i32 to index
      %get3A_457 = tpu.vector_load %arg5[%get3A_455, %get3A_456] {strides = array<i32>} : memref<2x8192xi32, #tpu.memory_space<vmem>>, vector<16xi32>,
      %add3A_458 = arith.constant 64 : i32
      %add3A_459 = arith.addi %mul3A_432, %add3A_458 : i32
      %get3A_460 = arith.constant 0 : i32
      %get3A_461 = arith.index_cast %get3A_460 : i32 to index
      %get3A_462 = arith.index_cast %add3A_459 : i32 to index
      %get3A_463 = tpu.vector_load %arg5[%get3A_461, %get3A_462] {strides = array<i32>} : memref<2x8192xi32, #tpu.memory_space<vmem>>, vector<16xi32>,
      %add3A_464 = arith.constant 80 : i32
      %add3A_465 = arith.addi %mul3A_432, %add3A_464 : i32
      %get3A_466 = arith.constant 0 : i32
      %get3A_467 = arith.index_cast %get3A_466 : i32 to index
      %get3A_468 = arith.index_cast %add3A_465 : i32 to index
      %get3A_469 = tpu.vector_load %arg5[%get3A_467, %get3A_468] {strides = array<i32>} : memref<2x8192xi32, #tpu.memory_space<vmem>>, vector<16xi32>,
      %add3A_470 = arith.constant 96 : i32
      %add3A_471 = arith.addi %mul3A_432, %add3A_470 : i32
      %get3A_472 = arith.constant 0 : i32
      %get3A_473 = arith.index_cast %get3A_472 : i32 to index
      %get3A_474 = arith.index_cast %add3A_471 : i32 to index
      %get3A_475 = tpu.vector_load %arg5[%get3A_473, %get3A_474] {strides = array<i32>} : memref<2x8192xi32, #tpu.memory_space<vmem>>, vector<16xi32>,
      %add3A_476 = arith.constant 112 : i32
      %add3A_477 = arith.addi %mul3A_432, %add3A_476 : i32
      %get3A_478 = arith.constant 0 : i32
      %get3A_479 = arith.index_cast %get3A_478 : i32 to index
      %get3A_480 = arith.index_cast %add3A_477 : i32 to index
      %get3A_481 = tpu.vector_load %arg5[%get3A_479, %get3A_480] {strides = array<i32>} : memref<2x8192xi32, #tpu.memory_space<vmem>>, vector<16xi32>,
      %add3A_482 = arith.constant 0 : i32
      %add3A_483 = arith.addi %mul3A_432, %add3A_482 : i32
      %get3A_484 = arith.constant 0 : i32
      %get3A_485 = arith.index_cast %get3A_484 : i32 to index
      %get3A_486 = arith.index_cast %add3A_483 : i32 to index
      %get3A_487 = tpu.vector_load %arg6[%get3A_485, %get3A_486] {strides = array<i32>} : memref<2x8192xi32, #tpu.memory_space<vmem>>, vector<16xi32>,
      %add3A_488 = arith.constant 16 : i32
      %add3A_489 = arith.addi %mul3A_432, %add3A_488 : i32
      %get3A_490 = arith.constant 0 : i32
      %get3A_491 = arith.index_cast %get3A_490 : i32 to index
      %get3A_492 = arith.index_cast %add3A_489 : i32 to index
      %get3A_493 = tpu.vector_load %arg6[%get3A_491, %get3A_492] {strides = array<i32>} : memref<2x8192xi32, #tpu.memory_space<vmem>>, vector<16xi32>,
      %add3A_494 = arith.constant 32 : i32
      %add3A_495 = arith.addi %mul3A_432, %add3A_494 : i32
      %get3A_496 = arith.constant 0 : i32
      %get3A_497 = arith.index_cast %get3A_496 : i32 to index
      %get3A_498 = arith.index_cast %add3A_495 : i32 to index
      %get3A_499 = tpu.vector_load %arg6[%get3A_497, %get3A_498] {strides = array<i32>} : memref<2x8192xi32, #tpu.memory_space<vmem>>, vector<16xi32>,
      %add3A_500 = arith.constant 48 : i32
      %add3A_501 = arith.addi %mul3A_432, %add3A_500 : i32
      %get3A_502 = arith.constant 0 : i32
      %get3A_503 = arith.index_cast %get3A_502 : i32 to index
      %get3A_504 = arith.index_cast %add3A_501 : i32 to index
      %get3A_505 = tpu.vector_load %arg6[%get3A_503, %get3A_504] {strides = array<i32>} : memref<2x8192xi32, #tpu.memory_space<vmem>>, vector<16xi32>,
      %add3A_506 = arith.constant 64 : i32
      %add3A_507 = arith.addi %mul3A_432, %add3A_506 : i32
      %get3A_508 = arith.constant 0 : i32
      %get3A_509 = arith.index_cast %get3A_508 : i32 to index
      %get3A_510 = arith.index_cast %add3A_507 : i32 to index
      %get3A_511 = tpu.vector_load %arg6[%get3A_509, %get3A_510] {strides = array<i32>} : memref<2x8192xi32, #tpu.memory_space<vmem>>, vector<16xi32>,
      %add3A_512 = arith.constant 80 : i32
      %add3A_513 = arith.addi %mul3A_432, %add3A_512 : i32
      %get3A_514 = arith.constant 0 : i32
      %get3A_515 = arith.index_cast %get3A_514 : i32 to index
      %get3A_516 = arith.index_cast %add3A_513 : i32 to index
      %get3A_517 = tpu.vector_load %arg6[%get3A_515, %get3A_516] {strides = array<i32>} : memref<2x8192xi32, #tpu.memory_space<vmem>>, vector<16xi32>,
      %add3A_518 = arith.constant 96 : i32
      %add3A_519 = arith.addi %mul3A_432, %add3A_518 : i32
      %get3A_520 = arith.constant 0 : i32
      %get3A_521 = arith.index_cast %get3A_520 : i32 to index
      %get3A_522 = arith.index_cast %add3A_519 : i32 to index
      %get3A_523 = tpu.vector_load %arg6[%get3A_521, %get3A_522] {strides = array<i32>} : memref<2x8192xi32, #tpu.memory_space<vmem>>, vector<16xi32>,
      %add3A_524 = arith.constant 112 : i32
      %add3A_525 = arith.addi %mul3A_432, %add3A_524 : i32
      %get3A_526 = arith.constant 0 : i32
      %get3A_527 = arith.index_cast %get3A_526 : i32 to index
      %get3A_528 = arith.index_cast %add3A_525 : i32 to index
      %get3A_529 = tpu.vector_load %arg6[%get3A_527, %get3A_528] {strides = array<i32>} : memref<2x8192xi32, #tpu.memory_space<vmem>>, vector<16xi32>,
      %mul3A_530 = arith.constant 150 : i32
      %mul3A_531 = vector.broadcast %mul3A_530 : i32 to vector<16xi32>
      %mul3A_532 = arith.muli %get3A_487, %mul3A_531 : vector<16xi32>
      %add3A_533 = arith.addi %mul3A_532, %get3A_439 : vector<16xi32>
      %mul3A_534 = arith.constant 150 : i32
      %mul3A_535 = vector.broadcast %mul3A_534 : i32 to vector<16xi32>
      %mul3A_536 = arith.muli %get3A_493, %mul3A_535 : vector<16xi32>
      %add3A_537 = arith.addi %mul3A_536, %get3A_445 : vector<16xi32>
      %mul3A_538 = arith.constant 150 : i32
      %mul3A_539 = vector.broadcast %mul3A_538 : i32 to vector<16xi32>
      %mul3A_540 = arith.muli %get3A_499, %mul3A_539 : vector<16xi32>
      %add3A_541 = arith.addi %mul3A_540, %get3A_451 : vector<16xi32>
      %mul3A_542 = arith.constant 150 : i32
      %mul3A_543 = vector.broadcast %mul3A_542 : i32 to vector<16xi32>
      %mul3A_544 = arith.muli %get3A_505, %mul3A_543 : vector<16xi32>
      %add3A_545 = arith.addi %mul3A_544, %get3A_457 : vector<16xi32>
      %mul3A_546 = arith.constant 150 : i32
      %mul3A_547 = vector.broadcast %mul3A_546 : i32 to vector<16xi32>
      %mul3A_548 = arith.muli %get3A_511, %mul3A_547 : vector<16xi32>
      %add3A_549 = arith.addi %mul3A_548, %get3A_463 : vector<16xi32>
      %mul3A_550 = arith.constant 150 : i32
      %mul3A_551 = vector.broadcast %mul3A_550 : i32 to vector<16xi32>
      %mul3A_552 = arith.muli %get3A_517, %mul3A_551 : vector<16xi32>
      %add3A_553 = arith.addi %mul3A_552, %get3A_469 : vector<16xi32>
      %mul3A_554 = arith.constant 150 : i32
      %mul3A_555 = vector.broadcast %mul3A_554 : i32 to vector<16xi32>
      %mul3A_556 = arith.muli %get3A_523, %mul3A_555 : vector<16xi32>
      %add3A_557 = arith.addi %mul3A_556, %get3A_475 : vector<16xi32>
      %mul3A_558 = arith.constant 150 : i32
      %mul3A_559 = vector.broadcast %mul3A_558 : i32 to vector<16xi32>
      %mul3A_560 = arith.muli %get3A_529, %mul3A_559 : vector<16xi32>
      %add3A_561 = arith.addi %mul3A_560, %get3A_481 : vector<16xi32>
      tpu.vector_store_idx %arg7[%add3A_533], %broadcast_in_dim3A_434 {add = true} : memref<22528xi32, #tpu.memory_space<vmem>>[vector<16xi32>], vector<16xi32>,
      tpu.vector_store_idx %arg7[%add3A_537], %broadcast_in_dim3A_434 {add = true} : memref<22528xi32, #tpu.memory_space<vmem>>[vector<16xi32>], vector<16xi32>,
      tpu.vector_store_idx %arg7[%add3A_541], %broadcast_in_dim3A_434 {add = true} : memref<22528xi32, #tpu.memory_space<vmem>>[vector<16xi32>], vector<16xi32>,
      tpu.vector_store_idx %arg7[%add3A_545], %broadcast_in_dim3A_434 {add = true} : memref<22528xi32, #tpu.memory_space<vmem>>[vector<16xi32>], vector<16xi32>,
      tpu.vector_store_idx %arg7[%add3A_549], %broadcast_in_dim3A_434 {add = true} : memref<22528xi32, #tpu.memory_space<vmem>>[vector<16xi32>], vector<16xi32>,
      tpu.vector_store_idx %arg7[%add3A_553], %broadcast_in_dim3A_434 {add = true} : memref<22528xi32, #tpu.memory_space<vmem>>[vector<16xi32>], vector<16xi32>,
      tpu.vector_store_idx %arg7[%add3A_557], %broadcast_in_dim3A_434 {add = true} : memref<22528xi32, #tpu.memory_space<vmem>>[vector<16xi32>], vector<16xi32>,
      tpu.vector_store_idx %arg7[%add3A_561], %broadcast_in_dim3A_434 {add = true} : memref<22528xi32, #tpu.memory_space<vmem>>[vector<16xi32>], vector<16xi32>,
    }
    %scan3A_70 = arith.constant 64 : i32
    %dma_wait3A_71 = arith.constant 1 : i32
    %dma_wait3A_72 = arith.constant 0 : i32
    %dma_wait3A_73 = tpu.memref_slice %arg5[%dma_wait3A_71, %dma_wait3A_72] : memref<2x8192xi32, #tpu.memory_space<vmem>> -> memref<1x8192xi32, #tpu.memory_space<vmem>>
    %dma_wait3A_74 = tpu.memref_squeeze %dma_wait3A_73 : memref<1x8192xi32, #tpu.memory_space<vmem>> -> memref<8192xi32, #tpu.memory_space<vmem>>
    %dma_wait3A_75 = tpu.memref_slice %arg2[%add3A_46] : memref<2097152xi32, #tpu.memory_space<hbm>> -> memref<8192xi32, #tpu.memory_space<hbm>>
    %dma_wait3A_76 = arith.constant 0 : i32
    %dma_wait3A_77 = tpu.memref_slice %arg5[%dma_wait3A_71, %dma_wait3A_76] : memref<2x8192xi32, #tpu.memory_space<vmem>> -> memref<1x8192xi32, #tpu.memory_space<vmem>>
    %dma_wait3A_78 = tpu.memref_squeeze %dma_wait3A_77 : memref<1x8192xi32, #tpu.memory_space<vmem>> -> memref<8192xi32, #tpu.memory_space<vmem>>
    %dma_wait3A_79 = tpu.memref_slice %arg2[%add3A_46] : memref<2097152xi32, #tpu.memory_space<hbm>> -> memref<8192xi32, #tpu.memory_space<hbm>>
    tpu.wait_dma2 semaphore(%arg11 : memref<!tpu.dma_semaphore, #tpu.memory_space<semaphore_mem>>) src(%dma_wait3A_79 : memref<8192xi32, #tpu.memory_space<hbm>>) dst(%dma_wait3A_78 : memref<8192xi32, #tpu.memory_space<vmem>>)
    %dma_wait3A_80 = arith.constant 1 : i32
    %dma_wait3A_81 = arith.constant 0 : i32
    %dma_wait3A_82 = tpu.memref_slice %arg6[%dma_wait3A_80, %dma_wait3A_81] : memref<2x8192xi32, #tpu.memory_space<vmem>> -> memref<1x8192xi32, #tpu.memory_space<vmem>>
    %dma_wait3A_83 = tpu.memref_squeeze %dma_wait3A_82 : memref<1x8192xi32, #tpu.memory_space<vmem>> -> memref<8192xi32, #tpu.memory_space<vmem>>
    %dma_wait3A_84 = tpu.memref_slice %arg3[%add3A_46] : memref<2097152xi32, #tpu.memory_space<hbm>> -> memref<8192xi32, #tpu.memory_space<hbm>>
    %dma_wait3A_85 = arith.constant 0 : i32
    %dma_wait3A_86 = tpu.memref_slice %arg6[%dma_wait3A_80, %dma_wait3A_85] : memref<2x8192xi32, #tpu.memory_space<vmem>> -> memref<1x8192xi32, #tpu.memory_space<vmem>>
    %dma_wait3A_87 = tpu.memref_squeeze %dma_wait3A_86 : memref<1x8192xi32, #tpu.memory_space<vmem>> -> memref<8192xi32, #tpu.memory_space<vmem>>
    %dma_wait3A_88 = tpu.memref_slice %arg3[%add3A_46] : memref<2097152xi32, #tpu.memory_space<hbm>> -> memref<8192xi32, #tpu.memory_space<hbm>>
    tpu.wait_dma2 semaphore(%arg11 : memref<!tpu.dma_semaphore, #tpu.memory_space<semaphore_mem>>) src(%dma_wait3A_88 : memref<8192xi32, #tpu.memory_space<hbm>>) dst(%dma_wait3A_87 : memref<8192xi32, #tpu.memory_space<vmem>>)
    %add3A_89 = arith.constant 16384 : i32
    %add3A_90 = arith.addi %mul3A_2, %add3A_89 : i32
    %dma_start3A_91 = arith.constant 0 : i32
    %dma_start3A_92 = arith.constant 0 : i32
    %dma_start3A_93 = tpu.memref_slice %arg5[%dma_start3A_91, %dma_start3A_92] : memref<2x8192xi32, #tpu.memory_space<vmem>> -> memref<1x8192xi32, #tpu.memory_space<vmem>>
    %dma_start3A_94 = tpu.memref_squeeze %dma_start3A_93 : memref<1x8192xi32, #tpu.memory_space<vmem>> -> memref<8192xi32, #tpu.memory_space<vmem>>
    %dma_start3A_95 = tpu.memref_slice %arg2[%add3A_90] : memref<2097152xi32, #tpu.memory_space<hbm>> -> memref<8192xi32, #tpu.memory_space<hbm>>
    %dma_start3A_96 = arith.constant 0 : i32
    %dma_start3A_97 = tpu.memref_slice %arg5[%dma_start3A_91, %dma_start3A_96] : memref<2x8192xi32, #tpu.memory_space<vmem>> -> memref<1x8192xi32, #tpu.memory_space<vmem>>
    %dma_start3A_98 = tpu.memref_squeeze %dma_start3A_97 : memref<1x8192xi32, #tpu.memory_space<vmem>> -> memref<8192xi32, #tpu.memory_space<vmem>>
    %dma_start3A_99 = tpu.memref_slice %arg2[%add3A_90] : memref<2097152xi32, #tpu.memory_space<hbm>> -> memref<8192xi32, #tpu.memory_space<hbm>>
    tpu.enqueue_dma source(%dma_start3A_99 : memref<8192xi32, #tpu.memory_space<hbm>>) target(%dma_start3A_98 : memref<8192xi32, #tpu.memory_space<vmem>>) target_semaphore(%arg11 : memref<!tpu.dma_semaphore, #tpu.memory_space<semaphore_mem>>)
    %dma_start3A_100 = arith.constant 0 : i32
    %dma_start3A_101 = arith.constant 0 : i32
    %dma_start3A_102 = tpu.memref_slice %arg6[%dma_start3A_100, %dma_start3A_101] : memref<2x8192xi32, #tpu.memory_space<vmem>> -> memref<1x8192xi32, #tpu.memory_space<vmem>>
    %dma_start3A_103 = tpu.memref_squeeze %dma_start3A_102 : memref<1x8192xi32, #tpu.memory_space<vmem>> -> memref<8192xi32, #tpu.memory_space<vmem>>
    %dma_start3A_104 = tpu.memref_slice %arg3[%add3A_90] : memref<2097152xi32, #tpu.memory_space<hbm>> -> memref<8192xi32, #tpu.memory_space<hbm>>
    %dma_start3A_105 = arith.constant 0 : i32
    %dma_start3A_106 = tpu.memref_slice %arg6[%dma_start3A_100, %dma_start3A_105] : memref<2x8192xi32, #tpu.memory_space<vmem>> -> memref<1x8192xi32, #tpu.memory_space<vmem>>
    %dma_start3A_107 = tpu.memref_squeeze %dma_start3A_106 : memref<1x8192xi32, #tpu.memory_space<vmem>> -> memref<8192xi32, #tpu.memory_space<vmem>>
    %dma_start3A_108 = tpu.memref_slice %arg3[%add3A_90] : memref<2097152xi32, #tpu.memory_space<hbm>> -> memref<8192xi32, #tpu.memory_space<hbm>>
    tpu.enqueue_dma source(%dma_start3A_108 : memref<8192xi32, #tpu.memory_space<hbm>>) target(%dma_start3A_107 : memref<8192xi32, #tpu.memory_space<vmem>>) target_semaphore(%arg11 : memref<!tpu.dma_semaphore, #tpu.memory_space<semaphore_mem>>)
    %scan3A_109 = arith.constant 0 : i32
    %scan3A_110 = arith.constant 0 : i32
    %scan3A_111 = arith.constant 64 : i32
    %scan3A_112 = arith.addi %scan3A_110, %scan3A_111 : i32
    %scan3A_113 = arith.constant 1 : i32
    scf.for %scan3A_430 = %scan3A_110 to %scan3A_112 step %scan3A_113  : i32 {
      %mul3A_431 = arith.constant 128 : i32
      %mul3A_432 = arith.muli %scan3A_430, %mul3A_431 : i32
      %broadcast_in_dim3A_433 = arith.constant 1 : i32
      %broadcast_in_dim3A_434 = vector.broadcast %broadcast_in_dim3A_433 : i32 to vector<16xi32>
      %add3A_435 = arith.constant 0 : i32
      %add3A_436 = arith.addi %mul3A_432, %add3A_435 : i32
      %get3A = arith.constant 1 : i32
      %get3A_437 = arith.index_cast %get3A : i32 to index
      %get3A_438 = arith.index_cast %add3A_436 : i32 to index
      %get3A_439 = tpu.vector_load %arg5[%get3A_437, %get3A_438] {strides = array<i32>} : memref<2x8192xi32, #tpu.memory_space<vmem>>, vector<16xi32>,
      %add3A_440 = arith.constant 16 : i32
      %add3A_441 = arith.addi %mul3A_432, %add3A_440 : i32
      %get3A_442 = arith.constant 1 : i32
      %get3A_443 = arith.index_cast %get3A_442 : i32 to index
      %get3A_444 = arith.index_cast %add3A_441 : i32 to index
      %get3A_445 = tpu.vector_load %arg5[%get3A_443, %get3A_444] {strides = array<i32>} : memref<2x8192xi32, #tpu.memory_space<vmem>>, vector<16xi32>,
      %add3A_446 = arith.constant 32 : i32
      %add3A_447 = arith.addi %mul3A_432, %add3A_446 : i32
      %get3A_448 = arith.constant 1 : i32
      %get3A_449 = arith.index_cast %get3A_448 : i32 to index
      %get3A_450 = arith.index_cast %add3A_447 : i32 to index
      %get3A_451 = tpu.vector_load %arg5[%get3A_449, %get3A_450] {strides = array<i32>} : memref<2x8192xi32, #tpu.memory_space<vmem>>, vector<16xi32>,
      %add3A_452 = arith.constant 48 : i32
      %add3A_453 = arith.addi %mul3A_432, %add3A_452 : i32
      %get3A_454 = arith.constant 1 : i32
      %get3A_455 = arith.index_cast %get3A_454 : i32 to index
      %get3A_456 = arith.index_cast %add3A_453 : i32 to index
      %get3A_457 = tpu.vector_load %arg5[%get3A_455, %get3A_456] {strides = array<i32>} : memref<2x8192xi32, #tpu.memory_space<vmem>>, vector<16xi32>,
      %add3A_458 = arith.constant 64 : i32
      %add3A_459 = arith.addi %mul3A_432, %add3A_458 : i32
      %get3A_460 = arith.constant 1 : i32
      %get3A_461 = arith.index_cast %get3A_460 : i32 to index
      %get3A_462 = arith.index_cast %add3A_459 : i32 to index
      %get3A_463 = tpu.vector_load %arg5[%get3A_461, %get3A_462] {strides = array<i32>} : memref<2x8192xi32, #tpu.memory_space<vmem>>, vector<16xi32>,
      %add3A_464 = arith.constant 80 : i32
      %add3A_465 = arith.addi %mul3A_432, %add3A_464 : i32
      %get3A_466 = arith.constant 1 : i32
      %get3A_467 = arith.index_cast %get3A_466 : i32 to index
      %get3A_468 = arith.index_cast %add3A_465 : i32 to index
      %get3A_469 = tpu.vector_load %arg5[%get3A_467, %get3A_468] {strides = array<i32>} : memref<2x8192xi32, #tpu.memory_space<vmem>>, vector<16xi32>,
      %add3A_470 = arith.constant 96 : i32
      %add3A_471 = arith.addi %mul3A_432, %add3A_470 : i32
      %get3A_472 = arith.constant 1 : i32
      %get3A_473 = arith.index_cast %get3A_472 : i32 to index
      %get3A_474 = arith.index_cast %add3A_471 : i32 to index
      %get3A_475 = tpu.vector_load %arg5[%get3A_473, %get3A_474] {strides = array<i32>} : memref<2x8192xi32, #tpu.memory_space<vmem>>, vector<16xi32>,
      %add3A_476 = arith.constant 112 : i32
      %add3A_477 = arith.addi %mul3A_432, %add3A_476 : i32
      %get3A_478 = arith.constant 1 : i32
      %get3A_479 = arith.index_cast %get3A_478 : i32 to index
      %get3A_480 = arith.index_cast %add3A_477 : i32 to index
      %get3A_481 = tpu.vector_load %arg5[%get3A_479, %get3A_480] {strides = array<i32>} : memref<2x8192xi32, #tpu.memory_space<vmem>>, vector<16xi32>,
      %add3A_482 = arith.constant 0 : i32
      %add3A_483 = arith.addi %mul3A_432, %add3A_482 : i32
      %get3A_484 = arith.constant 1 : i32
      %get3A_485 = arith.index_cast %get3A_484 : i32 to index
      %get3A_486 = arith.index_cast %add3A_483 : i32 to index
      %get3A_487 = tpu.vector_load %arg6[%get3A_485, %get3A_486] {strides = array<i32>} : memref<2x8192xi32, #tpu.memory_space<vmem>>, vector<16xi32>,
      %add3A_488 = arith.constant 16 : i32
      %add3A_489 = arith.addi %mul3A_432, %add3A_488 : i32
      %get3A_490 = arith.constant 1 : i32
      %get3A_491 = arith.index_cast %get3A_490 : i32 to index
      %get3A_492 = arith.index_cast %add3A_489 : i32 to index
      %get3A_493 = tpu.vector_load %arg6[%get3A_491, %get3A_492] {strides = array<i32>} : memref<2x8192xi32, #tpu.memory_space<vmem>>, vector<16xi32>,
      %add3A_494 = arith.constant 32 : i32
      %add3A_495 = arith.addi %mul3A_432, %add3A_494 : i32
      %get3A_496 = arith.constant 1 : i32
      %get3A_497 = arith.index_cast %get3A_496 : i32 to index
      %get3A_498 = arith.index_cast %add3A_495 : i32 to index
      %get3A_499 = tpu.vector_load %arg6[%get3A_497, %get3A_498] {strides = array<i32>} : memref<2x8192xi32, #tpu.memory_space<vmem>>, vector<16xi32>,
      %add3A_500 = arith.constant 48 : i32
      %add3A_501 = arith.addi %mul3A_432, %add3A_500 : i32
      %get3A_502 = arith.constant 1 : i32
      %get3A_503 = arith.index_cast %get3A_502 : i32 to index
      %get3A_504 = arith.index_cast %add3A_501 : i32 to index
      %get3A_505 = tpu.vector_load %arg6[%get3A_503, %get3A_504] {strides = array<i32>} : memref<2x8192xi32, #tpu.memory_space<vmem>>, vector<16xi32>,
      %add3A_506 = arith.constant 64 : i32
      %add3A_507 = arith.addi %mul3A_432, %add3A_506 : i32
      %get3A_508 = arith.constant 1 : i32
      %get3A_509 = arith.index_cast %get3A_508 : i32 to index
      %get3A_510 = arith.index_cast %add3A_507 : i32 to index
      %get3A_511 = tpu.vector_load %arg6[%get3A_509, %get3A_510] {strides = array<i32>} : memref<2x8192xi32, #tpu.memory_space<vmem>>, vector<16xi32>,
      %add3A_512 = arith.constant 80 : i32
      %add3A_513 = arith.addi %mul3A_432, %add3A_512 : i32
      %get3A_514 = arith.constant 1 : i32
      %get3A_515 = arith.index_cast %get3A_514 : i32 to index
      %get3A_516 = arith.index_cast %add3A_513 : i32 to index
      %get3A_517 = tpu.vector_load %arg6[%get3A_515, %get3A_516] {strides = array<i32>} : memref<2x8192xi32, #tpu.memory_space<vmem>>, vector<16xi32>,
      %add3A_518 = arith.constant 96 : i32
      %add3A_519 = arith.addi %mul3A_432, %add3A_518 : i32
      %get3A_520 = arith.constant 1 : i32
      %get3A_521 = arith.index_cast %get3A_520 : i32 to index
      %get3A_522 = arith.index_cast %add3A_519 : i32 to index
      %get3A_523 = tpu.vector_load %arg6[%get3A_521, %get3A_522] {strides = array<i32>} : memref<2x8192xi32, #tpu.memory_space<vmem>>, vector<16xi32>,
      %add3A_524 = arith.constant 112 : i32
      %add3A_525 = arith.addi %mul3A_432, %add3A_524 : i32
      %get3A_526 = arith.constant 1 : i32
      %get3A_527 = arith.index_cast %get3A_526 : i32 to index
      %get3A_528 = arith.index_cast %add3A_525 : i32 to index
      %get3A_529 = tpu.vector_load %arg6[%get3A_527, %get3A_528] {strides = array<i32>} : memref<2x8192xi32, #tpu.memory_space<vmem>>, vector<16xi32>,
      %mul3A_530 = arith.constant 150 : i32
      %mul3A_531 = vector.broadcast %mul3A_530 : i32 to vector<16xi32>
      %mul3A_532 = arith.muli %get3A_487, %mul3A_531 : vector<16xi32>
      %add3A_533 = arith.addi %mul3A_532, %get3A_439 : vector<16xi32>
      %mul3A_534 = arith.constant 150 : i32
      %mul3A_535 = vector.broadcast %mul3A_534 : i32 to vector<16xi32>
      %mul3A_536 = arith.muli %get3A_493, %mul3A_535 : vector<16xi32>
      %add3A_537 = arith.addi %mul3A_536, %get3A_445 : vector<16xi32>
      %mul3A_538 = arith.constant 150 : i32
      %mul3A_539 = vector.broadcast %mul3A_538 : i32 to vector<16xi32>
      %mul3A_540 = arith.muli %get3A_499, %mul3A_539 : vector<16xi32>
      %add3A_541 = arith.addi %mul3A_540, %get3A_451 : vector<16xi32>
      %mul3A_542 = arith.constant 150 : i32
      %mul3A_543 = vector.broadcast %mul3A_542 : i32 to vector<16xi32>
      %mul3A_544 = arith.muli %get3A_505, %mul3A_543 : vector<16xi32>
      %add3A_545 = arith.addi %mul3A_544, %get3A_457 : vector<16xi32>
      %mul3A_546 = arith.constant 150 : i32
      %mul3A_547 = vector.broadcast %mul3A_546 : i32 to vector<16xi32>
      %mul3A_548 = arith.muli %get3A_511, %mul3A_547 : vector<16xi32>
      %add3A_549 = arith.addi %mul3A_548, %get3A_463 : vector<16xi32>
      %mul3A_550 = arith.constant 150 : i32
      %mul3A_551 = vector.broadcast %mul3A_550 : i32 to vector<16xi32>
      %mul3A_552 = arith.muli %get3A_517, %mul3A_551 : vector<16xi32>
      %add3A_553 = arith.addi %mul3A_552, %get3A_469 : vector<16xi32>
      %mul3A_554 = arith.constant 150 : i32
      %mul3A_555 = vector.broadcast %mul3A_554 : i32 to vector<16xi32>
      %mul3A_556 = arith.muli %get3A_523, %mul3A_555 : vector<16xi32>
      %add3A_557 = arith.addi %mul3A_556, %get3A_475 : vector<16xi32>
      %mul3A_558 = arith.constant 150 : i32
      %mul3A_559 = vector.broadcast %mul3A_558 : i32 to vector<16xi32>
      %mul3A_560 = arith.muli %get3A_529, %mul3A_559 : vector<16xi32>
      %add3A_561 = arith.addi %mul3A_560, %get3A_481 : vector<16xi32>
      tpu.vector_store_idx %arg7[%add3A_533], %broadcast_in_dim3A_434 {add = true} : memref<22528xi32, #tpu.memory_space<vmem>>[vector<16xi32>], vector<16xi32>,
      tpu.vector_store_idx %arg7[%add3A_537], %broadcast_in_dim3A_434 {add = true} : memref<22528xi32, #tpu.memory_space<vmem>>[vector<16xi32>], vector<16xi32>,
      tpu.vector_store_idx %arg7[%add3A_541], %broadcast_in_dim3A_434 {add = true} : memref<22528xi32, #tpu.memory_space<vmem>>[vector<16xi32>], vector<16xi32>,
      tpu.vector_store_idx %arg7[%add3A_545], %broadcast_in_dim3A_434 {add = true} : memref<22528xi32, #tpu.memory_space<vmem>>[vector<16xi32>], vector<16xi32>,
      tpu.vector_store_idx %arg7[%add3A_549], %broadcast_in_dim3A_434 {add = true} : memref<22528xi32, #tpu.memory_space<vmem>>[vector<16xi32>], vector<16xi32>,
      tpu.vector_store_idx %arg7[%add3A_553], %broadcast_in_dim3A_434 {add = true} : memref<22528xi32, #tpu.memory_space<vmem>>[vector<16xi32>], vector<16xi32>,
      tpu.vector_store_idx %arg7[%add3A_557], %broadcast_in_dim3A_434 {add = true} : memref<22528xi32, #tpu.memory_space<vmem>>[vector<16xi32>], vector<16xi32>,
      tpu.vector_store_idx %arg7[%add3A_561], %broadcast_in_dim3A_434 {add = true} : memref<22528xi32, #tpu.memory_space<vmem>>[vector<16xi32>], vector<16xi32>,
    }
    %scan3A_114 = arith.constant 64 : i32
    %dma_wait3A_115 = arith.constant 0 : i32
    %dma_wait3A_116 = arith.constant 0 : i32
    %dma_wait3A_117 = tpu.memref_slice %arg5[%dma_wait3A_115, %dma_wait3A_116] : memref<2x8192xi32, #tpu.memory_space<vmem>> -> memref<1x8192xi32, #tpu.memory_space<vmem>>
    %dma_wait3A_118 = tpu.memref_squeeze %dma_wait3A_117 : memref<1x8192xi32, #tpu.memory_space<vmem>> -> memref<8192xi32, #tpu.memory_space<vmem>>
    %dma_wait3A_119 = tpu.memref_slice %arg2[%add3A_90] : memref<2097152xi32, #tpu.memory_space<hbm>> -> memref<8192xi32, #tpu.memory_space<hbm>>
    %dma_wait3A_120 = arith.constant 0 : i32
    %dma_wait3A_121 = tpu.memref_slice %arg5[%dma_wait3A_115, %dma_wait3A_120] : memref<2x8192xi32, #tpu.memory_space<vmem>> -> memref<1x8192xi32, #tpu.memory_space<vmem>>
    %dma_wait3A_122 = tpu.memref_squeeze %dma_wait3A_121 : memref<1x8192xi32, #tpu.memory_space<vmem>> -> memref<8192xi32, #tpu.memory_space<vmem>>
    %dma_wait3A_123 = tpu.memref_slice %arg2[%add3A_90] : memref<2097152xi32, #tpu.memory_space<hbm>> -> memref<8192xi32, #tpu.memory_space<hbm>>
    tpu.wait_dma2 semaphore(%arg11 : memref<!tpu.dma_semaphore, #tpu.memory_space<semaphore_mem>>) src(%dma_wait3A_123 : memref<8192xi32, #tpu.memory_space<hbm>>) dst(%dma_wait3A_122 : memref<8192xi32, #tpu.memory_space<vmem>>)
    %dma_wait3A_124 = arith.constant 0 : i32
    %dma_wait3A_125 = arith.constant 0 : i32
    %dma_wait3A_126 = tpu.memref_slice %arg6[%dma_wait3A_124, %dma_wait3A_125] : memref<2x8192xi32, #tpu.memory_space<vmem>> -> memref<1x8192xi32, #tpu.memory_space<vmem>>
    %dma_wait3A_127 = tpu.memref_squeeze %dma_wait3A_126 : memref<1x8192xi32, #tpu.memory_space<vmem>> -> memref<8192xi32, #tpu.memory_space<vmem>>
    %dma_wait3A_128 = tpu.memref_slice %arg3[%add3A_90] : memref<2097152xi32, #tpu.memory_space<hbm>> -> memref<8192xi32, #tpu.memory_space<hbm>>
    %dma_wait3A_129 = arith.constant 0 : i32
    %dma_wait3A_130 = tpu.memref_slice %arg6[%dma_wait3A_124, %dma_wait3A_129] : memref<2x8192xi32, #tpu.memory_space<vmem>> -> memref<1x8192xi32, #tpu.memory_space<vmem>>
    %dma_wait3A_131 = tpu.memref_squeeze %dma_wait3A_130 : memref<1x8192xi32, #tpu.memory_space<vmem>> -> memref<8192xi32, #tpu.memory_space<vmem>>
    %dma_wait3A_132 = tpu.memref_slice %arg3[%add3A_90] : memref<2097152xi32, #tpu.memory_space<hbm>> -> memref<8192xi32, #tpu.memory_space<hbm>>
    tpu.wait_dma2 semaphore(%arg11 : memref<!tpu.dma_semaphore, #tpu.memory_space<semaphore_mem>>) src(%dma_wait3A_132 : memref<8192xi32, #tpu.memory_space<hbm>>) dst(%dma_wait3A_131 : memref<8192xi32, #tpu.memory_space<vmem>>)
    %add3A_133 = arith.constant 24576 : i32
    %add3A_134 = arith.addi %mul3A_2, %add3A_133 : i32
    %dma_start3A_135 = arith.constant 1 : i32
    %dma_start3A_136 = arith.constant 0 : i32
    %dma_start3A_137 = tpu.memref_slice %arg5[%dma_start3A_135, %dma_start3A_136] : memref<2x8192xi32, #tpu.memory_space<vmem>> -> memref<1x8192xi32, #tpu.memory_space<vmem>>
    %dma_start3A_138 = tpu.memref_squeeze %dma_start3A_137 : memref<1x8192xi32, #tpu.memory_space<vmem>> -> memref<8192xi32, #tpu.memory_space<vmem>>
    %dma_start3A_139 = tpu.memref_slice %arg2[%add3A_134] : memref<2097152xi32, #tpu.memory_space<hbm>> -> memref<8192xi32, #tpu.memory_space<hbm>>
    %dma_start3A_140 = arith.constant 0 : i32
    %dma_start3A_141 = tpu.memref_slice %arg5[%dma_start3A_135, %dma_start3A_140] : memref<2x8192xi32, #tpu.memory_space<vmem>> -> memref<1x8192xi32, #tpu.memory_space<vmem>>
    %dma_start3A_142 = tpu.memref_squeeze %dma_start3A_141 : memref<1x8192xi32, #tpu.memory_space<vmem>> -> memref<8192xi32, #tpu.memory_space<vmem>>
    %dma_start3A_143 = tpu.memref_slice %arg2[%add3A_134] : memref<2097152xi32, #tpu.memory_space<hbm>> -> memref<8192xi32, #tpu.memory_space<hbm>>
    tpu.enqueue_dma source(%dma_start3A_143 : memref<8192xi32, #tpu.memory_space<hbm>>) target(%dma_start3A_142 : memref<8192xi32, #tpu.memory_space<vmem>>) target_semaphore(%arg11 : memref<!tpu.dma_semaphore, #tpu.memory_space<semaphore_mem>>)
    %dma_start3A_144 = arith.constant 1 : i32
    %dma_start3A_145 = arith.constant 0 : i32
    %dma_start3A_146 = tpu.memref_slice %arg6[%dma_start3A_144, %dma_start3A_145] : memref<2x8192xi32, #tpu.memory_space<vmem>> -> memref<1x8192xi32, #tpu.memory_space<vmem>>
    %dma_start3A_147 = tpu.memref_squeeze %dma_start3A_146 : memref<1x8192xi32, #tpu.memory_space<vmem>> -> memref<8192xi32, #tpu.memory_space<vmem>>
    %dma_start3A_148 = tpu.memref_slice %arg3[%add3A_134] : memref<2097152xi32, #tpu.memory_space<hbm>> -> memref<8192xi32, #tpu.memory_space<hbm>>
    %dma_start3A_149 = arith.constant 0 : i32
    %dma_start3A_150 = tpu.memref_slice %arg6[%dma_start3A_144, %dma_start3A_149] : memref<2x8192xi32, #tpu.memory_space<vmem>> -> memref<1x8192xi32, #tpu.memory_space<vmem>>
    %dma_start3A_151 = tpu.memref_squeeze %dma_start3A_150 : memref<1x8192xi32, #tpu.memory_space<vmem>> -> memref<8192xi32, #tpu.memory_space<vmem>>
    %dma_start3A_152 = tpu.memref_slice %arg3[%add3A_134] : memref<2097152xi32, #tpu.memory_space<hbm>> -> memref<8192xi32, #tpu.memory_space<hbm>>
    tpu.enqueue_dma source(%dma_start3A_152 : memref<8192xi32, #tpu.memory_space<hbm>>) target(%dma_start3A_151 : memref<8192xi32, #tpu.memory_space<vmem>>) target_semaphore(%arg11 : memref<!tpu.dma_semaphore, #tpu.memory_space<semaphore_mem>>)
    %scan3A_153 = arith.constant 0 : i32
    %scan3A_154 = arith.constant 0 : i32
    %scan3A_155 = arith.constant 64 : i32
    %scan3A_156 = arith.addi %scan3A_154, %scan3A_155 : i32
    %scan3A_157 = arith.constant 1 : i32
    scf.for %scan3A_430 = %scan3A_154 to %scan3A_156 step %scan3A_157  : i32 {
      %mul3A_431 = arith.constant 128 : i32
      %mul3A_432 = arith.muli %scan3A_430, %mul3A_431 : i32
      %broadcast_in_dim3A_433 = arith.constant 1 : i32
      %broadcast_in_dim3A_434 = vector.broadcast %broadcast_in_dim3A_433 : i32 to vector<16xi32>
      %add3A_435 = arith.constant 0 : i32
      %add3A_436 = arith.addi %mul3A_432, %add3A_435 : i32
      %get3A = arith.constant 0 : i32
      %get3A_437 = arith.index_cast %get3A : i32 to index
      %get3A_438 = arith.index_cast %add3A_436 : i32 to index
      %get3A_439 = tpu.vector_load %arg5[%get3A_437, %get3A_438] {strides = array<i32>} : memref<2x8192xi32, #tpu.memory_space<vmem>>, vector<16xi32>,
      %add3A_440 = arith.constant 16 : i32
      %add3A_441 = arith.addi %mul3A_432, %add3A_440 : i32
      %get3A_442 = arith.constant 0 : i32
      %get3A_443 = arith.index_cast %get3A_442 : i32 to index
      %get3A_444 = arith.index_cast %add3A_441 : i32 to index
      %get3A_445 = tpu.vector_load %arg5[%get3A_443, %get3A_444] {strides = array<i32>} : memref<2x8192xi32, #tpu.memory_space<vmem>>, vector<16xi32>,
      %add3A_446 = arith.constant 32 : i32
      %add3A_447 = arith.addi %mul3A_432, %add3A_446 : i32
      %get3A_448 = arith.constant 0 : i32
      %get3A_449 = arith.index_cast %get3A_448 : i32 to index
      %get3A_450 = arith.index_cast %add3A_447 : i32 to index
      %get3A_451 = tpu.vector_load %arg5[%get3A_449, %get3A_450] {strides = array<i32>} : memref<2x8192xi32, #tpu.memory_space<vmem>>, vector<16xi32>,
      %add3A_452 = arith.constant 48 : i32
      %add3A_453 = arith.addi %mul3A_432, %add3A_452 : i32
      %get3A_454 = arith.constant 0 : i32
      %get3A_455 = arith.index_cast %get3A_454 : i32 to index
      %get3A_456 = arith.index_cast %add3A_453 : i32 to index
      %get3A_457 = tpu.vector_load %arg5[%get3A_455, %get3A_456] {strides = array<i32>} : memref<2x8192xi32, #tpu.memory_space<vmem>>, vector<16xi32>,
      %add3A_458 = arith.constant 64 : i32
      %add3A_459 = arith.addi %mul3A_432, %add3A_458 : i32
      %get3A_460 = arith.constant 0 : i32
      %get3A_461 = arith.index_cast %get3A_460 : i32 to index
      %get3A_462 = arith.index_cast %add3A_459 : i32 to index
      %get3A_463 = tpu.vector_load %arg5[%get3A_461, %get3A_462] {strides = array<i32>} : memref<2x8192xi32, #tpu.memory_space<vmem>>, vector<16xi32>,
      %add3A_464 = arith.constant 80 : i32
      %add3A_465 = arith.addi %mul3A_432, %add3A_464 : i32
      %get3A_466 = arith.constant 0 : i32
      %get3A_467 = arith.index_cast %get3A_466 : i32 to index
      %get3A_468 = arith.index_cast %add3A_465 : i32 to index
      %get3A_469 = tpu.vector_load %arg5[%get3A_467, %get3A_468] {strides = array<i32>} : memref<2x8192xi32, #tpu.memory_space<vmem>>, vector<16xi32>,
      %add3A_470 = arith.constant 96 : i32
      %add3A_471 = arith.addi %mul3A_432, %add3A_470 : i32
      %get3A_472 = arith.constant 0 : i32
      %get3A_473 = arith.index_cast %get3A_472 : i32 to index
      %get3A_474 = arith.index_cast %add3A_471 : i32 to index
      %get3A_475 = tpu.vector_load %arg5[%get3A_473, %get3A_474] {strides = array<i32>} : memref<2x8192xi32, #tpu.memory_space<vmem>>, vector<16xi32>,
      %add3A_476 = arith.constant 112 : i32
      %add3A_477 = arith.addi %mul3A_432, %add3A_476 : i32
      %get3A_478 = arith.constant 0 : i32
      %get3A_479 = arith.index_cast %get3A_478 : i32 to index
      %get3A_480 = arith.index_cast %add3A_477 : i32 to index
      %get3A_481 = tpu.vector_load %arg5[%get3A_479, %get3A_480] {strides = array<i32>} : memref<2x8192xi32, #tpu.memory_space<vmem>>, vector<16xi32>,
      %add3A_482 = arith.constant 0 : i32
      %add3A_483 = arith.addi %mul3A_432, %add3A_482 : i32
      %get3A_484 = arith.constant 0 : i32
      %get3A_485 = arith.index_cast %get3A_484 : i32 to index
      %get3A_486 = arith.index_cast %add3A_483 : i32 to index
      %get3A_487 = tpu.vector_load %arg6[%get3A_485, %get3A_486] {strides = array<i32>} : memref<2x8192xi32, #tpu.memory_space<vmem>>, vector<16xi32>,
      %add3A_488 = arith.constant 16 : i32
      %add3A_489 = arith.addi %mul3A_432, %add3A_488 : i32
      %get3A_490 = arith.constant 0 : i32
      %get3A_491 = arith.index_cast %get3A_490 : i32 to index
      %get3A_492 = arith.index_cast %add3A_489 : i32 to index
      %get3A_493 = tpu.vector_load %arg6[%get3A_491, %get3A_492] {strides = array<i32>} : memref<2x8192xi32, #tpu.memory_space<vmem>>, vector<16xi32>,
      %add3A_494 = arith.constant 32 : i32
      %add3A_495 = arith.addi %mul3A_432, %add3A_494 : i32
      %get3A_496 = arith.constant 0 : i32
      %get3A_497 = arith.index_cast %get3A_496 : i32 to index
      %get3A_498 = arith.index_cast %add3A_495 : i32 to index
      %get3A_499 = tpu.vector_load %arg6[%get3A_497, %get3A_498] {strides = array<i32>} : memref<2x8192xi32, #tpu.memory_space<vmem>>, vector<16xi32>,
      %add3A_500 = arith.constant 48 : i32
      %add3A_501 = arith.addi %mul3A_432, %add3A_500 : i32
      %get3A_502 = arith.constant 0 : i32
      %get3A_503 = arith.index_cast %get3A_502 : i32 to index
      %get3A_504 = arith.index_cast %add3A_501 : i32 to index
      %get3A_505 = tpu.vector_load %arg6[%get3A_503, %get3A_504] {strides = array<i32>} : memref<2x8192xi32, #tpu.memory_space<vmem>>, vector<16xi32>,
      %add3A_506 = arith.constant 64 : i32
      %add3A_507 = arith.addi %mul3A_432, %add3A_506 : i32
      %get3A_508 = arith.constant 0 : i32
      %get3A_509 = arith.index_cast %get3A_508 : i32 to index
      %get3A_510 = arith.index_cast %add3A_507 : i32 to index
      %get3A_511 = tpu.vector_load %arg6[%get3A_509, %get3A_510] {strides = array<i32>} : memref<2x8192xi32, #tpu.memory_space<vmem>>, vector<16xi32>,
      %add3A_512 = arith.constant 80 : i32
      %add3A_513 = arith.addi %mul3A_432, %add3A_512 : i32
      %get3A_514 = arith.constant 0 : i32
      %get3A_515 = arith.index_cast %get3A_514 : i32 to index
      %get3A_516 = arith.index_cast %add3A_513 : i32 to index
      %get3A_517 = tpu.vector_load %arg6[%get3A_515, %get3A_516] {strides = array<i32>} : memref<2x8192xi32, #tpu.memory_space<vmem>>, vector<16xi32>,
      %add3A_518 = arith.constant 96 : i32
      %add3A_519 = arith.addi %mul3A_432, %add3A_518 : i32
      %get3A_520 = arith.constant 0 : i32
      %get3A_521 = arith.index_cast %get3A_520 : i32 to index
      %get3A_522 = arith.index_cast %add3A_519 : i32 to index
      %get3A_523 = tpu.vector_load %arg6[%get3A_521, %get3A_522] {strides = array<i32>} : memref<2x8192xi32, #tpu.memory_space<vmem>>, vector<16xi32>,
      %add3A_524 = arith.constant 112 : i32
      %add3A_525 = arith.addi %mul3A_432, %add3A_524 : i32
      %get3A_526 = arith.constant 0 : i32
      %get3A_527 = arith.index_cast %get3A_526 : i32 to index
      %get3A_528 = arith.index_cast %add3A_525 : i32 to index
      %get3A_529 = tpu.vector_load %arg6[%get3A_527, %get3A_528] {strides = array<i32>} : memref<2x8192xi32, #tpu.memory_space<vmem>>, vector<16xi32>,
      %mul3A_530 = arith.constant 150 : i32
      %mul3A_531 = vector.broadcast %mul3A_530 : i32 to vector<16xi32>
      %mul3A_532 = arith.muli %get3A_487, %mul3A_531 : vector<16xi32>
      %add3A_533 = arith.addi %mul3A_532, %get3A_439 : vector<16xi32>
      %mul3A_534 = arith.constant 150 : i32
      %mul3A_535 = vector.broadcast %mul3A_534 : i32 to vector<16xi32>
      %mul3A_536 = arith.muli %get3A_493, %mul3A_535 : vector<16xi32>
      %add3A_537 = arith.addi %mul3A_536, %get3A_445 : vector<16xi32>
      %mul3A_538 = arith.constant 150 : i32
      %mul3A_539 = vector.broadcast %mul3A_538 : i32 to vector<16xi32>
      %mul3A_540 = arith.muli %get3A_499, %mul3A_539 : vector<16xi32>
      %add3A_541 = arith.addi %mul3A_540, %get3A_451 : vector<16xi32>
      %mul3A_542 = arith.constant 150 : i32
      %mul3A_543 = vector.broadcast %mul3A_542 : i32 to vector<16xi32>
      %mul3A_544 = arith.muli %get3A_505, %mul3A_543 : vector<16xi32>
      %add3A_545 = arith.addi %mul3A_544, %get3A_457 : vector<16xi32>
      %mul3A_546 = arith.constant 150 : i32
      %mul3A_547 = vector.broadcast %mul3A_546 : i32 to vector<16xi32>
      %mul3A_548 = arith.muli %get3A_511, %mul3A_547 : vector<16xi32>
      %add3A_549 = arith.addi %mul3A_548, %get3A_463 : vector<16xi32>
      %mul3A_550 = arith.constant 150 : i32
      %mul3A_551 = vector.broadcast %mul3A_550 : i32 to vector<16xi32>
      %mul3A_552 = arith.muli %get3A_517, %mul3A_551 : vector<16xi32>
      %add3A_553 = arith.addi %mul3A_552, %get3A_469 : vector<16xi32>
      %mul3A_554 = arith.constant 150 : i32
      %mul3A_555 = vector.broadcast %mul3A_554 : i32 to vector<16xi32>
      %mul3A_556 = arith.muli %get3A_523, %mul3A_555 : vector<16xi32>
      %add3A_557 = arith.addi %mul3A_556, %get3A_475 : vector<16xi32>
      %mul3A_558 = arith.constant 150 : i32
      %mul3A_559 = vector.broadcast %mul3A_558 : i32 to vector<16xi32>
      %mul3A_560 = arith.muli %get3A_529, %mul3A_559 : vector<16xi32>
      %add3A_561 = arith.addi %mul3A_560, %get3A_481 : vector<16xi32>
      tpu.vector_store_idx %arg7[%add3A_533], %broadcast_in_dim3A_434 {add = true} : memref<22528xi32, #tpu.memory_space<vmem>>[vector<16xi32>], vector<16xi32>,
      tpu.vector_store_idx %arg7[%add3A_537], %broadcast_in_dim3A_434 {add = true} : memref<22528xi32, #tpu.memory_space<vmem>>[vector<16xi32>], vector<16xi32>,
      tpu.vector_store_idx %arg7[%add3A_541], %broadcast_in_dim3A_434 {add = true} : memref<22528xi32, #tpu.memory_space<vmem>>[vector<16xi32>], vector<16xi32>,
      tpu.vector_store_idx %arg7[%add3A_545], %broadcast_in_dim3A_434 {add = true} : memref<22528xi32, #tpu.memory_space<vmem>>[vector<16xi32>], vector<16xi32>,
      tpu.vector_store_idx %arg7[%add3A_549], %broadcast_in_dim3A_434 {add = true} : memref<22528xi32, #tpu.memory_space<vmem>>[vector<16xi32>], vector<16xi32>,
      tpu.vector_store_idx %arg7[%add3A_553], %broadcast_in_dim3A_434 {add = true} : memref<22528xi32, #tpu.memory_space<vmem>>[vector<16xi32>], vector<16xi32>,
      tpu.vector_store_idx %arg7[%add3A_557], %broadcast_in_dim3A_434 {add = true} : memref<22528xi32, #tpu.memory_space<vmem>>[vector<16xi32>], vector<16xi32>,
      tpu.vector_store_idx %arg7[%add3A_561], %broadcast_in_dim3A_434 {add = true} : memref<22528xi32, #tpu.memory_space<vmem>>[vector<16xi32>], vector<16xi32>,
    }
    %scan3A_158 = arith.constant 64 : i32
    %dma_wait3A_159 = arith.constant 1 : i32
    %dma_wait3A_160 = arith.constant 0 : i32
    %dma_wait3A_161 = tpu.memref_slice %arg5[%dma_wait3A_159, %dma_wait3A_160] : memref<2x8192xi32, #tpu.memory_space<vmem>> -> memref<1x8192xi32, #tpu.memory_space<vmem>>
    %dma_wait3A_162 = tpu.memref_squeeze %dma_wait3A_161 : memref<1x8192xi32, #tpu.memory_space<vmem>> -> memref<8192xi32, #tpu.memory_space<vmem>>
    %dma_wait3A_163 = tpu.memref_slice %arg2[%add3A_134] : memref<2097152xi32, #tpu.memory_space<hbm>> -> memref<8192xi32, #tpu.memory_space<hbm>>
    %dma_wait3A_164 = arith.constant 0 : i32
    %dma_wait3A_165 = tpu.memref_slice %arg5[%dma_wait3A_159, %dma_wait3A_164] : memref<2x8192xi32, #tpu.memory_space<vmem>> -> memref<1x8192xi32, #tpu.memory_space<vmem>>
    %dma_wait3A_166 = tpu.memref_squeeze %dma_wait3A_165 : memref<1x8192xi32, #tpu.memory_space<vmem>> -> memref<8192xi32, #tpu.memory_space<vmem>>
    %dma_wait3A_167 = tpu.memref_slice %arg2[%add3A_134] : memref<2097152xi32, #tpu.memory_space<hbm>> -> memref<8192xi32, #tpu.memory_space<hbm>>
    tpu.wait_dma2 semaphore(%arg11 : memref<!tpu.dma_semaphore, #tpu.memory_space<semaphore_mem>>) src(%dma_wait3A_167 : memref<8192xi32, #tpu.memory_space<hbm>>) dst(%dma_wait3A_166 : memref<8192xi32, #tpu.memory_space<vmem>>)
    %dma_wait3A_168 = arith.constant 1 : i32
    %dma_wait3A_169 = arith.constant 0 : i32
    %dma_wait3A_170 = tpu.memref_slice %arg6[%dma_wait3A_168, %dma_wait3A_169] : memref<2x8192xi32, #tpu.memory_space<vmem>> -> memref<1x8192xi32, #tpu.memory_space<vmem>>
    %dma_wait3A_171 = tpu.memref_squeeze %dma_wait3A_170 : memref<1x8192xi32, #tpu.memory_space<vmem>> -> memref<8192xi32, #tpu.memory_space<vmem>>
    %dma_wait3A_172 = tpu.memref_slice %arg3[%add3A_134] : memref<2097152xi32, #tpu.memory_space<hbm>> -> memref<8192xi32, #tpu.memory_space<hbm>>
    %dma_wait3A_173 = arith.constant 0 : i32
    %dma_wait3A_174 = tpu.memref_slice %arg6[%dma_wait3A_168, %dma_wait3A_173] : memref<2x8192xi32, #tpu.memory_space<vmem>> -> memref<1x8192xi32, #tpu.memory_space<vmem>>
    %dma_wait3A_175 = tpu.memref_squeeze %dma_wait3A_174 : memref<1x8192xi32, #tpu.memory_space<vmem>> -> memref<8192xi32, #tpu.memory_space<vmem>>
    %dma_wait3A_176 = tpu.memref_slice %arg3[%add3A_134] : memref<2097152xi32, #tpu.memory_space<hbm>> -> memref<8192xi32, #tpu.memory_space<hbm>>
    tpu.wait_dma2 semaphore(%arg11 : memref<!tpu.dma_semaphore, #tpu.memory_space<semaphore_mem>>) src(%dma_wait3A_176 : memref<8192xi32, #tpu.memory_space<hbm>>) dst(%dma_wait3A_175 : memref<8192xi32, #tpu.memory_space<vmem>>)
    %add3A_177 = arith.constant 32768 : i32
    %add3A_178 = arith.addi %mul3A_2, %add3A_177 : i32
    %dma_start3A_179 = arith.constant 0 : i32
    %dma_start3A_180 = arith.constant 0 : i32
    %dma_start3A_181 = tpu.memref_slice %arg5[%dma_start3A_179, %dma_start3A_180] : memref<2x8192xi32, #tpu.memory_space<vmem>> -> memref<1x8192xi32, #tpu.memory_space<vmem>>
    %dma_start3A_182 = tpu.memref_squeeze %dma_start3A_181 : memref<1x8192xi32, #tpu.memory_space<vmem>> -> memref<8192xi32, #tpu.memory_space<vmem>>
    %dma_start3A_183 = tpu.memref_slice %arg2[%add3A_178] : memref<2097152xi32, #tpu.memory_space<hbm>> -> memref<8192xi32, #tpu.memory_space<hbm>>
    %dma_start3A_184 = arith.constant 0 : i32
    %dma_start3A_185 = tpu.memref_slice %arg5[%dma_start3A_179, %dma_start3A_184] : memref<2x8192xi32, #tpu.memory_space<vmem>> -> memref<1x8192xi32, #tpu.memory_space<vmem>>
    %dma_start3A_186 = tpu.memref_squeeze %dma_start3A_185 : memref<1x8192xi32, #tpu.memory_space<vmem>> -> memref<8192xi32, #tpu.memory_space<vmem>>
    %dma_start3A_187 = tpu.memref_slice %arg2[%add3A_178] : memref<2097152xi32, #tpu.memory_space<hbm>> -> memref<8192xi32, #tpu.memory_space<hbm>>
    tpu.enqueue_dma source(%dma_start3A_187 : memref<8192xi32, #tpu.memory_space<hbm>>) target(%dma_start3A_186 : memref<8192xi32, #tpu.memory_space<vmem>>) target_semaphore(%arg11 : memref<!tpu.dma_semaphore, #tpu.memory_space<semaphore_mem>>)
    %dma_start3A_188 = arith.constant 0 : i32
    %dma_start3A_189 = arith.constant 0 : i32
    %dma_start3A_190 = tpu.memref_slice %arg6[%dma_start3A_188, %dma_start3A_189] : memref<2x8192xi32, #tpu.memory_space<vmem>> -> memref<1x8192xi32, #tpu.memory_space<vmem>>
    %dma_start3A_191 = tpu.memref_squeeze %dma_start3A_190 : memref<1x8192xi32, #tpu.memory_space<vmem>> -> memref<8192xi32, #tpu.memory_space<vmem>>
    %dma_start3A_192 = tpu.memref_slice %arg3[%add3A_178] : memref<2097152xi32, #tpu.memory_space<hbm>> -> memref<8192xi32, #tpu.memory_space<hbm>>
    %dma_start3A_193 = arith.constant 0 : i32
    %dma_start3A_194 = tpu.memref_slice %arg6[%dma_start3A_188, %dma_start3A_193] : memref<2x8192xi32, #tpu.memory_space<vmem>> -> memref<1x8192xi32, #tpu.memory_space<vmem>>
    %dma_start3A_195 = tpu.memref_squeeze %dma_start3A_194 : memref<1x8192xi32, #tpu.memory_space<vmem>> -> memref<8192xi32, #tpu.memory_space<vmem>>
    %dma_start3A_196 = tpu.memref_slice %arg3[%add3A_178] : memref<2097152xi32, #tpu.memory_space<hbm>> -> memref<8192xi32, #tpu.memory_space<hbm>>
    tpu.enqueue_dma source(%dma_start3A_196 : memref<8192xi32, #tpu.memory_space<hbm>>) target(%dma_start3A_195 : memref<8192xi32, #tpu.memory_space<vmem>>) target_semaphore(%arg11 : memref<!tpu.dma_semaphore, #tpu.memory_space<semaphore_mem>>)
    %scan3A_197 = arith.constant 0 : i32
    %scan3A_198 = arith.constant 0 : i32
    %scan3A_199 = arith.constant 64 : i32
    %scan3A_200 = arith.addi %scan3A_198, %scan3A_199 : i32
    %scan3A_201 = arith.constant 1 : i32
    scf.for %scan3A_430 = %scan3A_198 to %scan3A_200 step %scan3A_201  : i32 {
      %mul3A_431 = arith.constant 128 : i32
      %mul3A_432 = arith.muli %scan3A_430, %mul3A_431 : i32
      %broadcast_in_dim3A_433 = arith.constant 1 : i32
      %broadcast_in_dim3A_434 = vector.broadcast %broadcast_in_dim3A_433 : i32 to vector<16xi32>
      %add3A_435 = arith.constant 0 : i32
      %add3A_436 = arith.addi %mul3A_432, %add3A_435 : i32
      %get3A = arith.constant 1 : i32
      %get3A_437 = arith.index_cast %get3A : i32 to index
      %get3A_438 = arith.index_cast %add3A_436 : i32 to index
      %get3A_439 = tpu.vector_load %arg5[%get3A_437, %get3A_438] {strides = array<i32>} : memref<2x8192xi32, #tpu.memory_space<vmem>>, vector<16xi32>,
      %add3A_440 = arith.constant 16 : i32
      %add3A_441 = arith.addi %mul3A_432, %add3A_440 : i32
      %get3A_442 = arith.constant 1 : i32
      %get3A_443 = arith.index_cast %get3A_442 : i32 to index
      %get3A_444 = arith.index_cast %add3A_441 : i32 to index
      %get3A_445 = tpu.vector_load %arg5[%get3A_443, %get3A_444] {strides = array<i32>} : memref<2x8192xi32, #tpu.memory_space<vmem>>, vector<16xi32>,
      %add3A_446 = arith.constant 32 : i32
      %add3A_447 = arith.addi %mul3A_432, %add3A_446 : i32
      %get3A_448 = arith.constant 1 : i32
      %get3A_449 = arith.index_cast %get3A_448 : i32 to index
      %get3A_450 = arith.index_cast %add3A_447 : i32 to index
      %get3A_451 = tpu.vector_load %arg5[%get3A_449, %get3A_450] {strides = array<i32>} : memref<2x8192xi32, #tpu.memory_space<vmem>>, vector<16xi32>,
      %add3A_452 = arith.constant 48 : i32
      %add3A_453 = arith.addi %mul3A_432, %add3A_452 : i32
      %get3A_454 = arith.constant 1 : i32
      %get3A_455 = arith.index_cast %get3A_454 : i32 to index
      %get3A_456 = arith.index_cast %add3A_453 : i32 to index
      %get3A_457 = tpu.vector_load %arg5[%get3A_455, %get3A_456] {strides = array<i32>} : memref<2x8192xi32, #tpu.memory_space<vmem>>, vector<16xi32>,
      %add3A_458 = arith.constant 64 : i32
      %add3A_459 = arith.addi %mul3A_432, %add3A_458 : i32
      %get3A_460 = arith.constant 1 : i32
      %get3A_461 = arith.index_cast %get3A_460 : i32 to index
      %get3A_462 = arith.index_cast %add3A_459 : i32 to index
      %get3A_463 = tpu.vector_load %arg5[%get3A_461, %get3A_462] {strides = array<i32>} : memref<2x8192xi32, #tpu.memory_space<vmem>>, vector<16xi32>,
      %add3A_464 = arith.constant 80 : i32
      %add3A_465 = arith.addi %mul3A_432, %add3A_464 : i32
      %get3A_466 = arith.constant 1 : i32
      %get3A_467 = arith.index_cast %get3A_466 : i32 to index
      %get3A_468 = arith.index_cast %add3A_465 : i32 to index
      %get3A_469 = tpu.vector_load %arg5[%get3A_467, %get3A_468] {strides = array<i32>} : memref<2x8192xi32, #tpu.memory_space<vmem>>, vector<16xi32>,
      %add3A_470 = arith.constant 96 : i32
      %add3A_471 = arith.addi %mul3A_432, %add3A_470 : i32
      %get3A_472 = arith.constant 1 : i32
      %get3A_473 = arith.index_cast %get3A_472 : i32 to index
      %get3A_474 = arith.index_cast %add3A_471 : i32 to index
      %get3A_475 = tpu.vector_load %arg5[%get3A_473, %get3A_474] {strides = array<i32>} : memref<2x8192xi32, #tpu.memory_space<vmem>>, vector<16xi32>,
      %add3A_476 = arith.constant 112 : i32
      %add3A_477 = arith.addi %mul3A_432, %add3A_476 : i32
      %get3A_478 = arith.constant 1 : i32
      %get3A_479 = arith.index_cast %get3A_478 : i32 to index
      %get3A_480 = arith.index_cast %add3A_477 : i32 to index
      %get3A_481 = tpu.vector_load %arg5[%get3A_479, %get3A_480] {strides = array<i32>} : memref<2x8192xi32, #tpu.memory_space<vmem>>, vector<16xi32>,
      %add3A_482 = arith.constant 0 : i32
      %add3A_483 = arith.addi %mul3A_432, %add3A_482 : i32
      %get3A_484 = arith.constant 1 : i32
      %get3A_485 = arith.index_cast %get3A_484 : i32 to index
      %get3A_486 = arith.index_cast %add3A_483 : i32 to index
      %get3A_487 = tpu.vector_load %arg6[%get3A_485, %get3A_486] {strides = array<i32>} : memref<2x8192xi32, #tpu.memory_space<vmem>>, vector<16xi32>,
      %add3A_488 = arith.constant 16 : i32
      %add3A_489 = arith.addi %mul3A_432, %add3A_488 : i32
      %get3A_490 = arith.constant 1 : i32
      %get3A_491 = arith.index_cast %get3A_490 : i32 to index
      %get3A_492 = arith.index_cast %add3A_489 : i32 to index
      %get3A_493 = tpu.vector_load %arg6[%get3A_491, %get3A_492] {strides = array<i32>} : memref<2x8192xi32, #tpu.memory_space<vmem>>, vector<16xi32>,
      %add3A_494 = arith.constant 32 : i32
      %add3A_495 = arith.addi %mul3A_432, %add3A_494 : i32
      %get3A_496 = arith.constant 1 : i32
      %get3A_497 = arith.index_cast %get3A_496 : i32 to index
      %get3A_498 = arith.index_cast %add3A_495 : i32 to index
      %get3A_499 = tpu.vector_load %arg6[%get3A_497, %get3A_498] {strides = array<i32>} : memref<2x8192xi32, #tpu.memory_space<vmem>>, vector<16xi32>,
      %add3A_500 = arith.constant 48 : i32
      %add3A_501 = arith.addi %mul3A_432, %add3A_500 : i32
      %get3A_502 = arith.constant 1 : i32
      %get3A_503 = arith.index_cast %get3A_502 : i32 to index
      %get3A_504 = arith.index_cast %add3A_501 : i32 to index
      %get3A_505 = tpu.vector_load %arg6[%get3A_503, %get3A_504] {strides = array<i32>} : memref<2x8192xi32, #tpu.memory_space<vmem>>, vector<16xi32>,
      %add3A_506 = arith.constant 64 : i32
      %add3A_507 = arith.addi %mul3A_432, %add3A_506 : i32
      %get3A_508 = arith.constant 1 : i32
      %get3A_509 = arith.index_cast %get3A_508 : i32 to index
      %get3A_510 = arith.index_cast %add3A_507 : i32 to index
      %get3A_511 = tpu.vector_load %arg6[%get3A_509, %get3A_510] {strides = array<i32>} : memref<2x8192xi32, #tpu.memory_space<vmem>>, vector<16xi32>,
      %add3A_512 = arith.constant 80 : i32
      %add3A_513 = arith.addi %mul3A_432, %add3A_512 : i32
      %get3A_514 = arith.constant 1 : i32
      %get3A_515 = arith.index_cast %get3A_514 : i32 to index
      %get3A_516 = arith.index_cast %add3A_513 : i32 to index
      %get3A_517 = tpu.vector_load %arg6[%get3A_515, %get3A_516] {strides = array<i32>} : memref<2x8192xi32, #tpu.memory_space<vmem>>, vector<16xi32>,
      %add3A_518 = arith.constant 96 : i32
      %add3A_519 = arith.addi %mul3A_432, %add3A_518 : i32
      %get3A_520 = arith.constant 1 : i32
      %get3A_521 = arith.index_cast %get3A_520 : i32 to index
      %get3A_522 = arith.index_cast %add3A_519 : i32 to index
      %get3A_523 = tpu.vector_load %arg6[%get3A_521, %get3A_522] {strides = array<i32>} : memref<2x8192xi32, #tpu.memory_space<vmem>>, vector<16xi32>,
      %add3A_524 = arith.constant 112 : i32
      %add3A_525 = arith.addi %mul3A_432, %add3A_524 : i32
      %get3A_526 = arith.constant 1 : i32
      %get3A_527 = arith.index_cast %get3A_526 : i32 to index
      %get3A_528 = arith.index_cast %add3A_525 : i32 to index
      %get3A_529 = tpu.vector_load %arg6[%get3A_527, %get3A_528] {strides = array<i32>} : memref<2x8192xi32, #tpu.memory_space<vmem>>, vector<16xi32>,
      %mul3A_530 = arith.constant 150 : i32
      %mul3A_531 = vector.broadcast %mul3A_530 : i32 to vector<16xi32>
      %mul3A_532 = arith.muli %get3A_487, %mul3A_531 : vector<16xi32>
      %add3A_533 = arith.addi %mul3A_532, %get3A_439 : vector<16xi32>
      %mul3A_534 = arith.constant 150 : i32
      %mul3A_535 = vector.broadcast %mul3A_534 : i32 to vector<16xi32>
      %mul3A_536 = arith.muli %get3A_493, %mul3A_535 : vector<16xi32>
      %add3A_537 = arith.addi %mul3A_536, %get3A_445 : vector<16xi32>
      %mul3A_538 = arith.constant 150 : i32
      %mul3A_539 = vector.broadcast %mul3A_538 : i32 to vector<16xi32>
      %mul3A_540 = arith.muli %get3A_499, %mul3A_539 : vector<16xi32>
      %add3A_541 = arith.addi %mul3A_540, %get3A_451 : vector<16xi32>
      %mul3A_542 = arith.constant 150 : i32
      %mul3A_543 = vector.broadcast %mul3A_542 : i32 to vector<16xi32>
      %mul3A_544 = arith.muli %get3A_505, %mul3A_543 : vector<16xi32>
      %add3A_545 = arith.addi %mul3A_544, %get3A_457 : vector<16xi32>
      %mul3A_546 = arith.constant 150 : i32
      %mul3A_547 = vector.broadcast %mul3A_546 : i32 to vector<16xi32>
      %mul3A_548 = arith.muli %get3A_511, %mul3A_547 : vector<16xi32>
      %add3A_549 = arith.addi %mul3A_548, %get3A_463 : vector<16xi32>
      %mul3A_550 = arith.constant 150 : i32
      %mul3A_551 = vector.broadcast %mul3A_550 : i32 to vector<16xi32>
      %mul3A_552 = arith.muli %get3A_517, %mul3A_551 : vector<16xi32>
      %add3A_553 = arith.addi %mul3A_552, %get3A_469 : vector<16xi32>
      %mul3A_554 = arith.constant 150 : i32
      %mul3A_555 = vector.broadcast %mul3A_554 : i32 to vector<16xi32>
      %mul3A_556 = arith.muli %get3A_523, %mul3A_555 : vector<16xi32>
      %add3A_557 = arith.addi %mul3A_556, %get3A_475 : vector<16xi32>
      %mul3A_558 = arith.constant 150 : i32
      %mul3A_559 = vector.broadcast %mul3A_558 : i32 to vector<16xi32>
      %mul3A_560 = arith.muli %get3A_529, %mul3A_559 : vector<16xi32>
      %add3A_561 = arith.addi %mul3A_560, %get3A_481 : vector<16xi32>
      tpu.vector_store_idx %arg7[%add3A_533], %broadcast_in_dim3A_434 {add = true} : memref<22528xi32, #tpu.memory_space<vmem>>[vector<16xi32>], vector<16xi32>,
      tpu.vector_store_idx %arg7[%add3A_537], %broadcast_in_dim3A_434 {add = true} : memref<22528xi32, #tpu.memory_space<vmem>>[vector<16xi32>], vector<16xi32>,
      tpu.vector_store_idx %arg7[%add3A_541], %broadcast_in_dim3A_434 {add = true} : memref<22528xi32, #tpu.memory_space<vmem>>[vector<16xi32>], vector<16xi32>,
      tpu.vector_store_idx %arg7[%add3A_545], %broadcast_in_dim3A_434 {add = true} : memref<22528xi32, #tpu.memory_space<vmem>>[vector<16xi32>], vector<16xi32>,
      tpu.vector_store_idx %arg7[%add3A_549], %broadcast_in_dim3A_434 {add = true} : memref<22528xi32, #tpu.memory_space<vmem>>[vector<16xi32>], vector<16xi32>,
      tpu.vector_store_idx %arg7[%add3A_553], %broadcast_in_dim3A_434 {add = true} : memref<22528xi32, #tpu.memory_space<vmem>>[vector<16xi32>], vector<16xi32>,
      tpu.vector_store_idx %arg7[%add3A_557], %broadcast_in_dim3A_434 {add = true} : memref<22528xi32, #tpu.memory_space<vmem>>[vector<16xi32>], vector<16xi32>,
      tpu.vector_store_idx %arg7[%add3A_561], %broadcast_in_dim3A_434 {add = true} : memref<22528xi32, #tpu.memory_space<vmem>>[vector<16xi32>], vector<16xi32>,
    }
    %scan3A_202 = arith.constant 64 : i32
    %dma_wait3A_203 = arith.constant 0 : i32
    %dma_wait3A_204 = arith.constant 0 : i32
    %dma_wait3A_205 = tpu.memref_slice %arg5[%dma_wait3A_203, %dma_wait3A_204] : memref<2x8192xi32, #tpu.memory_space<vmem>> -> memref<1x8192xi32, #tpu.memory_space<vmem>>
    %dma_wait3A_206 = tpu.memref_squeeze %dma_wait3A_205 : memref<1x8192xi32, #tpu.memory_space<vmem>> -> memref<8192xi32, #tpu.memory_space<vmem>>
    %dma_wait3A_207 = tpu.memref_slice %arg2[%add3A_178] : memref<2097152xi32, #tpu.memory_space<hbm>> -> memref<8192xi32, #tpu.memory_space<hbm>>
    %dma_wait3A_208 = arith.constant 0 : i32
    %dma_wait3A_209 = tpu.memref_slice %arg5[%dma_wait3A_203, %dma_wait3A_208] : memref<2x8192xi32, #tpu.memory_space<vmem>> -> memref<1x8192xi32, #tpu.memory_space<vmem>>
    %dma_wait3A_210 = tpu.memref_squeeze %dma_wait3A_209 : memref<1x8192xi32, #tpu.memory_space<vmem>> -> memref<8192xi32, #tpu.memory_space<vmem>>
    %dma_wait3A_211 = tpu.memref_slice %arg2[%add3A_178] : memref<2097152xi32, #tpu.memory_space<hbm>> -> memref<8192xi32, #tpu.memory_space<hbm>>
    tpu.wait_dma2 semaphore(%arg11 : memref<!tpu.dma_semaphore, #tpu.memory_space<semaphore_mem>>) src(%dma_wait3A_211 : memref<8192xi32, #tpu.memory_space<hbm>>) dst(%dma_wait3A_210 : memref<8192xi32, #tpu.memory_space<vmem>>)
    %dma_wait3A_212 = arith.constant 0 : i32
    %dma_wait3A_213 = arith.constant 0 : i32
    %dma_wait3A_214 = tpu.memref_slice %arg6[%dma_wait3A_212, %dma_wait3A_213] : memref<2x8192xi32, #tpu.memory_space<vmem>> -> memref<1x8192xi32, #tpu.memory_space<vmem>>
    %dma_wait3A_215 = tpu.memref_squeeze %dma_wait3A_214 : memref<1x8192xi32, #tpu.memory_space<vmem>> -> memref<8192xi32, #tpu.memory_space<vmem>>
    %dma_wait3A_216 = tpu.memref_slice %arg3[%add3A_178] : memref<2097152xi32, #tpu.memory_space<hbm>> -> memref<8192xi32, #tpu.memory_space<hbm>>
    %dma_wait3A_217 = arith.constant 0 : i32
    %dma_wait3A_218 = tpu.memref_slice %arg6[%dma_wait3A_212, %dma_wait3A_217] : memref<2x8192xi32, #tpu.memory_space<vmem>> -> memref<1x8192xi32, #tpu.memory_space<vmem>>
    %dma_wait3A_219 = tpu.memref_squeeze %dma_wait3A_218 : memref<1x8192xi32, #tpu.memory_space<vmem>> -> memref<8192xi32, #tpu.memory_space<vmem>>
    %dma_wait3A_220 = tpu.memref_slice %arg3[%add3A_178] : memref<2097152xi32, #tpu.memory_space<hbm>> -> memref<8192xi32, #tpu.memory_space<hbm>>
    tpu.wait_dma2 semaphore(%arg11 : memref<!tpu.dma_semaphore, #tpu.memory_space<semaphore_mem>>) src(%dma_wait3A_220 : memref<8192xi32, #tpu.memory_space<hbm>>) dst(%dma_wait3A_219 : memref<8192xi32, #tpu.memory_space<vmem>>)
    %add3A_221 = arith.constant 40960 : i32
    %add3A_222 = arith.addi %mul3A_2, %add3A_221 : i32
    %dma_start3A_223 = arith.constant 1 : i32
    %dma_start3A_224 = arith.constant 0 : i32
    %dma_start3A_225 = tpu.memref_slice %arg5[%dma_start3A_223, %dma_start3A_224] : memref<2x8192xi32, #tpu.memory_space<vmem>> -> memref<1x8192xi32, #tpu.memory_space<vmem>>
    %dma_start3A_226 = tpu.memref_squeeze %dma_start3A_225 : memref<1x8192xi32, #tpu.memory_space<vmem>> -> memref<8192xi32, #tpu.memory_space<vmem>>
    %dma_start3A_227 = tpu.memref_slice %arg2[%add3A_222] : memref<2097152xi32, #tpu.memory_space<hbm>> -> memref<8192xi32, #tpu.memory_space<hbm>>
    %dma_start3A_228 = arith.constant 0 : i32
    %dma_start3A_229 = tpu.memref_slice %arg5[%dma_start3A_223, %dma_start3A_228] : memref<2x8192xi32, #tpu.memory_space<vmem>> -> memref<1x8192xi32, #tpu.memory_space<vmem>>
    %dma_start3A_230 = tpu.memref_squeeze %dma_start3A_229 : memref<1x8192xi32, #tpu.memory_space<vmem>> -> memref<8192xi32, #tpu.memory_space<vmem>>
    %dma_start3A_231 = tpu.memref_slice %arg2[%add3A_222] : memref<2097152xi32, #tpu.memory_space<hbm>> -> memref<8192xi32, #tpu.memory_space<hbm>>
    tpu.enqueue_dma source(%dma_start3A_231 : memref<8192xi32, #tpu.memory_space<hbm>>) target(%dma_start3A_230 : memref<8192xi32, #tpu.memory_space<vmem>>) target_semaphore(%arg11 : memref<!tpu.dma_semaphore, #tpu.memory_space<semaphore_mem>>)
    %dma_start3A_232 = arith.constant 1 : i32
    %dma_start3A_233 = arith.constant 0 : i32
    %dma_start3A_234 = tpu.memref_slice %arg6[%dma_start3A_232, %dma_start3A_233] : memref<2x8192xi32, #tpu.memory_space<vmem>> -> memref<1x8192xi32, #tpu.memory_space<vmem>>
    %dma_start3A_235 = tpu.memref_squeeze %dma_start3A_234 : memref<1x8192xi32, #tpu.memory_space<vmem>> -> memref<8192xi32, #tpu.memory_space<vmem>>
    %dma_start3A_236 = tpu.memref_slice %arg3[%add3A_222] : memref<2097152xi32, #tpu.memory_space<hbm>> -> memref<8192xi32, #tpu.memory_space<hbm>>
    %dma_start3A_237 = arith.constant 0 : i32
    %dma_start3A_238 = tpu.memref_slice %arg6[%dma_start3A_232, %dma_start3A_237] : memref<2x8192xi32, #tpu.memory_space<vmem>> -> memref<1x8192xi32, #tpu.memory_space<vmem>>
    %dma_start3A_239 = tpu.memref_squeeze %dma_start3A_238 : memref<1x8192xi32, #tpu.memory_space<vmem>> -> memref<8192xi32, #tpu.memory_space<vmem>>
    %dma_start3A_240 = tpu.memref_slice %arg3[%add3A_222] : memref<2097152xi32, #tpu.memory_space<hbm>> -> memref<8192xi32, #tpu.memory_space<hbm>>
    tpu.enqueue_dma source(%dma_start3A_240 : memref<8192xi32, #tpu.memory_space<hbm>>) target(%dma_start3A_239 : memref<8192xi32, #tpu.memory_space<vmem>>) target_semaphore(%arg11 : memref<!tpu.dma_semaphore, #tpu.memory_space<semaphore_mem>>)
    %scan3A_241 = arith.constant 0 : i32
    %scan3A_242 = arith.constant 0 : i32
    %scan3A_243 = arith.constant 64 : i32
    %scan3A_244 = arith.addi %scan3A_242, %scan3A_243 : i32
    %scan3A_245 = arith.constant 1 : i32
    scf.for %scan3A_430 = %scan3A_242 to %scan3A_244 step %scan3A_245  : i32 {
      %mul3A_431 = arith.constant 128 : i32
      %mul3A_432 = arith.muli %scan3A_430, %mul3A_431 : i32
      %broadcast_in_dim3A_433 = arith.constant 1 : i32
      %broadcast_in_dim3A_434 = vector.broadcast %broadcast_in_dim3A_433 : i32 to vector<16xi32>
      %add3A_435 = arith.constant 0 : i32
      %add3A_436 = arith.addi %mul3A_432, %add3A_435 : i32
      %get3A = arith.constant 0 : i32
      %get3A_437 = arith.index_cast %get3A : i32 to index
      %get3A_438 = arith.index_cast %add3A_436 : i32 to index
      %get3A_439 = tpu.vector_load %arg5[%get3A_437, %get3A_438] {strides = array<i32>} : memref<2x8192xi32, #tpu.memory_space<vmem>>, vector<16xi32>,
      %add3A_440 = arith.constant 16 : i32
      %add3A_441 = arith.addi %mul3A_432, %add3A_440 : i32
      %get3A_442 = arith.constant 0 : i32
      %get3A_443 = arith.index_cast %get3A_442 : i32 to index
      %get3A_444 = arith.index_cast %add3A_441 : i32 to index
      %get3A_445 = tpu.vector_load %arg5[%get3A_443, %get3A_444] {strides = array<i32>} : memref<2x8192xi32, #tpu.memory_space<vmem>>, vector<16xi32>,
      %add3A_446 = arith.constant 32 : i32
      %add3A_447 = arith.addi %mul3A_432, %add3A_446 : i32
      %get3A_448 = arith.constant 0 : i32
      %get3A_449 = arith.index_cast %get3A_448 : i32 to index
      %get3A_450 = arith.index_cast %add3A_447 : i32 to index
      %get3A_451 = tpu.vector_load %arg5[%get3A_449, %get3A_450] {strides = array<i32>} : memref<2x8192xi32, #tpu.memory_space<vmem>>, vector<16xi32>,
      %add3A_452 = arith.constant 48 : i32
      %add3A_453 = arith.addi %mul3A_432, %add3A_452 : i32
      %get3A_454 = arith.constant 0 : i32
      %get3A_455 = arith.index_cast %get3A_454 : i32 to index
      %get3A_456 = arith.index_cast %add3A_453 : i32 to index
      %get3A_457 = tpu.vector_load %arg5[%get3A_455, %get3A_456] {strides = array<i32>} : memref<2x8192xi32, #tpu.memory_space<vmem>>, vector<16xi32>,
      %add3A_458 = arith.constant 64 : i32
      %add3A_459 = arith.addi %mul3A_432, %add3A_458 : i32
      %get3A_460 = arith.constant 0 : i32
      %get3A_461 = arith.index_cast %get3A_460 : i32 to index
      %get3A_462 = arith.index_cast %add3A_459 : i32 to index
      %get3A_463 = tpu.vector_load %arg5[%get3A_461, %get3A_462] {strides = array<i32>} : memref<2x8192xi32, #tpu.memory_space<vmem>>, vector<16xi32>,
      %add3A_464 = arith.constant 80 : i32
      %add3A_465 = arith.addi %mul3A_432, %add3A_464 : i32
      %get3A_466 = arith.constant 0 : i32
      %get3A_467 = arith.index_cast %get3A_466 : i32 to index
      %get3A_468 = arith.index_cast %add3A_465 : i32 to index
      %get3A_469 = tpu.vector_load %arg5[%get3A_467, %get3A_468] {strides = array<i32>} : memref<2x8192xi32, #tpu.memory_space<vmem>>, vector<16xi32>,
      %add3A_470 = arith.constant 96 : i32
      %add3A_471 = arith.addi %mul3A_432, %add3A_470 : i32
      %get3A_472 = arith.constant 0 : i32
      %get3A_473 = arith.index_cast %get3A_472 : i32 to index
      %get3A_474 = arith.index_cast %add3A_471 : i32 to index
      %get3A_475 = tpu.vector_load %arg5[%get3A_473, %get3A_474] {strides = array<i32>} : memref<2x8192xi32, #tpu.memory_space<vmem>>, vector<16xi32>,
      %add3A_476 = arith.constant 112 : i32
      %add3A_477 = arith.addi %mul3A_432, %add3A_476 : i32
      %get3A_478 = arith.constant 0 : i32
      %get3A_479 = arith.index_cast %get3A_478 : i32 to index
      %get3A_480 = arith.index_cast %add3A_477 : i32 to index
      %get3A_481 = tpu.vector_load %arg5[%get3A_479, %get3A_480] {strides = array<i32>} : memref<2x8192xi32, #tpu.memory_space<vmem>>, vector<16xi32>,
      %add3A_482 = arith.constant 0 : i32
      %add3A_483 = arith.addi %mul3A_432, %add3A_482 : i32
      %get3A_484 = arith.constant 0 : i32
      %get3A_485 = arith.index_cast %get3A_484 : i32 to index
      %get3A_486 = arith.index_cast %add3A_483 : i32 to index
      %get3A_487 = tpu.vector_load %arg6[%get3A_485, %get3A_486] {strides = array<i32>} : memref<2x8192xi32, #tpu.memory_space<vmem>>, vector<16xi32>,
      %add3A_488 = arith.constant 16 : i32
      %add3A_489 = arith.addi %mul3A_432, %add3A_488 : i32
      %get3A_490 = arith.constant 0 : i32
      %get3A_491 = arith.index_cast %get3A_490 : i32 to index
      %get3A_492 = arith.index_cast %add3A_489 : i32 to index
      %get3A_493 = tpu.vector_load %arg6[%get3A_491, %get3A_492] {strides = array<i32>} : memref<2x8192xi32, #tpu.memory_space<vmem>>, vector<16xi32>,
      %add3A_494 = arith.constant 32 : i32
      %add3A_495 = arith.addi %mul3A_432, %add3A_494 : i32
      %get3A_496 = arith.constant 0 : i32
      %get3A_497 = arith.index_cast %get3A_496 : i32 to index
      %get3A_498 = arith.index_cast %add3A_495 : i32 to index
      %get3A_499 = tpu.vector_load %arg6[%get3A_497, %get3A_498] {strides = array<i32>} : memref<2x8192xi32, #tpu.memory_space<vmem>>, vector<16xi32>,
      %add3A_500 = arith.constant 48 : i32
      %add3A_501 = arith.addi %mul3A_432, %add3A_500 : i32
      %get3A_502 = arith.constant 0 : i32
      %get3A_503 = arith.index_cast %get3A_502 : i32 to index
      %get3A_504 = arith.index_cast %add3A_501 : i32 to index
      %get3A_505 = tpu.vector_load %arg6[%get3A_503, %get3A_504] {strides = array<i32>} : memref<2x8192xi32, #tpu.memory_space<vmem>>, vector<16xi32>,
      %add3A_506 = arith.constant 64 : i32
      %add3A_507 = arith.addi %mul3A_432, %add3A_506 : i32
      %get3A_508 = arith.constant 0 : i32
      %get3A_509 = arith.index_cast %get3A_508 : i32 to index
      %get3A_510 = arith.index_cast %add3A_507 : i32 to index
      %get3A_511 = tpu.vector_load %arg6[%get3A_509, %get3A_510] {strides = array<i32>} : memref<2x8192xi32, #tpu.memory_space<vmem>>, vector<16xi32>,
      %add3A_512 = arith.constant 80 : i32
      %add3A_513 = arith.addi %mul3A_432, %add3A_512 : i32
      %get3A_514 = arith.constant 0 : i32
      %get3A_515 = arith.index_cast %get3A_514 : i32 to index
      %get3A_516 = arith.index_cast %add3A_513 : i32 to index
      %get3A_517 = tpu.vector_load %arg6[%get3A_515, %get3A_516] {strides = array<i32>} : memref<2x8192xi32, #tpu.memory_space<vmem>>, vector<16xi32>,
      %add3A_518 = arith.constant 96 : i32
      %add3A_519 = arith.addi %mul3A_432, %add3A_518 : i32
      %get3A_520 = arith.constant 0 : i32
      %get3A_521 = arith.index_cast %get3A_520 : i32 to index
      %get3A_522 = arith.index_cast %add3A_519 : i32 to index
      %get3A_523 = tpu.vector_load %arg6[%get3A_521, %get3A_522] {strides = array<i32>} : memref<2x8192xi32, #tpu.memory_space<vmem>>, vector<16xi32>,
      %add3A_524 = arith.constant 112 : i32
      %add3A_525 = arith.addi %mul3A_432, %add3A_524 : i32
      %get3A_526 = arith.constant 0 : i32
      %get3A_527 = arith.index_cast %get3A_526 : i32 to index
      %get3A_528 = arith.index_cast %add3A_525 : i32 to index
      %get3A_529 = tpu.vector_load %arg6[%get3A_527, %get3A_528] {strides = array<i32>} : memref<2x8192xi32, #tpu.memory_space<vmem>>, vector<16xi32>,
      %mul3A_530 = arith.constant 150 : i32
      %mul3A_531 = vector.broadcast %mul3A_530 : i32 to vector<16xi32>
      %mul3A_532 = arith.muli %get3A_487, %mul3A_531 : vector<16xi32>
      %add3A_533 = arith.addi %mul3A_532, %get3A_439 : vector<16xi32>
      %mul3A_534 = arith.constant 150 : i32
      %mul3A_535 = vector.broadcast %mul3A_534 : i32 to vector<16xi32>
      %mul3A_536 = arith.muli %get3A_493, %mul3A_535 : vector<16xi32>
      %add3A_537 = arith.addi %mul3A_536, %get3A_445 : vector<16xi32>
      %mul3A_538 = arith.constant 150 : i32
      %mul3A_539 = vector.broadcast %mul3A_538 : i32 to vector<16xi32>
      %mul3A_540 = arith.muli %get3A_499, %mul3A_539 : vector<16xi32>
      %add3A_541 = arith.addi %mul3A_540, %get3A_451 : vector<16xi32>
      %mul3A_542 = arith.constant 150 : i32
      %mul3A_543 = vector.broadcast %mul3A_542 : i32 to vector<16xi32>
      %mul3A_544 = arith.muli %get3A_505, %mul3A_543 : vector<16xi32>
      %add3A_545 = arith.addi %mul3A_544, %get3A_457 : vector<16xi32>
      %mul3A_546 = arith.constant 150 : i32
      %mul3A_547 = vector.broadcast %mul3A_546 : i32 to vector<16xi32>
      %mul3A_548 = arith.muli %get3A_511, %mul3A_547 : vector<16xi32>
      %add3A_549 = arith.addi %mul3A_548, %get3A_463 : vector<16xi32>
      %mul3A_550 = arith.constant 150 : i32
      %mul3A_551 = vector.broadcast %mul3A_550 : i32 to vector<16xi32>
      %mul3A_552 = arith.muli %get3A_517, %mul3A_551 : vector<16xi32>
      %add3A_553 = arith.addi %mul3A_552, %get3A_469 : vector<16xi32>
      %mul3A_554 = arith.constant 150 : i32
      %mul3A_555 = vector.broadcast %mul3A_554 : i32 to vector<16xi32>
      %mul3A_556 = arith.muli %get3A_523, %mul3A_555 : vector<16xi32>
      %add3A_557 = arith.addi %mul3A_556, %get3A_475 : vector<16xi32>
      %mul3A_558 = arith.constant 150 : i32
      %mul3A_559 = vector.broadcast %mul3A_558 : i32 to vector<16xi32>
      %mul3A_560 = arith.muli %get3A_529, %mul3A_559 : vector<16xi32>
      %add3A_561 = arith.addi %mul3A_560, %get3A_481 : vector<16xi32>
      tpu.vector_store_idx %arg7[%add3A_533], %broadcast_in_dim3A_434 {add = true} : memref<22528xi32, #tpu.memory_space<vmem>>[vector<16xi32>], vector<16xi32>,
      tpu.vector_store_idx %arg7[%add3A_537], %broadcast_in_dim3A_434 {add = true} : memref<22528xi32, #tpu.memory_space<vmem>>[vector<16xi32>], vector<16xi32>,
      tpu.vector_store_idx %arg7[%add3A_541], %broadcast_in_dim3A_434 {add = true} : memref<22528xi32, #tpu.memory_space<vmem>>[vector<16xi32>], vector<16xi32>,
      tpu.vector_store_idx %arg7[%add3A_545], %broadcast_in_dim3A_434 {add = true} : memref<22528xi32, #tpu.memory_space<vmem>>[vector<16xi32>], vector<16xi32>,
      tpu.vector_store_idx %arg7[%add3A_549], %broadcast_in_dim3A_434 {add = true} : memref<22528xi32, #tpu.memory_space<vmem>>[vector<16xi32>], vector<16xi32>,
      tpu.vector_store_idx %arg7[%add3A_553], %broadcast_in_dim3A_434 {add = true} : memref<22528xi32, #tpu.memory_space<vmem>>[vector<16xi32>], vector<16xi32>,
      tpu.vector_store_idx %arg7[%add3A_557], %broadcast_in_dim3A_434 {add = true} : memref<22528xi32, #tpu.memory_space<vmem>>[vector<16xi32>], vector<16xi32>,
      tpu.vector_store_idx %arg7[%add3A_561], %broadcast_in_dim3A_434 {add = true} : memref<22528xi32, #tpu.memory_space<vmem>>[vector<16xi32>], vector<16xi32>,
    }
    %scan3A_246 = arith.constant 64 : i32
    %dma_wait3A_247 = arith.constant 1 : i32
    %dma_wait3A_248 = arith.constant 0 : i32
    %dma_wait3A_249 = tpu.memref_slice %arg5[%dma_wait3A_247, %dma_wait3A_248] : memref<2x8192xi32, #tpu.memory_space<vmem>> -> memref<1x8192xi32, #tpu.memory_space<vmem>>
    %dma_wait3A_250 = tpu.memref_squeeze %dma_wait3A_249 : memref<1x8192xi32, #tpu.memory_space<vmem>> -> memref<8192xi32, #tpu.memory_space<vmem>>
    %dma_wait3A_251 = tpu.memref_slice %arg2[%add3A_222] : memref<2097152xi32, #tpu.memory_space<hbm>> -> memref<8192xi32, #tpu.memory_space<hbm>>
    %dma_wait3A_252 = arith.constant 0 : i32
    %dma_wait3A_253 = tpu.memref_slice %arg5[%dma_wait3A_247, %dma_wait3A_252] : memref<2x8192xi32, #tpu.memory_space<vmem>> -> memref<1x8192xi32, #tpu.memory_space<vmem>>
    %dma_wait3A_254 = tpu.memref_squeeze %dma_wait3A_253 : memref<1x8192xi32, #tpu.memory_space<vmem>> -> memref<8192xi32, #tpu.memory_space<vmem>>
    %dma_wait3A_255 = tpu.memref_slice %arg2[%add3A_222] : memref<2097152xi32, #tpu.memory_space<hbm>> -> memref<8192xi32, #tpu.memory_space<hbm>>
    tpu.wait_dma2 semaphore(%arg11 : memref<!tpu.dma_semaphore, #tpu.memory_space<semaphore_mem>>) src(%dma_wait3A_255 : memref<8192xi32, #tpu.memory_space<hbm>>) dst(%dma_wait3A_254 : memref<8192xi32, #tpu.memory_space<vmem>>)
    %dma_wait3A_256 = arith.constant 1 : i32
    %dma_wait3A_257 = arith.constant 0 : i32
    %dma_wait3A_258 = tpu.memref_slice %arg6[%dma_wait3A_256, %dma_wait3A_257] : memref<2x8192xi32, #tpu.memory_space<vmem>> -> memref<1x8192xi32, #tpu.memory_space<vmem>>
    %dma_wait3A_259 = tpu.memref_squeeze %dma_wait3A_258 : memref<1x8192xi32, #tpu.memory_space<vmem>> -> memref<8192xi32, #tpu.memory_space<vmem>>
    %dma_wait3A_260 = tpu.memref_slice %arg3[%add3A_222] : memref<2097152xi32, #tpu.memory_space<hbm>> -> memref<8192xi32, #tpu.memory_space<hbm>>
    %dma_wait3A_261 = arith.constant 0 : i32
    %dma_wait3A_262 = tpu.memref_slice %arg6[%dma_wait3A_256, %dma_wait3A_261] : memref<2x8192xi32, #tpu.memory_space<vmem>> -> memref<1x8192xi32, #tpu.memory_space<vmem>>
    %dma_wait3A_263 = tpu.memref_squeeze %dma_wait3A_262 : memref<1x8192xi32, #tpu.memory_space<vmem>> -> memref<8192xi32, #tpu.memory_space<vmem>>
    %dma_wait3A_264 = tpu.memref_slice %arg3[%add3A_222] : memref<2097152xi32, #tpu.memory_space<hbm>> -> memref<8192xi32, #tpu.memory_space<hbm>>
    tpu.wait_dma2 semaphore(%arg11 : memref<!tpu.dma_semaphore, #tpu.memory_space<semaphore_mem>>) src(%dma_wait3A_264 : memref<8192xi32, #tpu.memory_space<hbm>>) dst(%dma_wait3A_263 : memref<8192xi32, #tpu.memory_space<vmem>>)
    %add3A_265 = arith.constant 49152 : i32
    %add3A_266 = arith.addi %mul3A_2, %add3A_265 : i32
    %dma_start3A_267 = arith.constant 0 : i32
    %dma_start3A_268 = arith.constant 0 : i32
    %dma_start3A_269 = tpu.memref_slice %arg5[%dma_start3A_267, %dma_start3A_268] : memref<2x8192xi32, #tpu.memory_space<vmem>> -> memref<1x8192xi32, #tpu.memory_space<vmem>>
    %dma_start3A_270 = tpu.memref_squeeze %dma_start3A_269 : memref<1x8192xi32, #tpu.memory_space<vmem>> -> memref<8192xi32, #tpu.memory_space<vmem>>
    %dma_start3A_271 = tpu.memref_slice %arg2[%add3A_266] : memref<2097152xi32, #tpu.memory_space<hbm>> -> memref<8192xi32, #tpu.memory_space<hbm>>
    %dma_start3A_272 = arith.constant 0 : i32
    %dma_start3A_273 = tpu.memref_slice %arg5[%dma_start3A_267, %dma_start3A_272] : memref<2x8192xi32, #tpu.memory_space<vmem>> -> memref<1x8192xi32, #tpu.memory_space<vmem>>
    %dma_start3A_274 = tpu.memref_squeeze %dma_start3A_273 : memref<1x8192xi32, #tpu.memory_space<vmem>> -> memref<8192xi32, #tpu.memory_space<vmem>>
    %dma_start3A_275 = tpu.memref_slice %arg2[%add3A_266] : memref<2097152xi32, #tpu.memory_space<hbm>> -> memref<8192xi32, #tpu.memory_space<hbm>>
    tpu.enqueue_dma source(%dma_start3A_275 : memref<8192xi32, #tpu.memory_space<hbm>>) target(%dma_start3A_274 : memref<8192xi32, #tpu.memory_space<vmem>>) target_semaphore(%arg11 : memref<!tpu.dma_semaphore, #tpu.memory_space<semaphore_mem>>)
    %dma_start3A_276 = arith.constant 0 : i32
    %dma_start3A_277 = arith.constant 0 : i32
    %dma_start3A_278 = tpu.memref_slice %arg6[%dma_start3A_276, %dma_start3A_277] : memref<2x8192xi32, #tpu.memory_space<vmem>> -> memref<1x8192xi32, #tpu.memory_space<vmem>>
    %dma_start3A_279 = tpu.memref_squeeze %dma_start3A_278 : memref<1x8192xi32, #tpu.memory_space<vmem>> -> memref<8192xi32, #tpu.memory_space<vmem>>
    %dma_start3A_280 = tpu.memref_slice %arg3[%add3A_266] : memref<2097152xi32, #tpu.memory_space<hbm>> -> memref<8192xi32, #tpu.memory_space<hbm>>
    %dma_start3A_281 = arith.constant 0 : i32
    %dma_start3A_282 = tpu.memref_slice %arg6[%dma_start3A_276, %dma_start3A_281] : memref<2x8192xi32, #tpu.memory_space<vmem>> -> memref<1x8192xi32, #tpu.memory_space<vmem>>
    %dma_start3A_283 = tpu.memref_squeeze %dma_start3A_282 : memref<1x8192xi32, #tpu.memory_space<vmem>> -> memref<8192xi32, #tpu.memory_space<vmem>>
    %dma_start3A_284 = tpu.memref_slice %arg3[%add3A_266] : memref<2097152xi32, #tpu.memory_space<hbm>> -> memref<8192xi32, #tpu.memory_space<hbm>>
    tpu.enqueue_dma source(%dma_start3A_284 : memref<8192xi32, #tpu.memory_space<hbm>>) target(%dma_start3A_283 : memref<8192xi32, #tpu.memory_space<vmem>>) target_semaphore(%arg11 : memref<!tpu.dma_semaphore, #tpu.memory_space<semaphore_mem>>)
    %scan3A_285 = arith.constant 0 : i32
    %scan3A_286 = arith.constant 0 : i32
    %scan3A_287 = arith.constant 64 : i32
    %scan3A_288 = arith.addi %scan3A_286, %scan3A_287 : i32
    %scan3A_289 = arith.constant 1 : i32
    scf.for %scan3A_430 = %scan3A_286 to %scan3A_288 step %scan3A_289  : i32 {
      %mul3A_431 = arith.constant 128 : i32
      %mul3A_432 = arith.muli %scan3A_430, %mul3A_431 : i32
      %broadcast_in_dim3A_433 = arith.constant 1 : i32
      %broadcast_in_dim3A_434 = vector.broadcast %broadcast_in_dim3A_433 : i32 to vector<16xi32>
      %add3A_435 = arith.constant 0 : i32
      %add3A_436 = arith.addi %mul3A_432, %add3A_435 : i32
      %get3A = arith.constant 1 : i32
      %get3A_437 = arith.index_cast %get3A : i32 to index
      %get3A_438 = arith.index_cast %add3A_436 : i32 to index
      %get3A_439 = tpu.vector_load %arg5[%get3A_437, %get3A_438] {strides = array<i32>} : memref<2x8192xi32, #tpu.memory_space<vmem>>, vector<16xi32>,
      %add3A_440 = arith.constant 16 : i32
      %add3A_441 = arith.addi %mul3A_432, %add3A_440 : i32
      %get3A_442 = arith.constant 1 : i32
      %get3A_443 = arith.index_cast %get3A_442 : i32 to index
      %get3A_444 = arith.index_cast %add3A_441 : i32 to index
      %get3A_445 = tpu.vector_load %arg5[%get3A_443, %get3A_444] {strides = array<i32>} : memref<2x8192xi32, #tpu.memory_space<vmem>>, vector<16xi32>,
      %add3A_446 = arith.constant 32 : i32
      %add3A_447 = arith.addi %mul3A_432, %add3A_446 : i32
      %get3A_448 = arith.constant 1 : i32
      %get3A_449 = arith.index_cast %get3A_448 : i32 to index
      %get3A_450 = arith.index_cast %add3A_447 : i32 to index
      %get3A_451 = tpu.vector_load %arg5[%get3A_449, %get3A_450] {strides = array<i32>} : memref<2x8192xi32, #tpu.memory_space<vmem>>, vector<16xi32>,
      %add3A_452 = arith.constant 48 : i32
      %add3A_453 = arith.addi %mul3A_432, %add3A_452 : i32
      %get3A_454 = arith.constant 1 : i32
      %get3A_455 = arith.index_cast %get3A_454 : i32 to index
      %get3A_456 = arith.index_cast %add3A_453 : i32 to index
      %get3A_457 = tpu.vector_load %arg5[%get3A_455, %get3A_456] {strides = array<i32>} : memref<2x8192xi32, #tpu.memory_space<vmem>>, vector<16xi32>,
      %add3A_458 = arith.constant 64 : i32
      %add3A_459 = arith.addi %mul3A_432, %add3A_458 : i32
      %get3A_460 = arith.constant 1 : i32
      %get3A_461 = arith.index_cast %get3A_460 : i32 to index
      %get3A_462 = arith.index_cast %add3A_459 : i32 to index
      %get3A_463 = tpu.vector_load %arg5[%get3A_461, %get3A_462] {strides = array<i32>} : memref<2x8192xi32, #tpu.memory_space<vmem>>, vector<16xi32>,
      %add3A_464 = arith.constant 80 : i32
      %add3A_465 = arith.addi %mul3A_432, %add3A_464 : i32
      %get3A_466 = arith.constant 1 : i32
      %get3A_467 = arith.index_cast %get3A_466 : i32 to index
      %get3A_468 = arith.index_cast %add3A_465 : i32 to index
      %get3A_469 = tpu.vector_load %arg5[%get3A_467, %get3A_468] {strides = array<i32>} : memref<2x8192xi32, #tpu.memory_space<vmem>>, vector<16xi32>,
      %add3A_470 = arith.constant 96 : i32
      %add3A_471 = arith.addi %mul3A_432, %add3A_470 : i32
      %get3A_472 = arith.constant 1 : i32
      %get3A_473 = arith.index_cast %get3A_472 : i32 to index
      %get3A_474 = arith.index_cast %add3A_471 : i32 to index
      %get3A_475 = tpu.vector_load %arg5[%get3A_473, %get3A_474] {strides = array<i32>} : memref<2x8192xi32, #tpu.memory_space<vmem>>, vector<16xi32>,
      %add3A_476 = arith.constant 112 : i32
      %add3A_477 = arith.addi %mul3A_432, %add3A_476 : i32
      %get3A_478 = arith.constant 1 : i32
      %get3A_479 = arith.index_cast %get3A_478 : i32 to index
      %get3A_480 = arith.index_cast %add3A_477 : i32 to index
      %get3A_481 = tpu.vector_load %arg5[%get3A_479, %get3A_480] {strides = array<i32>} : memref<2x8192xi32, #tpu.memory_space<vmem>>, vector<16xi32>,
      %add3A_482 = arith.constant 0 : i32
      %add3A_483 = arith.addi %mul3A_432, %add3A_482 : i32
      %get3A_484 = arith.constant 1 : i32
      %get3A_485 = arith.index_cast %get3A_484 : i32 to index
      %get3A_486 = arith.index_cast %add3A_483 : i32 to index
      %get3A_487 = tpu.vector_load %arg6[%get3A_485, %get3A_486] {strides = array<i32>} : memref<2x8192xi32, #tpu.memory_space<vmem>>, vector<16xi32>,
      %add3A_488 = arith.constant 16 : i32
      %add3A_489 = arith.addi %mul3A_432, %add3A_488 : i32
      %get3A_490 = arith.constant 1 : i32
      %get3A_491 = arith.index_cast %get3A_490 : i32 to index
      %get3A_492 = arith.index_cast %add3A_489 : i32 to index
      %get3A_493 = tpu.vector_load %arg6[%get3A_491, %get3A_492] {strides = array<i32>} : memref<2x8192xi32, #tpu.memory_space<vmem>>, vector<16xi32>,
      %add3A_494 = arith.constant 32 : i32
      %add3A_495 = arith.addi %mul3A_432, %add3A_494 : i32
      %get3A_496 = arith.constant 1 : i32
      %get3A_497 = arith.index_cast %get3A_496 : i32 to index
      %get3A_498 = arith.index_cast %add3A_495 : i32 to index
      %get3A_499 = tpu.vector_load %arg6[%get3A_497, %get3A_498] {strides = array<i32>} : memref<2x8192xi32, #tpu.memory_space<vmem>>, vector<16xi32>,
      %add3A_500 = arith.constant 48 : i32
      %add3A_501 = arith.addi %mul3A_432, %add3A_500 : i32
      %get3A_502 = arith.constant 1 : i32
      %get3A_503 = arith.index_cast %get3A_502 : i32 to index
      %get3A_504 = arith.index_cast %add3A_501 : i32 to index
      %get3A_505 = tpu.vector_load %arg6[%get3A_503, %get3A_504] {strides = array<i32>} : memref<2x8192xi32, #tpu.memory_space<vmem>>, vector<16xi32>,
      %add3A_506 = arith.constant 64 : i32
      %add3A_507 = arith.addi %mul3A_432, %add3A_506 : i32
      %get3A_508 = arith.constant 1 : i32
      %get3A_509 = arith.index_cast %get3A_508 : i32 to index
      %get3A_510 = arith.index_cast %add3A_507 : i32 to index
      %get3A_511 = tpu.vector_load %arg6[%get3A_509, %get3A_510] {strides = array<i32>} : memref<2x8192xi32, #tpu.memory_space<vmem>>, vector<16xi32>,
      %add3A_512 = arith.constant 80 : i32
      %add3A_513 = arith.addi %mul3A_432, %add3A_512 : i32
      %get3A_514 = arith.constant 1 : i32
      %get3A_515 = arith.index_cast %get3A_514 : i32 to index
      %get3A_516 = arith.index_cast %add3A_513 : i32 to index
      %get3A_517 = tpu.vector_load %arg6[%get3A_515, %get3A_516] {strides = array<i32>} : memref<2x8192xi32, #tpu.memory_space<vmem>>, vector<16xi32>,
      %add3A_518 = arith.constant 96 : i32
      %add3A_519 = arith.addi %mul3A_432, %add3A_518 : i32
      %get3A_520 = arith.constant 1 : i32
      %get3A_521 = arith.index_cast %get3A_520 : i32 to index
      %get3A_522 = arith.index_cast %add3A_519 : i32 to index
      %get3A_523 = tpu.vector_load %arg6[%get3A_521, %get3A_522] {strides = array<i32>} : memref<2x8192xi32, #tpu.memory_space<vmem>>, vector<16xi32>,
      %add3A_524 = arith.constant 112 : i32
      %add3A_525 = arith.addi %mul3A_432, %add3A_524 : i32
      %get3A_526 = arith.constant 1 : i32
      %get3A_527 = arith.index_cast %get3A_526 : i32 to index
      %get3A_528 = arith.index_cast %add3A_525 : i32 to index
      %get3A_529 = tpu.vector_load %arg6[%get3A_527, %get3A_528] {strides = array<i32>} : memref<2x8192xi32, #tpu.memory_space<vmem>>, vector<16xi32>,
      %mul3A_530 = arith.constant 150 : i32
      %mul3A_531 = vector.broadcast %mul3A_530 : i32 to vector<16xi32>
      %mul3A_532 = arith.muli %get3A_487, %mul3A_531 : vector<16xi32>
      %add3A_533 = arith.addi %mul3A_532, %get3A_439 : vector<16xi32>
      %mul3A_534 = arith.constant 150 : i32
      %mul3A_535 = vector.broadcast %mul3A_534 : i32 to vector<16xi32>
      %mul3A_536 = arith.muli %get3A_493, %mul3A_535 : vector<16xi32>
      %add3A_537 = arith.addi %mul3A_536, %get3A_445 : vector<16xi32>
      %mul3A_538 = arith.constant 150 : i32
      %mul3A_539 = vector.broadcast %mul3A_538 : i32 to vector<16xi32>
      %mul3A_540 = arith.muli %get3A_499, %mul3A_539 : vector<16xi32>
      %add3A_541 = arith.addi %mul3A_540, %get3A_451 : vector<16xi32>
      %mul3A_542 = arith.constant 150 : i32
      %mul3A_543 = vector.broadcast %mul3A_542 : i32 to vector<16xi32>
      %mul3A_544 = arith.muli %get3A_505, %mul3A_543 : vector<16xi32>
      %add3A_545 = arith.addi %mul3A_544, %get3A_457 : vector<16xi32>
      %mul3A_546 = arith.constant 150 : i32
      %mul3A_547 = vector.broadcast %mul3A_546 : i32 to vector<16xi32>
      %mul3A_548 = arith.muli %get3A_511, %mul3A_547 : vector<16xi32>
      %add3A_549 = arith.addi %mul3A_548, %get3A_463 : vector<16xi32>
      %mul3A_550 = arith.constant 150 : i32
      %mul3A_551 = vector.broadcast %mul3A_550 : i32 to vector<16xi32>
      %mul3A_552 = arith.muli %get3A_517, %mul3A_551 : vector<16xi32>
      %add3A_553 = arith.addi %mul3A_552, %get3A_469 : vector<16xi32>
      %mul3A_554 = arith.constant 150 : i32
      %mul3A_555 = vector.broadcast %mul3A_554 : i32 to vector<16xi32>
      %mul3A_556 = arith.muli %get3A_523, %mul3A_555 : vector<16xi32>
      %add3A_557 = arith.addi %mul3A_556, %get3A_475 : vector<16xi32>
      %mul3A_558 = arith.constant 150 : i32
      %mul3A_559 = vector.broadcast %mul3A_558 : i32 to vector<16xi32>
      %mul3A_560 = arith.muli %get3A_529, %mul3A_559 : vector<16xi32>
      %add3A_561 = arith.addi %mul3A_560, %get3A_481 : vector<16xi32>
      tpu.vector_store_idx %arg7[%add3A_533], %broadcast_in_dim3A_434 {add = true} : memref<22528xi32, #tpu.memory_space<vmem>>[vector<16xi32>], vector<16xi32>,
      tpu.vector_store_idx %arg7[%add3A_537], %broadcast_in_dim3A_434 {add = true} : memref<22528xi32, #tpu.memory_space<vmem>>[vector<16xi32>], vector<16xi32>,
      tpu.vector_store_idx %arg7[%add3A_541], %broadcast_in_dim3A_434 {add = true} : memref<22528xi32, #tpu.memory_space<vmem>>[vector<16xi32>], vector<16xi32>,
      tpu.vector_store_idx %arg7[%add3A_545], %broadcast_in_dim3A_434 {add = true} : memref<22528xi32, #tpu.memory_space<vmem>>[vector<16xi32>], vector<16xi32>,
      tpu.vector_store_idx %arg7[%add3A_549], %broadcast_in_dim3A_434 {add = true} : memref<22528xi32, #tpu.memory_space<vmem>>[vector<16xi32>], vector<16xi32>,
      tpu.vector_store_idx %arg7[%add3A_553], %broadcast_in_dim3A_434 {add = true} : memref<22528xi32, #tpu.memory_space<vmem>>[vector<16xi32>], vector<16xi32>,
      tpu.vector_store_idx %arg7[%add3A_557], %broadcast_in_dim3A_434 {add = true} : memref<22528xi32, #tpu.memory_space<vmem>>[vector<16xi32>], vector<16xi32>,
      tpu.vector_store_idx %arg7[%add3A_561], %broadcast_in_dim3A_434 {add = true} : memref<22528xi32, #tpu.memory_space<vmem>>[vector<16xi32>], vector<16xi32>,
    }
    %scan3A_290 = arith.constant 64 : i32
    %dma_wait3A_291 = arith.constant 0 : i32
    %dma_wait3A_292 = arith.constant 0 : i32
    %dma_wait3A_293 = tpu.memref_slice %arg5[%dma_wait3A_291, %dma_wait3A_292] : memref<2x8192xi32, #tpu.memory_space<vmem>> -> memref<1x8192xi32, #tpu.memory_space<vmem>>
    %dma_wait3A_294 = tpu.memref_squeeze %dma_wait3A_293 : memref<1x8192xi32, #tpu.memory_space<vmem>> -> memref<8192xi32, #tpu.memory_space<vmem>>
    %dma_wait3A_295 = tpu.memref_slice %arg2[%add3A_266] : memref<2097152xi32, #tpu.memory_space<hbm>> -> memref<8192xi32, #tpu.memory_space<hbm>>
    %dma_wait3A_296 = arith.constant 0 : i32
    %dma_wait3A_297 = tpu.memref_slice %arg5[%dma_wait3A_291, %dma_wait3A_296] : memref<2x8192xi32, #tpu.memory_space<vmem>> -> memref<1x8192xi32, #tpu.memory_space<vmem>>
    %dma_wait3A_298 = tpu.memref_squeeze %dma_wait3A_297 : memref<1x8192xi32, #tpu.memory_space<vmem>> -> memref<8192xi32, #tpu.memory_space<vmem>>
    %dma_wait3A_299 = tpu.memref_slice %arg2[%add3A_266] : memref<2097152xi32, #tpu.memory_space<hbm>> -> memref<8192xi32, #tpu.memory_space<hbm>>
    tpu.wait_dma2 semaphore(%arg11 : memref<!tpu.dma_semaphore, #tpu.memory_space<semaphore_mem>>) src(%dma_wait3A_299 : memref<8192xi32, #tpu.memory_space<hbm>>) dst(%dma_wait3A_298 : memref<8192xi32, #tpu.memory_space<vmem>>)
    %dma_wait3A_300 = arith.constant 0 : i32
    %dma_wait3A_301 = arith.constant 0 : i32
    %dma_wait3A_302 = tpu.memref_slice %arg6[%dma_wait3A_300, %dma_wait3A_301] : memref<2x8192xi32, #tpu.memory_space<vmem>> -> memref<1x8192xi32, #tpu.memory_space<vmem>>
    %dma_wait3A_303 = tpu.memref_squeeze %dma_wait3A_302 : memref<1x8192xi32, #tpu.memory_space<vmem>> -> memref<8192xi32, #tpu.memory_space<vmem>>
    %dma_wait3A_304 = tpu.memref_slice %arg3[%add3A_266] : memref<2097152xi32, #tpu.memory_space<hbm>> -> memref<8192xi32, #tpu.memory_space<hbm>>
    %dma_wait3A_305 = arith.constant 0 : i32
    %dma_wait3A_306 = tpu.memref_slice %arg6[%dma_wait3A_300, %dma_wait3A_305] : memref<2x8192xi32, #tpu.memory_space<vmem>> -> memref<1x8192xi32, #tpu.memory_space<vmem>>
    %dma_wait3A_307 = tpu.memref_squeeze %dma_wait3A_306 : memref<1x8192xi32, #tpu.memory_space<vmem>> -> memref<8192xi32, #tpu.memory_space<vmem>>
    %dma_wait3A_308 = tpu.memref_slice %arg3[%add3A_266] : memref<2097152xi32, #tpu.memory_space<hbm>> -> memref<8192xi32, #tpu.memory_space<hbm>>
    tpu.wait_dma2 semaphore(%arg11 : memref<!tpu.dma_semaphore, #tpu.memory_space<semaphore_mem>>) src(%dma_wait3A_308 : memref<8192xi32, #tpu.memory_space<hbm>>) dst(%dma_wait3A_307 : memref<8192xi32, #tpu.memory_space<vmem>>)
    %add3A_309 = arith.constant 57344 : i32
    %add3A_310 = arith.addi %mul3A_2, %add3A_309 : i32
    %dma_start3A_311 = arith.constant 1 : i32
    %dma_start3A_312 = arith.constant 0 : i32
    %dma_start3A_313 = tpu.memref_slice %arg5[%dma_start3A_311, %dma_start3A_312] : memref<2x8192xi32, #tpu.memory_space<vmem>> -> memref<1x8192xi32, #tpu.memory_space<vmem>>
    %dma_start3A_314 = tpu.memref_squeeze %dma_start3A_313 : memref<1x8192xi32, #tpu.memory_space<vmem>> -> memref<8192xi32, #tpu.memory_space<vmem>>
    %dma_start3A_315 = tpu.memref_slice %arg2[%add3A_310] : memref<2097152xi32, #tpu.memory_space<hbm>> -> memref<8192xi32, #tpu.memory_space<hbm>>
    %dma_start3A_316 = arith.constant 0 : i32
    %dma_start3A_317 = tpu.memref_slice %arg5[%dma_start3A_311, %dma_start3A_316] : memref<2x8192xi32, #tpu.memory_space<vmem>> -> memref<1x8192xi32, #tpu.memory_space<vmem>>
    %dma_start3A_318 = tpu.memref_squeeze %dma_start3A_317 : memref<1x8192xi32, #tpu.memory_space<vmem>> -> memref<8192xi32, #tpu.memory_space<vmem>>
    %dma_start3A_319 = tpu.memref_slice %arg2[%add3A_310] : memref<2097152xi32, #tpu.memory_space<hbm>> -> memref<8192xi32, #tpu.memory_space<hbm>>
    tpu.enqueue_dma source(%dma_start3A_319 : memref<8192xi32, #tpu.memory_space<hbm>>) target(%dma_start3A_318 : memref<8192xi32, #tpu.memory_space<vmem>>) target_semaphore(%arg11 : memref<!tpu.dma_semaphore, #tpu.memory_space<semaphore_mem>>)
    %dma_start3A_320 = arith.constant 1 : i32
    %dma_start3A_321 = arith.constant 0 : i32
    %dma_start3A_322 = tpu.memref_slice %arg6[%dma_start3A_320, %dma_start3A_321] : memref<2x8192xi32, #tpu.memory_space<vmem>> -> memref<1x8192xi32, #tpu.memory_space<vmem>>
    %dma_start3A_323 = tpu.memref_squeeze %dma_start3A_322 : memref<1x8192xi32, #tpu.memory_space<vmem>> -> memref<8192xi32, #tpu.memory_space<vmem>>
    %dma_start3A_324 = tpu.memref_slice %arg3[%add3A_310] : memref<2097152xi32, #tpu.memory_space<hbm>> -> memref<8192xi32, #tpu.memory_space<hbm>>
    %dma_start3A_325 = arith.constant 0 : i32
    %dma_start3A_326 = tpu.memref_slice %arg6[%dma_start3A_320, %dma_start3A_325] : memref<2x8192xi32, #tpu.memory_space<vmem>> -> memref<1x8192xi32, #tpu.memory_space<vmem>>
    %dma_start3A_327 = tpu.memref_squeeze %dma_start3A_326 : memref<1x8192xi32, #tpu.memory_space<vmem>> -> memref<8192xi32, #tpu.memory_space<vmem>>
    %dma_start3A_328 = tpu.memref_slice %arg3[%add3A_310] : memref<2097152xi32, #tpu.memory_space<hbm>> -> memref<8192xi32, #tpu.memory_space<hbm>>
    tpu.enqueue_dma source(%dma_start3A_328 : memref<8192xi32, #tpu.memory_space<hbm>>) target(%dma_start3A_327 : memref<8192xi32, #tpu.memory_space<vmem>>) target_semaphore(%arg11 : memref<!tpu.dma_semaphore, #tpu.memory_space<semaphore_mem>>)
    %scan3A_329 = arith.constant 0 : i32
    %scan3A_330 = arith.constant 0 : i32
    %scan3A_331 = arith.constant 64 : i32
    %scan3A_332 = arith.addi %scan3A_330, %scan3A_331 : i32
    %scan3A_333 = arith.constant 1 : i32
    scf.for %scan3A_430 = %scan3A_330 to %scan3A_332 step %scan3A_333  : i32 {
      %mul3A_431 = arith.constant 128 : i32
      %mul3A_432 = arith.muli %scan3A_430, %mul3A_431 : i32
      %broadcast_in_dim3A_433 = arith.constant 1 : i32
      %broadcast_in_dim3A_434 = vector.broadcast %broadcast_in_dim3A_433 : i32 to vector<16xi32>
      %add3A_435 = arith.constant 0 : i32
      %add3A_436 = arith.addi %mul3A_432, %add3A_435 : i32
      %get3A = arith.constant 0 : i32
      %get3A_437 = arith.index_cast %get3A : i32 to index
      %get3A_438 = arith.index_cast %add3A_436 : i32 to index
      %get3A_439 = tpu.vector_load %arg5[%get3A_437, %get3A_438] {strides = array<i32>} : memref<2x8192xi32, #tpu.memory_space<vmem>>, vector<16xi32>,
      %add3A_440 = arith.constant 16 : i32
      %add3A_441 = arith.addi %mul3A_432, %add3A_440 : i32
      %get3A_442 = arith.constant 0 : i32
      %get3A_443 = arith.index_cast %get3A_442 : i32 to index
      %get3A_444 = arith.index_cast %add3A_441 : i32 to index
      %get3A_445 = tpu.vector_load %arg5[%get3A_443, %get3A_444] {strides = array<i32>} : memref<2x8192xi32, #tpu.memory_space<vmem>>, vector<16xi32>,
      %add3A_446 = arith.constant 32 : i32
      %add3A_447 = arith.addi %mul3A_432, %add3A_446 : i32
      %get3A_448 = arith.constant 0 : i32
      %get3A_449 = arith.index_cast %get3A_448 : i32 to index
      %get3A_450 = arith.index_cast %add3A_447 : i32 to index
      %get3A_451 = tpu.vector_load %arg5[%get3A_449, %get3A_450] {strides = array<i32>} : memref<2x8192xi32, #tpu.memory_space<vmem>>, vector<16xi32>,
      %add3A_452 = arith.constant 48 : i32
      %add3A_453 = arith.addi %mul3A_432, %add3A_452 : i32
      %get3A_454 = arith.constant 0 : i32
      %get3A_455 = arith.index_cast %get3A_454 : i32 to index
      %get3A_456 = arith.index_cast %add3A_453 : i32 to index
      %get3A_457 = tpu.vector_load %arg5[%get3A_455, %get3A_456] {strides = array<i32>} : memref<2x8192xi32, #tpu.memory_space<vmem>>, vector<16xi32>,
      %add3A_458 = arith.constant 64 : i32
      %add3A_459 = arith.addi %mul3A_432, %add3A_458 : i32
      %get3A_460 = arith.constant 0 : i32
      %get3A_461 = arith.index_cast %get3A_460 : i32 to index
      %get3A_462 = arith.index_cast %add3A_459 : i32 to index
      %get3A_463 = tpu.vector_load %arg5[%get3A_461, %get3A_462] {strides = array<i32>} : memref<2x8192xi32, #tpu.memory_space<vmem>>, vector<16xi32>,
      %add3A_464 = arith.constant 80 : i32
      %add3A_465 = arith.addi %mul3A_432, %add3A_464 : i32
      %get3A_466 = arith.constant 0 : i32
      %get3A_467 = arith.index_cast %get3A_466 : i32 to index
      %get3A_468 = arith.index_cast %add3A_465 : i32 to index
      %get3A_469 = tpu.vector_load %arg5[%get3A_467, %get3A_468] {strides = array<i32>} : memref<2x8192xi32, #tpu.memory_space<vmem>>, vector<16xi32>,
      %add3A_470 = arith.constant 96 : i32
      %add3A_471 = arith.addi %mul3A_432, %add3A_470 : i32
      %get3A_472 = arith.constant 0 : i32
      %get3A_473 = arith.index_cast %get3A_472 : i32 to index
      %get3A_474 = arith.index_cast %add3A_471 : i32 to index
      %get3A_475 = tpu.vector_load %arg5[%get3A_473, %get3A_474] {strides = array<i32>} : memref<2x8192xi32, #tpu.memory_space<vmem>>, vector<16xi32>,
      %add3A_476 = arith.constant 112 : i32
      %add3A_477 = arith.addi %mul3A_432, %add3A_476 : i32
      %get3A_478 = arith.constant 0 : i32
      %get3A_479 = arith.index_cast %get3A_478 : i32 to index
      %get3A_480 = arith.index_cast %add3A_477 : i32 to index
      %get3A_481 = tpu.vector_load %arg5[%get3A_479, %get3A_480] {strides = array<i32>} : memref<2x8192xi32, #tpu.memory_space<vmem>>, vector<16xi32>,
      %add3A_482 = arith.constant 0 : i32
      %add3A_483 = arith.addi %mul3A_432, %add3A_482 : i32
      %get3A_484 = arith.constant 0 : i32
      %get3A_485 = arith.index_cast %get3A_484 : i32 to index
      %get3A_486 = arith.index_cast %add3A_483 : i32 to index
      %get3A_487 = tpu.vector_load %arg6[%get3A_485, %get3A_486] {strides = array<i32>} : memref<2x8192xi32, #tpu.memory_space<vmem>>, vector<16xi32>,
      %add3A_488 = arith.constant 16 : i32
      %add3A_489 = arith.addi %mul3A_432, %add3A_488 : i32
      %get3A_490 = arith.constant 0 : i32
      %get3A_491 = arith.index_cast %get3A_490 : i32 to index
      %get3A_492 = arith.index_cast %add3A_489 : i32 to index
      %get3A_493 = tpu.vector_load %arg6[%get3A_491, %get3A_492] {strides = array<i32>} : memref<2x8192xi32, #tpu.memory_space<vmem>>, vector<16xi32>,
      %add3A_494 = arith.constant 32 : i32
      %add3A_495 = arith.addi %mul3A_432, %add3A_494 : i32
      %get3A_496 = arith.constant 0 : i32
      %get3A_497 = arith.index_cast %get3A_496 : i32 to index
      %get3A_498 = arith.index_cast %add3A_495 : i32 to index
      %get3A_499 = tpu.vector_load %arg6[%get3A_497, %get3A_498] {strides = array<i32>} : memref<2x8192xi32, #tpu.memory_space<vmem>>, vector<16xi32>,
      %add3A_500 = arith.constant 48 : i32
      %add3A_501 = arith.addi %mul3A_432, %add3A_500 : i32
      %get3A_502 = arith.constant 0 : i32
      %get3A_503 = arith.index_cast %get3A_502 : i32 to index
      %get3A_504 = arith.index_cast %add3A_501 : i32 to index
      %get3A_505 = tpu.vector_load %arg6[%get3A_503, %get3A_504] {strides = array<i32>} : memref<2x8192xi32, #tpu.memory_space<vmem>>, vector<16xi32>,
      %add3A_506 = arith.constant 64 : i32
      %add3A_507 = arith.addi %mul3A_432, %add3A_506 : i32
      %get3A_508 = arith.constant 0 : i32
      %get3A_509 = arith.index_cast %get3A_508 : i32 to index
      %get3A_510 = arith.index_cast %add3A_507 : i32 to index
      %get3A_511 = tpu.vector_load %arg6[%get3A_509, %get3A_510] {strides = array<i32>} : memref<2x8192xi32, #tpu.memory_space<vmem>>, vector<16xi32>,
      %add3A_512 = arith.constant 80 : i32
      %add3A_513 = arith.addi %mul3A_432, %add3A_512 : i32
      %get3A_514 = arith.constant 0 : i32
      %get3A_515 = arith.index_cast %get3A_514 : i32 to index
      %get3A_516 = arith.index_cast %add3A_513 : i32 to index
      %get3A_517 = tpu.vector_load %arg6[%get3A_515, %get3A_516] {strides = array<i32>} : memref<2x8192xi32, #tpu.memory_space<vmem>>, vector<16xi32>,
      %add3A_518 = arith.constant 96 : i32
      %add3A_519 = arith.addi %mul3A_432, %add3A_518 : i32
      %get3A_520 = arith.constant 0 : i32
      %get3A_521 = arith.index_cast %get3A_520 : i32 to index
      %get3A_522 = arith.index_cast %add3A_519 : i32 to index
      %get3A_523 = tpu.vector_load %arg6[%get3A_521, %get3A_522] {strides = array<i32>} : memref<2x8192xi32, #tpu.memory_space<vmem>>, vector<16xi32>,
      %add3A_524 = arith.constant 112 : i32
      %add3A_525 = arith.addi %mul3A_432, %add3A_524 : i32
      %get3A_526 = arith.constant 0 : i32
      %get3A_527 = arith.index_cast %get3A_526 : i32 to index
      %get3A_528 = arith.index_cast %add3A_525 : i32 to index
      %get3A_529 = tpu.vector_load %arg6[%get3A_527, %get3A_528] {strides = array<i32>} : memref<2x8192xi32, #tpu.memory_space<vmem>>, vector<16xi32>,
      %mul3A_530 = arith.constant 150 : i32
      %mul3A_531 = vector.broadcast %mul3A_530 : i32 to vector<16xi32>
      %mul3A_532 = arith.muli %get3A_487, %mul3A_531 : vector<16xi32>
      %add3A_533 = arith.addi %mul3A_532, %get3A_439 : vector<16xi32>
      %mul3A_534 = arith.constant 150 : i32
      %mul3A_535 = vector.broadcast %mul3A_534 : i32 to vector<16xi32>
      %mul3A_536 = arith.muli %get3A_493, %mul3A_535 : vector<16xi32>
      %add3A_537 = arith.addi %mul3A_536, %get3A_445 : vector<16xi32>
      %mul3A_538 = arith.constant 150 : i32
      %mul3A_539 = vector.broadcast %mul3A_538 : i32 to vector<16xi32>
      %mul3A_540 = arith.muli %get3A_499, %mul3A_539 : vector<16xi32>
      %add3A_541 = arith.addi %mul3A_540, %get3A_451 : vector<16xi32>
      %mul3A_542 = arith.constant 150 : i32
      %mul3A_543 = vector.broadcast %mul3A_542 : i32 to vector<16xi32>
      %mul3A_544 = arith.muli %get3A_505, %mul3A_543 : vector<16xi32>
      %add3A_545 = arith.addi %mul3A_544, %get3A_457 : vector<16xi32>
      %mul3A_546 = arith.constant 150 : i32
      %mul3A_547 = vector.broadcast %mul3A_546 : i32 to vector<16xi32>
      %mul3A_548 = arith.muli %get3A_511, %mul3A_547 : vector<16xi32>
      %add3A_549 = arith.addi %mul3A_548, %get3A_463 : vector<16xi32>
      %mul3A_550 = arith.constant 150 : i32
      %mul3A_551 = vector.broadcast %mul3A_550 : i32 to vector<16xi32>
      %mul3A_552 = arith.muli %get3A_517, %mul3A_551 : vector<16xi32>
      %add3A_553 = arith.addi %mul3A_552, %get3A_469 : vector<16xi32>
      %mul3A_554 = arith.constant 150 : i32
      %mul3A_555 = vector.broadcast %mul3A_554 : i32 to vector<16xi32>
      %mul3A_556 = arith.muli %get3A_523, %mul3A_555 : vector<16xi32>
      %add3A_557 = arith.addi %mul3A_556, %get3A_475 : vector<16xi32>
      %mul3A_558 = arith.constant 150 : i32
      %mul3A_559 = vector.broadcast %mul3A_558 : i32 to vector<16xi32>
      %mul3A_560 = arith.muli %get3A_529, %mul3A_559 : vector<16xi32>
      %add3A_561 = arith.addi %mul3A_560, %get3A_481 : vector<16xi32>
      tpu.vector_store_idx %arg7[%add3A_533], %broadcast_in_dim3A_434 {add = true} : memref<22528xi32, #tpu.memory_space<vmem>>[vector<16xi32>], vector<16xi32>,
      tpu.vector_store_idx %arg7[%add3A_537], %broadcast_in_dim3A_434 {add = true} : memref<22528xi32, #tpu.memory_space<vmem>>[vector<16xi32>], vector<16xi32>,
      tpu.vector_store_idx %arg7[%add3A_541], %broadcast_in_dim3A_434 {add = true} : memref<22528xi32, #tpu.memory_space<vmem>>[vector<16xi32>], vector<16xi32>,
      tpu.vector_store_idx %arg7[%add3A_545], %broadcast_in_dim3A_434 {add = true} : memref<22528xi32, #tpu.memory_space<vmem>>[vector<16xi32>], vector<16xi32>,
      tpu.vector_store_idx %arg7[%add3A_549], %broadcast_in_dim3A_434 {add = true} : memref<22528xi32, #tpu.memory_space<vmem>>[vector<16xi32>], vector<16xi32>,
      tpu.vector_store_idx %arg7[%add3A_553], %broadcast_in_dim3A_434 {add = true} : memref<22528xi32, #tpu.memory_space<vmem>>[vector<16xi32>], vector<16xi32>,
      tpu.vector_store_idx %arg7[%add3A_557], %broadcast_in_dim3A_434 {add = true} : memref<22528xi32, #tpu.memory_space<vmem>>[vector<16xi32>], vector<16xi32>,
      tpu.vector_store_idx %arg7[%add3A_561], %broadcast_in_dim3A_434 {add = true} : memref<22528xi32, #tpu.memory_space<vmem>>[vector<16xi32>], vector<16xi32>,
    }
    %scan3A_334 = arith.constant 64 : i32
    %dma_wait3A_335 = arith.constant 1 : i32
    %dma_wait3A_336 = arith.constant 0 : i32
    %dma_wait3A_337 = tpu.memref_slice %arg5[%dma_wait3A_335, %dma_wait3A_336] : memref<2x8192xi32, #tpu.memory_space<vmem>> -> memref<1x8192xi32, #tpu.memory_space<vmem>>
    %dma_wait3A_338 = tpu.memref_squeeze %dma_wait3A_337 : memref<1x8192xi32, #tpu.memory_space<vmem>> -> memref<8192xi32, #tpu.memory_space<vmem>>
    %dma_wait3A_339 = tpu.memref_slice %arg2[%add3A_310] : memref<2097152xi32, #tpu.memory_space<hbm>> -> memref<8192xi32, #tpu.memory_space<hbm>>
    %dma_wait3A_340 = arith.constant 0 : i32
    %dma_wait3A_341 = tpu.memref_slice %arg5[%dma_wait3A_335, %dma_wait3A_340] : memref<2x8192xi32, #tpu.memory_space<vmem>> -> memref<1x8192xi32, #tpu.memory_space<vmem>>
    %dma_wait3A_342 = tpu.memref_squeeze %dma_wait3A_341 : memref<1x8192xi32, #tpu.memory_space<vmem>> -> memref<8192xi32, #tpu.memory_space<vmem>>
    %dma_wait3A_343 = tpu.memref_slice %arg2[%add3A_310] : memref<2097152xi32, #tpu.memory_space<hbm>> -> memref<8192xi32, #tpu.memory_space<hbm>>
    tpu.wait_dma2 semaphore(%arg11 : memref<!tpu.dma_semaphore, #tpu.memory_space<semaphore_mem>>) src(%dma_wait3A_343 : memref<8192xi32, #tpu.memory_space<hbm>>) dst(%dma_wait3A_342 : memref<8192xi32, #tpu.memory_space<vmem>>)
    %dma_wait3A_344 = arith.constant 1 : i32
    %dma_wait3A_345 = arith.constant 0 : i32
    %dma_wait3A_346 = tpu.memref_slice %arg6[%dma_wait3A_344, %dma_wait3A_345] : memref<2x8192xi32, #tpu.memory_space<vmem>> -> memref<1x8192xi32, #tpu.memory_space<vmem>>
    %dma_wait3A_347 = tpu.memref_squeeze %dma_wait3A_346 : memref<1x8192xi32, #tpu.memory_space<vmem>> -> memref<8192xi32, #tpu.memory_space<vmem>>
    %dma_wait3A_348 = tpu.memref_slice %arg3[%add3A_310] : memref<2097152xi32, #tpu.memory_space<hbm>> -> memref<8192xi32, #tpu.memory_space<hbm>>
    %dma_wait3A_349 = arith.constant 0 : i32
    %dma_wait3A_350 = tpu.memref_slice %arg6[%dma_wait3A_344, %dma_wait3A_349] : memref<2x8192xi32, #tpu.memory_space<vmem>> -> memref<1x8192xi32, #tpu.memory_space<vmem>>
    %dma_wait3A_351 = tpu.memref_squeeze %dma_wait3A_350 : memref<1x8192xi32, #tpu.memory_space<vmem>> -> memref<8192xi32, #tpu.memory_space<vmem>>
    %dma_wait3A_352 = tpu.memref_slice %arg3[%add3A_310] : memref<2097152xi32, #tpu.memory_space<hbm>> -> memref<8192xi32, #tpu.memory_space<hbm>>
    tpu.wait_dma2 semaphore(%arg11 : memref<!tpu.dma_semaphore, #tpu.memory_space<semaphore_mem>>) src(%dma_wait3A_352 : memref<8192xi32, #tpu.memory_space<hbm>>) dst(%dma_wait3A_351 : memref<8192xi32, #tpu.memory_space<vmem>>)
    %scan3A_353 = arith.constant 0 : i32
    %scan3A_354 = arith.constant 0 : i32
    %scan3A_355 = arith.constant 64 : i32
    %scan3A_356 = arith.addi %scan3A_354, %scan3A_355 : i32
    %scan3A_357 = arith.constant 1 : i32
    scf.for %scan3A_430 = %scan3A_354 to %scan3A_356 step %scan3A_357  : i32 {
      %mul3A_431 = arith.constant 128 : i32
      %mul3A_432 = arith.muli %scan3A_430, %mul3A_431 : i32
      %broadcast_in_dim3A_433 = arith.constant 1 : i32
      %broadcast_in_dim3A_434 = vector.broadcast %broadcast_in_dim3A_433 : i32 to vector<16xi32>
      %add3A_435 = arith.constant 0 : i32
      %add3A_436 = arith.addi %mul3A_432, %add3A_435 : i32
      %get3A = arith.constant 1 : i32
      %get3A_437 = arith.index_cast %get3A : i32 to index
      %get3A_438 = arith.index_cast %add3A_436 : i32 to index
      %get3A_439 = tpu.vector_load %arg5[%get3A_437, %get3A_438] {strides = array<i32>} : memref<2x8192xi32, #tpu.memory_space<vmem>>, vector<16xi32>,
      %add3A_440 = arith.constant 16 : i32
      %add3A_441 = arith.addi %mul3A_432, %add3A_440 : i32
      %get3A_442 = arith.constant 1 : i32
      %get3A_443 = arith.index_cast %get3A_442 : i32 to index
      %get3A_444 = arith.index_cast %add3A_441 : i32 to index
      %get3A_445 = tpu.vector_load %arg5[%get3A_443, %get3A_444] {strides = array<i32>} : memref<2x8192xi32, #tpu.memory_space<vmem>>, vector<16xi32>,
      %add3A_446 = arith.constant 32 : i32
      %add3A_447 = arith.addi %mul3A_432, %add3A_446 : i32
      %get3A_448 = arith.constant 1 : i32
      %get3A_449 = arith.index_cast %get3A_448 : i32 to index
      %get3A_450 = arith.index_cast %add3A_447 : i32 to index
      %get3A_451 = tpu.vector_load %arg5[%get3A_449, %get3A_450] {strides = array<i32>} : memref<2x8192xi32, #tpu.memory_space<vmem>>, vector<16xi32>,
      %add3A_452 = arith.constant 48 : i32
      %add3A_453 = arith.addi %mul3A_432, %add3A_452 : i32
      %get3A_454 = arith.constant 1 : i32
      %get3A_455 = arith.index_cast %get3A_454 : i32 to index
      %get3A_456 = arith.index_cast %add3A_453 : i32 to index
      %get3A_457 = tpu.vector_load %arg5[%get3A_455, %get3A_456] {strides = array<i32>} : memref<2x8192xi32, #tpu.memory_space<vmem>>, vector<16xi32>,
      %add3A_458 = arith.constant 64 : i32
      %add3A_459 = arith.addi %mul3A_432, %add3A_458 : i32
      %get3A_460 = arith.constant 1 : i32
      %get3A_461 = arith.index_cast %get3A_460 : i32 to index
      %get3A_462 = arith.index_cast %add3A_459 : i32 to index
      %get3A_463 = tpu.vector_load %arg5[%get3A_461, %get3A_462] {strides = array<i32>} : memref<2x8192xi32, #tpu.memory_space<vmem>>, vector<16xi32>,
      %add3A_464 = arith.constant 80 : i32
      %add3A_465 = arith.addi %mul3A_432, %add3A_464 : i32
      %get3A_466 = arith.constant 1 : i32
      %get3A_467 = arith.index_cast %get3A_466 : i32 to index
      %get3A_468 = arith.index_cast %add3A_465 : i32 to index
      %get3A_469 = tpu.vector_load %arg5[%get3A_467, %get3A_468] {strides = array<i32>} : memref<2x8192xi32, #tpu.memory_space<vmem>>, vector<16xi32>,
      %add3A_470 = arith.constant 96 : i32
      %add3A_471 = arith.addi %mul3A_432, %add3A_470 : i32
      %get3A_472 = arith.constant 1 : i32
      %get3A_473 = arith.index_cast %get3A_472 : i32 to index
      %get3A_474 = arith.index_cast %add3A_471 : i32 to index
      %get3A_475 = tpu.vector_load %arg5[%get3A_473, %get3A_474] {strides = array<i32>} : memref<2x8192xi32, #tpu.memory_space<vmem>>, vector<16xi32>,
      %add3A_476 = arith.constant 112 : i32
      %add3A_477 = arith.addi %mul3A_432, %add3A_476 : i32
      %get3A_478 = arith.constant 1 : i32
      %get3A_479 = arith.index_cast %get3A_478 : i32 to index
      %get3A_480 = arith.index_cast %add3A_477 : i32 to index
      %get3A_481 = tpu.vector_load %arg5[%get3A_479, %get3A_480] {strides = array<i32>} : memref<2x8192xi32, #tpu.memory_space<vmem>>, vector<16xi32>,
      %add3A_482 = arith.constant 0 : i32
      %add3A_483 = arith.addi %mul3A_432, %add3A_482 : i32
      %get3A_484 = arith.constant 1 : i32
      %get3A_485 = arith.index_cast %get3A_484 : i32 to index
      %get3A_486 = arith.index_cast %add3A_483 : i32 to index
      %get3A_487 = tpu.vector_load %arg6[%get3A_485, %get3A_486] {strides = array<i32>} : memref<2x8192xi32, #tpu.memory_space<vmem>>, vector<16xi32>,
      %add3A_488 = arith.constant 16 : i32
      %add3A_489 = arith.addi %mul3A_432, %add3A_488 : i32
      %get3A_490 = arith.constant 1 : i32
      %get3A_491 = arith.index_cast %get3A_490 : i32 to index
      %get3A_492 = arith.index_cast %add3A_489 : i32 to index
      %get3A_493 = tpu.vector_load %arg6[%get3A_491, %get3A_492] {strides = array<i32>} : memref<2x8192xi32, #tpu.memory_space<vmem>>, vector<16xi32>,
      %add3A_494 = arith.constant 32 : i32
      %add3A_495 = arith.addi %mul3A_432, %add3A_494 : i32
      %get3A_496 = arith.constant 1 : i32
      %get3A_497 = arith.index_cast %get3A_496 : i32 to index
      %get3A_498 = arith.index_cast %add3A_495 : i32 to index
      %get3A_499 = tpu.vector_load %arg6[%get3A_497, %get3A_498] {strides = array<i32>} : memref<2x8192xi32, #tpu.memory_space<vmem>>, vector<16xi32>,
      %add3A_500 = arith.constant 48 : i32
      %add3A_501 = arith.addi %mul3A_432, %add3A_500 : i32
      %get3A_502 = arith.constant 1 : i32
      %get3A_503 = arith.index_cast %get3A_502 : i32 to index
      %get3A_504 = arith.index_cast %add3A_501 : i32 to index
      %get3A_505 = tpu.vector_load %arg6[%get3A_503, %get3A_504] {strides = array<i32>} : memref<2x8192xi32, #tpu.memory_space<vmem>>, vector<16xi32>,
      %add3A_506 = arith.constant 64 : i32
      %add3A_507 = arith.addi %mul3A_432, %add3A_506 : i32
      %get3A_508 = arith.constant 1 : i32
      %get3A_509 = arith.index_cast %get3A_508 : i32 to index
      %get3A_510 = arith.index_cast %add3A_507 : i32 to index
      %get3A_511 = tpu.vector_load %arg6[%get3A_509, %get3A_510] {strides = array<i32>} : memref<2x8192xi32, #tpu.memory_space<vmem>>, vector<16xi32>,
      %add3A_512 = arith.constant 80 : i32
      %add3A_513 = arith.addi %mul3A_432, %add3A_512 : i32
      %get3A_514 = arith.constant 1 : i32
      %get3A_515 = arith.index_cast %get3A_514 : i32 to index
      %get3A_516 = arith.index_cast %add3A_513 : i32 to index
      %get3A_517 = tpu.vector_load %arg6[%get3A_515, %get3A_516] {strides = array<i32>} : memref<2x8192xi32, #tpu.memory_space<vmem>>, vector<16xi32>,
      %add3A_518 = arith.constant 96 : i32
      %add3A_519 = arith.addi %mul3A_432, %add3A_518 : i32
      %get3A_520 = arith.constant 1 : i32
      %get3A_521 = arith.index_cast %get3A_520 : i32 to index
      %get3A_522 = arith.index_cast %add3A_519 : i32 to index
      %get3A_523 = tpu.vector_load %arg6[%get3A_521, %get3A_522] {strides = array<i32>} : memref<2x8192xi32, #tpu.memory_space<vmem>>, vector<16xi32>,
      %add3A_524 = arith.constant 112 : i32
      %add3A_525 = arith.addi %mul3A_432, %add3A_524 : i32
      %get3A_526 = arith.constant 1 : i32
      %get3A_527 = arith.index_cast %get3A_526 : i32 to index
      %get3A_528 = arith.index_cast %add3A_525 : i32 to index
      %get3A_529 = tpu.vector_load %arg6[%get3A_527, %get3A_528] {strides = array<i32>} : memref<2x8192xi32, #tpu.memory_space<vmem>>, vector<16xi32>,
      %mul3A_530 = arith.constant 150 : i32
      %mul3A_531 = vector.broadcast %mul3A_530 : i32 to vector<16xi32>
      %mul3A_532 = arith.muli %get3A_487, %mul3A_531 : vector<16xi32>
      %add3A_533 = arith.addi %mul3A_532, %get3A_439 : vector<16xi32>
      %mul3A_534 = arith.constant 150 : i32
      %mul3A_535 = vector.broadcast %mul3A_534 : i32 to vector<16xi32>
      %mul3A_536 = arith.muli %get3A_493, %mul3A_535 : vector<16xi32>
      %add3A_537 = arith.addi %mul3A_536, %get3A_445 : vector<16xi32>
      %mul3A_538 = arith.constant 150 : i32
      %mul3A_539 = vector.broadcast %mul3A_538 : i32 to vector<16xi32>
      %mul3A_540 = arith.muli %get3A_499, %mul3A_539 : vector<16xi32>
      %add3A_541 = arith.addi %mul3A_540, %get3A_451 : vector<16xi32>
      %mul3A_542 = arith.constant 150 : i32
      %mul3A_543 = vector.broadcast %mul3A_542 : i32 to vector<16xi32>
      %mul3A_544 = arith.muli %get3A_505, %mul3A_543 : vector<16xi32>
      %add3A_545 = arith.addi %mul3A_544, %get3A_457 : vector<16xi32>
      %mul3A_546 = arith.constant 150 : i32
      %mul3A_547 = vector.broadcast %mul3A_546 : i32 to vector<16xi32>
      %mul3A_548 = arith.muli %get3A_511, %mul3A_547 : vector<16xi32>
      %add3A_549 = arith.addi %mul3A_548, %get3A_463 : vector<16xi32>
      %mul3A_550 = arith.constant 150 : i32
      %mul3A_551 = vector.broadcast %mul3A_550 : i32 to vector<16xi32>
      %mul3A_552 = arith.muli %get3A_517, %mul3A_551 : vector<16xi32>
      %add3A_553 = arith.addi %mul3A_552, %get3A_469 : vector<16xi32>
      %mul3A_554 = arith.constant 150 : i32
      %mul3A_555 = vector.broadcast %mul3A_554 : i32 to vector<16xi32>
      %mul3A_556 = arith.muli %get3A_523, %mul3A_555 : vector<16xi32>
      %add3A_557 = arith.addi %mul3A_556, %get3A_475 : vector<16xi32>
      %mul3A_558 = arith.constant 150 : i32
      %mul3A_559 = vector.broadcast %mul3A_558 : i32 to vector<16xi32>
      %mul3A_560 = arith.muli %get3A_529, %mul3A_559 : vector<16xi32>
      %add3A_561 = arith.addi %mul3A_560, %get3A_481 : vector<16xi32>
      tpu.vector_store_idx %arg7[%add3A_533], %broadcast_in_dim3A_434 {add = true} : memref<22528xi32, #tpu.memory_space<vmem>>[vector<16xi32>], vector<16xi32>,
      tpu.vector_store_idx %arg7[%add3A_537], %broadcast_in_dim3A_434 {add = true} : memref<22528xi32, #tpu.memory_space<vmem>>[vector<16xi32>], vector<16xi32>,
      tpu.vector_store_idx %arg7[%add3A_541], %broadcast_in_dim3A_434 {add = true} : memref<22528xi32, #tpu.memory_space<vmem>>[vector<16xi32>], vector<16xi32>,
      tpu.vector_store_idx %arg7[%add3A_545], %broadcast_in_dim3A_434 {add = true} : memref<22528xi32, #tpu.memory_space<vmem>>[vector<16xi32>], vector<16xi32>,
      tpu.vector_store_idx %arg7[%add3A_549], %broadcast_in_dim3A_434 {add = true} : memref<22528xi32, #tpu.memory_space<vmem>>[vector<16xi32>], vector<16xi32>,
      tpu.vector_store_idx %arg7[%add3A_553], %broadcast_in_dim3A_434 {add = true} : memref<22528xi32, #tpu.memory_space<vmem>>[vector<16xi32>], vector<16xi32>,
      tpu.vector_store_idx %arg7[%add3A_557], %broadcast_in_dim3A_434 {add = true} : memref<22528xi32, #tpu.memory_space<vmem>>[vector<16xi32>], vector<16xi32>,
      tpu.vector_store_idx %arg7[%add3A_561], %broadcast_in_dim3A_434 {add = true} : memref<22528xi32, #tpu.memory_space<vmem>>[vector<16xi32>], vector<16xi32>,
    }
    %scan3A_358 = arith.constant 64 : i32
    "tpu.region"() ({
      %run_scoped3A_430 = tpu.sem_alloc : memref<!tpu.dma_semaphore, #tpu.memory_space<semaphore_mem>>
      %dma_start3A_431 = arith.constant 0 : i32
      %dma_start3A_432 = tpu.memref_slice %arg10[%arg1, %dma_start3A_431] : memref<16x22528xi32, #tpu.memory_space<vmem_shared>> -> memref<1x22528xi32, #tpu.memory_space<vmem_shared>>
      %dma_start3A_433 = tpu.memref_squeeze %dma_start3A_432 : memref<1x22528xi32, #tpu.memory_space<vmem_shared>> -> memref<22528xi32, #tpu.memory_space<vmem_shared>>
      %dma_start3A_434 = arith.constant 0 : i32
      %dma_start3A_435 = tpu.memref_slice %arg10[%arg1, %dma_start3A_434] : memref<16x22528xi32, #tpu.memory_space<vmem_shared>> -> memref<1x22528xi32, #tpu.memory_space<vmem_shared>>
      %dma_start3A_436 = tpu.memref_squeeze %dma_start3A_435 : memref<1x22528xi32, #tpu.memory_space<vmem_shared>> -> memref<22528xi32, #tpu.memory_space<vmem_shared>>
      tpu.enqueue_dma source(%arg7 : memref<22528xi32, #tpu.memory_space<vmem>>) target(%dma_start3A_436 : memref<22528xi32, #tpu.memory_space<vmem_shared>>) target_semaphore(%run_scoped3A_430 : memref<!tpu.dma_semaphore, #tpu.memory_space<semaphore_mem>>)
      %dma_wait3A_437 = arith.constant 0 : i32
      %dma_wait3A_438 = tpu.memref_slice %arg10[%arg1, %dma_wait3A_437] : memref<16x22528xi32, #tpu.memory_space<vmem_shared>> -> memref<1x22528xi32, #tpu.memory_space<vmem_shared>>
      %dma_wait3A_439 = tpu.memref_squeeze %dma_wait3A_438 : memref<1x22528xi32, #tpu.memory_space<vmem_shared>> -> memref<22528xi32, #tpu.memory_space<vmem_shared>>
      %dma_wait3A_440 = arith.constant 0 : i32
      %dma_wait3A_441 = tpu.memref_slice %arg10[%arg1, %dma_wait3A_440] : memref<16x22528xi32, #tpu.memory_space<vmem_shared>> -> memref<1x22528xi32, #tpu.memory_space<vmem_shared>>
      %dma_wait3A_442 = tpu.memref_squeeze %dma_wait3A_441 : memref<1x22528xi32, #tpu.memory_space<vmem_shared>> -> memref<22528xi32, #tpu.memory_space<vmem_shared>>
      tpu.wait_dma2 semaphore(%run_scoped3A_430 : memref<!tpu.dma_semaphore, #tpu.memory_space<semaphore_mem>>) src(%arg7 : memref<22528xi32, #tpu.memory_space<vmem>>) dst(%dma_wait3A_442 : memref<22528xi32, #tpu.memory_space<vmem_shared>>)
      tpu.yield
    }) : () -> ()
    %barrier3A = arith.constant 0 : index
    tpu.barrier barrier_id(%barrier3A)
    %mul3A_359 = arith.constant 1408 : i32
    %mul3A_360 = arith.muli %arg1, %mul3A_359 : i32
    %run_scoped3A = arith.constant 0 : i32
    %run_scoped3A_361 = arith.constant 0 : i32
    "tpu.region"() ({
      %run_scoped3A_430 = tpu.sem_alloc : memref<!tpu.dma_semaphore, #tpu.memory_space<semaphore_mem>>
      %dma_start3A_431 = arith.constant 0 : i32
      %dma_start3A_432 = tpu.memref_slice %arg8[%run_scoped3A_361, %dma_start3A_431] : memref<16x1408xi32, #tpu.memory_space<vmem>> -> memref<1x1408xi32, #tpu.memory_space<vmem>>
      %dma_start3A_433 = tpu.memref_squeeze %dma_start3A_432 : memref<1x1408xi32, #tpu.memory_space<vmem>> -> memref<1408xi32, #tpu.memory_space<vmem>>
      %dma_start3A_434 = tpu.memref_slice %arg10[%run_scoped3A, %mul3A_360] : memref<16x22528xi32, #tpu.memory_space<vmem_shared>> -> memref<1x1408xi32, #tpu.memory_space<vmem_shared>>
      %dma_start3A_435 = tpu.memref_squeeze %dma_start3A_434 : memref<1x1408xi32, #tpu.memory_space<vmem_shared>> -> memref<1408xi32, #tpu.memory_space<vmem_shared>>
      %dma_start3A_436 = arith.constant 0 : i32
      %dma_start3A_437 = tpu.memref_slice %arg8[%run_scoped3A_361, %dma_start3A_436] : memref<16x1408xi32, #tpu.memory_space<vmem>> -> memref<1x1408xi32, #tpu.memory_space<vmem>>
      %dma_start3A_438 = tpu.memref_squeeze %dma_start3A_437 : memref<1x1408xi32, #tpu.memory_space<vmem>> -> memref<1408xi32, #tpu.memory_space<vmem>>
      %dma_start3A_439 = tpu.memref_slice %arg10[%run_scoped3A, %mul3A_360] : memref<16x22528xi32, #tpu.memory_space<vmem_shared>> -> memref<1x1408xi32, #tpu.memory_space<vmem_shared>>
      %dma_start3A_440 = tpu.memref_squeeze %dma_start3A_439 : memref<1x1408xi32, #tpu.memory_space<vmem_shared>> -> memref<1408xi32, #tpu.memory_space<vmem_shared>>
      tpu.enqueue_dma source(%dma_start3A_440 : memref<1408xi32, #tpu.memory_space<vmem_shared>>) target(%dma_start3A_438 : memref<1408xi32, #tpu.memory_space<vmem>>) target_semaphore(%run_scoped3A_430 : memref<!tpu.dma_semaphore, #tpu.memory_space<semaphore_mem>>)
      %dma_wait3A_441 = arith.constant 0 : i32
      %dma_wait3A_442 = tpu.memref_slice %arg8[%run_scoped3A_361, %dma_wait3A_441] : memref<16x1408xi32, #tpu.memory_space<vmem>> -> memref<1x1408xi32, #tpu.memory_space<vmem>>
      %dma_wait3A_443 = tpu.memref_squeeze %dma_wait3A_442 : memref<1x1408xi32, #tpu.memory_space<vmem>> -> memref<1408xi32, #tpu.memory_space<vmem>>
      %dma_wait3A_444 = tpu.memref_slice %arg10[%run_scoped3A, %mul3A_360] : memref<16x22528xi32, #tpu.memory_space<vmem_shared>> -> memref<1x1408xi32, #tpu.memory_space<vmem_shared>>
      %dma_wait3A_445 = tpu.memref_squeeze %dma_wait3A_444 : memref<1x1408xi32, #tpu.memory_space<vmem_shared>> -> memref<1408xi32, #tpu.memory_space<vmem_shared>>
      %dma_wait3A_446 = arith.constant 0 : i32
      %dma_wait3A_447 = tpu.memref_slice %arg8[%run_scoped3A_361, %dma_wait3A_446] : memref<16x1408xi32, #tpu.memory_space<vmem>> -> memref<1x1408xi32, #tpu.memory_space<vmem>>
      %dma_wait3A_448 = tpu.memref_squeeze %dma_wait3A_447 : memref<1x1408xi32, #tpu.memory_space<vmem>> -> memref<1408xi32, #tpu.memory_space<vmem>>
      %dma_wait3A_449 = tpu.memref_slice %arg10[%run_scoped3A, %mul3A_360] : memref<16x22528xi32, #tpu.memory_space<vmem_shared>> -> memref<1x1408xi32, #tpu.memory_space<vmem_shared>>
      %dma_wait3A_450 = tpu.memref_squeeze %dma_wait3A_449 : memref<1x1408xi32, #tpu.memory_space<vmem_shared>> -> memref<1408xi32, #tpu.memory_space<vmem_shared>>
      tpu.wait_dma2 semaphore(%run_scoped3A_430 : memref<!tpu.dma_semaphore, #tpu.memory_space<semaphore_mem>>) src(%dma_wait3A_450 : memref<1408xi32, #tpu.memory_space<vmem_shared>>) dst(%dma_wait3A_448 : memref<1408xi32, #tpu.memory_space<vmem>>)
      tpu.yield
    }) : () -> ()
    %mul3A_362 = arith.constant 1408 : i32
    %mul3A_363 = arith.muli %arg1, %mul3A_362 : i32
    %run_scoped3A_364 = arith.constant 1 : i32
    %run_scoped3A_365 = arith.constant 1 : i32
    "tpu.region"() ({
      %run_scoped3A_430 = tpu.sem_alloc : memref<!tpu.dma_semaphore, #tpu.memory_space<semaphore_mem>>
      %dma_start3A_431 = arith.constant 0 : i32
      %dma_start3A_432 = tpu.memref_slice %arg8[%run_scoped3A_365, %dma_start3A_431] : memref<16x1408xi32, #tpu.memory_space<vmem>> -> memref<1x1408xi32, #tpu.memory_space<vmem>>
      %dma_start3A_433 = tpu.memref_squeeze %dma_start3A_432 : memref<1x1408xi32, #tpu.memory_space<vmem>> -> memref<1408xi32, #tpu.memory_space<vmem>>
      %dma_start3A_434 = tpu.memref_slice %arg10[%run_scoped3A_364, %mul3A_363] : memref<16x22528xi32, #tpu.memory_space<vmem_shared>> -> memref<1x1408xi32, #tpu.memory_space<vmem_shared>>
      %dma_start3A_435 = tpu.memref_squeeze %dma_start3A_434 : memref<1x1408xi32, #tpu.memory_space<vmem_shared>> -> memref<1408xi32, #tpu.memory_space<vmem_shared>>
      %dma_start3A_436 = arith.constant 0 : i32
      %dma_start3A_437 = tpu.memref_slice %arg8[%run_scoped3A_365, %dma_start3A_436] : memref<16x1408xi32, #tpu.memory_space<vmem>> -> memref<1x1408xi32, #tpu.memory_space<vmem>>
      %dma_start3A_438 = tpu.memref_squeeze %dma_start3A_437 : memref<1x1408xi32, #tpu.memory_space<vmem>> -> memref<1408xi32, #tpu.memory_space<vmem>>
      %dma_start3A_439 = tpu.memref_slice %arg10[%run_scoped3A_364, %mul3A_363] : memref<16x22528xi32, #tpu.memory_space<vmem_shared>> -> memref<1x1408xi32, #tpu.memory_space<vmem_shared>>
      %dma_start3A_440 = tpu.memref_squeeze %dma_start3A_439 : memref<1x1408xi32, #tpu.memory_space<vmem_shared>> -> memref<1408xi32, #tpu.memory_space<vmem_shared>>
      tpu.enqueue_dma source(%dma_start3A_440 : memref<1408xi32, #tpu.memory_space<vmem_shared>>) target(%dma_start3A_438 : memref<1408xi32, #tpu.memory_space<vmem>>) target_semaphore(%run_scoped3A_430 : memref<!tpu.dma_semaphore, #tpu.memory_space<semaphore_mem>>)
      %dma_wait3A_441 = arith.constant 0 : i32
      %dma_wait3A_442 = tpu.memref_slice %arg8[%run_scoped3A_365, %dma_wait3A_441] : memref<16x1408xi32, #tpu.memory_space<vmem>> -> memref<1x1408xi32, #tpu.memory_space<vmem>>
      %dma_wait3A_443 = tpu.memref_squeeze %dma_wait3A_442 : memref<1x1408xi32, #tpu.memory_space<vmem>> -> memref<1408xi32, #tpu.memory_space<vmem>>
      %dma_wait3A_444 = tpu.memref_slice %arg10[%run_scoped3A_364, %mul3A_363] : memref<16x22528xi32, #tpu.memory_space<vmem_shared>> -> memref<1x1408xi32, #tpu.memory_space<vmem_shared>>
      %dma_wait3A_445 = tpu.memref_squeeze %dma_wait3A_444 : memref<1x1408xi32, #tpu.memory_space<vmem_shared>> -> memref<1408xi32, #tpu.memory_space<vmem_shared>>
      %dma_wait3A_446 = arith.constant 0 : i32
      %dma_wait3A_447 = tpu.memref_slice %arg8[%run_scoped3A_365, %dma_wait3A_446] : memref<16x1408xi32, #tpu.memory_space<vmem>> -> memref<1x1408xi32, #tpu.memory_space<vmem>>
      %dma_wait3A_448 = tpu.memref_squeeze %dma_wait3A_447 : memref<1x1408xi32, #tpu.memory_space<vmem>> -> memref<1408xi32, #tpu.memory_space<vmem>>
      %dma_wait3A_449 = tpu.memref_slice %arg10[%run_scoped3A_364, %mul3A_363] : memref<16x22528xi32, #tpu.memory_space<vmem_shared>> -> memref<1x1408xi32, #tpu.memory_space<vmem_shared>>
      %dma_wait3A_450 = tpu.memref_squeeze %dma_wait3A_449 : memref<1x1408xi32, #tpu.memory_space<vmem_shared>> -> memref<1408xi32, #tpu.memory_space<vmem_shared>>
      tpu.wait_dma2 semaphore(%run_scoped3A_430 : memref<!tpu.dma_semaphore, #tpu.memory_space<semaphore_mem>>) src(%dma_wait3A_450 : memref<1408xi32, #tpu.memory_space<vmem_shared>>) dst(%dma_wait3A_448 : memref<1408xi32, #tpu.memory_space<vmem>>)
      tpu.yield
    }) : () -> ()
    %mul3A_366 = arith.constant 1408 : i32
    %mul3A_367 = arith.muli %arg1, %mul3A_366 : i32
    %run_scoped3A_368 = arith.constant 2 : i32
    %run_scoped3A_369 = arith.constant 2 : i32
    "tpu.region"() ({
      %run_scoped3A_430 = tpu.sem_alloc : memref<!tpu.dma_semaphore, #tpu.memory_space<semaphore_mem>>
      %dma_start3A_431 = arith.constant 0 : i32
      %dma_start3A_432 = tpu.memref_slice %arg8[%run_scoped3A_369, %dma_start3A_431] : memref<16x1408xi32, #tpu.memory_space<vmem>> -> memref<1x1408xi32, #tpu.memory_space<vmem>>
      %dma_start3A_433 = tpu.memref_squeeze %dma_start3A_432 : memref<1x1408xi32, #tpu.memory_space<vmem>> -> memref<1408xi32, #tpu.memory_space<vmem>>
      %dma_start3A_434 = tpu.memref_slice %arg10[%run_scoped3A_368, %mul3A_367] : memref<16x22528xi32, #tpu.memory_space<vmem_shared>> -> memref<1x1408xi32, #tpu.memory_space<vmem_shared>>
      %dma_start3A_435 = tpu.memref_squeeze %dma_start3A_434 : memref<1x1408xi32, #tpu.memory_space<vmem_shared>> -> memref<1408xi32, #tpu.memory_space<vmem_shared>>
      %dma_start3A_436 = arith.constant 0 : i32
      %dma_start3A_437 = tpu.memref_slice %arg8[%run_scoped3A_369, %dma_start3A_436] : memref<16x1408xi32, #tpu.memory_space<vmem>> -> memref<1x1408xi32, #tpu.memory_space<vmem>>
      %dma_start3A_438 = tpu.memref_squeeze %dma_start3A_437 : memref<1x1408xi32, #tpu.memory_space<vmem>> -> memref<1408xi32, #tpu.memory_space<vmem>>
      %dma_start3A_439 = tpu.memref_slice %arg10[%run_scoped3A_368, %mul3A_367] : memref<16x22528xi32, #tpu.memory_space<vmem_shared>> -> memref<1x1408xi32, #tpu.memory_space<vmem_shared>>
      %dma_start3A_440 = tpu.memref_squeeze %dma_start3A_439 : memref<1x1408xi32, #tpu.memory_space<vmem_shared>> -> memref<1408xi32, #tpu.memory_space<vmem_shared>>
      tpu.enqueue_dma source(%dma_start3A_440 : memref<1408xi32, #tpu.memory_space<vmem_shared>>) target(%dma_start3A_438 : memref<1408xi32, #tpu.memory_space<vmem>>) target_semaphore(%run_scoped3A_430 : memref<!tpu.dma_semaphore, #tpu.memory_space<semaphore_mem>>)
      %dma_wait3A_441 = arith.constant 0 : i32
      %dma_wait3A_442 = tpu.memref_slice %arg8[%run_scoped3A_369, %dma_wait3A_441] : memref<16x1408xi32, #tpu.memory_space<vmem>> -> memref<1x1408xi32, #tpu.memory_space<vmem>>
      %dma_wait3A_443 = tpu.memref_squeeze %dma_wait3A_442 : memref<1x1408xi32, #tpu.memory_space<vmem>> -> memref<1408xi32, #tpu.memory_space<vmem>>
      %dma_wait3A_444 = tpu.memref_slice %arg10[%run_scoped3A_368, %mul3A_367] : memref<16x22528xi32, #tpu.memory_space<vmem_shared>> -> memref<1x1408xi32, #tpu.memory_space<vmem_shared>>
      %dma_wait3A_445 = tpu.memref_squeeze %dma_wait3A_444 : memref<1x1408xi32, #tpu.memory_space<vmem_shared>> -> memref<1408xi32, #tpu.memory_space<vmem_shared>>
      %dma_wait3A_446 = arith.constant 0 : i32
      %dma_wait3A_447 = tpu.memref_slice %arg8[%run_scoped3A_369, %dma_wait3A_446] : memref<16x1408xi32, #tpu.memory_space<vmem>> -> memref<1x1408xi32, #tpu.memory_space<vmem>>
      %dma_wait3A_448 = tpu.memref_squeeze %dma_wait3A_447 : memref<1x1408xi32, #tpu.memory_space<vmem>> -> memref<1408xi32, #tpu.memory_space<vmem>>
      %dma_wait3A_449 = tpu.memref_slice %arg10[%run_scoped3A_368, %mul3A_367] : memref<16x22528xi32, #tpu.memory_space<vmem_shared>> -> memref<1x1408xi32, #tpu.memory_space<vmem_shared>>
      %dma_wait3A_450 = tpu.memref_squeeze %dma_wait3A_449 : memref<1x1408xi32, #tpu.memory_space<vmem_shared>> -> memref<1408xi32, #tpu.memory_space<vmem_shared>>
      tpu.wait_dma2 semaphore(%run_scoped3A_430 : memref<!tpu.dma_semaphore, #tpu.memory_space<semaphore_mem>>) src(%dma_wait3A_450 : memref<1408xi32, #tpu.memory_space<vmem_shared>>) dst(%dma_wait3A_448 : memref<1408xi32, #tpu.memory_space<vmem>>)
      tpu.yield
    }) : () -> ()
    %mul3A_370 = arith.constant 1408 : i32
    %mul3A_371 = arith.muli %arg1, %mul3A_370 : i32
    %run_scoped3A_372 = arith.constant 3 : i32
    %run_scoped3A_373 = arith.constant 3 : i32
    "tpu.region"() ({
      %run_scoped3A_430 = tpu.sem_alloc : memref<!tpu.dma_semaphore, #tpu.memory_space<semaphore_mem>>
      %dma_start3A_431 = arith.constant 0 : i32
      %dma_start3A_432 = tpu.memref_slice %arg8[%run_scoped3A_373, %dma_start3A_431] : memref<16x1408xi32, #tpu.memory_space<vmem>> -> memref<1x1408xi32, #tpu.memory_space<vmem>>
      %dma_start3A_433 = tpu.memref_squeeze %dma_start3A_432 : memref<1x1408xi32, #tpu.memory_space<vmem>> -> memref<1408xi32, #tpu.memory_space<vmem>>
      %dma_start3A_434 = tpu.memref_slice %arg10[%run_scoped3A_372, %mul3A_371] : memref<16x22528xi32, #tpu.memory_space<vmem_shared>> -> memref<1x1408xi32, #tpu.memory_space<vmem_shared>>
      %dma_start3A_435 = tpu.memref_squeeze %dma_start3A_434 : memref<1x1408xi32, #tpu.memory_space<vmem_shared>> -> memref<1408xi32, #tpu.memory_space<vmem_shared>>
      %dma_start3A_436 = arith.constant 0 : i32
      %dma_start3A_437 = tpu.memref_slice %arg8[%run_scoped3A_373, %dma_start3A_436] : memref<16x1408xi32, #tpu.memory_space<vmem>> -> memref<1x1408xi32, #tpu.memory_space<vmem>>
      %dma_start3A_438 = tpu.memref_squeeze %dma_start3A_437 : memref<1x1408xi32, #tpu.memory_space<vmem>> -> memref<1408xi32, #tpu.memory_space<vmem>>
      %dma_start3A_439 = tpu.memref_slice %arg10[%run_scoped3A_372, %mul3A_371] : memref<16x22528xi32, #tpu.memory_space<vmem_shared>> -> memref<1x1408xi32, #tpu.memory_space<vmem_shared>>
      %dma_start3A_440 = tpu.memref_squeeze %dma_start3A_439 : memref<1x1408xi32, #tpu.memory_space<vmem_shared>> -> memref<1408xi32, #tpu.memory_space<vmem_shared>>
      tpu.enqueue_dma source(%dma_start3A_440 : memref<1408xi32, #tpu.memory_space<vmem_shared>>) target(%dma_start3A_438 : memref<1408xi32, #tpu.memory_space<vmem>>) target_semaphore(%run_scoped3A_430 : memref<!tpu.dma_semaphore, #tpu.memory_space<semaphore_mem>>)
      %dma_wait3A_441 = arith.constant 0 : i32
      %dma_wait3A_442 = tpu.memref_slice %arg8[%run_scoped3A_373, %dma_wait3A_441] : memref<16x1408xi32, #tpu.memory_space<vmem>> -> memref<1x1408xi32, #tpu.memory_space<vmem>>
      %dma_wait3A_443 = tpu.memref_squeeze %dma_wait3A_442 : memref<1x1408xi32, #tpu.memory_space<vmem>> -> memref<1408xi32, #tpu.memory_space<vmem>>
      %dma_wait3A_444 = tpu.memref_slice %arg10[%run_scoped3A_372, %mul3A_371] : memref<16x22528xi32, #tpu.memory_space<vmem_shared>> -> memref<1x1408xi32, #tpu.memory_space<vmem_shared>>
      %dma_wait3A_445 = tpu.memref_squeeze %dma_wait3A_444 : memref<1x1408xi32, #tpu.memory_space<vmem_shared>> -> memref<1408xi32, #tpu.memory_space<vmem_shared>>
      %dma_wait3A_446 = arith.constant 0 : i32
      %dma_wait3A_447 = tpu.memref_slice %arg8[%run_scoped3A_373, %dma_wait3A_446] : memref<16x1408xi32, #tpu.memory_space<vmem>> -> memref<1x1408xi32, #tpu.memory_space<vmem>>
      %dma_wait3A_448 = tpu.memref_squeeze %dma_wait3A_447 : memref<1x1408xi32, #tpu.memory_space<vmem>> -> memref<1408xi32, #tpu.memory_space<vmem>>
      %dma_wait3A_449 = tpu.memref_slice %arg10[%run_scoped3A_372, %mul3A_371] : memref<16x22528xi32, #tpu.memory_space<vmem_shared>> -> memref<1x1408xi32, #tpu.memory_space<vmem_shared>>
      %dma_wait3A_450 = tpu.memref_squeeze %dma_wait3A_449 : memref<1x1408xi32, #tpu.memory_space<vmem_shared>> -> memref<1408xi32, #tpu.memory_space<vmem_shared>>
      tpu.wait_dma2 semaphore(%run_scoped3A_430 : memref<!tpu.dma_semaphore, #tpu.memory_space<semaphore_mem>>) src(%dma_wait3A_450 : memref<1408xi32, #tpu.memory_space<vmem_shared>>) dst(%dma_wait3A_448 : memref<1408xi32, #tpu.memory_space<vmem>>)
      tpu.yield
    }) : () -> ()
    %mul3A_374 = arith.constant 1408 : i32
    %mul3A_375 = arith.muli %arg1, %mul3A_374 : i32
    %run_scoped3A_376 = arith.constant 4 : i32
    %run_scoped3A_377 = arith.constant 4 : i32
    "tpu.region"() ({
      %run_scoped3A_430 = tpu.sem_alloc : memref<!tpu.dma_semaphore, #tpu.memory_space<semaphore_mem>>
      %dma_start3A_431 = arith.constant 0 : i32
      %dma_start3A_432 = tpu.memref_slice %arg8[%run_scoped3A_377, %dma_start3A_431] : memref<16x1408xi32, #tpu.memory_space<vmem>> -> memref<1x1408xi32, #tpu.memory_space<vmem>>
      %dma_start3A_433 = tpu.memref_squeeze %dma_start3A_432 : memref<1x1408xi32, #tpu.memory_space<vmem>> -> memref<1408xi32, #tpu.memory_space<vmem>>
      %dma_start3A_434 = tpu.memref_slice %arg10[%run_scoped3A_376, %mul3A_375] : memref<16x22528xi32, #tpu.memory_space<vmem_shared>> -> memref<1x1408xi32, #tpu.memory_space<vmem_shared>>
      %dma_start3A_435 = tpu.memref_squeeze %dma_start3A_434 : memref<1x1408xi32, #tpu.memory_space<vmem_shared>> -> memref<1408xi32, #tpu.memory_space<vmem_shared>>
      %dma_start3A_436 = arith.constant 0 : i32
      %dma_start3A_437 = tpu.memref_slice %arg8[%run_scoped3A_377, %dma_start3A_436] : memref<16x1408xi32, #tpu.memory_space<vmem>> -> memref<1x1408xi32, #tpu.memory_space<vmem>>
      %dma_start3A_438 = tpu.memref_squeeze %dma_start3A_437 : memref<1x1408xi32, #tpu.memory_space<vmem>> -> memref<1408xi32, #tpu.memory_space<vmem>>
      %dma_start3A_439 = tpu.memref_slice %arg10[%run_scoped3A_376, %mul3A_375] : memref<16x22528xi32, #tpu.memory_space<vmem_shared>> -> memref<1x1408xi32, #tpu.memory_space<vmem_shared>>
      %dma_start3A_440 = tpu.memref_squeeze %dma_start3A_439 : memref<1x1408xi32, #tpu.memory_space<vmem_shared>> -> memref<1408xi32, #tpu.memory_space<vmem_shared>>
      tpu.enqueue_dma source(%dma_start3A_440 : memref<1408xi32, #tpu.memory_space<vmem_shared>>) target(%dma_start3A_438 : memref<1408xi32, #tpu.memory_space<vmem>>) target_semaphore(%run_scoped3A_430 : memref<!tpu.dma_semaphore, #tpu.memory_space<semaphore_mem>>)
      %dma_wait3A_441 = arith.constant 0 : i32
      %dma_wait3A_442 = tpu.memref_slice %arg8[%run_scoped3A_377, %dma_wait3A_441] : memref<16x1408xi32, #tpu.memory_space<vmem>> -> memref<1x1408xi32, #tpu.memory_space<vmem>>
      %dma_wait3A_443 = tpu.memref_squeeze %dma_wait3A_442 : memref<1x1408xi32, #tpu.memory_space<vmem>> -> memref<1408xi32, #tpu.memory_space<vmem>>
      %dma_wait3A_444 = tpu.memref_slice %arg10[%run_scoped3A_376, %mul3A_375] : memref<16x22528xi32, #tpu.memory_space<vmem_shared>> -> memref<1x1408xi32, #tpu.memory_space<vmem_shared>>
      %dma_wait3A_445 = tpu.memref_squeeze %dma_wait3A_444 : memref<1x1408xi32, #tpu.memory_space<vmem_shared>> -> memref<1408xi32, #tpu.memory_space<vmem_shared>>
      %dma_wait3A_446 = arith.constant 0 : i32
      %dma_wait3A_447 = tpu.memref_slice %arg8[%run_scoped3A_377, %dma_wait3A_446] : memref<16x1408xi32, #tpu.memory_space<vmem>> -> memref<1x1408xi32, #tpu.memory_space<vmem>>
      %dma_wait3A_448 = tpu.memref_squeeze %dma_wait3A_447 : memref<1x1408xi32, #tpu.memory_space<vmem>> -> memref<1408xi32, #tpu.memory_space<vmem>>
      %dma_wait3A_449 = tpu.memref_slice %arg10[%run_scoped3A_376, %mul3A_375] : memref<16x22528xi32, #tpu.memory_space<vmem_shared>> -> memref<1x1408xi32, #tpu.memory_space<vmem_shared>>
      %dma_wait3A_450 = tpu.memref_squeeze %dma_wait3A_449 : memref<1x1408xi32, #tpu.memory_space<vmem_shared>> -> memref<1408xi32, #tpu.memory_space<vmem_shared>>
      tpu.wait_dma2 semaphore(%run_scoped3A_430 : memref<!tpu.dma_semaphore, #tpu.memory_space<semaphore_mem>>) src(%dma_wait3A_450 : memref<1408xi32, #tpu.memory_space<vmem_shared>>) dst(%dma_wait3A_448 : memref<1408xi32, #tpu.memory_space<vmem>>)
      tpu.yield
    }) : () -> ()
    %mul3A_378 = arith.constant 1408 : i32
    %mul3A_379 = arith.muli %arg1, %mul3A_378 : i32
    %run_scoped3A_380 = arith.constant 5 : i32
    %run_scoped3A_381 = arith.constant 5 : i32
    "tpu.region"() ({
      %run_scoped3A_430 = tpu.sem_alloc : memref<!tpu.dma_semaphore, #tpu.memory_space<semaphore_mem>>
      %dma_start3A_431 = arith.constant 0 : i32
      %dma_start3A_432 = tpu.memref_slice %arg8[%run_scoped3A_381, %dma_start3A_431] : memref<16x1408xi32, #tpu.memory_space<vmem>> -> memref<1x1408xi32, #tpu.memory_space<vmem>>
      %dma_start3A_433 = tpu.memref_squeeze %dma_start3A_432 : memref<1x1408xi32, #tpu.memory_space<vmem>> -> memref<1408xi32, #tpu.memory_space<vmem>>
      %dma_start3A_434 = tpu.memref_slice %arg10[%run_scoped3A_380, %mul3A_379] : memref<16x22528xi32, #tpu.memory_space<vmem_shared>> -> memref<1x1408xi32, #tpu.memory_space<vmem_shared>>
      %dma_start3A_435 = tpu.memref_squeeze %dma_start3A_434 : memref<1x1408xi32, #tpu.memory_space<vmem_shared>> -> memref<1408xi32, #tpu.memory_space<vmem_shared>>
      %dma_start3A_436 = arith.constant 0 : i32
      %dma_start3A_437 = tpu.memref_slice %arg8[%run_scoped3A_381, %dma_start3A_436] : memref<16x1408xi32, #tpu.memory_space<vmem>> -> memref<1x1408xi32, #tpu.memory_space<vmem>>
      %dma_start3A_438 = tpu.memref_squeeze %dma_start3A_437 : memref<1x1408xi32, #tpu.memory_space<vmem>> -> memref<1408xi32, #tpu.memory_space<vmem>>
      %dma_start3A_439 = tpu.memref_slice %arg10[%run_scoped3A_380, %mul3A_379] : memref<16x22528xi32, #tpu.memory_space<vmem_shared>> -> memref<1x1408xi32, #tpu.memory_space<vmem_shared>>
      %dma_start3A_440 = tpu.memref_squeeze %dma_start3A_439 : memref<1x1408xi32, #tpu.memory_space<vmem_shared>> -> memref<1408xi32, #tpu.memory_space<vmem_shared>>
      tpu.enqueue_dma source(%dma_start3A_440 : memref<1408xi32, #tpu.memory_space<vmem_shared>>) target(%dma_start3A_438 : memref<1408xi32, #tpu.memory_space<vmem>>) target_semaphore(%run_scoped3A_430 : memref<!tpu.dma_semaphore, #tpu.memory_space<semaphore_mem>>)
      %dma_wait3A_441 = arith.constant 0 : i32
      %dma_wait3A_442 = tpu.memref_slice %arg8[%run_scoped3A_381, %dma_wait3A_441] : memref<16x1408xi32, #tpu.memory_space<vmem>> -> memref<1x1408xi32, #tpu.memory_space<vmem>>
      %dma_wait3A_443 = tpu.memref_squeeze %dma_wait3A_442 : memref<1x1408xi32, #tpu.memory_space<vmem>> -> memref<1408xi32, #tpu.memory_space<vmem>>
      %dma_wait3A_444 = tpu.memref_slice %arg10[%run_scoped3A_380, %mul3A_379] : memref<16x22528xi32, #tpu.memory_space<vmem_shared>> -> memref<1x1408xi32, #tpu.memory_space<vmem_shared>>
      %dma_wait3A_445 = tpu.memref_squeeze %dma_wait3A_444 : memref<1x1408xi32, #tpu.memory_space<vmem_shared>> -> memref<1408xi32, #tpu.memory_space<vmem_shared>>
      %dma_wait3A_446 = arith.constant 0 : i32
      %dma_wait3A_447 = tpu.memref_slice %arg8[%run_scoped3A_381, %dma_wait3A_446] : memref<16x1408xi32, #tpu.memory_space<vmem>> -> memref<1x1408xi32, #tpu.memory_space<vmem>>
      %dma_wait3A_448 = tpu.memref_squeeze %dma_wait3A_447 : memref<1x1408xi32, #tpu.memory_space<vmem>> -> memref<1408xi32, #tpu.memory_space<vmem>>
      %dma_wait3A_449 = tpu.memref_slice %arg10[%run_scoped3A_380, %mul3A_379] : memref<16x22528xi32, #tpu.memory_space<vmem_shared>> -> memref<1x1408xi32, #tpu.memory_space<vmem_shared>>
      %dma_wait3A_450 = tpu.memref_squeeze %dma_wait3A_449 : memref<1x1408xi32, #tpu.memory_space<vmem_shared>> -> memref<1408xi32, #tpu.memory_space<vmem_shared>>
      tpu.wait_dma2 semaphore(%run_scoped3A_430 : memref<!tpu.dma_semaphore, #tpu.memory_space<semaphore_mem>>) src(%dma_wait3A_450 : memref<1408xi32, #tpu.memory_space<vmem_shared>>) dst(%dma_wait3A_448 : memref<1408xi32, #tpu.memory_space<vmem>>)
      tpu.yield
    }) : () -> ()
    %mul3A_382 = arith.constant 1408 : i32
    %mul3A_383 = arith.muli %arg1, %mul3A_382 : i32
    %run_scoped3A_384 = arith.constant 6 : i32
    %run_scoped3A_385 = arith.constant 6 : i32
    "tpu.region"() ({
      %run_scoped3A_430 = tpu.sem_alloc : memref<!tpu.dma_semaphore, #tpu.memory_space<semaphore_mem>>
      %dma_start3A_431 = arith.constant 0 : i32
      %dma_start3A_432 = tpu.memref_slice %arg8[%run_scoped3A_385, %dma_start3A_431] : memref<16x1408xi32, #tpu.memory_space<vmem>> -> memref<1x1408xi32, #tpu.memory_space<vmem>>
      %dma_start3A_433 = tpu.memref_squeeze %dma_start3A_432 : memref<1x1408xi32, #tpu.memory_space<vmem>> -> memref<1408xi32, #tpu.memory_space<vmem>>
      %dma_start3A_434 = tpu.memref_slice %arg10[%run_scoped3A_384, %mul3A_383] : memref<16x22528xi32, #tpu.memory_space<vmem_shared>> -> memref<1x1408xi32, #tpu.memory_space<vmem_shared>>
      %dma_start3A_435 = tpu.memref_squeeze %dma_start3A_434 : memref<1x1408xi32, #tpu.memory_space<vmem_shared>> -> memref<1408xi32, #tpu.memory_space<vmem_shared>>
      %dma_start3A_436 = arith.constant 0 : i32
      %dma_start3A_437 = tpu.memref_slice %arg8[%run_scoped3A_385, %dma_start3A_436] : memref<16x1408xi32, #tpu.memory_space<vmem>> -> memref<1x1408xi32, #tpu.memory_space<vmem>>
      %dma_start3A_438 = tpu.memref_squeeze %dma_start3A_437 : memref<1x1408xi32, #tpu.memory_space<vmem>> -> memref<1408xi32, #tpu.memory_space<vmem>>
      %dma_start3A_439 = tpu.memref_slice %arg10[%run_scoped3A_384, %mul3A_383] : memref<16x22528xi32, #tpu.memory_space<vmem_shared>> -> memref<1x1408xi32, #tpu.memory_space<vmem_shared>>
      %dma_start3A_440 = tpu.memref_squeeze %dma_start3A_439 : memref<1x1408xi32, #tpu.memory_space<vmem_shared>> -> memref<1408xi32, #tpu.memory_space<vmem_shared>>
      tpu.enqueue_dma source(%dma_start3A_440 : memref<1408xi32, #tpu.memory_space<vmem_shared>>) target(%dma_start3A_438 : memref<1408xi32, #tpu.memory_space<vmem>>) target_semaphore(%run_scoped3A_430 : memref<!tpu.dma_semaphore, #tpu.memory_space<semaphore_mem>>)
      %dma_wait3A_441 = arith.constant 0 : i32
      %dma_wait3A_442 = tpu.memref_slice %arg8[%run_scoped3A_385, %dma_wait3A_441] : memref<16x1408xi32, #tpu.memory_space<vmem>> -> memref<1x1408xi32, #tpu.memory_space<vmem>>
      %dma_wait3A_443 = tpu.memref_squeeze %dma_wait3A_442 : memref<1x1408xi32, #tpu.memory_space<vmem>> -> memref<1408xi32, #tpu.memory_space<vmem>>
      %dma_wait3A_444 = tpu.memref_slice %arg10[%run_scoped3A_384, %mul3A_383] : memref<16x22528xi32, #tpu.memory_space<vmem_shared>> -> memref<1x1408xi32, #tpu.memory_space<vmem_shared>>
      %dma_wait3A_445 = tpu.memref_squeeze %dma_wait3A_444 : memref<1x1408xi32, #tpu.memory_space<vmem_shared>> -> memref<1408xi32, #tpu.memory_space<vmem_shared>>
      %dma_wait3A_446 = arith.constant 0 : i32
      %dma_wait3A_447 = tpu.memref_slice %arg8[%run_scoped3A_385, %dma_wait3A_446] : memref<16x1408xi32, #tpu.memory_space<vmem>> -> memref<1x1408xi32, #tpu.memory_space<vmem>>
      %dma_wait3A_448 = tpu.memref_squeeze %dma_wait3A_447 : memref<1x1408xi32, #tpu.memory_space<vmem>> -> memref<1408xi32, #tpu.memory_space<vmem>>
      %dma_wait3A_449 = tpu.memref_slice %arg10[%run_scoped3A_384, %mul3A_383] : memref<16x22528xi32, #tpu.memory_space<vmem_shared>> -> memref<1x1408xi32, #tpu.memory_space<vmem_shared>>
      %dma_wait3A_450 = tpu.memref_squeeze %dma_wait3A_449 : memref<1x1408xi32, #tpu.memory_space<vmem_shared>> -> memref<1408xi32, #tpu.memory_space<vmem_shared>>
      tpu.wait_dma2 semaphore(%run_scoped3A_430 : memref<!tpu.dma_semaphore, #tpu.memory_space<semaphore_mem>>) src(%dma_wait3A_450 : memref<1408xi32, #tpu.memory_space<vmem_shared>>) dst(%dma_wait3A_448 : memref<1408xi32, #tpu.memory_space<vmem>>)
      tpu.yield
    }) : () -> ()
    %mul3A_386 = arith.constant 1408 : i32
    %mul3A_387 = arith.muli %arg1, %mul3A_386 : i32
    %run_scoped3A_388 = arith.constant 7 : i32
    %run_scoped3A_389 = arith.constant 7 : i32
    "tpu.region"() ({
      %run_scoped3A_430 = tpu.sem_alloc : memref<!tpu.dma_semaphore, #tpu.memory_space<semaphore_mem>>
      %dma_start3A_431 = arith.constant 0 : i32
      %dma_start3A_432 = tpu.memref_slice %arg8[%run_scoped3A_389, %dma_start3A_431] : memref<16x1408xi32, #tpu.memory_space<vmem>> -> memref<1x1408xi32, #tpu.memory_space<vmem>>
      %dma_start3A_433 = tpu.memref_squeeze %dma_start3A_432 : memref<1x1408xi32, #tpu.memory_space<vmem>> -> memref<1408xi32, #tpu.memory_space<vmem>>
      %dma_start3A_434 = tpu.memref_slice %arg10[%run_scoped3A_388, %mul3A_387] : memref<16x22528xi32, #tpu.memory_space<vmem_shared>> -> memref<1x1408xi32, #tpu.memory_space<vmem_shared>>
      %dma_start3A_435 = tpu.memref_squeeze %dma_start3A_434 : memref<1x1408xi32, #tpu.memory_space<vmem_shared>> -> memref<1408xi32, #tpu.memory_space<vmem_shared>>
      %dma_start3A_436 = arith.constant 0 : i32
      %dma_start3A_437 = tpu.memref_slice %arg8[%run_scoped3A_389, %dma_start3A_436] : memref<16x1408xi32, #tpu.memory_space<vmem>> -> memref<1x1408xi32, #tpu.memory_space<vmem>>
      %dma_start3A_438 = tpu.memref_squeeze %dma_start3A_437 : memref<1x1408xi32, #tpu.memory_space<vmem>> -> memref<1408xi32, #tpu.memory_space<vmem>>
      %dma_start3A_439 = tpu.memref_slice %arg10[%run_scoped3A_388, %mul3A_387] : memref<16x22528xi32, #tpu.memory_space<vmem_shared>> -> memref<1x1408xi32, #tpu.memory_space<vmem_shared>>
      %dma_start3A_440 = tpu.memref_squeeze %dma_start3A_439 : memref<1x1408xi32, #tpu.memory_space<vmem_shared>> -> memref<1408xi32, #tpu.memory_space<vmem_shared>>
      tpu.enqueue_dma source(%dma_start3A_440 : memref<1408xi32, #tpu.memory_space<vmem_shared>>) target(%dma_start3A_438 : memref<1408xi32, #tpu.memory_space<vmem>>) target_semaphore(%run_scoped3A_430 : memref<!tpu.dma_semaphore, #tpu.memory_space<semaphore_mem>>)
      %dma_wait3A_441 = arith.constant 0 : i32
      %dma_wait3A_442 = tpu.memref_slice %arg8[%run_scoped3A_389, %dma_wait3A_441] : memref<16x1408xi32, #tpu.memory_space<vmem>> -> memref<1x1408xi32, #tpu.memory_space<vmem>>
      %dma_wait3A_443 = tpu.memref_squeeze %dma_wait3A_442 : memref<1x1408xi32, #tpu.memory_space<vmem>> -> memref<1408xi32, #tpu.memory_space<vmem>>
      %dma_wait3A_444 = tpu.memref_slice %arg10[%run_scoped3A_388, %mul3A_387] : memref<16x22528xi32, #tpu.memory_space<vmem_shared>> -> memref<1x1408xi32, #tpu.memory_space<vmem_shared>>
      %dma_wait3A_445 = tpu.memref_squeeze %dma_wait3A_444 : memref<1x1408xi32, #tpu.memory_space<vmem_shared>> -> memref<1408xi32, #tpu.memory_space<vmem_shared>>
      %dma_wait3A_446 = arith.constant 0 : i32
      %dma_wait3A_447 = tpu.memref_slice %arg8[%run_scoped3A_389, %dma_wait3A_446] : memref<16x1408xi32, #tpu.memory_space<vmem>> -> memref<1x1408xi32, #tpu.memory_space<vmem>>
      %dma_wait3A_448 = tpu.memref_squeeze %dma_wait3A_447 : memref<1x1408xi32, #tpu.memory_space<vmem>> -> memref<1408xi32, #tpu.memory_space<vmem>>
      %dma_wait3A_449 = tpu.memref_slice %arg10[%run_scoped3A_388, %mul3A_387] : memref<16x22528xi32, #tpu.memory_space<vmem_shared>> -> memref<1x1408xi32, #tpu.memory_space<vmem_shared>>
      %dma_wait3A_450 = tpu.memref_squeeze %dma_wait3A_449 : memref<1x1408xi32, #tpu.memory_space<vmem_shared>> -> memref<1408xi32, #tpu.memory_space<vmem_shared>>
      tpu.wait_dma2 semaphore(%run_scoped3A_430 : memref<!tpu.dma_semaphore, #tpu.memory_space<semaphore_mem>>) src(%dma_wait3A_450 : memref<1408xi32, #tpu.memory_space<vmem_shared>>) dst(%dma_wait3A_448 : memref<1408xi32, #tpu.memory_space<vmem>>)
      tpu.yield
    }) : () -> ()
    %mul3A_390 = arith.constant 1408 : i32
    %mul3A_391 = arith.muli %arg1, %mul3A_390 : i32
    %run_scoped3A_392 = arith.constant 8 : i32
    %run_scoped3A_393 = arith.constant 8 : i32
    "tpu.region"() ({
      %run_scoped3A_430 = tpu.sem_alloc : memref<!tpu.dma_semaphore, #tpu.memory_space<semaphore_mem>>
      %dma_start3A_431 = arith.constant 0 : i32
      %dma_start3A_432 = tpu.memref_slice %arg8[%run_scoped3A_393, %dma_start3A_431] : memref<16x1408xi32, #tpu.memory_space<vmem>> -> memref<1x1408xi32, #tpu.memory_space<vmem>>
      %dma_start3A_433 = tpu.memref_squeeze %dma_start3A_432 : memref<1x1408xi32, #tpu.memory_space<vmem>> -> memref<1408xi32, #tpu.memory_space<vmem>>
      %dma_start3A_434 = tpu.memref_slice %arg10[%run_scoped3A_392, %mul3A_391] : memref<16x22528xi32, #tpu.memory_space<vmem_shared>> -> memref<1x1408xi32, #tpu.memory_space<vmem_shared>>
      %dma_start3A_435 = tpu.memref_squeeze %dma_start3A_434 : memref<1x1408xi32, #tpu.memory_space<vmem_shared>> -> memref<1408xi32, #tpu.memory_space<vmem_shared>>
      %dma_start3A_436 = arith.constant 0 : i32
      %dma_start3A_437 = tpu.memref_slice %arg8[%run_scoped3A_393, %dma_start3A_436] : memref<16x1408xi32, #tpu.memory_space<vmem>> -> memref<1x1408xi32, #tpu.memory_space<vmem>>
      %dma_start3A_438 = tpu.memref_squeeze %dma_start3A_437 : memref<1x1408xi32, #tpu.memory_space<vmem>> -> memref<1408xi32, #tpu.memory_space<vmem>>
      %dma_start3A_439 = tpu.memref_slice %arg10[%run_scoped3A_392, %mul3A_391] : memref<16x22528xi32, #tpu.memory_space<vmem_shared>> -> memref<1x1408xi32, #tpu.memory_space<vmem_shared>>
      %dma_start3A_440 = tpu.memref_squeeze %dma_start3A_439 : memref<1x1408xi32, #tpu.memory_space<vmem_shared>> -> memref<1408xi32, #tpu.memory_space<vmem_shared>>
      tpu.enqueue_dma source(%dma_start3A_440 : memref<1408xi32, #tpu.memory_space<vmem_shared>>) target(%dma_start3A_438 : memref<1408xi32, #tpu.memory_space<vmem>>) target_semaphore(%run_scoped3A_430 : memref<!tpu.dma_semaphore, #tpu.memory_space<semaphore_mem>>)
      %dma_wait3A_441 = arith.constant 0 : i32
      %dma_wait3A_442 = tpu.memref_slice %arg8[%run_scoped3A_393, %dma_wait3A_441] : memref<16x1408xi32, #tpu.memory_space<vmem>> -> memref<1x1408xi32, #tpu.memory_space<vmem>>
      %dma_wait3A_443 = tpu.memref_squeeze %dma_wait3A_442 : memref<1x1408xi32, #tpu.memory_space<vmem>> -> memref<1408xi32, #tpu.memory_space<vmem>>
      %dma_wait3A_444 = tpu.memref_slice %arg10[%run_scoped3A_392, %mul3A_391] : memref<16x22528xi32, #tpu.memory_space<vmem_shared>> -> memref<1x1408xi32, #tpu.memory_space<vmem_shared>>
      %dma_wait3A_445 = tpu.memref_squeeze %dma_wait3A_444 : memref<1x1408xi32, #tpu.memory_space<vmem_shared>> -> memref<1408xi32, #tpu.memory_space<vmem_shared>>
      %dma_wait3A_446 = arith.constant 0 : i32
      %dma_wait3A_447 = tpu.memref_slice %arg8[%run_scoped3A_393, %dma_wait3A_446] : memref<16x1408xi32, #tpu.memory_space<vmem>> -> memref<1x1408xi32, #tpu.memory_space<vmem>>
      %dma_wait3A_448 = tpu.memref_squeeze %dma_wait3A_447 : memref<1x1408xi32, #tpu.memory_space<vmem>> -> memref<1408xi32, #tpu.memory_space<vmem>>
      %dma_wait3A_449 = tpu.memref_slice %arg10[%run_scoped3A_392, %mul3A_391] : memref<16x22528xi32, #tpu.memory_space<vmem_shared>> -> memref<1x1408xi32, #tpu.memory_space<vmem_shared>>
      %dma_wait3A_450 = tpu.memref_squeeze %dma_wait3A_449 : memref<1x1408xi32, #tpu.memory_space<vmem_shared>> -> memref<1408xi32, #tpu.memory_space<vmem_shared>>
      tpu.wait_dma2 semaphore(%run_scoped3A_430 : memref<!tpu.dma_semaphore, #tpu.memory_space<semaphore_mem>>) src(%dma_wait3A_450 : memref<1408xi32, #tpu.memory_space<vmem_shared>>) dst(%dma_wait3A_448 : memref<1408xi32, #tpu.memory_space<vmem>>)
      tpu.yield
    }) : () -> ()
    %mul3A_394 = arith.constant 1408 : i32
    %mul3A_395 = arith.muli %arg1, %mul3A_394 : i32
    %run_scoped3A_396 = arith.constant 9 : i32
    %run_scoped3A_397 = arith.constant 9 : i32
    "tpu.region"() ({
      %run_scoped3A_430 = tpu.sem_alloc : memref<!tpu.dma_semaphore, #tpu.memory_space<semaphore_mem>>
      %dma_start3A_431 = arith.constant 0 : i32
      %dma_start3A_432 = tpu.memref_slice %arg8[%run_scoped3A_397, %dma_start3A_431] : memref<16x1408xi32, #tpu.memory_space<vmem>> -> memref<1x1408xi32, #tpu.memory_space<vmem>>
      %dma_start3A_433 = tpu.memref_squeeze %dma_start3A_432 : memref<1x1408xi32, #tpu.memory_space<vmem>> -> memref<1408xi32, #tpu.memory_space<vmem>>
      %dma_start3A_434 = tpu.memref_slice %arg10[%run_scoped3A_396, %mul3A_395] : memref<16x22528xi32, #tpu.memory_space<vmem_shared>> -> memref<1x1408xi32, #tpu.memory_space<vmem_shared>>
      %dma_start3A_435 = tpu.memref_squeeze %dma_start3A_434 : memref<1x1408xi32, #tpu.memory_space<vmem_shared>> -> memref<1408xi32, #tpu.memory_space<vmem_shared>>
      %dma_start3A_436 = arith.constant 0 : i32
      %dma_start3A_437 = tpu.memref_slice %arg8[%run_scoped3A_397, %dma_start3A_436] : memref<16x1408xi32, #tpu.memory_space<vmem>> -> memref<1x1408xi32, #tpu.memory_space<vmem>>
      %dma_start3A_438 = tpu.memref_squeeze %dma_start3A_437 : memref<1x1408xi32, #tpu.memory_space<vmem>> -> memref<1408xi32, #tpu.memory_space<vmem>>
      %dma_start3A_439 = tpu.memref_slice %arg10[%run_scoped3A_396, %mul3A_395] : memref<16x22528xi32, #tpu.memory_space<vmem_shared>> -> memref<1x1408xi32, #tpu.memory_space<vmem_shared>>
      %dma_start3A_440 = tpu.memref_squeeze %dma_start3A_439 : memref<1x1408xi32, #tpu.memory_space<vmem_shared>> -> memref<1408xi32, #tpu.memory_space<vmem_shared>>
      tpu.enqueue_dma source(%dma_start3A_440 : memref<1408xi32, #tpu.memory_space<vmem_shared>>) target(%dma_start3A_438 : memref<1408xi32, #tpu.memory_space<vmem>>) target_semaphore(%run_scoped3A_430 : memref<!tpu.dma_semaphore, #tpu.memory_space<semaphore_mem>>)
      %dma_wait3A_441 = arith.constant 0 : i32
      %dma_wait3A_442 = tpu.memref_slice %arg8[%run_scoped3A_397, %dma_wait3A_441] : memref<16x1408xi32, #tpu.memory_space<vmem>> -> memref<1x1408xi32, #tpu.memory_space<vmem>>
      %dma_wait3A_443 = tpu.memref_squeeze %dma_wait3A_442 : memref<1x1408xi32, #tpu.memory_space<vmem>> -> memref<1408xi32, #tpu.memory_space<vmem>>
      %dma_wait3A_444 = tpu.memref_slice %arg10[%run_scoped3A_396, %mul3A_395] : memref<16x22528xi32, #tpu.memory_space<vmem_shared>> -> memref<1x1408xi32, #tpu.memory_space<vmem_shared>>
      %dma_wait3A_445 = tpu.memref_squeeze %dma_wait3A_444 : memref<1x1408xi32, #tpu.memory_space<vmem_shared>> -> memref<1408xi32, #tpu.memory_space<vmem_shared>>
      %dma_wait3A_446 = arith.constant 0 : i32
      %dma_wait3A_447 = tpu.memref_slice %arg8[%run_scoped3A_397, %dma_wait3A_446] : memref<16x1408xi32, #tpu.memory_space<vmem>> -> memref<1x1408xi32, #tpu.memory_space<vmem>>
      %dma_wait3A_448 = tpu.memref_squeeze %dma_wait3A_447 : memref<1x1408xi32, #tpu.memory_space<vmem>> -> memref<1408xi32, #tpu.memory_space<vmem>>
      %dma_wait3A_449 = tpu.memref_slice %arg10[%run_scoped3A_396, %mul3A_395] : memref<16x22528xi32, #tpu.memory_space<vmem_shared>> -> memref<1x1408xi32, #tpu.memory_space<vmem_shared>>
      %dma_wait3A_450 = tpu.memref_squeeze %dma_wait3A_449 : memref<1x1408xi32, #tpu.memory_space<vmem_shared>> -> memref<1408xi32, #tpu.memory_space<vmem_shared>>
      tpu.wait_dma2 semaphore(%run_scoped3A_430 : memref<!tpu.dma_semaphore, #tpu.memory_space<semaphore_mem>>) src(%dma_wait3A_450 : memref<1408xi32, #tpu.memory_space<vmem_shared>>) dst(%dma_wait3A_448 : memref<1408xi32, #tpu.memory_space<vmem>>)
      tpu.yield
    }) : () -> ()
    %mul3A_398 = arith.constant 1408 : i32
    %mul3A_399 = arith.muli %arg1, %mul3A_398 : i32
    %run_scoped3A_400 = arith.constant 10 : i32
    %run_scoped3A_401 = arith.constant 10 : i32
    "tpu.region"() ({
      %run_scoped3A_430 = tpu.sem_alloc : memref<!tpu.dma_semaphore, #tpu.memory_space<semaphore_mem>>
      %dma_start3A_431 = arith.constant 0 : i32
      %dma_start3A_432 = tpu.memref_slice %arg8[%run_scoped3A_401, %dma_start3A_431] : memref<16x1408xi32, #tpu.memory_space<vmem>> -> memref<1x1408xi32, #tpu.memory_space<vmem>>
      %dma_start3A_433 = tpu.memref_squeeze %dma_start3A_432 : memref<1x1408xi32, #tpu.memory_space<vmem>> -> memref<1408xi32, #tpu.memory_space<vmem>>
      %dma_start3A_434 = tpu.memref_slice %arg10[%run_scoped3A_400, %mul3A_399] : memref<16x22528xi32, #tpu.memory_space<vmem_shared>> -> memref<1x1408xi32, #tpu.memory_space<vmem_shared>>
      %dma_start3A_435 = tpu.memref_squeeze %dma_start3A_434 : memref<1x1408xi32, #tpu.memory_space<vmem_shared>> -> memref<1408xi32, #tpu.memory_space<vmem_shared>>
      %dma_start3A_436 = arith.constant 0 : i32
      %dma_start3A_437 = tpu.memref_slice %arg8[%run_scoped3A_401, %dma_start3A_436] : memref<16x1408xi32, #tpu.memory_space<vmem>> -> memref<1x1408xi32, #tpu.memory_space<vmem>>
      %dma_start3A_438 = tpu.memref_squeeze %dma_start3A_437 : memref<1x1408xi32, #tpu.memory_space<vmem>> -> memref<1408xi32, #tpu.memory_space<vmem>>
      %dma_start3A_439 = tpu.memref_slice %arg10[%run_scoped3A_400, %mul3A_399] : memref<16x22528xi32, #tpu.memory_space<vmem_shared>> -> memref<1x1408xi32, #tpu.memory_space<vmem_shared>>
      %dma_start3A_440 = tpu.memref_squeeze %dma_start3A_439 : memref<1x1408xi32, #tpu.memory_space<vmem_shared>> -> memref<1408xi32, #tpu.memory_space<vmem_shared>>
      tpu.enqueue_dma source(%dma_start3A_440 : memref<1408xi32, #tpu.memory_space<vmem_shared>>) target(%dma_start3A_438 : memref<1408xi32, #tpu.memory_space<vmem>>) target_semaphore(%run_scoped3A_430 : memref<!tpu.dma_semaphore, #tpu.memory_space<semaphore_mem>>)
      %dma_wait3A_441 = arith.constant 0 : i32
      %dma_wait3A_442 = tpu.memref_slice %arg8[%run_scoped3A_401, %dma_wait3A_441] : memref<16x1408xi32, #tpu.memory_space<vmem>> -> memref<1x1408xi32, #tpu.memory_space<vmem>>
      %dma_wait3A_443 = tpu.memref_squeeze %dma_wait3A_442 : memref<1x1408xi32, #tpu.memory_space<vmem>> -> memref<1408xi32, #tpu.memory_space<vmem>>
      %dma_wait3A_444 = tpu.memref_slice %arg10[%run_scoped3A_400, %mul3A_399] : memref<16x22528xi32, #tpu.memory_space<vmem_shared>> -> memref<1x1408xi32, #tpu.memory_space<vmem_shared>>
      %dma_wait3A_445 = tpu.memref_squeeze %dma_wait3A_444 : memref<1x1408xi32, #tpu.memory_space<vmem_shared>> -> memref<1408xi32, #tpu.memory_space<vmem_shared>>
      %dma_wait3A_446 = arith.constant 0 : i32
      %dma_wait3A_447 = tpu.memref_slice %arg8[%run_scoped3A_401, %dma_wait3A_446] : memref<16x1408xi32, #tpu.memory_space<vmem>> -> memref<1x1408xi32, #tpu.memory_space<vmem>>
      %dma_wait3A_448 = tpu.memref_squeeze %dma_wait3A_447 : memref<1x1408xi32, #tpu.memory_space<vmem>> -> memref<1408xi32, #tpu.memory_space<vmem>>
      %dma_wait3A_449 = tpu.memref_slice %arg10[%run_scoped3A_400, %mul3A_399] : memref<16x22528xi32, #tpu.memory_space<vmem_shared>> -> memref<1x1408xi32, #tpu.memory_space<vmem_shared>>
      %dma_wait3A_450 = tpu.memref_squeeze %dma_wait3A_449 : memref<1x1408xi32, #tpu.memory_space<vmem_shared>> -> memref<1408xi32, #tpu.memory_space<vmem_shared>>
      tpu.wait_dma2 semaphore(%run_scoped3A_430 : memref<!tpu.dma_semaphore, #tpu.memory_space<semaphore_mem>>) src(%dma_wait3A_450 : memref<1408xi32, #tpu.memory_space<vmem_shared>>) dst(%dma_wait3A_448 : memref<1408xi32, #tpu.memory_space<vmem>>)
      tpu.yield
    }) : () -> ()
    %mul3A_402 = arith.constant 1408 : i32
    %mul3A_403 = arith.muli %arg1, %mul3A_402 : i32
    %run_scoped3A_404 = arith.constant 11 : i32
    %run_scoped3A_405 = arith.constant 11 : i32
    "tpu.region"() ({
      %run_scoped3A_430 = tpu.sem_alloc : memref<!tpu.dma_semaphore, #tpu.memory_space<semaphore_mem>>
      %dma_start3A_431 = arith.constant 0 : i32
      %dma_start3A_432 = tpu.memref_slice %arg8[%run_scoped3A_405, %dma_start3A_431] : memref<16x1408xi32, #tpu.memory_space<vmem>> -> memref<1x1408xi32, #tpu.memory_space<vmem>>
      %dma_start3A_433 = tpu.memref_squeeze %dma_start3A_432 : memref<1x1408xi32, #tpu.memory_space<vmem>> -> memref<1408xi32, #tpu.memory_space<vmem>>
      %dma_start3A_434 = tpu.memref_slice %arg10[%run_scoped3A_404, %mul3A_403] : memref<16x22528xi32, #tpu.memory_space<vmem_shared>> -> memref<1x1408xi32, #tpu.memory_space<vmem_shared>>
      %dma_start3A_435 = tpu.memref_squeeze %dma_start3A_434 : memref<1x1408xi32, #tpu.memory_space<vmem_shared>> -> memref<1408xi32, #tpu.memory_space<vmem_shared>>
      %dma_start3A_436 = arith.constant 0 : i32
      %dma_start3A_437 = tpu.memref_slice %arg8[%run_scoped3A_405, %dma_start3A_436] : memref<16x1408xi32, #tpu.memory_space<vmem>> -> memref<1x1408xi32, #tpu.memory_space<vmem>>
      %dma_start3A_438 = tpu.memref_squeeze %dma_start3A_437 : memref<1x1408xi32, #tpu.memory_space<vmem>> -> memref<1408xi32, #tpu.memory_space<vmem>>
      %dma_start3A_439 = tpu.memref_slice %arg10[%run_scoped3A_404, %mul3A_403] : memref<16x22528xi32, #tpu.memory_space<vmem_shared>> -> memref<1x1408xi32, #tpu.memory_space<vmem_shared>>
      %dma_start3A_440 = tpu.memref_squeeze %dma_start3A_439 : memref<1x1408xi32, #tpu.memory_space<vmem_shared>> -> memref<1408xi32, #tpu.memory_space<vmem_shared>>
      tpu.enqueue_dma source(%dma_start3A_440 : memref<1408xi32, #tpu.memory_space<vmem_shared>>) target(%dma_start3A_438 : memref<1408xi32, #tpu.memory_space<vmem>>) target_semaphore(%run_scoped3A_430 : memref<!tpu.dma_semaphore, #tpu.memory_space<semaphore_mem>>)
      %dma_wait3A_441 = arith.constant 0 : i32
      %dma_wait3A_442 = tpu.memref_slice %arg8[%run_scoped3A_405, %dma_wait3A_441] : memref<16x1408xi32, #tpu.memory_space<vmem>> -> memref<1x1408xi32, #tpu.memory_space<vmem>>
      %dma_wait3A_443 = tpu.memref_squeeze %dma_wait3A_442 : memref<1x1408xi32, #tpu.memory_space<vmem>> -> memref<1408xi32, #tpu.memory_space<vmem>>
      %dma_wait3A_444 = tpu.memref_slice %arg10[%run_scoped3A_404, %mul3A_403] : memref<16x22528xi32, #tpu.memory_space<vmem_shared>> -> memref<1x1408xi32, #tpu.memory_space<vmem_shared>>
      %dma_wait3A_445 = tpu.memref_squeeze %dma_wait3A_444 : memref<1x1408xi32, #tpu.memory_space<vmem_shared>> -> memref<1408xi32, #tpu.memory_space<vmem_shared>>
      %dma_wait3A_446 = arith.constant 0 : i32
      %dma_wait3A_447 = tpu.memref_slice %arg8[%run_scoped3A_405, %dma_wait3A_446] : memref<16x1408xi32, #tpu.memory_space<vmem>> -> memref<1x1408xi32, #tpu.memory_space<vmem>>
      %dma_wait3A_448 = tpu.memref_squeeze %dma_wait3A_447 : memref<1x1408xi32, #tpu.memory_space<vmem>> -> memref<1408xi32, #tpu.memory_space<vmem>>
      %dma_wait3A_449 = tpu.memref_slice %arg10[%run_scoped3A_404, %mul3A_403] : memref<16x22528xi32, #tpu.memory_space<vmem_shared>> -> memref<1x1408xi32, #tpu.memory_space<vmem_shared>>
      %dma_wait3A_450 = tpu.memref_squeeze %dma_wait3A_449 : memref<1x1408xi32, #tpu.memory_space<vmem_shared>> -> memref<1408xi32, #tpu.memory_space<vmem_shared>>
      tpu.wait_dma2 semaphore(%run_scoped3A_430 : memref<!tpu.dma_semaphore, #tpu.memory_space<semaphore_mem>>) src(%dma_wait3A_450 : memref<1408xi32, #tpu.memory_space<vmem_shared>>) dst(%dma_wait3A_448 : memref<1408xi32, #tpu.memory_space<vmem>>)
      tpu.yield
    }) : () -> ()
    %mul3A_406 = arith.constant 1408 : i32
    %mul3A_407 = arith.muli %arg1, %mul3A_406 : i32
    %run_scoped3A_408 = arith.constant 12 : i32
    %run_scoped3A_409 = arith.constant 12 : i32
    "tpu.region"() ({
      %run_scoped3A_430 = tpu.sem_alloc : memref<!tpu.dma_semaphore, #tpu.memory_space<semaphore_mem>>
      %dma_start3A_431 = arith.constant 0 : i32
      %dma_start3A_432 = tpu.memref_slice %arg8[%run_scoped3A_409, %dma_start3A_431] : memref<16x1408xi32, #tpu.memory_space<vmem>> -> memref<1x1408xi32, #tpu.memory_space<vmem>>
      %dma_start3A_433 = tpu.memref_squeeze %dma_start3A_432 : memref<1x1408xi32, #tpu.memory_space<vmem>> -> memref<1408xi32, #tpu.memory_space<vmem>>
      %dma_start3A_434 = tpu.memref_slice %arg10[%run_scoped3A_408, %mul3A_407] : memref<16x22528xi32, #tpu.memory_space<vmem_shared>> -> memref<1x1408xi32, #tpu.memory_space<vmem_shared>>
      %dma_start3A_435 = tpu.memref_squeeze %dma_start3A_434 : memref<1x1408xi32, #tpu.memory_space<vmem_shared>> -> memref<1408xi32, #tpu.memory_space<vmem_shared>>
      %dma_start3A_436 = arith.constant 0 : i32
      %dma_start3A_437 = tpu.memref_slice %arg8[%run_scoped3A_409, %dma_start3A_436] : memref<16x1408xi32, #tpu.memory_space<vmem>> -> memref<1x1408xi32, #tpu.memory_space<vmem>>
      %dma_start3A_438 = tpu.memref_squeeze %dma_start3A_437 : memref<1x1408xi32, #tpu.memory_space<vmem>> -> memref<1408xi32, #tpu.memory_space<vmem>>
      %dma_start3A_439 = tpu.memref_slice %arg10[%run_scoped3A_408, %mul3A_407] : memref<16x22528xi32, #tpu.memory_space<vmem_shared>> -> memref<1x1408xi32, #tpu.memory_space<vmem_shared>>
      %dma_start3A_440 = tpu.memref_squeeze %dma_start3A_439 : memref<1x1408xi32, #tpu.memory_space<vmem_shared>> -> memref<1408xi32, #tpu.memory_space<vmem_shared>>
      tpu.enqueue_dma source(%dma_start3A_440 : memref<1408xi32, #tpu.memory_space<vmem_shared>>) target(%dma_start3A_438 : memref<1408xi32, #tpu.memory_space<vmem>>) target_semaphore(%run_scoped3A_430 : memref<!tpu.dma_semaphore, #tpu.memory_space<semaphore_mem>>)
      %dma_wait3A_441 = arith.constant 0 : i32
      %dma_wait3A_442 = tpu.memref_slice %arg8[%run_scoped3A_409, %dma_wait3A_441] : memref<16x1408xi32, #tpu.memory_space<vmem>> -> memref<1x1408xi32, #tpu.memory_space<vmem>>
      %dma_wait3A_443 = tpu.memref_squeeze %dma_wait3A_442 : memref<1x1408xi32, #tpu.memory_space<vmem>> -> memref<1408xi32, #tpu.memory_space<vmem>>
      %dma_wait3A_444 = tpu.memref_slice %arg10[%run_scoped3A_408, %mul3A_407] : memref<16x22528xi32, #tpu.memory_space<vmem_shared>> -> memref<1x1408xi32, #tpu.memory_space<vmem_shared>>
      %dma_wait3A_445 = tpu.memref_squeeze %dma_wait3A_444 : memref<1x1408xi32, #tpu.memory_space<vmem_shared>> -> memref<1408xi32, #tpu.memory_space<vmem_shared>>
      %dma_wait3A_446 = arith.constant 0 : i32
      %dma_wait3A_447 = tpu.memref_slice %arg8[%run_scoped3A_409, %dma_wait3A_446] : memref<16x1408xi32, #tpu.memory_space<vmem>> -> memref<1x1408xi32, #tpu.memory_space<vmem>>
      %dma_wait3A_448 = tpu.memref_squeeze %dma_wait3A_447 : memref<1x1408xi32, #tpu.memory_space<vmem>> -> memref<1408xi32, #tpu.memory_space<vmem>>
      %dma_wait3A_449 = tpu.memref_slice %arg10[%run_scoped3A_408, %mul3A_407] : memref<16x22528xi32, #tpu.memory_space<vmem_shared>> -> memref<1x1408xi32, #tpu.memory_space<vmem_shared>>
      %dma_wait3A_450 = tpu.memref_squeeze %dma_wait3A_449 : memref<1x1408xi32, #tpu.memory_space<vmem_shared>> -> memref<1408xi32, #tpu.memory_space<vmem_shared>>
      tpu.wait_dma2 semaphore(%run_scoped3A_430 : memref<!tpu.dma_semaphore, #tpu.memory_space<semaphore_mem>>) src(%dma_wait3A_450 : memref<1408xi32, #tpu.memory_space<vmem_shared>>) dst(%dma_wait3A_448 : memref<1408xi32, #tpu.memory_space<vmem>>)
      tpu.yield
    }) : () -> ()
    %mul3A_410 = arith.constant 1408 : i32
    %mul3A_411 = arith.muli %arg1, %mul3A_410 : i32
    %run_scoped3A_412 = arith.constant 13 : i32
    %run_scoped3A_413 = arith.constant 13 : i32
    "tpu.region"() ({
      %run_scoped3A_430 = tpu.sem_alloc : memref<!tpu.dma_semaphore, #tpu.memory_space<semaphore_mem>>
      %dma_start3A_431 = arith.constant 0 : i32
      %dma_start3A_432 = tpu.memref_slice %arg8[%run_scoped3A_413, %dma_start3A_431] : memref<16x1408xi32, #tpu.memory_space<vmem>> -> memref<1x1408xi32, #tpu.memory_space<vmem>>
      %dma_start3A_433 = tpu.memref_squeeze %dma_start3A_432 : memref<1x1408xi32, #tpu.memory_space<vmem>> -> memref<1408xi32, #tpu.memory_space<vmem>>
      %dma_start3A_434 = tpu.memref_slice %arg10[%run_scoped3A_412, %mul3A_411] : memref<16x22528xi32, #tpu.memory_space<vmem_shared>> -> memref<1x1408xi32, #tpu.memory_space<vmem_shared>>
      %dma_start3A_435 = tpu.memref_squeeze %dma_start3A_434 : memref<1x1408xi32, #tpu.memory_space<vmem_shared>> -> memref<1408xi32, #tpu.memory_space<vmem_shared>>
      %dma_start3A_436 = arith.constant 0 : i32
      %dma_start3A_437 = tpu.memref_slice %arg8[%run_scoped3A_413, %dma_start3A_436] : memref<16x1408xi32, #tpu.memory_space<vmem>> -> memref<1x1408xi32, #tpu.memory_space<vmem>>
      %dma_start3A_438 = tpu.memref_squeeze %dma_start3A_437 : memref<1x1408xi32, #tpu.memory_space<vmem>> -> memref<1408xi32, #tpu.memory_space<vmem>>
      %dma_start3A_439 = tpu.memref_slice %arg10[%run_scoped3A_412, %mul3A_411] : memref<16x22528xi32, #tpu.memory_space<vmem_shared>> -> memref<1x1408xi32, #tpu.memory_space<vmem_shared>>
      %dma_start3A_440 = tpu.memref_squeeze %dma_start3A_439 : memref<1x1408xi32, #tpu.memory_space<vmem_shared>> -> memref<1408xi32, #tpu.memory_space<vmem_shared>>
      tpu.enqueue_dma source(%dma_start3A_440 : memref<1408xi32, #tpu.memory_space<vmem_shared>>) target(%dma_start3A_438 : memref<1408xi32, #tpu.memory_space<vmem>>) target_semaphore(%run_scoped3A_430 : memref<!tpu.dma_semaphore, #tpu.memory_space<semaphore_mem>>)
      %dma_wait3A_441 = arith.constant 0 : i32
      %dma_wait3A_442 = tpu.memref_slice %arg8[%run_scoped3A_413, %dma_wait3A_441] : memref<16x1408xi32, #tpu.memory_space<vmem>> -> memref<1x1408xi32, #tpu.memory_space<vmem>>
      %dma_wait3A_443 = tpu.memref_squeeze %dma_wait3A_442 : memref<1x1408xi32, #tpu.memory_space<vmem>> -> memref<1408xi32, #tpu.memory_space<vmem>>
      %dma_wait3A_444 = tpu.memref_slice %arg10[%run_scoped3A_412, %mul3A_411] : memref<16x22528xi32, #tpu.memory_space<vmem_shared>> -> memref<1x1408xi32, #tpu.memory_space<vmem_shared>>
      %dma_wait3A_445 = tpu.memref_squeeze %dma_wait3A_444 : memref<1x1408xi32, #tpu.memory_space<vmem_shared>> -> memref<1408xi32, #tpu.memory_space<vmem_shared>>
      %dma_wait3A_446 = arith.constant 0 : i32
      %dma_wait3A_447 = tpu.memref_slice %arg8[%run_scoped3A_413, %dma_wait3A_446] : memref<16x1408xi32, #tpu.memory_space<vmem>> -> memref<1x1408xi32, #tpu.memory_space<vmem>>
      %dma_wait3A_448 = tpu.memref_squeeze %dma_wait3A_447 : memref<1x1408xi32, #tpu.memory_space<vmem>> -> memref<1408xi32, #tpu.memory_space<vmem>>
      %dma_wait3A_449 = tpu.memref_slice %arg10[%run_scoped3A_412, %mul3A_411] : memref<16x22528xi32, #tpu.memory_space<vmem_shared>> -> memref<1x1408xi32, #tpu.memory_space<vmem_shared>>
      %dma_wait3A_450 = tpu.memref_squeeze %dma_wait3A_449 : memref<1x1408xi32, #tpu.memory_space<vmem_shared>> -> memref<1408xi32, #tpu.memory_space<vmem_shared>>
      tpu.wait_dma2 semaphore(%run_scoped3A_430 : memref<!tpu.dma_semaphore, #tpu.memory_space<semaphore_mem>>) src(%dma_wait3A_450 : memref<1408xi32, #tpu.memory_space<vmem_shared>>) dst(%dma_wait3A_448 : memref<1408xi32, #tpu.memory_space<vmem>>)
      tpu.yield
    }) : () -> ()
    %mul3A_414 = arith.constant 1408 : i32
    %mul3A_415 = arith.muli %arg1, %mul3A_414 : i32
    %run_scoped3A_416 = arith.constant 14 : i32
    %run_scoped3A_417 = arith.constant 14 : i32
    "tpu.region"() ({
      %run_scoped3A_430 = tpu.sem_alloc : memref<!tpu.dma_semaphore, #tpu.memory_space<semaphore_mem>>
      %dma_start3A_431 = arith.constant 0 : i32
      %dma_start3A_432 = tpu.memref_slice %arg8[%run_scoped3A_417, %dma_start3A_431] : memref<16x1408xi32, #tpu.memory_space<vmem>> -> memref<1x1408xi32, #tpu.memory_space<vmem>>
      %dma_start3A_433 = tpu.memref_squeeze %dma_start3A_432 : memref<1x1408xi32, #tpu.memory_space<vmem>> -> memref<1408xi32, #tpu.memory_space<vmem>>
      %dma_start3A_434 = tpu.memref_slice %arg10[%run_scoped3A_416, %mul3A_415] : memref<16x22528xi32, #tpu.memory_space<vmem_shared>> -> memref<1x1408xi32, #tpu.memory_space<vmem_shared>>
      %dma_start3A_435 = tpu.memref_squeeze %dma_start3A_434 : memref<1x1408xi32, #tpu.memory_space<vmem_shared>> -> memref<1408xi32, #tpu.memory_space<vmem_shared>>
      %dma_start3A_436 = arith.constant 0 : i32
      %dma_start3A_437 = tpu.memref_slice %arg8[%run_scoped3A_417, %dma_start3A_436] : memref<16x1408xi32, #tpu.memory_space<vmem>> -> memref<1x1408xi32, #tpu.memory_space<vmem>>
      %dma_start3A_438 = tpu.memref_squeeze %dma_start3A_437 : memref<1x1408xi32, #tpu.memory_space<vmem>> -> memref<1408xi32, #tpu.memory_space<vmem>>
      %dma_start3A_439 = tpu.memref_slice %arg10[%run_scoped3A_416, %mul3A_415] : memref<16x22528xi32, #tpu.memory_space<vmem_shared>> -> memref<1x1408xi32, #tpu.memory_space<vmem_shared>>
      %dma_start3A_440 = tpu.memref_squeeze %dma_start3A_439 : memref<1x1408xi32, #tpu.memory_space<vmem_shared>> -> memref<1408xi32, #tpu.memory_space<vmem_shared>>
      tpu.enqueue_dma source(%dma_start3A_440 : memref<1408xi32, #tpu.memory_space<vmem_shared>>) target(%dma_start3A_438 : memref<1408xi32, #tpu.memory_space<vmem>>) target_semaphore(%run_scoped3A_430 : memref<!tpu.dma_semaphore, #tpu.memory_space<semaphore_mem>>)
      %dma_wait3A_441 = arith.constant 0 : i32
      %dma_wait3A_442 = tpu.memref_slice %arg8[%run_scoped3A_417, %dma_wait3A_441] : memref<16x1408xi32, #tpu.memory_space<vmem>> -> memref<1x1408xi32, #tpu.memory_space<vmem>>
      %dma_wait3A_443 = tpu.memref_squeeze %dma_wait3A_442 : memref<1x1408xi32, #tpu.memory_space<vmem>> -> memref<1408xi32, #tpu.memory_space<vmem>>
      %dma_wait3A_444 = tpu.memref_slice %arg10[%run_scoped3A_416, %mul3A_415] : memref<16x22528xi32, #tpu.memory_space<vmem_shared>> -> memref<1x1408xi32, #tpu.memory_space<vmem_shared>>
      %dma_wait3A_445 = tpu.memref_squeeze %dma_wait3A_444 : memref<1x1408xi32, #tpu.memory_space<vmem_shared>> -> memref<1408xi32, #tpu.memory_space<vmem_shared>>
      %dma_wait3A_446 = arith.constant 0 : i32
      %dma_wait3A_447 = tpu.memref_slice %arg8[%run_scoped3A_417, %dma_wait3A_446] : memref<16x1408xi32, #tpu.memory_space<vmem>> -> memref<1x1408xi32, #tpu.memory_space<vmem>>
      %dma_wait3A_448 = tpu.memref_squeeze %dma_wait3A_447 : memref<1x1408xi32, #tpu.memory_space<vmem>> -> memref<1408xi32, #tpu.memory_space<vmem>>
      %dma_wait3A_449 = tpu.memref_slice %arg10[%run_scoped3A_416, %mul3A_415] : memref<16x22528xi32, #tpu.memory_space<vmem_shared>> -> memref<1x1408xi32, #tpu.memory_space<vmem_shared>>
      %dma_wait3A_450 = tpu.memref_squeeze %dma_wait3A_449 : memref<1x1408xi32, #tpu.memory_space<vmem_shared>> -> memref<1408xi32, #tpu.memory_space<vmem_shared>>
      tpu.wait_dma2 semaphore(%run_scoped3A_430 : memref<!tpu.dma_semaphore, #tpu.memory_space<semaphore_mem>>) src(%dma_wait3A_450 : memref<1408xi32, #tpu.memory_space<vmem_shared>>) dst(%dma_wait3A_448 : memref<1408xi32, #tpu.memory_space<vmem>>)
      tpu.yield
    }) : () -> ()
    %mul3A_418 = arith.constant 1408 : i32
    %mul3A_419 = arith.muli %arg1, %mul3A_418 : i32
    %run_scoped3A_420 = arith.constant 15 : i32
    %run_scoped3A_421 = arith.constant 15 : i32
    "tpu.region"() ({
      %run_scoped3A_430 = tpu.sem_alloc : memref<!tpu.dma_semaphore, #tpu.memory_space<semaphore_mem>>
      %dma_start3A_431 = arith.constant 0 : i32
      %dma_start3A_432 = tpu.memref_slice %arg8[%run_scoped3A_421, %dma_start3A_431] : memref<16x1408xi32, #tpu.memory_space<vmem>> -> memref<1x1408xi32, #tpu.memory_space<vmem>>
      %dma_start3A_433 = tpu.memref_squeeze %dma_start3A_432 : memref<1x1408xi32, #tpu.memory_space<vmem>> -> memref<1408xi32, #tpu.memory_space<vmem>>
      %dma_start3A_434 = tpu.memref_slice %arg10[%run_scoped3A_420, %mul3A_419] : memref<16x22528xi32, #tpu.memory_space<vmem_shared>> -> memref<1x1408xi32, #tpu.memory_space<vmem_shared>>
      %dma_start3A_435 = tpu.memref_squeeze %dma_start3A_434 : memref<1x1408xi32, #tpu.memory_space<vmem_shared>> -> memref<1408xi32, #tpu.memory_space<vmem_shared>>
      %dma_start3A_436 = arith.constant 0 : i32
      %dma_start3A_437 = tpu.memref_slice %arg8[%run_scoped3A_421, %dma_start3A_436] : memref<16x1408xi32, #tpu.memory_space<vmem>> -> memref<1x1408xi32, #tpu.memory_space<vmem>>
      %dma_start3A_438 = tpu.memref_squeeze %dma_start3A_437 : memref<1x1408xi32, #tpu.memory_space<vmem>> -> memref<1408xi32, #tpu.memory_space<vmem>>
      %dma_start3A_439 = tpu.memref_slice %arg10[%run_scoped3A_420, %mul3A_419] : memref<16x22528xi32, #tpu.memory_space<vmem_shared>> -> memref<1x1408xi32, #tpu.memory_space<vmem_shared>>
      %dma_start3A_440 = tpu.memref_squeeze %dma_start3A_439 : memref<1x1408xi32, #tpu.memory_space<vmem_shared>> -> memref<1408xi32, #tpu.memory_space<vmem_shared>>
      tpu.enqueue_dma source(%dma_start3A_440 : memref<1408xi32, #tpu.memory_space<vmem_shared>>) target(%dma_start3A_438 : memref<1408xi32, #tpu.memory_space<vmem>>) target_semaphore(%run_scoped3A_430 : memref<!tpu.dma_semaphore, #tpu.memory_space<semaphore_mem>>)
      %dma_wait3A_441 = arith.constant 0 : i32
      %dma_wait3A_442 = tpu.memref_slice %arg8[%run_scoped3A_421, %dma_wait3A_441] : memref<16x1408xi32, #tpu.memory_space<vmem>> -> memref<1x1408xi32, #tpu.memory_space<vmem>>
      %dma_wait3A_443 = tpu.memref_squeeze %dma_wait3A_442 : memref<1x1408xi32, #tpu.memory_space<vmem>> -> memref<1408xi32, #tpu.memory_space<vmem>>
      %dma_wait3A_444 = tpu.memref_slice %arg10[%run_scoped3A_420, %mul3A_419] : memref<16x22528xi32, #tpu.memory_space<vmem_shared>> -> memref<1x1408xi32, #tpu.memory_space<vmem_shared>>
      %dma_wait3A_445 = tpu.memref_squeeze %dma_wait3A_444 : memref<1x1408xi32, #tpu.memory_space<vmem_shared>> -> memref<1408xi32, #tpu.memory_space<vmem_shared>>
      %dma_wait3A_446 = arith.constant 0 : i32
      %dma_wait3A_447 = tpu.memref_slice %arg8[%run_scoped3A_421, %dma_wait3A_446] : memref<16x1408xi32, #tpu.memory_space<vmem>> -> memref<1x1408xi32, #tpu.memory_space<vmem>>
      %dma_wait3A_448 = tpu.memref_squeeze %dma_wait3A_447 : memref<1x1408xi32, #tpu.memory_space<vmem>> -> memref<1408xi32, #tpu.memory_space<vmem>>
      %dma_wait3A_449 = tpu.memref_slice %arg10[%run_scoped3A_420, %mul3A_419] : memref<16x22528xi32, #tpu.memory_space<vmem_shared>> -> memref<1x1408xi32, #tpu.memory_space<vmem_shared>>
      %dma_wait3A_450 = tpu.memref_squeeze %dma_wait3A_449 : memref<1x1408xi32, #tpu.memory_space<vmem_shared>> -> memref<1408xi32, #tpu.memory_space<vmem_shared>>
      tpu.wait_dma2 semaphore(%run_scoped3A_430 : memref<!tpu.dma_semaphore, #tpu.memory_space<semaphore_mem>>) src(%dma_wait3A_450 : memref<1408xi32, #tpu.memory_space<vmem_shared>>) dst(%dma_wait3A_448 : memref<1408xi32, #tpu.memory_space<vmem>>)
      tpu.yield
    }) : () -> ()
    %scan3A_422 = arith.constant 0 : i32
    %scan3A_423 = arith.constant 0 : i32
    %scan3A_424 = arith.constant 88 : i32
    %scan3A_425 = arith.addi %scan3A_423, %scan3A_424 : i32
    %scan3A_426 = arith.constant 1 : i32
    scf.for %scan3A_430 = %scan3A_423 to %scan3A_425 step %scan3A_426  : i32 {
      %mul3A_431 = arith.constant 16 : i32
      %mul3A_432 = arith.muli %scan3A_430, %mul3A_431 : i32
      %get3A = arith.constant 0 : i32
      %get3A_433 = arith.index_cast %get3A : i32 to index
      %get3A_434 = arith.index_cast %mul3A_432 : i32 to index
      %get3A_435 = tpu.vector_load %arg8[%get3A_433, %get3A_434] {strides = array<i32>} : memref<16x1408xi32, #tpu.memory_space<vmem>>, vector<16xi32>,
      %mul3A_436 = arith.constant 16 : i32
      %mul3A_437 = arith.muli %scan3A_430, %mul3A_436 : i32
      %get3A_438 = arith.constant 1 : i32
      %get3A_439 = arith.index_cast %get3A_438 : i32 to index
      %get3A_440 = arith.index_cast %mul3A_437 : i32 to index
      %get3A_441 = tpu.vector_load %arg8[%get3A_439, %get3A_440] {strides = array<i32>} : memref<16x1408xi32, #tpu.memory_space<vmem>>, vector<16xi32>,
      %add3A_442 = arith.addi %get3A_435, %get3A_441 : vector<16xi32>
      %mul3A_443 = arith.constant 16 : i32
      %mul3A_444 = arith.muli %scan3A_430, %mul3A_443 : i32
      %get3A_445 = arith.constant 2 : i32
      %get3A_446 = arith.index_cast %get3A_445 : i32 to index
      %get3A_447 = arith.index_cast %mul3A_444 : i32 to index
      %get3A_448 = tpu.vector_load %arg8[%get3A_446, %get3A_447] {strides = array<i32>} : memref<16x1408xi32, #tpu.memory_space<vmem>>, vector<16xi32>,
      %add3A_449 = arith.addi %add3A_442, %get3A_448 : vector<16xi32>
      %mul3A_450 = arith.constant 16 : i32
      %mul3A_451 = arith.muli %scan3A_430, %mul3A_450 : i32
      %get3A_452 = arith.constant 3 : i32
      %get3A_453 = arith.index_cast %get3A_452 : i32 to index
      %get3A_454 = arith.index_cast %mul3A_451 : i32 to index
      %get3A_455 = tpu.vector_load %arg8[%get3A_453, %get3A_454] {strides = array<i32>} : memref<16x1408xi32, #tpu.memory_space<vmem>>, vector<16xi32>,
      %add3A_456 = arith.addi %add3A_449, %get3A_455 : vector<16xi32>
      %mul3A_457 = arith.constant 16 : i32
      %mul3A_458 = arith.muli %scan3A_430, %mul3A_457 : i32
      %get3A_459 = arith.constant 4 : i32
      %get3A_460 = arith.index_cast %get3A_459 : i32 to index
      %get3A_461 = arith.index_cast %mul3A_458 : i32 to index
      %get3A_462 = tpu.vector_load %arg8[%get3A_460, %get3A_461] {strides = array<i32>} : memref<16x1408xi32, #tpu.memory_space<vmem>>, vector<16xi32>,
      %add3A_463 = arith.addi %add3A_456, %get3A_462 : vector<16xi32>
      %mul3A_464 = arith.constant 16 : i32
      %mul3A_465 = arith.muli %scan3A_430, %mul3A_464 : i32
      %get3A_466 = arith.constant 5 : i32
      %get3A_467 = arith.index_cast %get3A_466 : i32 to index
      %get3A_468 = arith.index_cast %mul3A_465 : i32 to index
      %get3A_469 = tpu.vector_load %arg8[%get3A_467, %get3A_468] {strides = array<i32>} : memref<16x1408xi32, #tpu.memory_space<vmem>>, vector<16xi32>,
      %add3A_470 = arith.addi %add3A_463, %get3A_469 : vector<16xi32>
      %mul3A_471 = arith.constant 16 : i32
      %mul3A_472 = arith.muli %scan3A_430, %mul3A_471 : i32
      %get3A_473 = arith.constant 6 : i32
      %get3A_474 = arith.index_cast %get3A_473 : i32 to index
      %get3A_475 = arith.index_cast %mul3A_472 : i32 to index
      %get3A_476 = tpu.vector_load %arg8[%get3A_474, %get3A_475] {strides = array<i32>} : memref<16x1408xi32, #tpu.memory_space<vmem>>, vector<16xi32>,
      %add3A_477 = arith.addi %add3A_470, %get3A_476 : vector<16xi32>
      %mul3A_478 = arith.constant 16 : i32
      %mul3A_479 = arith.muli %scan3A_430, %mul3A_478 : i32
      %get3A_480 = arith.constant 7 : i32
      %get3A_481 = arith.index_cast %get3A_480 : i32 to index
      %get3A_482 = arith.index_cast %mul3A_479 : i32 to index
      %get3A_483 = tpu.vector_load %arg8[%get3A_481, %get3A_482] {strides = array<i32>} : memref<16x1408xi32, #tpu.memory_space<vmem>>, vector<16xi32>,
      %add3A_484 = arith.addi %add3A_477, %get3A_483 : vector<16xi32>
      %mul3A_485 = arith.constant 16 : i32
      %mul3A_486 = arith.muli %scan3A_430, %mul3A_485 : i32
      %get3A_487 = arith.constant 8 : i32
      %get3A_488 = arith.index_cast %get3A_487 : i32 to index
      %get3A_489 = arith.index_cast %mul3A_486 : i32 to index
      %get3A_490 = tpu.vector_load %arg8[%get3A_488, %get3A_489] {strides = array<i32>} : memref<16x1408xi32, #tpu.memory_space<vmem>>, vector<16xi32>,
      %add3A_491 = arith.addi %add3A_484, %get3A_490 : vector<16xi32>
      %mul3A_492 = arith.constant 16 : i32
      %mul3A_493 = arith.muli %scan3A_430, %mul3A_492 : i32
      %get3A_494 = arith.constant 9 : i32
      %get3A_495 = arith.index_cast %get3A_494 : i32 to index
      %get3A_496 = arith.index_cast %mul3A_493 : i32 to index
      %get3A_497 = tpu.vector_load %arg8[%get3A_495, %get3A_496] {strides = array<i32>} : memref<16x1408xi32, #tpu.memory_space<vmem>>, vector<16xi32>,
      %add3A_498 = arith.addi %add3A_491, %get3A_497 : vector<16xi32>
      %mul3A_499 = arith.constant 16 : i32
      %mul3A_500 = arith.muli %scan3A_430, %mul3A_499 : i32
      %get3A_501 = arith.constant 10 : i32
      %get3A_502 = arith.index_cast %get3A_501 : i32 to index
      %get3A_503 = arith.index_cast %mul3A_500 : i32 to index
      %get3A_504 = tpu.vector_load %arg8[%get3A_502, %get3A_503] {strides = array<i32>} : memref<16x1408xi32, #tpu.memory_space<vmem>>, vector<16xi32>,
      %add3A_505 = arith.addi %add3A_498, %get3A_504 : vector<16xi32>
      %mul3A_506 = arith.constant 16 : i32
      %mul3A_507 = arith.muli %scan3A_430, %mul3A_506 : i32
      %get3A_508 = arith.constant 11 : i32
      %get3A_509 = arith.index_cast %get3A_508 : i32 to index
      %get3A_510 = arith.index_cast %mul3A_507 : i32 to index
      %get3A_511 = tpu.vector_load %arg8[%get3A_509, %get3A_510] {strides = array<i32>} : memref<16x1408xi32, #tpu.memory_space<vmem>>, vector<16xi32>,
      %add3A_512 = arith.addi %add3A_505, %get3A_511 : vector<16xi32>
      %mul3A_513 = arith.constant 16 : i32
      %mul3A_514 = arith.muli %scan3A_430, %mul3A_513 : i32
      %get3A_515 = arith.constant 12 : i32
      %get3A_516 = arith.index_cast %get3A_515 : i32 to index
      %get3A_517 = arith.index_cast %mul3A_514 : i32 to index
      %get3A_518 = tpu.vector_load %arg8[%get3A_516, %get3A_517] {strides = array<i32>} : memref<16x1408xi32, #tpu.memory_space<vmem>>, vector<16xi32>,
      %add3A_519 = arith.addi %add3A_512, %get3A_518 : vector<16xi32>
      %mul3A_520 = arith.constant 16 : i32
      %mul3A_521 = arith.muli %scan3A_430, %mul3A_520 : i32
      %get3A_522 = arith.constant 13 : i32
      %get3A_523 = arith.index_cast %get3A_522 : i32 to index
      %get3A_524 = arith.index_cast %mul3A_521 : i32 to index
      %get3A_525 = tpu.vector_load %arg8[%get3A_523, %get3A_524] {strides = array<i32>} : memref<16x1408xi32, #tpu.memory_space<vmem>>, vector<16xi32>,
      %add3A_526 = arith.addi %add3A_519, %get3A_525 : vector<16xi32>
      %mul3A_527 = arith.constant 16 : i32
      %mul3A_528 = arith.muli %scan3A_430, %mul3A_527 : i32
      %get3A_529 = arith.constant 14 : i32
      %get3A_530 = arith.index_cast %get3A_529 : i32 to index
      %get3A_531 = arith.index_cast %mul3A_528 : i32 to index
      %get3A_532 = tpu.vector_load %arg8[%get3A_530, %get3A_531] {strides = array<i32>} : memref<16x1408xi32, #tpu.memory_space<vmem>>, vector<16xi32>,
      %add3A_533 = arith.addi %add3A_526, %get3A_532 : vector<16xi32>
      %mul3A_534 = arith.constant 16 : i32
      %mul3A_535 = arith.muli %scan3A_430, %mul3A_534 : i32
      %get3A_536 = arith.constant 15 : i32
      %get3A_537 = arith.index_cast %get3A_536 : i32 to index
      %get3A_538 = arith.index_cast %mul3A_535 : i32 to index
      %get3A_539 = tpu.vector_load %arg8[%get3A_537, %get3A_538] {strides = array<i32>} : memref<16x1408xi32, #tpu.memory_space<vmem>>, vector<16xi32>,
      %add3A_540 = arith.addi %add3A_533, %get3A_539 : vector<16xi32>
      %mul3A_541 = arith.constant 16 : i32
      %mul3A_542 = arith.muli %scan3A_430, %mul3A_541 : i32
      %swap3A = arith.index_cast %mul3A_542 : i32 to index
      %swap3A_543 = tpu.vector_load %arg9[%swap3A] {strides = array<i32>} : memref<1408xi32, #tpu.memory_space<vmem>>, vector<16xi32>,
      tpu.vector_store %arg9[%swap3A], %add3A_540 {strides = array<i32>} : memref<1408xi32, #tpu.memory_space<vmem>>, vector<16xi32>,
    }
    %scan3A_427 = arith.constant 88 : i32
    %mul3A_428 = arith.constant 1408 : i32
    %mul3A_429 = arith.muli %arg1, %mul3A_428 : i32
    "tpu.region"() ({
      %run_scoped3A_430 = tpu.sem_alloc : memref<!tpu.dma_semaphore, #tpu.memory_space<semaphore_mem>>
      %dma_start3A_431 = tpu.memref_slice %arg4[%arg0, %mul3A_429] : memref<2x22528xi32, #tpu.memory_space<hbm>> -> memref<1x1408xi32, #tpu.memory_space<hbm>>
      %dma_start3A_432 = tpu.memref_squeeze %dma_start3A_431 : memref<1x1408xi32, #tpu.memory_space<hbm>> -> memref<1408xi32, #tpu.memory_space<hbm>>
      %dma_start3A_433 = tpu.memref_slice %arg4[%arg0, %mul3A_429] : memref<2x22528xi32, #tpu.memory_space<hbm>> -> memref<1x1408xi32, #tpu.memory_space<hbm>>
      %dma_start3A_434 = tpu.memref_squeeze %dma_start3A_433 : memref<1x1408xi32, #tpu.memory_space<hbm>> -> memref<1408xi32, #tpu.memory_space<hbm>>
      tpu.enqueue_dma source(%arg9 : memref<1408xi32, #tpu.memory_space<vmem>>) target(%dma_start3A_434 : memref<1408xi32, #tpu.memory_space<hbm>>) target_semaphore(%run_scoped3A_430 : memref<!tpu.dma_semaphore, #tpu.memory_space<semaphore_mem>>)
      %dma_wait3A_435 = tpu.memref_slice %arg4[%arg0, %mul3A_429] : memref<2x22528xi32, #tpu.memory_space<hbm>> -> memref<1x1408xi32, #tpu.memory_space<hbm>>
      %dma_wait3A_436 = tpu.memref_squeeze %dma_wait3A_435 : memref<1x1408xi32, #tpu.memory_space<hbm>> -> memref<1408xi32, #tpu.memory_space<hbm>>
      %dma_wait3A_437 = tpu.memref_slice %arg4[%arg0, %mul3A_429] : memref<2x22528xi32, #tpu.memory_space<hbm>> -> memref<1x1408xi32, #tpu.memory_space<hbm>>
      %dma_wait3A_438 = tpu.memref_squeeze %dma_wait3A_437 : memref<1x1408xi32, #tpu.memory_space<hbm>> -> memref<1408xi32, #tpu.memory_space<hbm>>
      tpu.wait_dma2 semaphore(%run_scoped3A_430 : memref<!tpu.dma_semaphore, #tpu.memory_space<semaphore_mem>>) src(%arg9 : memref<1408xi32, #tpu.memory_space<vmem>>) dst(%dma_wait3A_438 : memref<1408xi32, #tpu.memory_space<hbm>>)
      tpu.yield
    }) : () -> ()
    return
  }
}

module attributes {stable_mosaic.version = 14 : i64} {
  func.func @_fin_body(%arg0: memref<2x150x150xi32, #tpu.memory_space<vmem>>, %arg1: memref<150x150xf32, #tpu.memory_space<vmem>>, %arg2: memref<150xf32, #tpu.memory_space<vmem>>, %arg3: memref<150xf32, #tpu.memory_space<vmem>>) attributes {dimension_semantics = [], scalar_prefetch = 0 : i64, scratch_operands = 0 : i64, tpu.core_type = #tpu.core_type<tc>} {
    %get3A = arith.constant 0 : index
    %get3A_0 = arith.constant 0 : index
    %get3A_1 = arith.constant 0 : index
    %get3A_2 = vector.load %arg0[%get3A, %get3A_0, %get3A_1] : memref<2x150x150xi32, #tpu.memory_space<vmem>>, vector<2x150x150xi32>
    %convert_element_type3A = arith.sitofp %get3A_2 : vector<2x150x150xi32> to vector<2x150x150xf32>
    %slice3A = vector.extract_strided_slice %convert_element_type3A {offsets = [0, 0, 0], sizes = [1, 150, 150], strides = [1, 1, 1]} : vector<2x150x150xf32> to vector<1x150x150xf32>
    %squeeze3A = vector.shape_cast %slice3A : vector<1x150x150xf32> to vector<150x150xf32>
    %slice3A_3 = vector.extract_strided_slice %convert_element_type3A {offsets = [1, 0, 0], sizes = [1, 150, 150], strides = [1, 1, 1]} : vector<2x150x150xf32> to vector<1x150x150xf32>
    %squeeze3A_4 = vector.shape_cast %slice3A_3 : vector<1x150x150xf32> to vector<150x150xf32>
    %add3A = arith.addf %squeeze3A, %squeeze3A_4 : vector<150x150xf32>
    %reduce_sum3A = arith.constant dense<0.000000e+00> : vector<150xf32>
    %reduce_sum3A_5 = vector.multi_reduction <add>, %add3A, %reduce_sum3A [1] : vector<150x150xf32> to vector<150xf32>
    %reduce_sum3A_6 = arith.constant dense<0.000000e+00> : vector<150xf32>
    %reduce_sum3A_7 = vector.multi_reduction <add>, %add3A, %reduce_sum3A_6 [0] : vector<150x150xf32> to vector<150xf32>
    %iota3A = tpu.iota {dimensions = array<i32: 0>} : vector<150x150xi32>
    %iota3A_8 = tpu.iota {dimensions = array<i32: 1>} : vector<150x150xi32>
    %eq3A = arith.cmpi eq, %iota3A, %iota3A_8 : vector<150x150xi32>
    %jit3A = arith.constant 0.000000e+00 : f32
    %broadcast_in_dim3A = vector.broadcast %jit3A : f32 to vector<150x150xf32>
    %select_n3A = arith.select %eq3A, %add3A, %broadcast_in_dim3A : vector<150x150xi1>, vector<150x150xf32>
    %reduce_sum3A_9 = arith.constant dense<0.000000e+00> : vector<150xf32>
    %reduce_sum3A_10 = vector.multi_reduction <add>, %select_n3A, %reduce_sum3A_9 [1] : vector<150x150xf32> to vector<150xf32>
    %sub3A = arith.subf %reduce_sum3A_5, %reduce_sum3A_10 : vector<150xf32>
    %sub3A_11 = arith.subf %reduce_sum3A_7, %reduce_sum3A_10 : vector<150xf32>
    %swap3A = arith.constant 0 : index
    %swap3A_12 = arith.constant 0 : index
    %swap3A_13 = vector.load %arg1[%swap3A, %swap3A_12] : memref<150x150xf32, #tpu.memory_space<vmem>>, vector<150x150xf32>
    tpu.vector_store %arg1[%swap3A, %swap3A_12], %add3A {strides = array<i32>} : memref<150x150xf32, #tpu.memory_space<vmem>>, vector<150x150xf32>,
    %add3A_14 = arith.addf %reduce_sum3A_10, %sub3A : vector<150xf32>
    %add3A_15 = arith.addf %add3A_14, %sub3A_11 : vector<150xf32>
    %add3A_16 = arith.constant 1.000000e-15 : f32
    %add3A_17 = vector.broadcast %add3A_16 : f32 to vector<150xf32>
    %add3A_18 = arith.addf %add3A_15, %add3A_17 : vector<150xf32>
    %div3A = arith.divf %reduce_sum3A_10, %add3A_18 : vector<150xf32>
    %swap3A_19 = arith.constant 0 : index
    %swap3A_20 = vector.load %arg2[%swap3A_19] : memref<150xf32, #tpu.memory_space<vmem>>, vector<150xf32>
    tpu.vector_store %arg2[%swap3A_19], %div3A {strides = array<i32>} : memref<150xf32, #tpu.memory_space<vmem>>, vector<150xf32>,
    %add3A_21 = arith.addf %reduce_sum3A_10, %sub3A : vector<150xf32>
    %div3A_22 = arith.divf %reduce_sum3A_10, %add3A_21 : vector<150xf32>
    %swap3A_23 = arith.constant 0 : index
    %swap3A_24 = vector.load %arg3[%swap3A_23] : memref<150xf32, #tpu.memory_space<vmem>>, vector<150xf32>
    tpu.vector_store %arg3[%swap3A_23], %div3A_22 {strides = array<i32>} : memref<150xf32, #tpu.memory_space<vmem>>, vector<150xf32>,
    return
  }
}

</mosaic_0001>

<sc_bundles>
// kernel: kernel.4.cloned.1.call-start
scs
__scs_entry_jumppad:
0x0: {  	(pc) =	sbr.rel $0x88, $3  }
0x1: {  	(tag) =	ssettag $0x0;
	lr =	simm.s32 $0x1  }
0x2: {  	[smem:$0x3F9F] =	sst lr;
	_ =	strace $0xD0000000  }
0x3: {  	_ = 	snop  }
0x4: {  	_ = 	snop  }
0x5: {  	_ = 	snop  }
0x6: {  	_ = 	snop  }
0x7: {  	_ = 	snop  }
__scs_overlays_trampoline_lowered:
0x8: {  	[smem:$0x3FAE] =	sst s0  }
0x9: {  	[smem:$0x3FAF] =	sst s1  }
0xa: {  	[smem:$0x3FB0] =	sst s2  }
0xb: {  	[smem:$0x3FB1] =	sst s3  }
0xc: {  	[smem:$0x3FB2] =	sst s4  }
0xd: {  	[smem:$0x3FB3] =	sst s5  }
0xe: {  	[smem:$0x3FB4] =	sst s6  }
0xf: {  	[smem:$0x3FB5] =	sst s7  }
0x10: {  	[smem:$0x3FB6] =	sst s8  }
0x11: {  	[smem:$0x3FB7] =	sst s9;
	s0 =	simm.s32 @!p0 $0x0  }
0x12: {  	s1 =	sld [smem:$0x3F9D];
	s0 =	simm.s32 @p0 $0x1  }
0x13: {  	[smem:$0x3FB8] =	sst s0;
	s0 =	simm.s32 @!p1 $0x0  }
0x14: {  	s2 =	sld [smem:$0x3F9C];
	s0 =	simm.s32 @p1 $0x1  }
0x15: {  	[smem:$0x3FB9] =	sst s0;
	s0 =	simm.s32 @!p2 $0x0  }
0x16: {  	s3 =	sld [smem:$0x3FDB];
	s0 =	simm.s32 @p2 $0x1  }
0x17: {  	s4 =	simm.s32 $0x1BF5;
	[smem:$0x3FBB] =	sst s0  }
0x18: {  	s0 =	sld [smem:$0x3F9E];
	_ =	swait.ge [sflag:s4], $0x0  }
0x19: {  	s7 =	sld [smem:$0x3F9F]  }
0x1a: {  	s8 =	sadd.s32 $0xFFFFE003, lr  }
0x1b: {  	s9 =	sadd.s32 $0xFFFFFEF7, lr;
	s5 =	simm.s32 $0xFFFFFFFF;
	p2 =	slt.u32 s8, $0xFFFFF086  }
0x1c: {  	p1 =	slt.u32 s9, $0xF7A;
	s5 =	simm.s32 @!p2 $0x0  }
0x1d: {  	s5 =	simm.s32 @p1 $0x1;
	p0 =	seq.s32 s7, s2  }
0x1e: {  	s7 =	smul.u32 @!p0 $0xF7A, s2;
	p2 =	seq.s32 @!p0 s5, $0x0  }
0x1f: {  	s9 =	smul.u32 $0xF7A, s1;
	s8 =	simm.s32 @!p0 $0x1BF5;
	p2 =	por !p2, p0  }
0x20: {  	[sflag:s8] =	ssyncset.s32 @!p0 $0xFFFFF086;
	s6 =	sadd.s32 @!p0 s3, s7;
	s7 =	simm.s32 @!p0 $0x108  }
0x21: {  	s3 =	sadd.s32 s3, s9;
	s6 =	sadd.s32 @!p0 $0x88, s6;
	s7 =	simm.s32 @p2 $0x1082  }
0x22: {  	[simem:s7], [sflag:s8] =	dma.local @!p0 [hbm:s6], $0xF7A  }
0x23: {  	s9 =	sor.u32 $0xD0000000, s2;
	s6 =	simm.s32 $0x108;
	_ =	swait.ge @!p0 [sflag:s8], $0x0  }
0x24: {  	s3 =	sadd.s32 $0x88, s3;
	s6 =	simm.s32 @!p1 $0x1082;
	[sflag:s4] =	ssyncset.s32 $0xFFFFF086  }
0x25: {  	[simem:s6], [sflag:s4] =	dma.local [hbm:s3], $0xF7A  }
0x26: {  	[smem:$0x3F9F] =	sst s1;
	(tag) =	ssettag s2;
	_ =	strace s9  }
0x27: {  	s1 =	sld [smem:$0x3FAF]  }
0x28: {  	s2 =	sld [smem:$0x3FB0]  }
0x29: {  	s4 =	sld [smem:$0x3FB2]  }
0x2a: {  	p0 =	seq.s32 s5, $0x0;
	s5 =	sld [smem:$0x3FB3]  }
0x2b: {  	s6 =	sld [smem:$0x3FB4]  }
0x2c: {  	s7 =	sld [smem:$0x3FB5]  }
0x2d: {  	s3 =	simm.s32 $0x108;
	s8 =	sld [smem:$0x3FB6]  }
0x2e: {  	s3 =	simm.s32 @!p0 $0x1082;
	s9 =	sld [smem:$0x3FB7]  }
0x2f: {  	lr =	sadd.s32 s0, s3;
	s0 =	sld [smem:$0x3FAE]  }
0x30: {  	s3 =	sld [smem:$0x3FB1]  }
0x31: {  	[smem:$0x3FBA] =	sst s10  }
0x32: {  	s10 =	sld [smem:$0x3FB8];
	_ =	sdelay $0x3  }
0x33: {  	p0 =	seq.s32 s10, $0x1;
	s10 =	sld [smem:$0x3FBA];
	_ =	sdelay $0x3  }
0x34: {  	[smem:$0x3FBA] =	sst s10  }
0x35: {  	s10 =	sld [smem:$0x3FB9];
	_ =	sdelay $0x3  }
0x36: {  	p1 =	seq.s32 s10, $0x1;
	s10 =	sld [smem:$0x3FBA];
	_ =	sdelay $0x3  }
0x37: {  	[smem:$0x3FBA] =	sst s10  }
0x38: {  	s10 =	sld [smem:$0x3FBB]  }
0x39: {  	_ = 	snop;
	(pc) =	sbr.ind lr, $3  }
0x3a: {  	_ = 	snop  }
0x3b: {  	_ = 	snop  }
0x3c: {  	p2 =	seq.s32 s10, $0x1;
	s10 =	sld [smem:$0x3FBA]  }
0x3d: {  	_ =	shalt  }
0x3e: {  	_ =	shalt  }
0x3f: {  	_ =	shalt  }
0x40: {  	_ =	shalt  }
0x41: {  	_ =	shalt  }
0x42: {  	_ =	shalt  }
0x43: {  	_ =	shalt  }
0x44: {  	_ =	shalt  }
0x45: {  	_ =	shalt  }
0x46: {  	_ =	shalt  }
0x47: {  	_ =	shalt  }
0x48: {  	_ =	shalt  }
0x49: {  	_ =	shalt  }
0x4a: {  	_ =	shalt  }
0x4b: {  	_ =	shalt  }
0x4c: {  	_ =	shalt  }
0x4d: {  	_ =	shalt  }
0x4e: {  	_ =	shalt  }
0x4f: {  	_ =	shalt  }
0x50: {  	_ =	shalt  }
0x51: {  	_ =	shalt  }
0x52: {  	_ =	shalt  }
0x53: {  	_ =	shalt  }
0x54: {  	_ =	shalt  }
0x55: {  	_ =	shalt  }
0x56: {  	_ =	shalt  }
0x57: {  	_ =	shalt  }
0x58: {  	_ =	shalt  }
0x59: {  	_ =	shalt  }
0x5a: {  	_ =	shalt  }
0x5b: {  	_ =	shalt  }
0x5c: {  	_ =	shalt  }
0x5d: {  	_ =	shalt  }
0x5e: {  	_ =	shalt  }
0x5f: {  	_ =	shalt  }
0x60: {  	_ =	shalt  }
0x61: {  	_ =	shalt  }
0x62: {  	_ =	shalt  }
0x63: {  	_ =	shalt  }
0x64: {  	_ =	shalt  }
0x65: {  	_ =	shalt  }
0x66: {  	_ =	shalt  }
0x67: {  	_ =	shalt  }
0x68: {  	_ =	shalt  }
0x69: {  	_ =	shalt  }
0x6a: {  	_ =	shalt  }
0x6b: {  	_ =	shalt  }
0x6c: {  	_ =	shalt  }
0x6d: {  	_ =	shalt  }
0x6e: {  	_ =	shalt  }
0x6f: {  	_ =	shalt  }
0x70: {  	_ =	shalt  }
0x71: {  	_ =	shalt  }
0x72: {  	_ =	shalt  }
0x73: {  	_ =	shalt  }
0x74: {  	_ =	shalt  }
0x75: {  	_ =	shalt  }
0x76: {  	_ =	shalt  }
0x77: {  	_ =	shalt  }
0x78: {  	_ =	shalt  }
0x79: {  	_ =	shalt  }
0x7a: {  	_ =	shalt  }
0x7b: {  	_ =	shalt  }
0x7c: {  	_ =	shalt  }
0x7d: {  	_ =	shalt  }
0x7e: {  	_ =	shalt  }
0x7f: {  	_ =	shalt  }
0x80: {  	_ =	shalt  }
0x81: {  	_ =	shalt  }
0x82: {  	_ =	shalt  }
0x83: {  	_ =	shalt  }
0x84: {  	_ =	shalt  }
0x85: {  	_ =	shalt  }
0x86: {  	_ =	shalt  }
0x87: {  	_ =	shalt  }
.Lfunc_end0:
.L_simem_size_0:
called_computation_lowered:
.L_overlay_start_0:
0x88: {  	s2 =	sld [smem:$0x3FD9]  }
0x89: {  	s3 =	sld [smem:$0x3FFE];
	_ =	sdelay $0x1  }
0x8a: {  	s1 =	srdreg.scid  }
0x8b: {  	s0 =	sand.u32 $0x1, s1  }
0x8c: {  	s17 =	sshll.u32 s0, $0xA;
	s2 =	sadd.s32 s3, s2  }
0x8d: {  	s2 =	sadd.s32 s2, s17  }
0x8e: {  	[smem:$0x3FC6] =	sst s2  }
0x8f: {  	_ = 	snop  }
0x90: {  	s2 =	sld [smem:$0x3FC9]  }
0x91: {  	s18 =	sld [smem:$0x3FC8];
	(tm) =	ssettm $0x1  }
0x92: {  	s4 =	sld [smem:$0x3FFB];
	_ =	sdelay $0x3  }
0x93: {  	_ =	strace s4  }
0x94: {  	s4 =	sld [smem:$0x3FFC];
	_ =	sdelay $0x3  }
0x95: {  	_ =	strace s4  }
0x96: {  	s4 =	sld [smem:$0x3FFD];
	_ =	sdelay $0x3  }
0x97: {  	_ =	strace s4  }
0x98: {  	_ =	strace $0x8FFFFFFF  }
0x99: {  	s19 =	sld [smem:$0x3FDB];
	_ =	sdelay $0x1  }
0x9a: {  	s5 =	simm.s32 $_scs_section_size  }
0x9b: {  	s6 =	simm.s32 $_size__tile_overlayer_lowered;
	s7 =	simm.s32 $_tile_overlayer_lowered  }
0x9c: {  	s22 =	simm.s32 $0x1BFF;
	s21 =	sshll.u32 s7, $0x1;
	s4 =	sadd.s32 s5, s19  }
0x9d: {  	s8 =	simm.s32 $0x0;
	s20 =	sshll.u32 s6, $0x1;
	s6 =	sadd.s32 s21, s4  }
0x9e: {  	[timem:s8], [sflag:s22] =	dma.local [hbm:s6], s20  }
0x9f: {  	_ =	swait.ge [sflag:s22], s20  }
0xa0: {  	s5 =	ssub.s32 $0x0, s20;
	[sflag:s22] =	ssyncset.done $0x0  }
0xa1: {  	[sflag:s22] =	ssyncadd.s32 s5;
	_ =	sdelay $0x1  }
0xa2: {  	s23 =	simm.s32 $0x1B8B  }
0xa3: {  	_ =	swait.ge [sflag:s23], $0x1  }
0xa4: {  	[sflag:s23] =	ssyncset.done $0x0  }
0xa5: {  	s25 =	simm.s32 $0x1B8E;
	s24 =	sld [smem:$0x3FFE];
	[sflag:s23] =	ssyncadd.s32 $0xFFFFFFFF  }
0xa6: {  	s26 =	simm.s32 $execute0_lowered;
	[smem:$0x3FD2] =	sst s25  }
0xa7: {  	s6 =	sshll.u32 s26, $0x1;
	_ =	strace $0x80000046;
	[dreg:$0x1] =	wrdreg $0xFFFFFFFF  }
0xa8: {  	s28 =	simm.s32 $_size_execute0_lowered;
	s4 =	sadd.s32 s4, s6;
	[dreg:$0x0] =	wrdreg $0x0  }
0xa9: {  	s6 =	sshll.u32 s28, $0x1;
	[dreg:$0x2] =	wrdreg s4  }
0xaa: {  	[dreg:$0x3] =	wrdreg s6  }
0xab: {  	[dreg:$0x4] =	wrdreg $0xC0  }
0xac: {  	_ =	task [dreg:s8], $0x5FFFF  }
0xad: {  	[dreg:$0x1] =	wrdreg $0xFFFFFFFF  }
0xae: {  	[dreg:$0x0] =	wrdreg $0x60  }
0xaf: {  	[dreg:$0x2] =	wrdreg s2  }
0xb0: {  	[dreg:$0x3] =	wrdreg s18  }
0xb1: {  	[dreg:$0x4] =	wrdreg s24  }
0xb2: {  	[dreg:$0x5] =	wrdreg $0x135800  }
0xb3: {  	[dreg:$0x6] =	wrdreg $0x9  }
0xb4: {  	_ =	task.clear_ibuf [dreg:s8], $0x7FFFF;
	_ =	strace $0x90000046  }
0xb5: {  	s29 =	simm.s32 $0x9;
	_ =	strace $0x80000048  }
0xb6: {  	_ =	swait.ge [sflag:s29], $0x1  }
0xb7: {  	[sflag:s29] =	ssyncadd.s32 $0xFFFFFFFF  }
0xb8: {  	_ =	strace $0x90000048  }
0xb9: {  	_ =	sfence  }
0xba: {  	s30 =	sld [smem:$0x0];
	_ =	sdelay $0x2  }
0xbb: {  	s31 =	sshll.u32 s1, $0xD;
	s1 =	sshrl.u32 s1, $0x2  }
0xbc: {  	s3 =	sand.u32 $0x4000, s31;
	s1 =	sadd.s32 s1, s30  }
0xbd: {  	s0 =	sor.u32 s3, s0;
	s1 =	sshll.u32 s1, $0x11  }
0xbe: {  	s0 =	sor.u32 s1, s0  }
0xbf: {  	s0 =	sadd.s32 $0x8F2B, s0  }
0xc0: {  	[sflag:s0] =	ssyncadd.remote.s32 $0x1  }
0xc1: {  	_ =	sfence.sel $0xFFFF  }
0xc2: {  	[dreg:$0x0] =	wrdreg $0xFFFFFFFF;
	(pc) =	sbr.abs _section_cstart, $3  }
0xc3: {  	[dreg:$0x1] =	wrdreg $0xFFFFFFFF  }
0xc4: {  	_ =	task.clear_ibuf [dreg:s8], $0x2FFFF;
	_ =	strace $0x9FFFFFFF  }
0xc5: {  	(tm) =	ssettm $0x7FFFFFFF  }
tec
execute0_lowered:
.L_overlay_start_1:
0x0: {  	(tag) =	ssettag $0x1  }
0x1: {  	s0 =	rddreg [dreg:$0x0]  }
0x2: {  	s1 =	rddreg [dreg:$0x1]  }
0x3: {  	s3 =	rddreg [dreg:$0x2]  }
0x4: {  	s18 =	rddreg [dreg:$0x3]  }
0x5: {  	s4 =	srdreg.scid;
	s24 =	stileid.u32;
	s2 =	simm.s32 $0x0  }
0x6: {  	s4 =	sand.u32 $0x1, s4;
	s5 =	smul.u32 $0xB00, s24;
	[smem:$0x7FF] =	sst s2  }
0x7: {  	s7 =	sshll.u32 s24, $0xD;
	s23 =	smul.u32 $0xB000, s24;
	s25 =	sshll.u32 s24, $0x7  }
0x8: {  	s6 =	sshll.u32 s4, $0x7;
	_ =	strace $0x80000047;
	s13 =	ssub.s32 $0x2, s4  }
0x9: {  	s4 =	sshll.u32 s4, $0x11;
	s5 =	sor.u32 s6, s5;
	s8 =	sshrl.u32 s13, $0x1  }
0xa: {  	s15 =	sor.u32 s7, s4;
	s23 =	sshrl.u32 s23, $0x2;
	s5 =	sshrl.u32 s5, $0x3  }
0xb: {  	s21 =	ssub.s32 s13, s8;
	s4 =	sadd.s32 s1, s15;
	s14 =	sor.u32 $0x400, s15  }
0xc: {  	s16 =	sor.u32 $0x800, s15;
	s10 =	sor.u32 $0xC00, s15;
	s12 =	sor.u32 $0x1000, s15  }
0xd: {  	s17 =	sor.u32 $0x1800, s15;
	s22 =	sor.u32 $0x1C00, s15;
	s20 =	sadd.s32 s5, s3  }
0xe: {  	s3 =	sadd.s32 s0, s15;
	s5 =	sadd.s32 s0, s14;
	s6 =	sadd.s32 s1, s14  }
0xf: {  	s7 =	sadd.s32 s0, s16;
	s8 =	sadd.s32 s1, s16;
	s16 =	sshrl.u32 s24, $0x3  }
0x10: {  	s9 =	sadd.s32 s0, s10;
	s14 =	sor.u32 $0x1400, s15;
	s19 =	smul.u32 $0xB0000, s16  }
0x11: {  	s11 =	sadd.s32 s0, s12;
	s15 =	sadd.s32 s0, s17;
	s13 =	sadd.s32 s0, s14  }
0x12: {  	s16 =	sadd.s32 s1, s17;
	s17 =	sadd.s32 s0, s22;
	s19 =	sshrl.u32 s19, $0x2  }
0x13: {  	s0 =	sand.u32 $0x380, s25;
	s25 =	sadd.s32 $0x400, s20;
	s26 =	sadd.s32 s19, s18  }
0x14: {  	[dreg:$0x9] =	wrdreg s25;
	s18 =	sadd.s32 s23, s18;
	s0 =	sadd.s32 s0, s26  }
0x15: {  	s19 =	sadd.s32 s1, s22;
	s22 =	sadd.s32 $0x80, s18;
	[dreg:$0x5] =	wrdreg s0  }
0x16: {  	s23 =	sadd.s32 $0x100, s18;
	[dreg:$0x6] =	wrdreg s22  }
0x17: {  	s10 =	sadd.s32 s1, s10;
	s24 =	sadd.s32 $0x180, s18;
	[dreg:$0x7] =	wrdreg s23  }
0x18: {  	s12 =	sadd.s32 s1, s12;
	s26 =	smax.u32 s21, $0x1;
	[dreg:$0x8] =	wrdreg s24  }
0x19: {  	s14 =	sadd.s32 s1, s14;
	s1 =	sadd.s32 $0x200, s18;
	[dreg:$0xa] =	wrdreg s26  }
0x1a: {  	s20 =	sadd.s32 $0x280, s18;
	[dreg:$0xb] =	wrdreg s1  }
0x1b: {  	s21 =	sadd.s32 $0x300, s18;
	[dreg:$0xc] =	wrdreg s20  }
0x1c: {  	s25 =	sadd.s32 $0x2C100, s18;
	[dreg:$0xd] =	wrdreg s21  }
0x1d: {  	s22 =	sadd.s32 $0x380, s18;
	[dreg:$0x11] =	wrdreg s25  }
0x1e: {  	s23 =	sadd.s32 $0x2C000, s18;
	[dreg:$0xe] =	wrdreg s22  }
0x1f: {  	s24 =	sadd.s32 $0x2C080, s18;
	[dreg:$0xf] =	wrdreg s23  }
0x20: {  	s26 =	sadd.s32 $0x2C180, s18;
	[dreg:$0x10] =	wrdreg s24  }
0x21: {  	s1 =	sadd.s32 $0x2C200, s18;
	[dreg:$0x12] =	wrdreg s26  }
0x22: {  	s20 =	sadd.s32 $0x2C280, s18;
	[dreg:$0x13] =	wrdreg s1  }
0x23: {  	s21 =	sadd.s32 $0x2C300, s18;
	[dreg:$0x14] =	wrdreg s20  }
0x24: {  	s25 =	sadd.s32 $0xC00, s18;
	[dreg:$0x15] =	wrdreg s21  }
0x25: {  	s22 =	sadd.s32 $0x2C380, s18;
	[dreg:$0x19] =	wrdreg s25  }
0x26: {  	s23 =	sadd.s32 $0x400, s18;
	[dreg:$0x16] =	wrdreg s22  }
0x27: {  	s24 =	sadd.s32 $0x800, s18;
	[dreg:$0x17] =	wrdreg s23  }
0x28: {  	s26 =	sadd.s32 $0x1000, s18;
	[dreg:$0x18] =	wrdreg s24  }
0x29: {  	s1 =	sadd.s32 $0x1400, s18;
	[dreg:$0x1a] =	wrdreg s26  }
0x2a: {  	s20 =	sadd.s32 $0x1800, s18;
	[dreg:$0x1b] =	wrdreg s1  }
0x2b: {  	s21 =	sadd.s32 $0x1C00, s18;
	[dreg:$0x1c] =	wrdreg s20  }
0x2c: {  	s25 =	sadd.s32 $0x480, s18;
	[dreg:$0x1d] =	wrdreg s21  }
0x2d: {  	s22 =	sadd.s32 $0x2000, s18;
	[smem:$0x76C] =	sst s25  }
0x2e: {  	s23 =	sadd.s32 $0x2400, s18;
	[dreg:$0x1e] =	wrdreg s22  }
0x2f: {  	s24 =	sadd.s32 $0x2800, s18;
	[dreg:$0x1f] =	wrdreg s23  }
0x30: {  	s26 =	sadd.s32 $0x880, s18;
	[smem:$0x76B] =	sst s24  }
0x31: {  	s1 =	sadd.s32 $0xC80, s18;
	[smem:$0x76D] =	sst s26  }
0x32: {  	s20 =	sadd.s32 $0x1080, s18;
	[smem:$0x76E] =	sst s1  }
0x33: {  	s21 =	sadd.s32 $0x1480, s18;
	[smem:$0x76F] =	sst s20  }
0x34: {  	s25 =	sadd.s32 $0x2480, s18;
	[smem:$0x770] =	sst s21  }
0x35: {  	s22 =	sadd.s32 $0x1880, s18;
	[smem:$0x774] =	sst s25  }
0x36: {  	s23 =	sadd.s32 $0x1C80, s18;
	[smem:$0x771] =	sst s22  }
0x37: {  	s24 =	sadd.s32 $0x2080, s18;
	[smem:$0x772] =	sst s23  }
0x38: {  	s26 =	sadd.s32 $0x2880, s18;
	[smem:$0x773] =	sst s24  }
0x39: {  	s1 =	sadd.s32 $0x500, s18;
	[smem:$0x775] =	sst s26  }
0x3a: {  	s20 =	sadd.s32 $0x900, s18;
	[smem:$0x776] =	sst s1  }
0x3b: {  	s21 =	sadd.s32 $0xD00, s18;
	[smem:$0x777] =	sst s20  }
0x3c: {  	s25 =	sadd.s32 $0x1D00, s18;
	[smem:$0x778] =	sst s21  }
0x3d: {  	s22 =	sadd.s32 $0x1100, s18;
	[smem:$0x77C] =	sst s25  }
0x3e: {  	s23 =	sadd.s32 $0x1500, s18;
	[smem:$0x779] =	sst s22  }
0x3f: {  	s24 =	sadd.s32 $0x1900, s18;
	[smem:$0x77A] =	sst s23  }
0x40: {  	s26 =	sadd.s32 $0x2100, s18;
	[smem:$0x77B] =	sst s24  }
0x41: {  	s1 =	sadd.s32 $0x2500, s18;
	[smem:$0x77D] =	sst s26  }
0x42: {  	s20 =	sadd.s32 $0x2900, s18;
	[smem:$0x77E] =	sst s1  }
0x43: {  	s21 =	sadd.s32 $0x580, s18;
	[smem:$0x77F] =	sst s20  }
0x44: {  	s25 =	sadd.s32 $0x1580, s18;
	[smem:$0x780] =	sst s21  }
0x45: {  	s22 =	sadd.s32 $0x980, s18;
	[smem:$0x784] =	sst s25  }
0x46: {  	s23 =	sadd.s32 $0xD80, s18;
	[smem:$0x781] =	sst s22  }
0x47: {  	s24 =	sadd.s32 $0x1180, s18;
	[smem:$0x782] =	sst s23  }
0x48: {  	s26 =	sadd.s32 $0x1980, s18;
	[smem:$0x783] =	sst s24  }
0x49: {  	s1 =	sadd.s32 $0x1D80, s18;
	[smem:$0x785] =	sst s26  }
0x4a: {  	s20 =	sadd.s32 $0x2180, s18;
	[smem:$0x786] =	sst s1  }
0x4b: {  	s21 =	sadd.s32 $0x2580, s18;
	[smem:$0x787] =	sst s20  }
0x4c: {  	s25 =	sadd.s32 $0xE00, s18;
	[smem:$0x788] =	sst s21  }
0x4d: {  	s22 =	sadd.s32 $0x2980, s18;
	[smem:$0x78C] =	sst s25  }
0x4e: {  	s23 =	sadd.s32 $0x600, s18;
	[smem:$0x789] =	sst s22  }
0x4f: {  	s24 =	sadd.s32 $0xA00, s18;
	[smem:$0x78A] =	sst s23  }
0x50: {  	s26 =	sadd.s32 $0x1200, s18;
	[smem:$0x78B] =	sst s24  }
0x51: {  	s1 =	sadd.s32 $0x1600, s18;
	[smem:$0x78D] =	sst s26  }
0x52: {  	s20 =	sadd.s32 $0x1A00, s18;
	[smem:$0x78E] =	sst s1  }
0x53: {  	s21 =	sadd.s32 $0x1E00, s18;
	[smem:$0x78F] =	sst s20  }
0x54: {  	s25 =	sadd.s32 $0x680, s18;
	[smem:$0x790] =	sst s21  }
0x55: {  	s22 =	sadd.s32 $0x2200, s18;
	[smem:$0x794] =	sst s25  }
0x56: {  	s23 =	sadd.s32 $0x2600, s18;
	[smem:$0x791] =	sst s22  }
0x57: {  	s24 =	sadd.s32 $0x2A00, s18;
	[smem:$0x792] =	sst s23  }
0x58: {  	s26 =	sadd.s32 $0xA80, s18;
	[smem:$0x793] =	sst s24  }
0x59: {  	s1 =	sadd.s32 $0xE80, s18;
	[smem:$0x795] =	sst s26  }
0x5a: {  	s20 =	sadd.s32 $0x1280, s18;
	[smem:$0x796] =	sst s1  }
0x5b: {  	s21 =	sadd.s32 $0x1680, s18;
	[smem:$0x797] =	sst s20  }
0x5c: {  	s25 =	sadd.s32 $0x2680, s18;
	[smem:$0x798] =	sst s21  }
0x5d: {  	s22 =	sadd.s32 $0x1A80, s18;
	[smem:$0x79C] =	sst s25  }
0x5e: {  	s23 =	sadd.s32 $0x1E80, s18;
	[smem:$0x799] =	sst s22  }
0x5f: {  	s24 =	sadd.s32 $0x2280, s18;
	[smem:$0x79A] =	sst s23  }
0x60: {  	s26 =	sadd.s32 $0x2A80, s18;
	[smem:$0x79B] =	sst s24  }
0x61: {  	s1 =	sadd.s32 $0x700, s18;
	[smem:$0x79D] =	sst s26  }
0x62: {  	s20 =	sadd.s32 $0xB00, s18;
	[smem:$0x79E] =	sst s1  }
0x63: {  	s21 =	sadd.s32 $0xF00, s18;
	[smem:$0x79F] =	sst s20  }
0x64: {  	s25 =	sadd.s32 $0x1F00, s18;
	[smem:$0x7A0] =	sst s21  }
0x65: {  	s22 =	sadd.s32 $0x1300, s18;
	[smem:$0x7A4] =	sst s25  }
0x66: {  	s23 =	sadd.s32 $0x1700, s18;
	[smem:$0x7A1] =	sst s22  }
0x67: {  	s24 =	sadd.s32 $0x1B00, s18;
	[smem:$0x7A2] =	sst s23  }
0x68: {  	s26 =	sadd.s32 $0x2300, s18;
	[smem:$0x7A3] =	sst s24  }
0x69: {  	s1 =	sadd.s32 $0x2700, s18;
	[smem:$0x7A5] =	sst s26  }
0x6a: {  	s20 =	sadd.s32 $0x2B00, s18;
	[smem:$0x7A6] =	sst s1  }
0x6b: {  	s21 =	sadd.s32 $0x780, s18;
	[smem:$0x7A7] =	sst s20  }
0x6c: {  	s25 =	sadd.s32 $0x1780, s18;
	[smem:$0x7A8] =	sst s21  }
0x6d: {  	s22 =	sadd.s32 $0xB80, s18;
	[smem:$0x7AC] =	sst s25  }
0x6e: {  	s23 =	sadd.s32 $0xF80, s18;
	[smem:$0x7A9] =	sst s22  }
0x6f: {  	s24 =	sadd.s32 $0x1380, s18;
	[smem:$0x7AA] =	sst s23  }
0x70: {  	s26 =	sadd.s32 $0x1B80, s18;
	[smem:$0x7AB] =	sst s24  }
0x71: {  	s1 =	sadd.s32 $0x1F80, s18;
	[smem:$0x7AD] =	sst s26  }
0x72: {  	s20 =	sadd.s32 $0x2380, s18;
	[smem:$0x7AE] =	sst s1  }
0x73: {  	s21 =	sadd.s32 $0x2780, s18;
	[smem:$0x7AF] =	sst s20  }
0x74: {  	s25 =	sadd.s32 $0x2CC00, s18;
	[smem:$0x7B0] =	sst s21  }
0x75: {  	s22 =	sadd.s32 $0x2B80, s18;
	[smem:$0x7B4] =	sst s25  }
0x76: {  	s23 =	sadd.s32 $0x2C400, s18;
	[smem:$0x7B1] =	sst s22  }
0x77: {  	s24 =	sadd.s32 $0x2C800, s18;
	[smem:$0x7B2] =	sst s23  }
0x78: {  	s26 =	sadd.s32 $0x2D000, s18;
	[smem:$0x7B3] =	sst s24  }
0x79: {  	s1 =	sadd.s32 $0x2D400, s18;
	[smem:$0x7B5] =	sst s26  }
0x7a: {  	s20 =	sadd.s32 $0x2D800, s18;
	[smem:$0x7B6] =	sst s1  }
0x7b: {  	s21 =	sadd.s32 $0x2DC00, s18;
	[smem:$0x7B7] =	sst s20  }
0x7c: {  	s25 =	sadd.s32 $0x2C480, s18;
	[smem:$0x7B8] =	sst s21  }
0x7d: {  	s22 =	sadd.s32 $0x2E000, s18;
	[smem:$0x7BC] =	sst s25  }
0x7e: {  	s23 =	sadd.s32 $0x2E400, s18;
	[smem:$0x7B9] =	sst s22  }
0x7f: {  	s24 =	sadd.s32 $0x2E800, s18;
	[smem:$0x7BA] =	sst s23  }
0x80: {  	s26 =	sadd.s32 $0x2C880, s18;
	[smem:$0x7BB] =	sst s24  }
0x81: {  	s1 =	sadd.s32 $0x2CC80, s18;
	[smem:$0x7BD] =	sst s26  }
0x82: {  	s20 =	sadd.s32 $0x2D080, s18;
	[smem:$0x7BE] =	sst s1  }
0x83: {  	s21 =	sadd.s32 $0x2D480, s18;
	[smem:$0x7BF] =	sst s20  }
0x84: {  	s25 =	sadd.s32 $0x2E480, s18;
	[smem:$0x7C0] =	sst s21  }
0x85: {  	s22 =	sadd.s32 $0x2D880, s18;
	[smem:$0x7C4] =	sst s25  }
0x86: {  	s23 =	sadd.s32 $0x2DC80, s18;
	[smem:$0x7C1] =	sst s22  }
0x87: {  	s24 =	sadd.s32 $0x2E080, s18;
	[smem:$0x7C2] =	sst s23  }
0x88: {  	s26 =	sadd.s32 $0x2E880, s18;
	[smem:$0x7C3] =	sst s24  }
0x89: {  	s1 =	sadd.s32 $0x2C500, s18;
	[smem:$0x7C5] =	sst s26  }
0x8a: {  	s20 =	sadd.s32 $0x2C900, s18;
	[smem:$0x7C6] =	sst s1  }
0x8b: {  	s21 =	sadd.s32 $0x2CD00, s18;
	[smem:$0x7C7] =	sst s20  }
0x8c: {  	s25 =	sadd.s32 $0x2DD00, s18;
	[smem:$0x7C8] =	sst s21  }
0x8d: {  	s22 =	sadd.s32 $0x2D100, s18;
	[smem:$0x7CC] =	sst s25  }
0x8e: {  	s23 =	sadd.s32 $0x2D500, s18;
	[smem:$0x7C9] =	sst s22  }
0x8f: {  	s24 =	sadd.s32 $0x2D900, s18;
	[smem:$0x7CA] =	sst s23  }
0x90: {  	s26 =	sadd.s32 $0x2E100, s18;
	[smem:$0x7CB] =	sst s24  }
0x91: {  	s1 =	sadd.s32 $0x2E500, s18;
	[smem:$0x7CD] =	sst s26  }
0x92: {  	s20 =	sadd.s32 $0x2E900, s18;
	[smem:$0x7CE] =	sst s1  }
0x93: {  	s21 =	sadd.s32 $0x2C580, s18;
	[smem:$0x7CF] =	sst s20  }
0x94: {  	s25 =	sadd.s32 $0x2D580, s18;
	[smem:$0x7D0] =	sst s21  }
0x95: {  	s22 =	sadd.s32 $0x2C980, s18;
	[smem:$0x7D4] =	sst s25  }
0x96: {  	s23 =	sadd.s32 $0x2CD80, s18;
	[smem:$0x7D1] =	sst s22  }
0x97: {  	s24 =	sadd.s32 $0x2D180, s18;
	[smem:$0x7D2] =	sst s23  }
0x98: {  	s26 =	sadd.s32 $0x2D980, s18;
	[smem:$0x7D3] =	sst s24  }
0x99: {  	s1 =	sadd.s32 $0x2DD80, s18;
	[smem:$0x7D5] =	sst s26  }
0x9a: {  	s20 =	sadd.s32 $0x2E180, s18;
	[smem:$0x7D6] =	sst s1  }
0x9b: {  	s21 =	sadd.s32 $0x2E580, s18;
	[smem:$0x7D7] =	sst s20  }
0x9c: {  	s25 =	sadd.s32 $0x2CE00, s18;
	[smem:$0x7D8] =	sst s21  }
0x9d: {  	s22 =	sadd.s32 $0x2E980, s18;
	[smem:$0x7DC] =	sst s25  }
0x9e: {  	s23 =	sadd.s32 $0x2C600, s18;
	[smem:$0x7D9] =	sst s22  }
0x9f: {  	s24 =	sadd.s32 $0x2CA00, s18;
	[smem:$0x7DA] =	sst s23  }
0xa0: {  	s26 =	sadd.s32 $0x2D200, s18;
	[smem:$0x7DB] =	sst s24  }
0xa1: {  	s1 =	sadd.s32 $0x2D600, s18;
	[smem:$0x7DD] =	sst s26  }
0xa2: {  	s20 =	sadd.s32 $0x2DA00, s18;
	[smem:$0x7DE] =	sst s1  }
0xa3: {  	s21 =	sadd.s32 $0x2DE00, s18;
	[smem:$0x7DF] =	sst s20  }
0xa4: {  	s25 =	sadd.s32 $0x2C680, s18;
	[smem:$0x7E0] =	sst s21  }
0xa5: {  	s22 =	sadd.s32 $0x2E200, s18;
	[smem:$0x7E4] =	sst s25  }
0xa6: {  	s23 =	sadd.s32 $0x2E600, s18;
	[smem:$0x7E1] =	sst s22  }
0xa7: {  	s24 =	sadd.s32 $0x2EA00, s18;
	[smem:$0x7E2] =	sst s23  }
0xa8: {  	s26 =	sadd.s32 $0x2CA80, s18;
	[smem:$0x7E3] =	sst s24  }
0xa9: {  	s1 =	sadd.s32 $0x2CE80, s18;
	[smem:$0x7E5] =	sst s26  }
0xaa: {  	s20 =	sadd.s32 $0x2D280, s18;
	[smem:$0x7E6] =	sst s1  }
0xab: {  	s21 =	sadd.s32 $0x2D680, s18;
	[smem:$0x7E7] =	sst s20  }
0xac: {  	s25 =	sadd.s32 $0x2E680, s18;
	[smem:$0x7E8] =	sst s21  }
0xad: {  	s22 =	sadd.s32 $0x2DA80, s18;
	[smem:$0x7EC] =	sst s25  }
0xae: {  	s23 =	sadd.s32 $0x2DE80, s18;
	[smem:$0x7E9] =	sst s22  }
0xaf: {  	s24 =	sadd.s32 $0x2E280, s18;
	[smem:$0x7EA] =	sst s23  }
0xb0: {  	s26 =	sadd.s32 $0x2EA80, s18;
	[smem:$0x7EB] =	sst s24  }
0xb1: {  	s1 =	sadd.s32 $0x2C700, s18;
	[smem:$0x7ED] =	sst s26  }
0xb2: {  	s20 =	sadd.s32 $0x2CB00, s18;
	[smem:$0x7EE] =	sst s1  }
0xb3: {  	s21 =	sadd.s32 $0x2CF00, s18;
	[smem:$0x7EF] =	sst s20  }
0xb4: {  	s25 =	sadd.s32 $0x2DF00, s18;
	[smem:$0x7F0] =	sst s21  }
0xb5: {  	s22 =	sadd.s32 $0x2D300, s18;
	[smem:$0x7F4] =	sst s25  }
0xb6: {  	s23 =	sadd.s32 $0x2D700, s18;
	[smem:$0x7F1] =	sst s22  }
0xb7: {  	s24 =	sadd.s32 $0x2DB00, s18;
	[smem:$0x7F2] =	sst s23  }
0xb8: {  	s26 =	sadd.s32 $0x2E300, s18;
	[smem:$0x7F3] =	sst s24  }
0xb9: {  	s1 =	sadd.s32 $0x2E700, s18;
	[smem:$0x7F5] =	sst s26  }
0xba: {  	s20 =	sadd.s32 $0x2EB00, s18;
	[smem:$0x7F6] =	sst s1  }
0xbb: {  	s30 =	simm.s32 $0x1;
	s21 =	sadd.s32 $0x2C780, s18;
	[smem:$0x7F7] =	sst s20  }
0xbc: {  	s31 =	simm.s32 $0x8000;
	s25 =	sadd.s32 $0x2D780, s18;
	[smem:$0x7F8] =	sst s21  }
0xbd: {  	s28 =	sadd.s32 $0x2E780, s18;
	s22 =	sadd.s32 $0x2CB80, s18;
	[smem:$0x7FC] =	sst s25  }
0xbe: {  	s29 =	sadd.s32 $0x2EB80, s18;
	s23 =	sadd.s32 $0x2CF80, s18;
	[smem:$0x7F9] =	sst s22  }
0xbf: {  	s0 =	simm.s32 $0x2;
	s24 =	sadd.s32 $0x2D380, s18;
	[smem:$0x7FA] =	sst s23  }
0xc0: {  	s26 =	sadd.s32 $0x2DB80, s18;
	s25 =	sadd.s32 $0x2DF80, s18;
	[smem:$0x7FB] =	sst s24  }
0xc1: {  	v0 =	vimm.s32 $0x0;
	v1 =	vimm.s32 $0x1;
	s1 =	simm.s32 $0x0;
	[smem:$0x7FD] =	sst s26;
	s26 =	sadd.s32 $0x2E380, s18  }
.LBB2_1:
0xc2: {  	s20 =	simm.s32 $0x0  }
.LBB2_2:
0xc3: {  	p0 =	sne.s32 s20, $0x15FC0  }
.Ltmp0:
0xc4: {  	_ = 	snop;
	(pc) =	sbr.rel @p0 .LBB2_2-.Ltmp0, $3  }
0xc5: {  	_ =	sdelay $0x1  }
0xc6: {  	s21 =	sshra.s32 s20, $0x2  }
0xc7: {  	s20 =	sadd.s32 $0x40, s20;
	[tilespmem:s21+$0x8000] =	vst v0  }
0xc8: {  	s20 =	simm.s32 $0x0  }
0xc9: {  	s21 =	simm.s32 $0x10;
	s23 =	sadd.s32 $0x0, s3;
	s22 =	simm.s32 $0x100  }
.LBB2_4:
0xca: {  	[tilespmem:s20], [sflag:$0x1] =	stream.linear.gather [hbm4b:s23+s2], $0x80, $0x38;
	[tilespmem:$0x18D80] =	vst v63  }
0xcb: {  	s23 =	smov.u32 s21;
	s20 =	smov.u32 s22;
	p0 =	sne.s32 s21, $0x3F0  }
.Ltmp1:
0xcc: {  	s21 =	sadd.s32 $0x10, s21;
	(pc) =	sbr.rel @p0 .LBB2_4-.Ltmp1, $2  }
0xcd: {  	_ =	sdelay $0x2  }
0xce: {  	s22 =	sadd.s32 $0x100, s22;
	s23 =	sadd.s32 s23, s3  }
0xcf: {  	[tilespmem:s20], [sflag:$0x1] =	stream.linear.gather [hbm4b:s23+s2], $0x80, $0x38;
	[tilespmem:$0x18D80] =	vst v63  }
0xd0: {  	s20 =	simm.s32 $0x4000  }
0xd1: {  	s21 =	simm.s32 $0x10;
	s23 =	sadd.s32 $0x0, s4;
	s22 =	simm.s32 $0x4100  }
.LBB2_6:
0xd2: {  	[tilespmem:s20], [sflag:$0x1] =	stream.linear.gather [hbm4b:s23+s2], $0x80, $0x38;
	[tilespmem:$0x18D80] =	vst v63  }
0xd3: {  	s23 =	smov.u32 s21;
	s20 =	smov.u32 s22;
	p0 =	sne.s32 s21, $0x3F0  }
.Ltmp2:
0xd4: {  	s21 =	sadd.s32 $0x10, s21;
	(pc) =	sbr.rel @p0 .LBB2_6-.Ltmp2, $2  }
0xd5: {  	_ =	sdelay $0x2  }
0xd6: {  	s22 =	sadd.s32 $0x100, s22;
	s23 =	sadd.s32 s23, s4  }
0xd7: {  	[tilespmem:s20], [sflag:$0x1] =	stream.linear.gather [hbm4b:s23+s2], $0x80, $0x38;
	[tilespmem:$0x18D80] =	vst v63  }
0xd8: {  	_ =	swait.ge [sflag:s30], $0x2000  }
0xd9: {  	[sflag:s30] =	ssyncset.done $0x0  }
0xda: {  	[sflag:s30] =	ssyncadd.s32 $0xFFFFE000  }
0xdb: {  	_ =	swait.ge [sflag:s30], $0x2000  }
0xdc: {  	s20 =	simm.s32 $0x80;
	s21 =	simm.s32 $0x10;
	[sflag:s30] =	ssyncset.done $0x0  }
0xdd: {  	s23 =	sadd.s32 $0x0, s5;
	s22 =	simm.s32 $0x180;
	[sflag:s30] =	ssyncadd.s32 $0xFFFFE000  }
.LBB2_8:
0xde: {  	[tilespmem:s20], [sflag:$0x1] =	stream.linear.gather [hbm4b:s23+s2], $0x80, $0x38;
	[tilespmem:$0x18D80] =	vst v63  }
0xdf: {  	s23 =	smov.u32 s21;
	s20 =	smov.u32 s22;
	p0 =	sne.s32 s21, $0x3F0  }
.Ltmp3:
0xe0: {  	s21 =	sadd.s32 $0x10, s21;
	(pc) =	sbr.rel @p0 .LBB2_8-.Ltmp3, $2  }
0xe1: {  	_ =	sdelay $0x2  }
0xe2: {  	s22 =	sadd.s32 $0x100, s22;
	s23 =	sadd.s32 s23, s5  }
0xe3: {  	[tilespmem:s20], [sflag:$0x1] =	stream.linear.gather [hbm4b:s23+s2], $0x80, $0x38;
	[tilespmem:$0x18D80] =	vst v63  }
0xe4: {  	s20 =	simm.s32 $0x0;
	s21 =	simm.s32 $0x4080  }
0xe5: {  	s22 =	simm.s32 $0x10;
	s24 =	sadd.s32 $0x0, s6;
	s23 =	simm.s32 $0x4180  }
.LBB2_10:
0xe6: {  	[tilespmem:s21], [sflag:$0x1] =	stream.linear.gather [hbm4b:s24+s20], $0x80, $0x38;
	[tilespmem:$0x18D80] =	vst v63  }
0xe7: {  	s24 =	smov.u32 s22;
	s21 =	smov.u32 s23;
	p0 =	sne.s32 s22, $0x3F0  }
.Ltmp4:
0xe8: {  	s22 =	sadd.s32 $0x10, s22;
	(pc) =	sbr.rel @p0 .LBB2_10-.Ltmp4, $2  }
0xe9: {  	_ =	sdelay $0x2  }
0xea: {  	s23 =	sadd.s32 $0x100, s23;
	s24 =	sadd.s32 s24, s6  }
0xeb: {  	[tilespmem:s21], [sflag:$0x1] =	stream.linear.gather [hbm4b:s24+s20], $0x80, $0x38;
	[tilespmem:$0x18D80] =	vst v63  }
0xec: {  	s24 =	simm.s32 $0x0  }
0xed: {  	v2 =	vld [tilespmem:s24+$0x4050]  }
0xee: {  	v3 =	vld [tilespmem:s24+$0x4030]  }
0xef: {  	v4 =	vld [tilespmem:s24+$0x10]  }
0xf0: {  	v5 =	vld [tilespmem:s24+$0x0]  }
0xf1: {  	v7 =	vld [tilespmem:s24+$0x4000]  }
0xf2: {  	v8 =	vld [tilespmem:s24+$0x4010]  }
0xf3: {  	v6 =	vld [tilespmem:s24+$0x4020]  }
0xf4: {  	v9 =	vld [tilespmem:s24+$0x4040]  }
0xf5: {  	v11 =	vld [tilespmem:s24+$0x20]  }
0xf6: {  	v10 =	vld [tilespmem:s24+$0x30];
	v7 =	vmul.u32 $0x96, v7  }
0xf7: {  	v13 =	vld [tilespmem:s24+$0x40];
	v8 =	vmul.u32 $0x96, v8  }
0xf8: {  	v14 =	vld [tilespmem:s24+$0x50];
	v6 =	vmul.u32 $0x96, v6;
	v5 =	vadd.s32 v5, v7  }
0xf9: {  	v12 =	vld [tilespmem:s24+$0x4060];
	v3 =	vmul.u32 $0x96, v3;
	v4 =	vadd.s32 v4, v8  }
0xfa: {  	v58 =	vld [tilespmem:s24+$0x60];
	v59 =	vmul.u32 $0x96, v9;
	v6 =	vadd.s32 v11, v6  }
0xfb: {  	v60 =	vld [tilespmem:s24+$0x4070];
	v2 =	vmul.u32 $0x96, v2;
	v3 =	vadd.s32 v10, v3  }
0xfc: {  	v61 =	vld [tilespmem:s24+$0x70];
	v8 =	vadd.s32 v13, v59  }
0xfd: {  	v2 =	vadd.s32 v14, v2;
	[tilespmem:v5+s31+$0x0] =	vst.idx.add.s32.msk $0xffff, v1  }
0xfe: {  	[tilespmem:v4+s31+$0x0] =	vst.idx.add.s32.msk $0xffff, v1  }
0xff: {  	v62 =	vmul.u32 $0x96, v12;
	[tilespmem:v6+s31+$0x0] =	vst.idx.add.s32.msk $0xffff, v1  }
0x100: {  	[tilespmem:v3+s31+$0x0] =	vst.idx.add.s32.msk $0xffff, v1;
	v3 =	vmul.u32 $0x96, v60  }
0x101: {  	v63 =	vadd.s32 v58, v62;
	[tilespmem:v8+s31+$0x0] =	vst.idx.add.s32.msk $0xffff, v1  }
0x102: {  	[tilespmem:v2+s31+$0x0] =	vst.idx.add.s32.msk $0xffff, v1;
	v2 =	vadd.s32 v61, v3;
	_ =	sdelay $0x3  }
0x103: {  	s20 =	simm.s32 $0x400;
	[tilespmem:v63+s31+$0x0] =	vst.idx.add.s32.msk $0xffff, v1  }
.LBB2_12:
0x104: {  	s21 =	sshra.s32 s20, $0x2;
	p0 =	sne.s32 s20, $0xFC00;
	s20 =	sadd.s32 $0x400, s20;
	[tilespmem:v2+s31+$0x0] =	vst.idx.add.s32.msk $0xffff, v1  }
0x105: {  	v2 =	vld [tilespmem:s21+$0x4050]  }
0x106: {  	v3 =	vld [tilespmem:s21+$0x4030]  }
0x107: {  	v4 =	vld [tilespmem:s21+$0x10]  }
0x108: {  	v5 =	vld [tilespmem:s21+$0x0]  }
0x109: {  	v6 =	vld [tilespmem:s21+$0x4020]  }
0x10a: {  	v7 =	vld [tilespmem:s21+$0x4010]  }
0x10b: {  	v8 =	vld [tilespmem:s21+$0x4000]  }
0x10c: {  	v9 =	vld [tilespmem:s21+$0x4040]  }
0x10d: {  	v10 =	vld [tilespmem:s21+$0x30]  }
0x10e: {  	v11 =	vld [tilespmem:s21+$0x4070];
	v6 =	vmul.u32 $0x96, v6  }
0x10f: {  	v3 =	vmul.u32 $0x96, v3;
	v12 =	vld [tilespmem:s21+$0x20];
	v7 =	vmul.u32 $0x96, v7  }
0x110: {  	v13 =	vld [tilespmem:s21+$0x4060];
	v8 =	vmul.u32 $0x96, v8  }
0x111: {  	v14 =	vld [tilespmem:s21+$0x40];
	v4 =	vadd.s32 v4, v7;
	v7 =	vmul.u32 $0x96, v9  }
0x112: {  	v9 =	vld [tilespmem:s21+$0x50];
	v5 =	vadd.s32 v5, v8;
	v3 =	vadd.s32 v10, v3  }
0x113: {  	v8 =	vld [tilespmem:s21+$0x60];
	v10 =	vmul.u32 $0x96, v11  }
0x114: {  	v11 =	vld [tilespmem:s21+$0x70];
	v6 =	vadd.s32 v12, v6  }
0x115: {  	v2 =	vmul.u32 $0x96, v2;
	v12 =	vmul.u32 $0x96, v13  }
0x116: {  	v7 =	vadd.s32 v14, v7  }
0x117: {  	v9 =	vadd.s32 v9, v2;
	[tilespmem:v5+s31+$0x0] =	vst.idx.add.s32.msk $0xffff, v1  }
0x118: {  	v5 =	vadd.s32 v8, v12;
	[tilespmem:v4+s31+$0x0] =	vst.idx.add.s32.msk $0xffff, v1  }
.Ltmp5:
0x119: {  	v2 =	vadd.s32 v11, v10;
	[tilespmem:v6+s31+$0x0] =	vst.idx.add.s32.msk $0xffff, v1;
	(pc) =	sbr.rel @p0 .LBB2_12-.Ltmp5, $4  }
0x11a: {  	[tilespmem:v3+s31+$0x0] =	vst.idx.add.s32.msk $0xffff, v1  }
0x11b: {  	[tilespmem:v7+s31+$0x0] =	vst.idx.add.s32.msk $0xffff, v1  }
0x11c: {  	[tilespmem:v9+s31+$0x0] =	vst.idx.add.s32.msk $0xffff, v1  }
0x11d: {  	[tilespmem:v5+s31+$0x0] =	vst.idx.add.s32.msk $0xffff, v1  }
0x11e: {  	_ =	sdelay $0x3  }
0x11f: {  	[tilespmem:v2+s31+$0x0] =	vst.idx.add.s32.msk $0xffff, v1  }
0x120: {  	_ =	swait.ge [sflag:s30], $0x2000  }
0x121: {  	[sflag:s30] =	ssyncset.done $0x0  }
0x122: {  	[sflag:s30] =	ssyncadd.s32 $0xFFFFE000  }
0x123: {  	_ =	swait.ge [sflag:s30], $0x2000  }
0x124: {  	s20 =	simm.s32 $0x0;
	s21 =	simm.s32 $0x10;
	[sflag:s30] =	ssyncset.done $0x0  }
0x125: {  	s23 =	sadd.s32 $0x0, s7;
	s22 =	simm.s32 $0x100;
	[sflag:s30] =	ssyncadd.s32 $0xFFFFE000  }
.LBB2_14:
0x126: {  	[tilespmem:s20], [sflag:$0x1] =	stream.linear.gather [hbm4b:s23+s2], $0x80, $0x38;
	[tilespmem:$0x18D80] =	vst v63  }
0x127: {  	s23 =	smov.u32 s21;
	s20 =	smov.u32 s22;
	p0 =	sne.s32 s21, $0x3F0  }
.Ltmp6:
0x128: {  	s21 =	sadd.s32 $0x10, s21;
	(pc) =	sbr.rel @p0 .LBB2_14-.Ltmp6, $2  }
0x129: {  	_ =	sdelay $0x2  }
0x12a: {  	s22 =	sadd.s32 $0x100, s22;
	s23 =	sadd.s32 s23, s7  }
0x12b: {  	[tilespmem:s20], [sflag:$0x1] =	stream.linear.gather [hbm4b:s23+s2], $0x80, $0x38;
	[tilespmem:$0x18D80] =	vst v63  }
0x12c: {  	s20 =	simm.s32 $0x0;
	s21 =	simm.s32 $0x4000  }
0x12d: {  	s22 =	simm.s32 $0x10;
	s24 =	sadd.s32 $0x0, s8;
	s23 =	simm.s32 $0x4100  }
.LBB2_16:
0x12e: {  	[tilespmem:s21], [sflag:$0x1] =	stream.linear.gather [hbm4b:s24+s20], $0x80, $0x38;
	[tilespmem:$0x18D80] =	vst v63  }
0x12f: {  	s24 =	smov.u32 s22;
	s21 =	smov.u32 s23;
	p0 =	sne.s32 s22, $0x3F0  }
.Ltmp7:
0x130: {  	s22 =	sadd.s32 $0x10, s22;
	(pc) =	sbr.rel @p0 .LBB2_16-.Ltmp7, $2  }
0x131: {  	_ =	sdelay $0x2  }
0x132: {  	s23 =	sadd.s32 $0x100, s23;
	s24 =	sadd.s32 s24, s8  }
0x133: {  	[tilespmem:s21], [sflag:$0x1] =	stream.linear.gather [hbm4b:s24+s20], $0x80, $0x38;
	[tilespmem:$0x18D80] =	vst v63  }
0x134: {  	s24 =	simm.s32 $0x0  }
0x135: {  	v2 =	vld [tilespmem:s24+$0x40D0]  }
0x136: {  	v3 =	vld [tilespmem:s24+$0x40B0]  }
0x137: {  	v4 =	vld [tilespmem:s24+$0x90]  }
0x138: {  	v5 =	vld [tilespmem:s24+$0x80]  }
0x139: {  	v7 =	vld [tilespmem:s24+$0x4080]  }
0x13a: {  	v8 =	vld [tilespmem:s24+$0x4090]  }
0x13b: {  	v6 =	vld [tilespmem:s24+$0x40A0]  }
0x13c: {  	v9 =	vld [tilespmem:s24+$0x40C0]  }
0x13d: {  	v11 =	vld [tilespmem:s24+$0xA0]  }
0x13e: {  	v10 =	vld [tilespmem:s24+$0xB0];
	v7 =	vmul.u32 $0x96, v7  }
0x13f: {  	v13 =	vld [tilespmem:s24+$0xC0];
	v8 =	vmul.u32 $0x96, v8  }
0x140: {  	v14 =	vld [tilespmem:s24+$0xD0];
	v6 =	vmul.u32 $0x96, v6;
	v5 =	vadd.s32 v5, v7  }
0x141: {  	v12 =	vld [tilespmem:s24+$0x40E0];
	v3 =	vmul.u32 $0x96, v3;
	v4 =	vadd.s32 v4, v8  }
0x142: {  	v58 =	vld [tilespmem:s24+$0xE0];
	v59 =	vmul.u32 $0x96, v9;
	v6 =	vadd.s32 v11, v6  }
0x143: {  	v60 =	vld [tilespmem:s24+$0x40F0];
	v2 =	vmul.u32 $0x96, v2;
	v3 =	vadd.s32 v10, v3  }
0x144: {  	v61 =	vld [tilespmem:s24+$0xF0];
	v8 =	vadd.s32 v13, v59  }
0x145: {  	v2 =	vadd.s32 v14, v2;
	[tilespmem:v5+s31+$0x0] =	vst.idx.add.s32.msk $0xffff, v1  }
0x146: {  	[tilespmem:v4+s31+$0x0] =	vst.idx.add.s32.msk $0xffff, v1  }
0x147: {  	v62 =	vmul.u32 $0x96, v12;
	[tilespmem:v6+s31+$0x0] =	vst.idx.add.s32.msk $0xffff, v1  }
0x148: {  	[tilespmem:v3+s31+$0x0] =	vst.idx.add.s32.msk $0xffff, v1;
	v3 =	vmul.u32 $0x96, v60  }
0x149: {  	v63 =	vadd.s32 v58, v62;
	[tilespmem:v8+s31+$0x0] =	vst.idx.add.s32.msk $0xffff, v1  }
0x14a: {  	[tilespmem:v2+s31+$0x0] =	vst.idx.add.s32.msk $0xffff, v1;
	v2 =	vadd.s32 v61, v3;
	_ =	sdelay $0x3  }
0x14b: {  	s20 =	simm.s32 $0x400;
	[tilespmem:v63+s31+$0x0] =	vst.idx.add.s32.msk $0xffff, v1  }
.LBB2_18:
0x14c: {  	s21 =	sshra.s32 s20, $0x2;
	p0 =	sne.s32 s20, $0xFC00;
	s20 =	sadd.s32 $0x400, s20;
	[tilespmem:v2+s31+$0x0] =	vst.idx.add.s32.msk $0xffff, v1  }
0x14d: {  	v2 =	vld [tilespmem:s21+$0x40D0]  }
0x14e: {  	v3 =	vld [tilespmem:s21+$0x40B0]  }
0x14f: {  	v4 =	vld [tilespmem:s21+$0x90]  }
0x150: {  	v5 =	vld [tilespmem:s21+$0x80]  }
0x151: {  	v6 =	vld [tilespmem:s21+$0x40A0]  }
0x152: {  	v7 =	vld [tilespmem:s21+$0x4090]  }
0x153: {  	v8 =	vld [tilespmem:s21+$0x4080]  }
0x154: {  	v9 =	vld [tilespmem:s21+$0x40C0]  }
0x155: {  	v10 =	vld [tilespmem:s21+$0xB0]  }
0x156: {  	v11 =	vld [tilespmem:s21+$0x40F0];
	v6 =	vmul.u32 $0x96, v6  }
0x157: {  	v3 =	vmul.u32 $0x96, v3;
	v12 =	vld [tilespmem:s21+$0xA0];
	v7 =	vmul.u32 $0x96, v7  }
0x158: {  	v13 =	vld [tilespmem:s21+$0x40E0];
	v8 =	vmul.u32 $0x96, v8  }
0x159: {  	v14 =	vld [tilespmem:s21+$0xC0];
	v4 =	vadd.s32 v4, v7;
	v7 =	vmul.u32 $0x96, v9  }
0x15a: {  	v9 =	vld [tilespmem:s21+$0xD0];
	v5 =	vadd.s32 v5, v8;
	v3 =	vadd.s32 v10, v3  }
0x15b: {  	v8 =	vld [tilespmem:s21+$0xE0];
	v10 =	vmul.u32 $0x96, v11  }
0x15c: {  	v11 =	vld [tilespmem:s21+$0xF0];
	v6 =	vadd.s32 v12, v6  }
0x15d: {  	v2 =	vmul.u32 $0x96, v2;
	v12 =	vmul.u32 $0x96, v13  }
0x15e: {  	v7 =	vadd.s32 v14, v7  }
0x15f: {  	v9 =	vadd.s32 v9, v2;
	[tilespmem:v5+s31+$0x0] =	vst.idx.add.s32.msk $0xffff, v1  }
0x160: {  	v5 =	vadd.s32 v8, v12;
	[tilespmem:v4+s31+$0x0] =	vst.idx.add.s32.msk $0xffff, v1  }
.Ltmp8:
0x161: {  	v2 =	vadd.s32 v11, v10;
	[tilespmem:v6+s31+$0x0] =	vst.idx.add.s32.msk $0xffff, v1;
	(pc) =	sbr.rel @p0 .LBB2_18-.Ltmp8, $4  }
0x162: {  	[tilespmem:v3+s31+$0x0] =	vst.idx.add.s32.msk $0xffff, v1  }
0x163: {  	[tilespmem:v7+s31+$0x0] =	vst.idx.add.s32.msk $0xffff, v1  }
0x164: {  	[tilespmem:v9+s31+$0x0] =	vst.idx.add.s32.msk $0xffff, v1  }
0x165: {  	[tilespmem:v5+s31+$0x0] =	vst.idx.add.s32.msk $0xffff, v1  }
0x166: {  	_ =	sdelay $0x3  }
0x167: {  	[tilespmem:v2+s31+$0x0] =	vst.idx.add.s32.msk $0xffff, v1  }
0x168: {  	_ =	swait.ge [sflag:s30], $0x2000  }
0x169: {  	[sflag:s30] =	ssyncset.done $0x0  }
0x16a: {  	[sflag:s30] =	ssyncadd.s32 $0xFFFFE000  }
0x16b: {  	_ =	swait.ge [sflag:s30], $0x2000  }
0x16c: {  	s20 =	simm.s32 $0x80;
	s21 =	simm.s32 $0x10;
	[sflag:s30] =	ssyncset.done $0x0  }
0x16d: {  	s23 =	sadd.s32 $0x0, s9;
	s22 =	simm.s32 $0x180;
	[sflag:s30] =	ssyncadd.s32 $0xFFFFE000  }
.LBB2_20:
0x16e: {  	[tilespmem:s20], [sflag:$0x1] =	stream.linear.gather [hbm4b:s23+s2], $0x80, $0x38;
	[tilespmem:$0x18D80] =	vst v63  }
0x16f: {  	s23 =	smov.u32 s21;
	s20 =	smov.u32 s22;
	p0 =	sne.s32 s21, $0x3F0  }
.Ltmp9:
0x170: {  	s21 =	sadd.s32 $0x10, s21;
	(pc) =	sbr.rel @p0 .LBB2_20-.Ltmp9, $2  }
0x171: {  	_ =	sdelay $0x2  }
0x172: {  	s22 =	sadd.s32 $0x100, s22;
	s23 =	sadd.s32 s23, s9  }
0x173: {  	[tilespmem:s20], [sflag:$0x1] =	stream.linear.gather [hbm4b:s23+s2], $0x80, $0x38;
	[tilespmem:$0x18D80] =	vst v63  }
0x174: {  	s20 =	simm.s32 $0x0;
	s21 =	simm.s32 $0x4080  }
0x175: {  	s22 =	simm.s32 $0x10;
	s24 =	sadd.s32 $0x0, s10;
	s23 =	simm.s32 $0x4180  }
.LBB2_22:
0x176: {  	[tilespmem:s21], [sflag:$0x1] =	stream.linear.gather [hbm4b:s24+s20], $0x80, $0x38;
	[tilespmem:$0x18D80] =	vst v63  }
0x177: {  	s24 =	smov.u32 s22;
	s21 =	smov.u32 s23;
	p0 =	sne.s32 s22, $0x3F0  }
.Ltmp10:
0x178: {  	s22 =	sadd.s32 $0x10, s22;
	(pc) =	sbr.rel @p0 .LBB2_22-.Ltmp10, $2  }
0x179: {  	_ =	sdelay $0x2  }
0x17a: {  	s23 =	sadd.s32 $0x100, s23;
	s24 =	sadd.s32 s24, s10  }
0x17b: {  	[tilespmem:s21], [sflag:$0x1] =	stream.linear.gather [hbm4b:s24+s20], $0x80, $0x38;
	[tilespmem:$0x18D80] =	vst v63  }
0x17c: {  	s24 =	simm.s32 $0x0  }
0x17d: {  	v2 =	vld [tilespmem:s24+$0x4050]  }
0x17e: {  	v3 =	vld [tilespmem:s24+$0x4030]  }
0x17f: {  	v4 =	vld [tilespmem:s24+$0x10]  }
0x180: {  	v5 =	vld [tilespmem:s24+$0x0]  }
0x181: {  	v7 =	vld [tilespmem:s24+$0x4000]  }
0x182: {  	v8 =	vld [tilespmem:s24+$0x4010]  }
0x183: {  	v6 =	vld [tilespmem:s24+$0x4020]  }
0x184: {  	v9 =	vld [tilespmem:s24+$0x4040]  }
0x185: {  	v11 =	vld [tilespmem:s24+$0x20]  }
0x186: {  	v10 =	vld [tilespmem:s24+$0x30];
	v7 =	vmul.u32 $0x96, v7  }
0x187: {  	v13 =	vld [tilespmem:s24+$0x40];
	v8 =	vmul.u32 $0x96, v8  }
0x188: {  	v14 =	vld [tilespmem:s24+$0x50];
	v6 =	vmul.u32 $0x96, v6;
	v5 =	vadd.s32 v5, v7  }
0x189: {  	v12 =	vld [tilespmem:s24+$0x4060];
	v3 =	vmul.u32 $0x96, v3;
	v4 =	vadd.s32 v4, v8  }
0x18a: {  	v58 =	vld [tilespmem:s24+$0x60];
	v59 =	vmul.u32 $0x96, v9;
	v6 =	vadd.s32 v11, v6  }
0x18b: {  	v60 =	vld [tilespmem:s24+$0x4070];
	v2 =	vmul.u32 $0x96, v2;
	v3 =	vadd.s32 v10, v3  }
0x18c: {  	v61 =	vld [tilespmem:s24+$0x70];
	v8 =	vadd.s32 v13, v59  }
0x18d: {  	v2 =	vadd.s32 v14, v2;
	[tilespmem:v5+s31+$0x0] =	vst.idx.add.s32.msk $0xffff, v1  }
0x18e: {  	[tilespmem:v4+s31+$0x0] =	vst.idx.add.s32.msk $0xffff, v1  }
0x18f: {  	v62 =	vmul.u32 $0x96, v12;
	[tilespmem:v6+s31+$0x0] =	vst.idx.add.s32.msk $0xffff, v1  }
0x190: {  	[tilespmem:v3+s31+$0x0] =	vst.idx.add.s32.msk $0xffff, v1;
	v3 =	vmul.u32 $0x96, v60  }
0x191: {  	v63 =	vadd.s32 v58, v62;
	[tilespmem:v8+s31+$0x0] =	vst.idx.add.s32.msk $0xffff, v1  }
0x192: {  	[tilespmem:v2+s31+$0x0] =	vst.idx.add.s32.msk $0xffff, v1;
	v2 =	vadd.s32 v61, v3;
	_ =	sdelay $0x3  }
0x193: {  	s20 =	simm.s32 $0x400;
	[tilespmem:v63+s31+$0x0] =	vst.idx.add.s32.msk $0xffff, v1  }
.LBB2_24:
0x194: {  	s21 =	sshra.s32 s20, $0x2;
	p0 =	sne.s32 s20, $0xFC00;
	s20 =	sadd.s32 $0x400, s20;
	[tilespmem:v2+s31+$0x0] =	vst.idx.add.s32.msk $0xffff, v1  }
0x195: {  	v2 =	vld [tilespmem:s21+$0x4050]  }
0x196: {  	v3 =	vld [tilespmem:s21+$0x4030]  }
0x197: {  	v4 =	vld [tilespmem:s21+$0x10]  }
0x198: {  	v5 =	vld [tilespmem:s21+$0x0]  }
0x199: {  	v6 =	vld [tilespmem:s21+$0x4020]  }
0x19a: {  	v7 =	vld [tilespmem:s21+$0x4010]  }
0x19b: {  	v8 =	vld [tilespmem:s21+$0x4000]  }
0x19c: {  	v9 =	vld [tilespmem:s21+$0x4040]  }
0x19d: {  	v10 =	vld [tilespmem:s21+$0x30]  }
0x19e: {  	v11 =	vld [tilespmem:s21+$0x4070];
	v6 =	vmul.u32 $0x96, v6  }
0x19f: {  	v3 =	vmul.u32 $0x96, v3;
	v12 =	vld [tilespmem:s21+$0x20];
	v7 =	vmul.u32 $0x96, v7  }
0x1a0: {  	v13 =	vld [tilespmem:s21+$0x4060];
	v8 =	vmul.u32 $0x96, v8  }
0x1a1: {  	v14 =	vld [tilespmem:s21+$0x40];
	v4 =	vadd.s32 v4, v7;
	v7 =	vmul.u32 $0x96, v9  }
0x1a2: {  	v9 =	vld [tilespmem:s21+$0x50];
	v5 =	vadd.s32 v5, v8;
	v3 =	vadd.s32 v10, v3  }
0x1a3: {  	v8 =	vld [tilespmem:s21+$0x60];
	v10 =	vmul.u32 $0x96, v11  }
0x1a4: {  	v11 =	vld [tilespmem:s21+$0x70];
	v6 =	vadd.s32 v12, v6  }
0x1a5: {  	v2 =	vmul.u32 $0x96, v2;
	v12 =	vmul.u32 $0x96, v13  }
0x1a6: {  	v7 =	vadd.s32 v14, v7  }
0x1a7: {  	v9 =	vadd.s32 v9, v2;
	[tilespmem:v5+s31+$0x0] =	vst.idx.add.s32.msk $0xffff, v1  }
0x1a8: {  	v5 =	vadd.s32 v8, v12;
	[tilespmem:v4+s31+$0x0] =	vst.idx.add.s32.msk $0xffff, v1  }
.Ltmp11:
0x1a9: {  	v2 =	vadd.s32 v11, v10;
	[tilespmem:v6+s31+$0x0] =	vst.idx.add.s32.msk $0xffff, v1;
	(pc) =	sbr.rel @p0 .LBB2_24-.Ltmp11, $4  }
0x1aa: {  	[tilespmem:v3+s31+$0x0] =	vst.idx.add.s32.msk $0xffff, v1  }
0x1ab: {  	[tilespmem:v7+s31+$0x0] =	vst.idx.add.s32.msk $0xffff, v1  }
0x1ac: {  	[tilespmem:v9+s31+$0x0] =	vst.idx.add.s32.msk $0xffff, v1  }
0x1ad: {  	[tilespmem:v5+s31+$0x0] =	vst.idx.add.s32.msk $0xffff, v1  }
0x1ae: {  	_ =	sdelay $0x3  }
0x1af: {  	[tilespmem:v2+s31+$0x0] =	vst.idx.add.s32.msk $0xffff, v1  }
0x1b0: {  	_ =	swait.ge [sflag:s30], $0x2000  }
0x1b1: {  	[sflag:s30] =	ssyncset.done $0x0  }
0x1b2: {  	[sflag:s30] =	ssyncadd.s32 $0xFFFFE000  }
0x1b3: {  	_ =	swait.ge [sflag:s30], $0x2000  }
0x1b4: {  	s20 =	simm.s32 $0x0;
	s21 =	simm.s32 $0x10;
	[sflag:s30] =	ssyncset.done $0x0  }
0x1b5: {  	s23 =	sadd.s32 $0x0, s11;
	s22 =	simm.s32 $0x100;
	[sflag:s30] =	ssyncadd.s32 $0xFFFFE000  }
.LBB2_26:
0x1b6: {  	[tilespmem:s20], [sflag:$0x1] =	stream.linear.gather [hbm4b:s23+s2], $0x80, $0x38;
	[tilespmem:$0x18D80] =	vst v63  }
0x1b7: {  	s23 =	smov.u32 s21;
	s20 =	smov.u32 s22;
	p0 =	sne.s32 s21, $0x3F0  }
.Ltmp12:
0x1b8: {  	s21 =	sadd.s32 $0x10, s21;
	(pc) =	sbr.rel @p0 .LBB2_26-.Ltmp12, $2  }
0x1b9: {  	_ =	sdelay $0x2  }
0x1ba: {  	s22 =	sadd.s32 $0x100, s22;
	s23 =	sadd.s32 s23, s11  }
0x1bb: {  	[tilespmem:s20], [sflag:$0x1] =	stream.linear.gather [hbm4b:s23+s2], $0x80, $0x38;
	[tilespmem:$0x18D80] =	vst v63  }
0x1bc: {  	s20 =	simm.s32 $0x0;
	s21 =	simm.s32 $0x4000  }
0x1bd: {  	s22 =	simm.s32 $0x10;
	s24 =	sadd.s32 $0x0, s12;
	s23 =	simm.s32 $0x4100  }
.LBB2_28:
0x1be: {  	[tilespmem:s21], [sflag:$0x1] =	stream.linear.gather [hbm4b:s24+s20], $0x80, $0x38;
	[tilespmem:$0x18D80] =	vst v63  }
0x1bf: {  	s24 =	smov.u32 s22;
	s21 =	smov.u32 s23;
	p0 =	sne.s32 s22, $0x3F0  }
.Ltmp13:
0x1c0: {  	s22 =	sadd.s32 $0x10, s22;
	(pc) =	sbr.rel @p0 .LBB2_28-.Ltmp13, $2  }
0x1c1: {  	_ =	sdelay $0x2  }
0x1c2: {  	s23 =	sadd.s32 $0x100, s23;
	s24 =	sadd.s32 s24, s12  }
0x1c3: {  	[tilespmem:s21], [sflag:$0x1] =	stream.linear.gather [hbm4b:s24+s20], $0x80, $0x38;
	[tilespmem:$0x18D80] =	vst v63  }
0x1c4: {  	s24 =	simm.s32 $0x0  }
0x1c5: {  	v2 =	vld [tilespmem:s24+$0x40D0]  }
0x1c6: {  	v3 =	vld [tilespmem:s24+$0x40B0]  }
0x1c7: {  	v4 =	vld [tilespmem:s24+$0x90]  }
0x1c8: {  	v5 =	vld [tilespmem:s24+$0x80]  }
0x1c9: {  	v7 =	vld [tilespmem:s24+$0x4080]  }
0x1ca: {  	v8 =	vld [tilespmem:s24+$0x4090]  }
0x1cb: {  	v6 =	vld [tilespmem:s24+$0x40A0]  }
0x1cc: {  	v9 =	vld [tilespmem:s24+$0x40C0]  }
0x1cd: {  	v11 =	vld [tilespmem:s24+$0xA0]  }
0x1ce: {  	v10 =	vld [tilespmem:s24+$0xB0];
	v7 =	vmul.u32 $0x96, v7  }
0x1cf: {  	v13 =	vld [tilespmem:s24+$0xC0];
	v8 =	vmul.u32 $0x96, v8  }
0x1d0: {  	v14 =	vld [tilespmem:s24+$0xD0];
	v6 =	vmul.u32 $0x96, v6;
	v5 =	vadd.s32 v5, v7  }
0x1d1: {  	v12 =	vld [tilespmem:s24+$0x40E0];
	v3 =	vmul.u32 $0x96, v3;
	v4 =	vadd.s32 v4, v8  }
0x1d2: {  	v58 =	vld [tilespmem:s24+$0xE0];
	v59 =	vmul.u32 $0x96, v9;
	v6 =	vadd.s32 v11, v6  }
0x1d3: {  	v60 =	vld [tilespmem:s24+$0x40F0];
	v2 =	vmul.u32 $0x96, v2;
	v3 =	vadd.s32 v10, v3  }
0x1d4: {  	v61 =	vld [tilespmem:s24+$0xF0];
	v8 =	vadd.s32 v13, v59  }
0x1d5: {  	v2 =	vadd.s32 v14, v2;
	[tilespmem:v5+s31+$0x0] =	vst.idx.add.s32.msk $0xffff, v1  }
0x1d6: {  	[tilespmem:v4+s31+$0x0] =	vst.idx.add.s32.msk $0xffff, v1  }
0x1d7: {  	v62 =	vmul.u32 $0x96, v12;
	[tilespmem:v6+s31+$0x0] =	vst.idx.add.s32.msk $0xffff, v1  }
0x1d8: {  	[tilespmem:v3+s31+$0x0] =	vst.idx.add.s32.msk $0xffff, v1;
	v3 =	vmul.u32 $0x96, v60  }
0x1d9: {  	v63 =	vadd.s32 v58, v62;
	[tilespmem:v8+s31+$0x0] =	vst.idx.add.s32.msk $0xffff, v1  }
0x1da: {  	[tilespmem:v2+s31+$0x0] =	vst.idx.add.s32.msk $0xffff, v1;
	v2 =	vadd.s32 v61, v3;
	_ =	sdelay $0x3  }
0x1db: {  	s20 =	simm.s32 $0x400;
	[tilespmem:v63+s31+$0x0] =	vst.idx.add.s32.msk $0xffff, v1  }
.LBB2_30:
0x1dc: {  	s21 =	sshra.s32 s20, $0x2;
	p0 =	sne.s32 s20, $0xFC00;
	s20 =	sadd.s32 $0x400, s20;
	[tilespmem:v2+s31+$0x0] =	vst.idx.add.s32.msk $0xffff, v1  }
0x1dd: {  	v2 =	vld [tilespmem:s21+$0x40D0]  }
0x1de: {  	v3 =	vld [tilespmem:s21+$0x40B0]  }
0x1df: {  	v4 =	vld [tilespmem:s21+$0x90]  }
0x1e0: {  	v5 =	vld [tilespmem:s21+$0x80]  }
0x1e1: {  	v6 =	vld [tilespmem:s21+$0x40A0]  }
0x1e2: {  	v7 =	vld [tilespmem:s21+$0x4090]  }
0x1e3: {  	v8 =	vld [tilespmem:s21+$0x4080]  }
0x1e4: {  	v9 =	vld [tilespmem:s21+$0x40C0]  }
0x1e5: {  	v10 =	vld [tilespmem:s21+$0xB0]  }
0x1e6: {  	v11 =	vld [tilespmem:s21+$0x40F0];
	v6 =	vmul.u32 $0x96, v6  }
0x1e7: {  	v3 =	vmul.u32 $0x96, v3;
	v12 =	vld [tilespmem:s21+$0xA0];
	v7 =	vmul.u32 $0x96, v7  }
0x1e8: {  	v13 =	vld [tilespmem:s21+$0x40E0];
	v8 =	vmul.u32 $0x96, v8  }
0x1e9: {  	v14 =	vld [tilespmem:s21+$0xC0];
	v4 =	vadd.s32 v4, v7;
	v7 =	vmul.u32 $0x96, v9  }
0x1ea: {  	v9 =	vld [tilespmem:s21+$0xD0];
	v5 =	vadd.s32 v5, v8;
	v3 =	vadd.s32 v10, v3  }
0x1eb: {  	v8 =	vld [tilespmem:s21+$0xE0];
	v10 =	vmul.u32 $0x96, v11  }
0x1ec: {  	v11 =	vld [tilespmem:s21+$0xF0];
	v6 =	vadd.s32 v12, v6  }
0x1ed: {  	v2 =	vmul.u32 $0x96, v2;
	v12 =	vmul.u32 $0x96, v13  }
0x1ee: {  	v7 =	vadd.s32 v14, v7  }
0x1ef: {  	v9 =	vadd.s32 v9, v2;
	[tilespmem:v5+s31+$0x0] =	vst.idx.add.s32.msk $0xffff, v1  }
0x1f0: {  	v5 =	vadd.s32 v8, v12;
	[tilespmem:v4+s31+$0x0] =	vst.idx.add.s32.msk $0xffff, v1  }
.Ltmp14:
0x1f1: {  	v2 =	vadd.s32 v11, v10;
	[tilespmem:v6+s31+$0x0] =	vst.idx.add.s32.msk $0xffff, v1;
	(pc) =	sbr.rel @p0 .LBB2_30-.Ltmp14, $4  }
0x1f2: {  	[tilespmem:v3+s31+$0x0] =	vst.idx.add.s32.msk $0xffff, v1  }
0x1f3: {  	[tilespmem:v7+s31+$0x0] =	vst.idx.add.s32.msk $0xffff, v1  }
0x1f4: {  	[tilespmem:v9+s31+$0x0] =	vst.idx.add.s32.msk $0xffff, v1  }
0x1f5: {  	[tilespmem:v5+s31+$0x0] =	vst.idx.add.s32.msk $0xffff, v1  }
0x1f6: {  	_ =	sdelay $0x3  }
0x1f7: {  	[tilespmem:v2+s31+$0x0] =	vst.idx.add.s32.msk $0xffff, v1  }
0x1f8: {  	_ =	swait.ge [sflag:s30], $0x2000  }
0x1f9: {  	[sflag:s30] =	ssyncset.done $0x0  }
0x1fa: {  	[sflag:s30] =	ssyncadd.s32 $0xFFFFE000  }
0x1fb: {  	_ =	swait.ge [sflag:s30], $0x2000  }
0x1fc: {  	s20 =	simm.s32 $0x80;
	s21 =	simm.s32 $0x10;
	[sflag:s30] =	ssyncset.done $0x0  }
0x1fd: {  	s23 =	sadd.s32 $0x0, s13;
	s22 =	simm.s32 $0x180;
	[sflag:s30] =	ssyncadd.s32 $0xFFFFE000  }
.LBB2_32:
0x1fe: {  	[tilespmem:s20], [sflag:$0x1] =	stream.linear.gather [hbm4b:s23+s2], $0x80, $0x38;
	[tilespmem:$0x18D80] =	vst v63  }
0x1ff: {  	s23 =	smov.u32 s21;
	s20 =	smov.u32 s22;
	p0 =	sne.s32 s21, $0x3F0  }
.Ltmp15:
0x200: {  	s21 =	sadd.s32 $0x10, s21;
	(pc) =	sbr.rel @p0 .LBB2_32-.Ltmp15, $2  }
0x201: {  	_ =	sdelay $0x2  }
0x202: {  	s22 =	sadd.s32 $0x100, s22;
	s23 =	sadd.s32 s23, s13  }
0x203: {  	[tilespmem:s20], [sflag:$0x1] =	stream.linear.gather [hbm4b:s23+s2], $0x80, $0x38;
	[tilespmem:$0x18D80] =	vst v63  }
0x204: {  	s20 =	simm.s32 $0x0;
	s21 =	simm.s32 $0x4080  }
0x205: {  	s22 =	simm.s32 $0x10;
	s24 =	sadd.s32 $0x0, s14;
	s23 =	simm.s32 $0x4180  }
.LBB2_34:
0x206: {  	[tilespmem:s21], [sflag:$0x1] =	stream.linear.gather [hbm4b:s24+s20], $0x80, $0x38;
	[tilespmem:$0x18D80] =	vst v63  }
0x207: {  	s24 =	smov.u32 s22;
	s21 =	smov.u32 s23;
	p0 =	sne.s32 s22, $0x3F0  }
.Ltmp16:
0x208: {  	s22 =	sadd.s32 $0x10, s22;
	(pc) =	sbr.rel @p0 .LBB2_34-.Ltmp16, $2  }
0x209: {  	_ =	sdelay $0x2  }
0x20a: {  	s23 =	sadd.s32 $0x100, s23;
	s24 =	sadd.s32 s24, s14  }
0x20b: {  	[tilespmem:s21], [sflag:$0x1] =	stream.linear.gather [hbm4b:s24+s20], $0x80, $0x38;
	[tilespmem:$0x18D80] =	vst v63  }
0x20c: {  	s24 =	simm.s32 $0x0  }
0x20d: {  	v2 =	vld [tilespmem:s24+$0x4050]  }
0x20e: {  	v3 =	vld [tilespmem:s24+$0x4030]  }
0x20f: {  	v4 =	vld [tilespmem:s24+$0x10]  }
0x210: {  	v5 =	vld [tilespmem:s24+$0x0]  }
0x211: {  	v7 =	vld [tilespmem:s24+$0x4000]  }
0x212: {  	v8 =	vld [tilespmem:s24+$0x4010]  }
0x213: {  	v6 =	vld [tilespmem:s24+$0x4020]  }
0x214: {  	v9 =	vld [tilespmem:s24+$0x4040]  }
0x215: {  	v11 =	vld [tilespmem:s24+$0x20]  }
0x216: {  	v10 =	vld [tilespmem:s24+$0x30];
	v7 =	vmul.u32 $0x96, v7  }
0x217: {  	v13 =	vld [tilespmem:s24+$0x40];
	v8 =	vmul.u32 $0x96, v8  }
0x218: {  	v14 =	vld [tilespmem:s24+$0x50];
	v6 =	vmul.u32 $0x96, v6;
	v5 =	vadd.s32 v5, v7  }
0x219: {  	v12 =	vld [tilespmem:s24+$0x4060];
	v3 =	vmul.u32 $0x96, v3;
	v4 =	vadd.s32 v4, v8  }
0x21a: {  	v58 =	vld [tilespmem:s24+$0x60];
	v59 =	vmul.u32 $0x96, v9;
	v6 =	vadd.s32 v11, v6  }
0x21b: {  	v60 =	vld [tilespmem:s24+$0x4070];
	v2 =	vmul.u32 $0x96, v2;
	v3 =	vadd.s32 v10, v3  }
0x21c: {  	v61 =	vld [tilespmem:s24+$0x70];
	v8 =	vadd.s32 v13, v59  }
0x21d: {  	v2 =	vadd.s32 v14, v2;
	[tilespmem:v5+s31+$0x0] =	vst.idx.add.s32.msk $0xffff, v1  }
0x21e: {  	[tilespmem:v4+s31+$0x0] =	vst.idx.add.s32.msk $0xffff, v1  }
0x21f: {  	v62 =	vmul.u32 $0x96, v12;
	[tilespmem:v6+s31+$0x0] =	vst.idx.add.s32.msk $0xffff, v1  }
0x220: {  	[tilespmem:v3+s31+$0x0] =	vst.idx.add.s32.msk $0xffff, v1;
	v3 =	vmul.u32 $0x96, v60  }
0x221: {  	v63 =	vadd.s32 v58, v62;
	[tilespmem:v8+s31+$0x0] =	vst.idx.add.s32.msk $0xffff, v1  }
0x222: {  	[tilespmem:v2+s31+$0x0] =	vst.idx.add.s32.msk $0xffff, v1;
	v2 =	vadd.s32 v61, v3;
	_ =	sdelay $0x3  }
0x223: {  	s20 =	simm.s32 $0x400;
	[tilespmem:v63+s31+$0x0] =	vst.idx.add.s32.msk $0xffff, v1  }
.LBB2_36:
0x224: {  	s21 =	sshra.s32 s20, $0x2;
	p0 =	sne.s32 s20, $0xFC00;
	s20 =	sadd.s32 $0x400, s20;
	[tilespmem:v2+s31+$0x0] =	vst.idx.add.s32.msk $0xffff, v1  }
0x225: {  	v2 =	vld [tilespmem:s21+$0x4050]  }
0x226: {  	v3 =	vld [tilespmem:s21+$0x4030]  }
0x227: {  	v4 =	vld [tilespmem:s21+$0x10]  }
0x228: {  	v5 =	vld [tilespmem:s21+$0x0]  }
0x229: {  	v6 =	vld [tilespmem:s21+$0x4020]  }
0x22a: {  	v7 =	vld [tilespmem:s21+$0x4010]  }
0x22b: {  	v8 =	vld [tilespmem:s21+$0x4000]  }
0x22c: {  	v9 =	vld [tilespmem:s21+$0x4040]  }
0x22d: {  	v10 =	vld [tilespmem:s21+$0x30]  }
0x22e: {  	v11 =	vld [tilespmem:s21+$0x4070];
	v6 =	vmul.u32 $0x96, v6  }
0x22f: {  	v3 =	vmul.u32 $0x96, v3;
	v12 =	vld [tilespmem:s21+$0x20];
	v7 =	vmul.u32 $0x96, v7  }
0x230: {  	v13 =	vld [tilespmem:s21+$0x4060];
	v8 =	vmul.u32 $0x96, v8  }
0x231: {  	v14 =	vld [tilespmem:s21+$0x40];
	v4 =	vadd.s32 v4, v7;
	v7 =	vmul.u32 $0x96, v9  }
0x232: {  	v9 =	vld [tilespmem:s21+$0x50];
	v5 =	vadd.s32 v5, v8;
	v3 =	vadd.s32 v10, v3  }
0x233: {  	v8 =	vld [tilespmem:s21+$0x60];
	v10 =	vmul.u32 $0x96, v11  }
0x234: {  	v11 =	vld [tilespmem:s21+$0x70];
	v6 =	vadd.s32 v12, v6  }
0x235: {  	v2 =	vmul.u32 $0x96, v2;
	v12 =	vmul.u32 $0x96, v13  }
0x236: {  	v7 =	vadd.s32 v14, v7  }
0x237: {  	v9 =	vadd.s32 v9, v2;
	[tilespmem:v5+s31+$0x0] =	vst.idx.add.s32.msk $0xffff, v1  }
0x238: {  	v5 =	vadd.s32 v8, v12;
	[tilespmem:v4+s31+$0x0] =	vst.idx.add.s32.msk $0xffff, v1  }
.Ltmp17:
0x239: {  	v2 =	vadd.s32 v11, v10;
	[tilespmem:v6+s31+$0x0] =	vst.idx.add.s32.msk $0xffff, v1;
	(pc) =	sbr.rel @p0 .LBB2_36-.Ltmp17, $4  }
0x23a: {  	[tilespmem:v3+s31+$0x0] =	vst.idx.add.s32.msk $0xffff, v1  }
0x23b: {  	[tilespmem:v7+s31+$0x0] =	vst.idx.add.s32.msk $0xffff, v1  }
0x23c: {  	[tilespmem:v9+s31+$0x0] =	vst.idx.add.s32.msk $0xffff, v1  }
0x23d: {  	[tilespmem:v5+s31+$0x0] =	vst.idx.add.s32.msk $0xffff, v1  }
0x23e: {  	_ =	sdelay $0x3  }
0x23f: {  	[tilespmem:v2+s31+$0x0] =	vst.idx.add.s32.msk $0xffff, v1  }
0x240: {  	_ =	swait.ge [sflag:s30], $0x2000  }
0x241: {  	[sflag:s30] =	ssyncset.done $0x0  }
0x242: {  	[sflag:s30] =	ssyncadd.s32 $0xFFFFE000  }
0x243: {  	_ =	swait.ge [sflag:s30], $0x2000  }
0x244: {  	s20 =	simm.s32 $0x0;
	s21 =	simm.s32 $0x10;
	[sflag:s30] =	ssyncset.done $0x0  }
0x245: {  	s23 =	sadd.s32 $0x0, s15;
	s22 =	simm.s32 $0x100;
	[sflag:s30] =	ssyncadd.s32 $0xFFFFE000  }
.LBB2_38:
0x246: {  	[tilespmem:s20], [sflag:$0x1] =	stream.linear.gather [hbm4b:s23+s2], $0x80, $0x38;
	[tilespmem:$0x18D80] =	vst v63  }
0x247: {  	s23 =	smov.u32 s21;
	s20 =	smov.u32 s22;
	p0 =	sne.s32 s21, $0x3F0  }
.Ltmp18:
0x248: {  	s21 =	sadd.s32 $0x10, s21;
	(pc) =	sbr.rel @p0 .LBB2_38-.Ltmp18, $2  }
0x249: {  	_ =	sdelay $0x2  }
0x24a: {  	s22 =	sadd.s32 $0x100, s22;
	s23 =	sadd.s32 s23, s15  }
0x24b: {  	[tilespmem:s20], [sflag:$0x1] =	stream.linear.gather [hbm4b:s23+s2], $0x80, $0x38;
	[tilespmem:$0x18D80] =	vst v63  }
0x24c: {  	s20 =	simm.s32 $0x0;
	s21 =	simm.s32 $0x4000  }
0x24d: {  	s22 =	simm.s32 $0x10;
	s24 =	sadd.s32 $0x0, s16;
	s23 =	simm.s32 $0x4100  }
.LBB2_40:
0x24e: {  	[tilespmem:s21], [sflag:$0x1] =	stream.linear.gather [hbm4b:s24+s20], $0x80, $0x38;
	[tilespmem:$0x18D80] =	vst v63  }
0x24f: {  	s24 =	smov.u32 s22;
	s21 =	smov.u32 s23;
	p0 =	sne.s32 s22, $0x3F0  }
.Ltmp19:
0x250: {  	s22 =	sadd.s32 $0x10, s22;
	(pc) =	sbr.rel @p0 .LBB2_40-.Ltmp19, $2  }
0x251: {  	_ =	sdelay $0x2  }
0x252: {  	s23 =	sadd.s32 $0x100, s23;
	s24 =	sadd.s32 s24, s16  }
0x253: {  	[tilespmem:s21], [sflag:$0x1] =	stream.linear.gather [hbm4b:s24+s20], $0x80, $0x38;
	[tilespmem:$0x18D80] =	vst v63  }
0x254: {  	s24 =	simm.s32 $0x0  }
0x255: {  	v2 =	vld [tilespmem:s24+$0x40D0]  }
0x256: {  	v3 =	vld [tilespmem:s24+$0x40B0]  }
0x257: {  	v4 =	vld [tilespmem:s24+$0x90]  }
0x258: {  	v5 =	vld [tilespmem:s24+$0x80]  }
0x259: {  	v7 =	vld [tilespmem:s24+$0x4080]  }
0x25a: {  	v8 =	vld [tilespmem:s24+$0x4090]  }
0x25b: {  	v6 =	vld [tilespmem:s24+$0x40A0]  }
0x25c: {  	v9 =	vld [tilespmem:s24+$0x40C0]  }
0x25d: {  	v11 =	vld [tilespmem:s24+$0xA0]  }
0x25e: {  	v10 =	vld [tilespmem:s24+$0xB0];
	v7 =	vmul.u32 $0x96, v7  }
0x25f: {  	v13 =	vld [tilespmem:s24+$0xC0];
	v8 =	vmul.u32 $0x96, v8  }
0x260: {  	v14 =	vld [tilespmem:s24+$0xD0];
	v6 =	vmul.u32 $0x96, v6;
	v5 =	vadd.s32 v5, v7  }
0x261: {  	v12 =	vld [tilespmem:s24+$0x40E0];
	v3 =	vmul.u32 $0x96, v3;
	v4 =	vadd.s32 v4, v8  }
0x262: {  	v58 =	vld [tilespmem:s24+$0xE0];
	v59 =	vmul.u32 $0x96, v9;
	v6 =	vadd.s32 v11, v6  }
0x263: {  	v60 =	vld [tilespmem:s24+$0x40F0];
	v2 =	vmul.u32 $0x96, v2;
	v3 =	vadd.s32 v10, v3  }
0x264: {  	v61 =	vld [tilespmem:s24+$0xF0];
	v8 =	vadd.s32 v13, v59  }
0x265: {  	v2 =	vadd.s32 v14, v2;
	[tilespmem:v5+s31+$0x0] =	vst.idx.add.s32.msk $0xffff, v1  }
0x266: {  	[tilespmem:v4+s31+$0x0] =	vst.idx.add.s32.msk $0xffff, v1  }
0x267: {  	v62 =	vmul.u32 $0x96, v12;
	[tilespmem:v6+s31+$0x0] =	vst.idx.add.s32.msk $0xffff, v1  }
0x268: {  	[tilespmem:v3+s31+$0x0] =	vst.idx.add.s32.msk $0xffff, v1;
	v3 =	vmul.u32 $0x96, v60  }
0x269: {  	v63 =	vadd.s32 v58, v62;
	[tilespmem:v8+s31+$0x0] =	vst.idx.add.s32.msk $0xffff, v1  }
0x26a: {  	[tilespmem:v2+s31+$0x0] =	vst.idx.add.s32.msk $0xffff, v1;
	v2 =	vadd.s32 v61, v3;
	_ =	sdelay $0x3  }
0x26b: {  	s20 =	simm.s32 $0x400;
	[tilespmem:v63+s31+$0x0] =	vst.idx.add.s32.msk $0xffff, v1  }
.LBB2_42:
0x26c: {  	s21 =	sshra.s32 s20, $0x2;
	p0 =	sne.s32 s20, $0xFC00;
	s20 =	sadd.s32 $0x400, s20;
	[tilespmem:v2+s31+$0x0] =	vst.idx.add.s32.msk $0xffff, v1  }
0x26d: {  	v2 =	vld [tilespmem:s21+$0x40D0]  }
0x26e: {  	v3 =	vld [tilespmem:s21+$0x40B0]  }
0x26f: {  	v4 =	vld [tilespmem:s21+$0x90]  }
0x270: {  	v5 =	vld [tilespmem:s21+$0x80]  }
0x271: {  	v6 =	vld [tilespmem:s21+$0x40A0]  }
0x272: {  	v7 =	vld [tilespmem:s21+$0x4090]  }
0x273: {  	v8 =	vld [tilespmem:s21+$0x4080]  }
0x274: {  	v9 =	vld [tilespmem:s21+$0x40C0]  }
0x275: {  	v10 =	vld [tilespmem:s21+$0xB0]  }
0x276: {  	v11 =	vld [tilespmem:s21+$0x40F0];
	v6 =	vmul.u32 $0x96, v6  }
0x277: {  	v3 =	vmul.u32 $0x96, v3;
	v12 =	vld [tilespmem:s21+$0xA0];
	v7 =	vmul.u32 $0x96, v7  }
0x278: {  	v13 =	vld [tilespmem:s21+$0x40E0];
	v8 =	vmul.u32 $0x96, v8  }
0x279: {  	v14 =	vld [tilespmem:s21+$0xC0];
	v4 =	vadd.s32 v4, v7;
	v7 =	vmul.u32 $0x96, v9  }
0x27a: {  	v9 =	vld [tilespmem:s21+$0xD0];
	v5 =	vadd.s32 v5, v8;
	v3 =	vadd.s32 v10, v3  }
0x27b: {  	v8 =	vld [tilespmem:s21+$0xE0];
	v10 =	vmul.u32 $0x96, v11  }
0x27c: {  	v11 =	vld [tilespmem:s21+$0xF0];
	v6 =	vadd.s32 v12, v6  }
0x27d: {  	v2 =	vmul.u32 $0x96, v2;
	v12 =	vmul.u32 $0x96, v13  }
0x27e: {  	v7 =	vadd.s32 v14, v7  }
0x27f: {  	v9 =	vadd.s32 v9, v2;
	[tilespmem:v5+s31+$0x0] =	vst.idx.add.s32.msk $0xffff, v1  }
0x280: {  	v5 =	vadd.s32 v8, v12;
	[tilespmem:v4+s31+$0x0] =	vst.idx.add.s32.msk $0xffff, v1  }
.Ltmp20:
0x281: {  	v2 =	vadd.s32 v11, v10;
	[tilespmem:v6+s31+$0x0] =	vst.idx.add.s32.msk $0xffff, v1;
	(pc) =	sbr.rel @p0 .LBB2_42-.Ltmp20, $4  }
0x282: {  	[tilespmem:v3+s31+$0x0] =	vst.idx.add.s32.msk $0xffff, v1  }
0x283: {  	[tilespmem:v7+s31+$0x0] =	vst.idx.add.s32.msk $0xffff, v1  }
0x284: {  	[tilespmem:v9+s31+$0x0] =	vst.idx.add.s32.msk $0xffff, v1  }
0x285: {  	[tilespmem:v5+s31+$0x0] =	vst.idx.add.s32.msk $0xffff, v1  }
0x286: {  	_ =	sdelay $0x3  }
0x287: {  	[tilespmem:v2+s31+$0x0] =	vst.idx.add.s32.msk $0xffff, v1  }
0x288: {  	_ =	swait.ge [sflag:s30], $0x2000  }
0x289: {  	[sflag:s30] =	ssyncset.done $0x0  }
0x28a: {  	[sflag:s30] =	ssyncadd.s32 $0xFFFFE000  }
0x28b: {  	_ =	swait.ge [sflag:s30], $0x2000  }
0x28c: {  	s20 =	simm.s32 $0x80;
	s21 =	simm.s32 $0x10;
	[sflag:s30] =	ssyncset.done $0x0  }
0x28d: {  	s23 =	sadd.s32 $0x0, s17;
	s22 =	simm.s32 $0x180;
	[sflag:s30] =	ssyncadd.s32 $0xFFFFE000  }
.LBB2_44:
0x28e: {  	[tilespmem:s20], [sflag:$0x1] =	stream.linear.gather [hbm4b:s23+s2], $0x80, $0x38;
	[tilespmem:$0x18D80] =	vst v63  }
0x28f: {  	s23 =	smov.u32 s21;
	s20 =	smov.u32 s22;
	p0 =	sne.s32 s21, $0x3F0  }
.Ltmp21:
0x290: {  	s21 =	sadd.s32 $0x10, s21;
	(pc) =	sbr.rel @p0 .LBB2_44-.Ltmp21, $2  }
0x291: {  	_ =	sdelay $0x2  }
0x292: {  	s22 =	sadd.s32 $0x100, s22;
	s23 =	sadd.s32 s23, s17  }
0x293: {  	[tilespmem:s20], [sflag:$0x1] =	stream.linear.gather [hbm4b:s23+s2], $0x80, $0x38;
	[tilespmem:$0x18D80] =	vst v63  }
0x294: {  	s20 =	simm.s32 $0x0;
	s21 =	simm.s32 $0x4080  }
0x295: {  	s22 =	simm.s32 $0x10;
	s24 =	sadd.s32 $0x0, s19;
	s23 =	simm.s32 $0x4180  }
.LBB2_46:
0x296: {  	[tilespmem:s21], [sflag:$0x1] =	stream.linear.gather [hbm4b:s24+s20], $0x80, $0x38;
	[tilespmem:$0x18D80] =	vst v63  }
0x297: {  	s24 =	smov.u32 s22;
	s21 =	smov.u32 s23;
	p0 =	sne.s32 s22, $0x3F0  }
.Ltmp22:
0x298: {  	s22 =	sadd.s32 $0x10, s22;
	(pc) =	sbr.rel @p0 .LBB2_46-.Ltmp22, $2  }
0x299: {  	_ =	sdelay $0x2  }
0x29a: {  	s23 =	sadd.s32 $0x100, s23;
	s24 =	sadd.s32 s24, s19  }
0x29b: {  	[tilespmem:s21], [sflag:$0x1] =	stream.linear.gather [hbm4b:s24+s20], $0x80, $0x38;
	[tilespmem:$0x18D80] =	vst v63  }
0x29c: {  	s24 =	simm.s32 $0x0  }
0x29d: {  	v2 =	vld [tilespmem:s24+$0x4050]  }
0x29e: {  	v3 =	vld [tilespmem:s24+$0x4030]  }
0x29f: {  	v4 =	vld [tilespmem:s24+$0x10]  }
0x2a0: {  	v5 =	vld [tilespmem:s24+$0x0]  }
0x2a1: {  	v7 =	vld [tilespmem:s24+$0x4000]  }
0x2a2: {  	v8 =	vld [tilespmem:s24+$0x4010]  }
0x2a3: {  	v6 =	vld [tilespmem:s24+$0x4020]  }
0x2a4: {  	v9 =	vld [tilespmem:s24+$0x4040]  }
0x2a5: {  	v11 =	vld [tilespmem:s24+$0x20]  }
0x2a6: {  	v10 =	vld [tilespmem:s24+$0x30];
	v7 =	vmul.u32 $0x96, v7  }
0x2a7: {  	v13 =	vld [tilespmem:s24+$0x40];
	v8 =	vmul.u32 $0x96, v8  }
0x2a8: {  	v14 =	vld [tilespmem:s24+$0x50];
	v6 =	vmul.u32 $0x96, v6;
	v5 =	vadd.s32 v5, v7  }
0x2a9: {  	v12 =	vld [tilespmem:s24+$0x4060];
	v3 =	vmul.u32 $0x96, v3;
	v4 =	vadd.s32 v4, v8  }
0x2aa: {  	v58 =	vld [tilespmem:s24+$0x60];
	v59 =	vmul.u32 $0x96, v9;
	v6 =	vadd.s32 v11, v6  }
0x2ab: {  	v60 =	vld [tilespmem:s24+$0x4070];
	v2 =	vmul.u32 $0x96, v2;
	v3 =	vadd.s32 v10, v3  }
0x2ac: {  	v61 =	vld [tilespmem:s24+$0x70];
	v8 =	vadd.s32 v13, v59  }
0x2ad: {  	v2 =	vadd.s32 v14, v2;
	[tilespmem:v5+s31+$0x0] =	vst.idx.add.s32.msk $0xffff, v1  }
0x2ae: {  	[tilespmem:v4+s31+$0x0] =	vst.idx.add.s32.msk $0xffff, v1  }
0x2af: {  	v62 =	vmul.u32 $0x96, v12;
	[tilespmem:v6+s31+$0x0] =	vst.idx.add.s32.msk $0xffff, v1  }
0x2b0: {  	[tilespmem:v3+s31+$0x0] =	vst.idx.add.s32.msk $0xffff, v1;
	v3 =	vmul.u32 $0x96, v60  }
0x2b1: {  	v63 =	vadd.s32 v58, v62;
	[tilespmem:v8+s31+$0x0] =	vst.idx.add.s32.msk $0xffff, v1  }
0x2b2: {  	[tilespmem:v2+s31+$0x0] =	vst.idx.add.s32.msk $0xffff, v1;
	v2 =	vadd.s32 v61, v3;
	_ =	sdelay $0x3  }
0x2b3: {  	s20 =	simm.s32 $0x400;
	[tilespmem:v63+s31+$0x0] =	vst.idx.add.s32.msk $0xffff, v1  }
.LBB2_48:
0x2b4: {  	s21 =	sshra.s32 s20, $0x2;
	p0 =	sne.s32 s20, $0xFC00;
	s20 =	sadd.s32 $0x400, s20;
	[tilespmem:v2+s31+$0x0] =	vst.idx.add.s32.msk $0xffff, v1  }
0x2b5: {  	v2 =	vld [tilespmem:s21+$0x4050]  }
0x2b6: {  	v3 =	vld [tilespmem:s21+$0x4030]  }
0x2b7: {  	v4 =	vld [tilespmem:s21+$0x10]  }
0x2b8: {  	v5 =	vld [tilespmem:s21+$0x0]  }
0x2b9: {  	v6 =	vld [tilespmem:s21+$0x4020]  }
0x2ba: {  	v7 =	vld [tilespmem:s21+$0x4010]  }
0x2bb: {  	v8 =	vld [tilespmem:s21+$0x4000]  }
0x2bc: {  	v9 =	vld [tilespmem:s21+$0x4040]  }
0x2bd: {  	v10 =	vld [tilespmem:s21+$0x30]  }
0x2be: {  	v11 =	vld [tilespmem:s21+$0x4070];
	v6 =	vmul.u32 $0x96, v6  }
0x2bf: {  	v3 =	vmul.u32 $0x96, v3;
	v12 =	vld [tilespmem:s21+$0x20];
	v7 =	vmul.u32 $0x96, v7  }
0x2c0: {  	v13 =	vld [tilespmem:s21+$0x4060];
	v8 =	vmul.u32 $0x96, v8  }
0x2c1: {  	v14 =	vld [tilespmem:s21+$0x40];
	v4 =	vadd.s32 v4, v7;
	v7 =	vmul.u32 $0x96, v9  }
0x2c2: {  	v9 =	vld [tilespmem:s21+$0x50];
	v5 =	vadd.s32 v5, v8;
	v3 =	vadd.s32 v10, v3  }
0x2c3: {  	v8 =	vld [tilespmem:s21+$0x60];
	v10 =	vmul.u32 $0x96, v11  }
0x2c4: {  	v11 =	vld [tilespmem:s21+$0x70];
	v6 =	vadd.s32 v12, v6  }
0x2c5: {  	v2 =	vmul.u32 $0x96, v2;
	v12 =	vmul.u32 $0x96, v13  }
0x2c6: {  	v7 =	vadd.s32 v14, v7  }
0x2c7: {  	v9 =	vadd.s32 v9, v2;
	[tilespmem:v5+s31+$0x0] =	vst.idx.add.s32.msk $0xffff, v1  }
0x2c8: {  	v5 =	vadd.s32 v8, v12;
	[tilespmem:v4+s31+$0x0] =	vst.idx.add.s32.msk $0xffff, v1  }
.Ltmp23:
0x2c9: {  	v2 =	vadd.s32 v11, v10;
	[tilespmem:v6+s31+$0x0] =	vst.idx.add.s32.msk $0xffff, v1;
	(pc) =	sbr.rel @p0 .LBB2_48-.Ltmp23, $4  }
0x2ca: {  	[tilespmem:v3+s31+$0x0] =	vst.idx.add.s32.msk $0xffff, v1  }
0x2cb: {  	[tilespmem:v7+s31+$0x0] =	vst.idx.add.s32.msk $0xffff, v1  }
0x2cc: {  	[tilespmem:v9+s31+$0x0] =	vst.idx.add.s32.msk $0xffff, v1  }
0x2cd: {  	[tilespmem:v5+s31+$0x0] =	vst.idx.add.s32.msk $0xffff, v1  }
0x2ce: {  	_ =	sdelay $0x3  }
0x2cf: {  	[tilespmem:v2+s31+$0x0] =	vst.idx.add.s32.msk $0xffff, v1  }
0x2d0: {  	_ =	swait.ge [sflag:s30], $0x2000  }
0x2d1: {  	[sflag:s30] =	ssyncset.done $0x0  }
0x2d2: {  	[sflag:s30] =	ssyncadd.s32 $0xFFFFE000  }
0x2d3: {  	_ =	swait.ge [sflag:s30], $0x2000  }
0x2d4: {  	[sflag:s30] =	ssyncset.done $0x0  }
0x2d5: {  	s20 =	simm.s32 $0x0;
	[sflag:s30] =	ssyncadd.s32 $0xFFFFE000  }
0x2d6: {  	v2 =	vld [tilespmem:s20+$0x40D0]  }
0x2d7: {  	v3 =	vld [tilespmem:s20+$0x40B0]  }
0x2d8: {  	v4 =	vld [tilespmem:s20+$0x90]  }
0x2d9: {  	v5 =	vld [tilespmem:s20+$0x80]  }
0x2da: {  	v7 =	vld [tilespmem:s20+$0x4080]  }
0x2db: {  	v8 =	vld [tilespmem:s20+$0x4090]  }
0x2dc: {  	v6 =	vld [tilespmem:s20+$0x40A0]  }
0x2dd: {  	v9 =	vld [tilespmem:s20+$0x40C0]  }
0x2de: {  	v11 =	vld [tilespmem:s20+$0xA0]  }
0x2df: {  	v10 =	vld [tilespmem:s20+$0xB0];
	v7 =	vmul.u32 $0x96, v7  }
0x2e0: {  	v13 =	vld [tilespmem:s20+$0xC0];
	v8 =	vmul.u32 $0x96, v8  }
0x2e1: {  	v14 =	vld [tilespmem:s20+$0xD0];
	v6 =	vmul.u32 $0x96, v6;
	v5 =	vadd.s32 v5, v7  }
0x2e2: {  	v12 =	vld [tilespmem:s20+$0x40E0];
	v3 =	vmul.u32 $0x96, v3;
	v4 =	vadd.s32 v4, v8  }
0x2e3: {  	v58 =	vld [tilespmem:s20+$0xE0];
	v59 =	vmul.u32 $0x96, v9;
	v6 =	vadd.s32 v11, v6  }
0x2e4: {  	v60 =	vld [tilespmem:s20+$0x40F0];
	v2 =	vmul.u32 $0x96, v2;
	v3 =	vadd.s32 v10, v3  }
0x2e5: {  	v61 =	vld [tilespmem:s20+$0xF0];
	v8 =	vadd.s32 v13, v59  }
0x2e6: {  	v2 =	vadd.s32 v14, v2;
	[tilespmem:v5+s31+$0x0] =	vst.idx.add.s32.msk $0xffff, v1  }
0x2e7: {  	[tilespmem:v4+s31+$0x0] =	vst.idx.add.s32.msk $0xffff, v1  }
0x2e8: {  	v62 =	vmul.u32 $0x96, v12;
	[tilespmem:v6+s31+$0x0] =	vst.idx.add.s32.msk $0xffff, v1  }
0x2e9: {  	[tilespmem:v3+s31+$0x0] =	vst.idx.add.s32.msk $0xffff, v1;
	v3 =	vmul.u32 $0x96, v60  }
0x2ea: {  	v63 =	vadd.s32 v58, v62;
	[tilespmem:v8+s31+$0x0] =	vst.idx.add.s32.msk $0xffff, v1  }
0x2eb: {  	[tilespmem:v2+s31+$0x0] =	vst.idx.add.s32.msk $0xffff, v1;
	v2 =	vadd.s32 v61, v3;
	_ =	sdelay $0x3  }
0x2ec: {  	s20 =	simm.s32 $0x400;
	[tilespmem:v63+s31+$0x0] =	vst.idx.add.s32.msk $0xffff, v1  }
.LBB2_50:
0x2ed: {  	s21 =	sshra.s32 s20, $0x2;
	p0 =	sne.s32 s20, $0xFC00;
	s20 =	sadd.s32 $0x400, s20;
	[tilespmem:v2+s31+$0x0] =	vst.idx.add.s32.msk $0xffff, v1  }
0x2ee: {  	v2 =	vld [tilespmem:s21+$0x40D0]  }
0x2ef: {  	v3 =	vld [tilespmem:s21+$0x40B0]  }
0x2f0: {  	v4 =	vld [tilespmem:s21+$0x90]  }
0x2f1: {  	v5 =	vld [tilespmem:s21+$0x80]  }
0x2f2: {  	v6 =	vld [tilespmem:s21+$0x40A0]  }
0x2f3: {  	v7 =	vld [tilespmem:s21+$0x4090]  }
0x2f4: {  	v8 =	vld [tilespmem:s21+$0x4080]  }
0x2f5: {  	v9 =	vld [tilespmem:s21+$0x40C0]  }
0x2f6: {  	v10 =	vld [tilespmem:s21+$0xB0]  }
0x2f7: {  	v11 =	vld [tilespmem:s21+$0x40F0];
	v6 =	vmul.u32 $0x96, v6  }
0x2f8: {  	v3 =	vmul.u32 $0x96, v3;
	v12 =	vld [tilespmem:s21+$0xA0];
	v7 =	vmul.u32 $0x96, v7  }
0x2f9: {  	v13 =	vld [tilespmem:s21+$0x40E0];
	v8 =	vmul.u32 $0x96, v8  }
0x2fa: {  	v14 =	vld [tilespmem:s21+$0xC0];
	v4 =	vadd.s32 v4, v7;
	v7 =	vmul.u32 $0x96, v9  }
0x2fb: {  	v9 =	vld [tilespmem:s21+$0xD0];
	v5 =	vadd.s32 v5, v8;
	v3 =	vadd.s32 v10, v3  }
0x2fc: {  	v8 =	vld [tilespmem:s21+$0xE0];
	v10 =	vmul.u32 $0x96, v11  }
0x2fd: {  	v11 =	vld [tilespmem:s21+$0xF0];
	v6 =	vadd.s32 v12, v6  }
0x2fe: {  	v2 =	vmul.u32 $0x96, v2;
	v12 =	vmul.u32 $0x96, v13  }
0x2ff: {  	v7 =	vadd.s32 v14, v7  }
0x300: {  	v9 =	vadd.s32 v9, v2;
	[tilespmem:v5+s31+$0x0] =	vst.idx.add.s32.msk $0xffff, v1  }
0x301: {  	v5 =	vadd.s32 v8, v12;
	[tilespmem:v4+s31+$0x0] =	vst.idx.add.s32.msk $0xffff, v1  }
.Ltmp24:
0x302: {  	v2 =	vadd.s32 v11, v10;
	[tilespmem:v6+s31+$0x0] =	vst.idx.add.s32.msk $0xffff, v1;
	(pc) =	sbr.rel @p0 .LBB2_50-.Ltmp24, $4  }
0x303: {  	[tilespmem:v3+s31+$0x0] =	vst.idx.add.s32.msk $0xffff, v1  }
0x304: {  	[tilespmem:v7+s31+$0x0] =	vst.idx.add.s32.msk $0xffff, v1  }
0x305: {  	[tilespmem:v9+s31+$0x0] =	vst.idx.add.s32.msk $0xffff, v1  }
0x306: {  	[tilespmem:v5+s31+$0x0] =	vst.idx.add.s32.msk $0xffff, v1  }
0x307: {  	_ =	sdelay $0x3  }
0x308: {  	[tilespmem:v2+s31+$0x0] =	vst.idx.add.s32.msk $0xffff, v1;
	s20 =	rddreg [dreg:$0x5];
	s21 =	simm.s32 $0x80;
	s22 =	simm.s32 $0x400  }
0x309: {  	[spmem:s20] =	stream.strided.scatter [tilespmem:s31], [sflag:$0x2], $0x5800, s22, s21, $0x38;
	[tilespmem:$0x18D80] =	vst v63  }
0x30a: {  	_ =	swait.ge [sflag:s0], $0x5800  }
0x30b: {  	[sflag:s0] =	ssyncset.done $0x0  }
0x30c: {  	[sflag:s0] =	ssyncadd.s32 $0xFFFFA800  }
0x30d: {  	s22 =	simm.s32 $0xD800;
	[bflag:$0x0] =	sbarrier.arrive $0xFFFF  }
0x30e: {  	[tilespmem:s22], [sflag:$0x2] =	stream.linear.gather [spmem:s18], $0x80, $0x38;
	[tilespmem:$0x18D80] =	vst v63  }
0x30f: {  	s23 =	rddreg [dreg:$0x17]  }
0x310: {  	s24 =	simm.s32 $0xDC00;
	s21 =	rddreg [dreg:$0x18]  }
0x311: {  	[tilespmem:s24], [sflag:$0x2] =	stream.linear.gather [spmem:s23], $0x80, $0x38;
	[tilespmem:$0x18D80] =	vst v63  }
0x312: {  	s22 =	simm.s32 $0xE000;
	s23 =	rddreg [dreg:$0x19]  }
0x313: {  	[tilespmem:s22], [sflag:$0x2] =	stream.linear.gather [spmem:s21], $0x80, $0x38;
	[tilespmem:$0x18D80] =	vst v63  }
0x314: {  	s24 =	simm.s32 $0xE400;
	s21 =	rddreg [dreg:$0x1a]  }
0x315: {  	[tilespmem:s24], [sflag:$0x2] =	stream.linear.gather [spmem:s23], $0x80, $0x38;
	[tilespmem:$0x18D80] =	vst v63  }
0x316: {  	s22 =	simm.s32 $0xE800;
	s23 =	rddreg [dreg:$0x1b]  }
0x317: {  	[tilespmem:s22], [sflag:$0x2] =	stream.linear.gather [spmem:s21], $0x80, $0x38;
	[tilespmem:$0x18D80] =	vst v63  }
0x318: {  	s24 =	simm.s32 $0xEC00;
	s21 =	rddreg [dreg:$0x1c]  }
0x319: {  	[tilespmem:s24], [sflag:$0x2] =	stream.linear.gather [spmem:s23], $0x80, $0x38;
	[tilespmem:$0x18D80] =	vst v63  }
0x31a: {  	s22 =	simm.s32 $0xF000;
	s23 =	rddreg [dreg:$0x1d]  }
0x31b: {  	[tilespmem:s22], [sflag:$0x2] =	stream.linear.gather [spmem:s21], $0x80, $0x38;
	[tilespmem:$0x18D80] =	vst v63  }
0x31c: {  	s24 =	simm.s32 $0xF400;
	s21 =	rddreg [dreg:$0x1e]  }
0x31d: {  	[tilespmem:s24], [sflag:$0x2] =	stream.linear.gather [spmem:s23], $0x80, $0x38;
	[tilespmem:$0x18D80] =	vst v63  }
0x31e: {  	s22 =	simm.s32 $0xF800;
	s23 =	rddreg [dreg:$0x1f]  }
0x31f: {  	[tilespmem:s22], [sflag:$0x2] =	stream.linear.gather [spmem:s21], $0x80, $0x38;
	[tilespmem:$0x18D80] =	vst v63  }
0x320: {  	s24 =	simm.s32 $0xFC00;
	s21 =	sld [smem:$0x76B]  }
0x321: {  	[tilespmem:s24], [sflag:$0x2] =	stream.linear.gather [spmem:s23], $0x80, $0x38;
	[tilespmem:$0x18D80] =	vst v63  }
0x322: {  	s22 =	simm.s32 $0x10000  }
0x323: {  	[tilespmem:s22], [sflag:$0x2] =	stream.linear.gather [spmem:s21], $0x80, $0x38;
	[tilespmem:$0x18D80] =	vst v63  }
0x324: {  	_ =	swait.ge [sflag:s0], $0x580  }
0x325: {  	[sflag:s0] =	ssyncset.done $0x0;
	s23 =	rddreg [dreg:$0x6]  }
0x326: {  	s24 =	simm.s32 $0xD880;
	s21 =	sld [smem:$0x76C];
	[sflag:s0] =	ssyncadd.s32 $0xFFFFFA80  }
0x327: {  	[tilespmem:s24], [sflag:$0x2] =	stream.linear.gather [spmem:s23], $0x80, $0x38;
	[tilespmem:$0x18D80] =	vst v63  }
0x328: {  	s22 =	simm.s32 $0xDC80;
	s23 =	sld [smem:$0x76D]  }
0x329: {  	[tilespmem:s22], [sflag:$0x2] =	stream.linear.gather [spmem:s21], $0x80, $0x38;
	[tilespmem:$0x18D80] =	vst v63  }
0x32a: {  	s24 =	simm.s32 $0xE080;
	s21 =	sld [smem:$0x76E]  }
0x32b: {  	[tilespmem:s24], [sflag:$0x2] =	stream.linear.gather [spmem:s23], $0x80, $0x38;
	[tilespmem:$0x18D80] =	vst v63  }
0x32c: {  	s22 =	simm.s32 $0xE480;
	s23 =	sld [smem:$0x76F]  }
0x32d: {  	[tilespmem:s22], [sflag:$0x2] =	stream.linear.gather [spmem:s21], $0x80, $0x38;
	[tilespmem:$0x18D80] =	vst v63  }
0x32e: {  	s24 =	simm.s32 $0xE880;
	s21 =	sld [smem:$0x770]  }
0x32f: {  	[tilespmem:s24], [sflag:$0x2] =	stream.linear.gather [spmem:s23], $0x80, $0x38;
	[tilespmem:$0x18D80] =	vst v63  }
0x330: {  	s22 =	simm.s32 $0xEC80;
	s23 =	sld [smem:$0x771]  }
0x331: {  	[tilespmem:s22], [sflag:$0x2] =	stream.linear.gather [spmem:s21], $0x80, $0x38;
	[tilespmem:$0x18D80] =	vst v63  }
0x332: {  	s24 =	simm.s32 $0xF080;
	s21 =	sld [smem:$0x772]  }
0x333: {  	[tilespmem:s24], [sflag:$0x2] =	stream.linear.gather [spmem:s23], $0x80, $0x38;
	[tilespmem:$0x18D80] =	vst v63  }
0x334: {  	s22 =	simm.s32 $0xF480;
	s23 =	sld [smem:$0x773]  }
0x335: {  	[tilespmem:s22], [sflag:$0x2] =	stream.linear.gather [spmem:s21], $0x80, $0x38;
	[tilespmem:$0x18D80] =	vst v63  }
0x336: {  	s24 =	simm.s32 $0xF880;
	s21 =	sld [smem:$0x774]  }
0x337: {  	[tilespmem:s24], [sflag:$0x2] =	stream.linear.gather [spmem:s23], $0x80, $0x38;
	[tilespmem:$0x18D80] =	vst v63  }
0x338: {  	s22 =	simm.s32 $0xFC80;
	s23 =	sld [smem:$0x775]  }
0x339: {  	[tilespmem:s22], [sflag:$0x2] =	stream.linear.gather [spmem:s21], $0x80, $0x38;
	[tilespmem:$0x18D80] =	vst v63  }
0x33a: {  	s24 =	simm.s32 $0x10080  }
0x33b: {  	[tilespmem:s24], [sflag:$0x2] =	stream.linear.gather [spmem:s23], $0x80, $0x38;
	[tilespmem:$0x18D80] =	vst v63  }
0x33c: {  	_ =	swait.ge [sflag:s0], $0x580  }
0x33d: {  	[sflag:s0] =	ssyncset.done $0x0;
	s21 =	rddreg [dreg:$0x7]  }
0x33e: {  	s22 =	simm.s32 $0xD900;
	s23 =	sld [smem:$0x776];
	[sflag:s0] =	ssyncadd.s32 $0xFFFFFA80  }
0x33f: {  	[tilespmem:s22], [sflag:$0x2] =	stream.linear.gather [spmem:s21], $0x80, $0x38;
	[tilespmem:$0x18D80] =	vst v63  }
0x340: {  	s24 =	simm.s32 $0xDD00;
	s21 =	sld [smem:$0x777]  }
0x341: {  	[tilespmem:s24], [sflag:$0x2] =	stream.linear.gather [spmem:s23], $0x80, $0x38;
	[tilespmem:$0x18D80] =	vst v63  }
0x342: {  	s22 =	simm.s32 $0xE100;
	s23 =	sld [smem:$0x778]  }
0x343: {  	[tilespmem:s22], [sflag:$0x2] =	stream.linear.gather [spmem:s21], $0x80, $0x38;
	[tilespmem:$0x18D80] =	vst v63  }
0x344: {  	s24 =	simm.s32 $0xE500;
	s21 =	sld [smem:$0x779]  }
0x345: {  	[tilespmem:s24], [sflag:$0x2] =	stream.linear.gather [spmem:s23], $0x80, $0x38;
	[tilespmem:$0x18D80] =	vst v63  }
0x346: {  	s22 =	simm.s32 $0xE900;
	s23 =	sld [smem:$0x77A]  }
0x347: {  	[tilespmem:s22], [sflag:$0x2] =	stream.linear.gather [spmem:s21], $0x80, $0x38;
	[tilespmem:$0x18D80] =	vst v63  }
0x348: {  	s24 =	simm.s32 $0xED00;
	s21 =	sld [smem:$0x77B]  }
0x349: {  	[tilespmem:s24], [sflag:$0x2] =	stream.linear.gather [spmem:s23], $0x80, $0x38;
	[tilespmem:$0x18D80] =	vst v63  }
0x34a: {  	s22 =	simm.s32 $0xF100;
	s23 =	sld [smem:$0x77C]  }
0x34b: {  	[tilespmem:s22], [sflag:$0x2] =	stream.linear.gather [spmem:s21], $0x80, $0x38;
	[tilespmem:$0x18D80] =	vst v63  }
0x34c: {  	s24 =	simm.s32 $0xF500;
	s21 =	sld [smem:$0x77D]  }
0x34d: {  	[tilespmem:s24], [sflag:$0x2] =	stream.linear.gather [spmem:s23], $0x80, $0x38;
	[tilespmem:$0x18D80] =	vst v63  }
0x34e: {  	s22 =	simm.s32 $0xF900;
	s23 =	sld [smem:$0x77E]  }
0x34f: {  	[tilespmem:s22], [sflag:$0x2] =	stream.linear.gather [spmem:s21], $0x80, $0x38;
	[tilespmem:$0x18D80] =	vst v63  }
0x350: {  	s24 =	simm.s32 $0xFD00;
	s21 =	sld [smem:$0x77F]  }
0x351: {  	[tilespmem:s24], [sflag:$0x2] =	stream.linear.gather [spmem:s23], $0x80, $0x38;
	[tilespmem:$0x18D80] =	vst v63  }
0x352: {  	s22 =	simm.s32 $0x10100  }
0x353: {  	[tilespmem:s22], [sflag:$0x2] =	stream.linear.gather [spmem:s21], $0x80, $0x38;
	[tilespmem:$0x18D80] =	vst v63  }
0x354: {  	_ =	swait.ge [sflag:s0], $0x580  }
0x355: {  	[sflag:s0] =	ssyncset.done $0x0;
	s23 =	rddreg [dreg:$0x8]  }
0x356: {  	s24 =	simm.s32 $0xD980;
	s21 =	sld [smem:$0x780];
	[sflag:s0] =	ssyncadd.s32 $0xFFFFFA80  }
0x357: {  	[tilespmem:s24], [sflag:$0x2] =	stream.linear.gather [spmem:s23], $0x80, $0x38;
	[tilespmem:$0x18D80] =	vst v63  }
0x358: {  	s22 =	simm.s32 $0xDD80;
	s23 =	sld [smem:$0x781]  }
0x359: {  	[tilespmem:s22], [sflag:$0x2] =	stream.linear.gather [spmem:s21], $0x80, $0x38;
	[tilespmem:$0x18D80] =	vst v63  }
0x35a: {  	s24 =	simm.s32 $0xE180;
	s21 =	sld [smem:$0x782]  }
0x35b: {  	[tilespmem:s24], [sflag:$0x2] =	stream.linear.gather [spmem:s23], $0x80, $0x38;
	[tilespmem:$0x18D80] =	vst v63  }
0x35c: {  	s22 =	simm.s32 $0xE580;
	s23 =	sld [smem:$0x783]  }
0x35d: {  	[tilespmem:s22], [sflag:$0x2] =	stream.linear.gather [spmem:s21], $0x80, $0x38;
	[tilespmem:$0x18D80] =	vst v63  }
0x35e: {  	s24 =	simm.s32 $0xE980;
	s21 =	sld [smem:$0x784]  }
0x35f: {  	[tilespmem:s24], [sflag:$0x2] =	stream.linear.gather [spmem:s23], $0x80, $0x38;
	[tilespmem:$0x18D80] =	vst v63  }
0x360: {  	s22 =	simm.s32 $0xED80;
	s23 =	sld [smem:$0x785]  }
0x361: {  	[tilespmem:s22], [sflag:$0x2] =	stream.linear.gather [spmem:s21], $0x80, $0x38;
	[tilespmem:$0x18D80] =	vst v63  }
0x362: {  	s24 =	simm.s32 $0xF180;
	s21 =	sld [smem:$0x786]  }
0x363: {  	[tilespmem:s24], [sflag:$0x2] =	stream.linear.gather [spmem:s23], $0x80, $0x38;
	[tilespmem:$0x18D80] =	vst v63  }
0x364: {  	s22 =	simm.s32 $0xF580;
	s23 =	sld [smem:$0x787]  }
0x365: {  	[tilespmem:s22], [sflag:$0x2] =	stream.linear.gather [spmem:s21], $0x80, $0x38;
	[tilespmem:$0x18D80] =	vst v63  }
0x366: {  	s24 =	simm.s32 $0xF980;
	s21 =	sld [smem:$0x788]  }
0x367: {  	[tilespmem:s24], [sflag:$0x2] =	stream.linear.gather [spmem:s23], $0x80, $0x38;
	[tilespmem:$0x18D80] =	vst v63  }
0x368: {  	s22 =	simm.s32 $0xFD80;
	s23 =	sld [smem:$0x789]  }
0x369: {  	[tilespmem:s22], [sflag:$0x2] =	stream.linear.gather [spmem:s21], $0x80, $0x38;
	[tilespmem:$0x18D80] =	vst v63  }
0x36a: {  	s24 =	simm.s32 $0x10180  }
0x36b: {  	[tilespmem:s24], [sflag:$0x2] =	stream.linear.gather [spmem:s23], $0x80, $0x38;
	[tilespmem:$0x18D80] =	vst v63  }
0x36c: {  	_ =	swait.ge [sflag:s0], $0x580  }
0x36d: {  	[sflag:s0] =	ssyncset.done $0x0;
	s21 =	rddreg [dreg:$0xb]  }
0x36e: {  	s22 =	simm.s32 $0xDA00;
	s23 =	sld [smem:$0x78A];
	[sflag:s0] =	ssyncadd.s32 $0xFFFFFA80  }
0x36f: {  	[tilespmem:s22], [sflag:$0x2] =	stream.linear.gather [spmem:s21], $0x80, $0x38;
	[tilespmem:$0x18D80] =	vst v63  }
0x370: {  	s24 =	simm.s32 $0xDE00;
	s21 =	sld [smem:$0x78B]  }
0x371: {  	[tilespmem:s24], [sflag:$0x2] =	stream.linear.gather [spmem:s23], $0x80, $0x38;
	[tilespmem:$0x18D80] =	vst v63  }
0x372: {  	s22 =	simm.s32 $0xE200;
	s23 =	sld [smem:$0x78C]  }
0x373: {  	[tilespmem:s22], [sflag:$0x2] =	stream.linear.gather [spmem:s21], $0x80, $0x38;
	[tilespmem:$0x18D80] =	vst v63  }
0x374: {  	s24 =	simm.s32 $0xE600;
	s21 =	sld [smem:$0x78D]  }
0x375: {  	[tilespmem:s24], [sflag:$0x2] =	stream.linear.gather [spmem:s23], $0x80, $0x38;
	[tilespmem:$0x18D80] =	vst v63  }
0x376: {  	s22 =	simm.s32 $0xEA00;
	s23 =	sld [smem:$0x78E]  }
0x377: {  	[tilespmem:s22], [sflag:$0x2] =	stream.linear.gather [spmem:s21], $0x80, $0x38;
	[tilespmem:$0x18D80] =	vst v63  }
0x378: {  	s24 =	simm.s32 $0xEE00;
	s21 =	sld [smem:$0x78F]  }
0x379: {  	[tilespmem:s24], [sflag:$0x2] =	stream.linear.gather [spmem:s23], $0x80, $0x38;
	[tilespmem:$0x18D80] =	vst v63  }
0x37a: {  	s22 =	simm.s32 $0xF200;
	s23 =	sld [smem:$0x790]  }
0x37b: {  	[tilespmem:s22], [sflag:$0x2] =	stream.linear.gather [spmem:s21], $0x80, $0x38;
	[tilespmem:$0x18D80] =	vst v63  }
0x37c: {  	s24 =	simm.s32 $0xF600;
	s21 =	sld [smem:$0x791]  }
0x37d: {  	[tilespmem:s24], [sflag:$0x2] =	stream.linear.gather [spmem:s23], $0x80, $0x38;
	[tilespmem:$0x18D80] =	vst v63  }
0x37e: {  	s22 =	simm.s32 $0xFA00;
	s23 =	sld [smem:$0x792]  }
0x37f: {  	[tilespmem:s22], [sflag:$0x2] =	stream.linear.gather [spmem:s21], $0x80, $0x38;
	[tilespmem:$0x18D80] =	vst v63  }
0x380: {  	s24 =	simm.s32 $0xFE00;
	s21 =	sld [smem:$0x793]  }
0x381: {  	[tilespmem:s24], [sflag:$0x2] =	stream.linear.gather [spmem:s23], $0x80, $0x38;
	[tilespmem:$0x18D80] =	vst v63  }
0x382: {  	s22 =	simm.s32 $0x10200  }
0x383: {  	[tilespmem:s22], [sflag:$0x2] =	stream.linear.gather [spmem:s21], $0x80, $0x38;
	[tilespmem:$0x18D80] =	vst v63  }
0x384: {  	_ =	swait.ge [sflag:s0], $0x580  }
0x385: {  	[sflag:s0] =	ssyncset.done $0x0;
	s23 =	rddreg [dreg:$0xc]  }
0x386: {  	s24 =	simm.s32 $0xDA80;
	s21 =	sld [smem:$0x794];
	[sflag:s0] =	ssyncadd.s32 $0xFFFFFA80  }
0x387: {  	[tilespmem:s24], [sflag:$0x2] =	stream.linear.gather [spmem:s23], $0x80, $0x38;
	[tilespmem:$0x18D80] =	vst v63  }
0x388: {  	s22 =	simm.s32 $0xDE80;
	s23 =	sld [smem:$0x795]  }
0x389: {  	[tilespmem:s22], [sflag:$0x2] =	stream.linear.gather [spmem:s21], $0x80, $0x38;
	[tilespmem:$0x18D80] =	vst v63  }
0x38a: {  	s24 =	simm.s32 $0xE280;
	s21 =	sld [smem:$0x796]  }
0x38b: {  	[tilespmem:s24], [sflag:$0x2] =	stream.linear.gather [spmem:s23], $0x80, $0x38;
	[tilespmem:$0x18D80] =	vst v63  }
0x38c: {  	s22 =	simm.s32 $0xE680;
	s23 =	sld [smem:$0x797]  }
0x38d: {  	[tilespmem:s22], [sflag:$0x2] =	stream.linear.gather [spmem:s21], $0x80, $0x38;
	[tilespmem:$0x18D80] =	vst v63  }
0x38e: {  	s24 =	simm.s32 $0xEA80;
	s21 =	sld [smem:$0x798]  }
0x38f: {  	[tilespmem:s24], [sflag:$0x2] =	stream.linear.gather [spmem:s23], $0x80, $0x38;
	[tilespmem:$0x18D80] =	vst v63  }
0x390: {  	s22 =	simm.s32 $0xEE80;
	s23 =	sld [smem:$0x799]  }
0x391: {  	[tilespmem:s22], [sflag:$0x2] =	stream.linear.gather [spmem:s21], $0x80, $0x38;
	[tilespmem:$0x18D80] =	vst v63  }
0x392: {  	s24 =	simm.s32 $0xF280;
	s21 =	sld [smem:$0x79A]  }
0x393: {  	[tilespmem:s24], [sflag:$0x2] =	stream.linear.gather [spmem:s23], $0x80, $0x38;
	[tilespmem:$0x18D80] =	vst v63  }
0x394: {  	s22 =	simm.s32 $0xF680;
	s23 =	sld [smem:$0x79B]  }
0x395: {  	[tilespmem:s22], [sflag:$0x2] =	stream.linear.gather [spmem:s21], $0x80, $0x38;
	[tilespmem:$0x18D80] =	vst v63  }
0x396: {  	s24 =	simm.s32 $0xFA80;
	s21 =	sld [smem:$0x79C]  }
0x397: {  	[tilespmem:s24], [sflag:$0x2] =	stream.linear.gather [spmem:s23], $0x80, $0x38;
	[tilespmem:$0x18D80] =	vst v63  }
0x398: {  	s22 =	simm.s32 $0xFE80;
	s23 =	sld [smem:$0x79D]  }
0x399: {  	[tilespmem:s22], [sflag:$0x2] =	stream.linear.gather [spmem:s21], $0x80, $0x38;
	[tilespmem:$0x18D80] =	vst v63  }
0x39a: {  	s24 =	simm.s32 $0x10280  }
0x39b: {  	[tilespmem:s24], [sflag:$0x2] =	stream.linear.gather [spmem:s23], $0x80, $0x38;
	[tilespmem:$0x18D80] =	vst v63  }
0x39c: {  	_ =	swait.ge [sflag:s0], $0x580  }
0x39d: {  	[sflag:s0] =	ssyncset.done $0x0;
	s21 =	rddreg [dreg:$0xd]  }
0x39e: {  	s22 =	simm.s32 $0xDB00;
	s23 =	sld [smem:$0x79E];
	[sflag:s0] =	ssyncadd.s32 $0xFFFFFA80  }
0x39f: {  	[tilespmem:s22], [sflag:$0x2] =	stream.linear.gather [spmem:s21], $0x80, $0x38;
	[tilespmem:$0x18D80] =	vst v63  }
0x3a0: {  	s24 =	simm.s32 $0xDF00;
	s21 =	sld [smem:$0x79F]  }
0x3a1: {  	[tilespmem:s24], [sflag:$0x2] =	stream.linear.gather [spmem:s23], $0x80, $0x38;
	[tilespmem:$0x18D80] =	vst v63  }
0x3a2: {  	s22 =	simm.s32 $0xE300;
	s23 =	sld [smem:$0x7A0]  }
0x3a3: {  	[tilespmem:s22], [sflag:$0x2] =	stream.linear.gather [spmem:s21], $0x80, $0x38;
	[tilespmem:$0x18D80] =	vst v63  }
0x3a4: {  	s24 =	simm.s32 $0xE700;
	s21 =	sld [smem:$0x7A1]  }
0x3a5: {  	[tilespmem:s24], [sflag:$0x2] =	stream.linear.gather [spmem:s23], $0x80, $0x38;
	[tilespmem:$0x18D80] =	vst v63  }
0x3a6: {  	s22 =	simm.s32 $0xEB00;
	s23 =	sld [smem:$0x7A2]  }
0x3a7: {  	[tilespmem:s22], [sflag:$0x2] =	stream.linear.gather [spmem:s21], $0x80, $0x38;
	[tilespmem:$0x18D80] =	vst v63  }
0x3a8: {  	s24 =	simm.s32 $0xEF00;
	s21 =	sld [smem:$0x7A3]  }
0x3a9: {  	[tilespmem:s24], [sflag:$0x2] =	stream.linear.gather [spmem:s23], $0x80, $0x38;
	[tilespmem:$0x18D80] =	vst v63  }
0x3aa: {  	s22 =	simm.s32 $0xF300;
	s23 =	sld [smem:$0x7A4]  }
0x3ab: {  	[tilespmem:s22], [sflag:$0x2] =	stream.linear.gather [spmem:s21], $0x80, $0x38;
	[tilespmem:$0x18D80] =	vst v63  }
0x3ac: {  	s24 =	simm.s32 $0xF700;
	s21 =	sld [smem:$0x7A5]  }
0x3ad: {  	[tilespmem:s24], [sflag:$0x2] =	stream.linear.gather [spmem:s23], $0x80, $0x38;
	[tilespmem:$0x18D80] =	vst v63  }
0x3ae: {  	s22 =	simm.s32 $0xFB00;
	s23 =	sld [smem:$0x7A6]  }
0x3af: {  	[tilespmem:s22], [sflag:$0x2] =	stream.linear.gather [spmem:s21], $0x80, $0x38;
	[tilespmem:$0x18D80] =	vst v63  }
0x3b0: {  	s24 =	simm.s32 $0xFF00;
	s21 =	sld [smem:$0x7A7]  }
0x3b1: {  	[tilespmem:s24], [sflag:$0x2] =	stream.linear.gather [spmem:s23], $0x80, $0x38;
	[tilespmem:$0x18D80] =	vst v63  }
0x3b2: {  	s22 =	simm.s32 $0x10300  }
0x3b3: {  	[tilespmem:s22], [sflag:$0x2] =	stream.linear.gather [spmem:s21], $0x80, $0x38;
	[tilespmem:$0x18D80] =	vst v63  }
0x3b4: {  	_ =	swait.ge [sflag:s0], $0x580  }
0x3b5: {  	[sflag:s0] =	ssyncset.done $0x0;
	s23 =	rddreg [dreg:$0xe]  }
0x3b6: {  	s24 =	simm.s32 $0xDB80;
	s21 =	sld [smem:$0x7A8];
	[sflag:s0] =	ssyncadd.s32 $0xFFFFFA80  }
0x3b7: {  	[tilespmem:s24], [sflag:$0x2] =	stream.linear.gather [spmem:s23], $0x80, $0x38;
	[tilespmem:$0x18D80] =	vst v63  }
0x3b8: {  	s22 =	simm.s32 $0xDF80;
	s23 =	sld [smem:$0x7A9]  }
0x3b9: {  	[tilespmem:s22], [sflag:$0x2] =	stream.linear.gather [spmem:s21], $0x80, $0x38;
	[tilespmem:$0x18D80] =	vst v63  }
0x3ba: {  	s24 =	simm.s32 $0xE380;
	s21 =	sld [smem:$0x7AA]  }
0x3bb: {  	[tilespmem:s24], [sflag:$0x2] =	stream.linear.gather [spmem:s23], $0x80, $0x38;
	[tilespmem:$0x18D80] =	vst v63  }
0x3bc: {  	s22 =	simm.s32 $0xE780;
	s23 =	sld [smem:$0x7AB]  }
0x3bd: {  	[tilespmem:s22], [sflag:$0x2] =	stream.linear.gather [spmem:s21], $0x80, $0x38;
	[tilespmem:$0x18D80] =	vst v63  }
0x3be: {  	s24 =	simm.s32 $0xEB80;
	s21 =	sld [smem:$0x7AC]  }
0x3bf: {  	[tilespmem:s24], [sflag:$0x2] =	stream.linear.gather [spmem:s23], $0x80, $0x38;
	[tilespmem:$0x18D80] =	vst v63  }
0x3c0: {  	s22 =	simm.s32 $0xEF80;
	s23 =	sld [smem:$0x7AD]  }
0x3c1: {  	[tilespmem:s22], [sflag:$0x2] =	stream.linear.gather [spmem:s21], $0x80, $0x38;
	[tilespmem:$0x18D80] =	vst v63  }
0x3c2: {  	s24 =	simm.s32 $0xF380;
	s21 =	sld [smem:$0x7AE]  }
0x3c3: {  	[tilespmem:s24], [sflag:$0x2] =	stream.linear.gather [spmem:s23], $0x80, $0x38;
	[tilespmem:$0x18D80] =	vst v63  }
0x3c4: {  	s22 =	simm.s32 $0xF780;
	s23 =	sld [smem:$0x7AF]  }
0x3c5: {  	[tilespmem:s22], [sflag:$0x2] =	stream.linear.gather [spmem:s21], $0x80, $0x38;
	[tilespmem:$0x18D80] =	vst v63  }
0x3c6: {  	s24 =	simm.s32 $0xFB80;
	s21 =	sld [smem:$0x7B0]  }
0x3c7: {  	[tilespmem:s24], [sflag:$0x2] =	stream.linear.gather [spmem:s23], $0x80, $0x38;
	[tilespmem:$0x18D80] =	vst v63  }
0x3c8: {  	s22 =	simm.s32 $0xFF80;
	s23 =	sld [smem:$0x7B1]  }
0x3c9: {  	[tilespmem:s22], [sflag:$0x2] =	stream.linear.gather [spmem:s21], $0x80, $0x38;
	[tilespmem:$0x18D80] =	vst v63  }
0x3ca: {  	s24 =	simm.s32 $0x10380  }
0x3cb: {  	[tilespmem:s24], [sflag:$0x2] =	stream.linear.gather [spmem:s23], $0x80, $0x38;
	[tilespmem:$0x18D80] =	vst v63  }
0x3cc: {  	_ =	swait.ge [sflag:s0], $0x580  }
0x3cd: {  	[sflag:s0] =	ssyncset.done $0x0;
	s21 =	rddreg [dreg:$0xf]  }
0x3ce: {  	s22 =	simm.s32 $0x10400;
	s23 =	sld [smem:$0x7B2];
	[sflag:s0] =	ssyncadd.s32 $0xFFFFFA80  }
0x3cf: {  	[tilespmem:s22], [sflag:$0x2] =	stream.linear.gather [spmem:s21], $0x80, $0x38;
	[tilespmem:$0x18D80] =	vst v63  }
0x3d0: {  	s24 =	simm.s32 $0x10800;
	s21 =	sld [smem:$0x7B3]  }
0x3d1: {  	[tilespmem:s24], [sflag:$0x2] =	stream.linear.gather [spmem:s23], $0x80, $0x38;
	[tilespmem:$0x18D80] =	vst v63  }
0x3d2: {  	s22 =	simm.s32 $0x10C00;
	s23 =	sld [smem:$0x7B4]  }
0x3d3: {  	[tilespmem:s22], [sflag:$0x2] =	stream.linear.gather [spmem:s21], $0x80, $0x38;
	[tilespmem:$0x18D80] =	vst v63  }
0x3d4: {  	s24 =	simm.s32 $0x11000;
	s21 =	sld [smem:$0x7B5]  }
0x3d5: {  	[tilespmem:s24], [sflag:$0x2] =	stream.linear.gather [spmem:s23], $0x80, $0x38;
	[tilespmem:$0x18D80] =	vst v63  }
0x3d6: {  	s22 =	simm.s32 $0x11400;
	s23 =	sld [smem:$0x7B6]  }
0x3d7: {  	[tilespmem:s22], [sflag:$0x2] =	stream.linear.gather [spmem:s21], $0x80, $0x38;
	[tilespmem:$0x18D80] =	vst v63  }
0x3d8: {  	s24 =	simm.s32 $0x11800;
	s21 =	sld [smem:$0x7B7]  }
0x3d9: {  	[tilespmem:s24], [sflag:$0x2] =	stream.linear.gather [spmem:s23], $0x80, $0x38;
	[tilespmem:$0x18D80] =	vst v63  }
0x3da: {  	s22 =	simm.s32 $0x11C00;
	s23 =	sld [smem:$0x7B8]  }
0x3db: {  	[tilespmem:s22], [sflag:$0x2] =	stream.linear.gather [spmem:s21], $0x80, $0x38;
	[tilespmem:$0x18D80] =	vst v63  }
0x3dc: {  	s24 =	simm.s32 $0x12000;
	s21 =	sld [smem:$0x7B9]  }
0x3dd: {  	[tilespmem:s24], [sflag:$0x2] =	stream.linear.gather [spmem:s23], $0x80, $0x38;
	[tilespmem:$0x18D80] =	vst v63  }
0x3de: {  	s22 =	simm.s32 $0x12400;
	s23 =	sld [smem:$0x7BA]  }
0x3df: {  	[tilespmem:s22], [sflag:$0x2] =	stream.linear.gather [spmem:s21], $0x80, $0x38;
	[tilespmem:$0x18D80] =	vst v63  }
0x3e0: {  	s24 =	simm.s32 $0x12800;
	s21 =	sld [smem:$0x7BB]  }
0x3e1: {  	[tilespmem:s24], [sflag:$0x2] =	stream.linear.gather [spmem:s23], $0x80, $0x38;
	[tilespmem:$0x18D80] =	vst v63  }
0x3e2: {  	s22 =	simm.s32 $0x12C00  }
0x3e3: {  	[tilespmem:s22], [sflag:$0x2] =	stream.linear.gather [spmem:s21], $0x80, $0x38;
	[tilespmem:$0x18D80] =	vst v63  }
0x3e4: {  	_ =	swait.ge [sflag:s0], $0x580  }
0x3e5: {  	[sflag:s0] =	ssyncset.done $0x0;
	s23 =	rddreg [dreg:$0x10]  }
0x3e6: {  	s24 =	simm.s32 $0x10480;
	s21 =	sld [smem:$0x7BC];
	[sflag:s0] =	ssyncadd.s32 $0xFFFFFA80  }
0x3e7: {  	[tilespmem:s24], [sflag:$0x2] =	stream.linear.gather [spmem:s23], $0x80, $0x38;
	[tilespmem:$0x18D80] =	vst v63  }
0x3e8: {  	s22 =	simm.s32 $0x10880;
	s23 =	sld [smem:$0x7BD]  }
0x3e9: {  	[tilespmem:s22], [sflag:$0x2] =	stream.linear.gather [spmem:s21], $0x80, $0x38;
	[tilespmem:$0x18D80] =	vst v63  }
0x3ea: {  	s24 =	simm.s32 $0x10C80;
	s21 =	sld [smem:$0x7BE]  }
0x3eb: {  	[tilespmem:s24], [sflag:$0x2] =	stream.linear.gather [spmem:s23], $0x80, $0x38;
	[tilespmem:$0x18D80] =	vst v63  }
0x3ec: {  	s22 =	simm.s32 $0x11080;
	s23 =	sld [smem:$0x7BF]  }
0x3ed: {  	[tilespmem:s22], [sflag:$0x2] =	stream.linear.gather [spmem:s21], $0x80, $0x38;
	[tilespmem:$0x18D80] =	vst v63  }
0x3ee: {  	s24 =	simm.s32 $0x11480;
	s21 =	sld [smem:$0x7C0]  }
0x3ef: {  	[tilespmem:s24], [sflag:$0x2] =	stream.linear.gather [spmem:s23], $0x80, $0x38;
	[tilespmem:$0x18D80] =	vst v63  }
0x3f0: {  	s22 =	simm.s32 $0x11880;
	s23 =	sld [smem:$0x7C1]  }
0x3f1: {  	[tilespmem:s22], [sflag:$0x2] =	stream.linear.gather [spmem:s21], $0x80, $0x38;
	[tilespmem:$0x18D80] =	vst v63  }
0x3f2: {  	s24 =	simm.s32 $0x11C80;
	s21 =	sld [smem:$0x7C2]  }
0x3f3: {  	[tilespmem:s24], [sflag:$0x2] =	stream.linear.gather [spmem:s23], $0x80, $0x38;
	[tilespmem:$0x18D80] =	vst v63  }
0x3f4: {  	s22 =	simm.s32 $0x12080;
	s23 =	sld [smem:$0x7C3]  }
0x3f5: {  	[tilespmem:s22], [sflag:$0x2] =	stream.linear.gather [spmem:s21], $0x80, $0x38;
	[tilespmem:$0x18D80] =	vst v63  }
0x3f6: {  	s24 =	simm.s32 $0x12480;
	s21 =	sld [smem:$0x7C4]  }
0x3f7: {  	[tilespmem:s24], [sflag:$0x2] =	stream.linear.gather [spmem:s23], $0x80, $0x38;
	[tilespmem:$0x18D80] =	vst v63  }
0x3f8: {  	s22 =	simm.s32 $0x12880;
	s23 =	sld [smem:$0x7C5]  }
0x3f9: {  	[tilespmem:s22], [sflag:$0x2] =	stream.linear.gather [spmem:s21], $0x80, $0x38;
	[tilespmem:$0x18D80] =	vst v63  }
0x3fa: {  	s24 =	simm.s32 $0x12C80  }
0x3fb: {  	[tilespmem:s24], [sflag:$0x2] =	stream.linear.gather [spmem:s23], $0x80, $0x38;
	[tilespmem:$0x18D80] =	vst v63  }
0x3fc: {  	_ =	swait.ge [sflag:s0], $0x580  }
0x3fd: {  	[sflag:s0] =	ssyncset.done $0x0;
	s21 =	rddreg [dreg:$0x11]  }
0x3fe: {  	s22 =	simm.s32 $0x10500;
	s23 =	sld [smem:$0x7C6];
	[sflag:s0] =	ssyncadd.s32 $0xFFFFFA80  }
0x3ff: {  	[tilespmem:s22], [sflag:$0x2] =	stream.linear.gather [spmem:s21], $0x80, $0x38;
	[tilespmem:$0x18D80] =	vst v63  }
0x400: {  	s24 =	simm.s32 $0x10900;
	s21 =	sld [smem:$0x7C7]  }
0x401: {  	[tilespmem:s24], [sflag:$0x2] =	stream.linear.gather [spmem:s23], $0x80, $0x38;
	[tilespmem:$0x18D80] =	vst v63  }
0x402: {  	s22 =	simm.s32 $0x10D00;
	s23 =	sld [smem:$0x7C8]  }
0x403: {  	[tilespmem:s22], [sflag:$0x2] =	stream.linear.gather [spmem:s21], $0x80, $0x38;
	[tilespmem:$0x18D80] =	vst v63  }
0x404: {  	s24 =	simm.s32 $0x11100;
	s21 =	sld [smem:$0x7C9]  }
0x405: {  	[tilespmem:s24], [sflag:$0x2] =	stream.linear.gather [spmem:s23], $0x80, $0x38;
	[tilespmem:$0x18D80] =	vst v63  }
0x406: {  	s22 =	simm.s32 $0x11500;
	s23 =	sld [smem:$0x7CA]  }
0x407: {  	[tilespmem:s22], [sflag:$0x2] =	stream.linear.gather [spmem:s21], $0x80, $0x38;
	[tilespmem:$0x18D80] =	vst v63  }
0x408: {  	s24 =	simm.s32 $0x11900;
	s21 =	sld [smem:$0x7CB]  }
0x409: {  	[tilespmem:s24], [sflag:$0x2] =	stream.linear.gather [spmem:s23], $0x80, $0x38;
	[tilespmem:$0x18D80] =	vst v63  }
0x40a: {  	s22 =	simm.s32 $0x11D00;
	s23 =	sld [smem:$0x7CC]  }
0x40b: {  	[tilespmem:s22], [sflag:$0x2] =	stream.linear.gather [spmem:s21], $0x80, $0x38;
	[tilespmem:$0x18D80] =	vst v63  }
0x40c: {  	s24 =	simm.s32 $0x12100;
	s21 =	sld [smem:$0x7CD]  }
0x40d: {  	[tilespmem:s24], [sflag:$0x2] =	stream.linear.gather [spmem:s23], $0x80, $0x38;
	[tilespmem:$0x18D80] =	vst v63  }
0x40e: {  	s22 =	simm.s32 $0x12500;
	s23 =	sld [smem:$0x7CE]  }
0x40f: {  	[tilespmem:s22], [sflag:$0x2] =	stream.linear.gather [spmem:s21], $0x80, $0x38;
	[tilespmem:$0x18D80] =	vst v63  }
0x410: {  	s24 =	simm.s32 $0x12900;
	s21 =	sld [smem:$0x7CF]  }
0x411: {  	[tilespmem:s24], [sflag:$0x2] =	stream.linear.gather [spmem:s23], $0x80, $0x38;
	[tilespmem:$0x18D80] =	vst v63  }
0x412: {  	s22 =	simm.s32 $0x12D00  }
0x413: {  	[tilespmem:s22], [sflag:$0x2] =	stream.linear.gather [spmem:s21], $0x80, $0x38;
	[tilespmem:$0x18D80] =	vst v63  }
0x414: {  	_ =	swait.ge [sflag:s0], $0x580  }
0x415: {  	[sflag:s0] =	ssyncset.done $0x0;
	s23 =	rddreg [dreg:$0x12]  }
0x416: {  	s24 =	simm.s32 $0x10580;
	s21 =	sld [smem:$0x7D0];
	[sflag:s0] =	ssyncadd.s32 $0xFFFFFA80  }
0x417: {  	[tilespmem:s24], [sflag:$0x2] =	stream.linear.gather [spmem:s23], $0x80, $0x38;
	[tilespmem:$0x18D80] =	vst v63  }
0x418: {  	s22 =	simm.s32 $0x10980;
	s23 =	sld [smem:$0x7D1]  }
0x419: {  	[tilespmem:s22], [sflag:$0x2] =	stream.linear.gather [spmem:s21], $0x80, $0x38;
	[tilespmem:$0x18D80] =	vst v63  }
0x41a: {  	s24 =	simm.s32 $0x10D80;
	s21 =	sld [smem:$0x7D2]  }
0x41b: {  	[tilespmem:s24], [sflag:$0x2] =	stream.linear.gather [spmem:s23], $0x80, $0x38;
	[tilespmem:$0x18D80] =	vst v63  }
0x41c: {  	s22 =	simm.s32 $0x11180;
	s23 =	sld [smem:$0x7D3]  }
0x41d: {  	[tilespmem:s22], [sflag:$0x2] =	stream.linear.gather [spmem:s21], $0x80, $0x38;
	[tilespmem:$0x18D80] =	vst v63  }
0x41e: {  	s24 =	simm.s32 $0x11580;
	s21 =	sld [smem:$0x7D4]  }
0x41f: {  	[tilespmem:s24], [sflag:$0x2] =	stream.linear.gather [spmem:s23], $0x80, $0x38;
	[tilespmem:$0x18D80] =	vst v63  }
0x420: {  	s22 =	simm.s32 $0x11980;
	s23 =	sld [smem:$0x7D5]  }
0x421: {  	[tilespmem:s22], [sflag:$0x2] =	stream.linear.gather [spmem:s21], $0x80, $0x38;
	[tilespmem:$0x18D80] =	vst v63  }
0x422: {  	s24 =	simm.s32 $0x11D80;
	s21 =	sld [smem:$0x7D6]  }
0x423: {  	[tilespmem:s24], [sflag:$0x2] =	stream.linear.gather [spmem:s23], $0x80, $0x38;
	[tilespmem:$0x18D80] =	vst v63  }
0x424: {  	s22 =	simm.s32 $0x12180;
	s23 =	sld [smem:$0x7D7]  }
0x425: {  	[tilespmem:s22], [sflag:$0x2] =	stream.linear.gather [spmem:s21], $0x80, $0x38;
	[tilespmem:$0x18D80] =	vst v63  }
0x426: {  	s24 =	simm.s32 $0x12580;
	s21 =	sld [smem:$0x7D8]  }
0x427: {  	[tilespmem:s24], [sflag:$0x2] =	stream.linear.gather [spmem:s23], $0x80, $0x38;
	[tilespmem:$0x18D80] =	vst v63  }
0x428: {  	s22 =	simm.s32 $0x12980;
	s23 =	sld [smem:$0x7D9]  }
0x429: {  	[tilespmem:s22], [sflag:$0x2] =	stream.linear.gather [spmem:s21], $0x80, $0x38;
	[tilespmem:$0x18D80] =	vst v63  }
0x42a: {  	s24 =	simm.s32 $0x12D80  }
0x42b: {  	[tilespmem:s24], [sflag:$0x2] =	stream.linear.gather [spmem:s23], $0x80, $0x38;
	[tilespmem:$0x18D80] =	vst v63  }
0x42c: {  	_ =	swait.ge [sflag:s0], $0x580  }
0x42d: {  	[sflag:s0] =	ssyncset.done $0x0;
	s21 =	rddreg [dreg:$0x13]  }
0x42e: {  	s22 =	simm.s32 $0x10600;
	s23 =	sld [smem:$0x7DA];
	[sflag:s0] =	ssyncadd.s32 $0xFFFFFA80  }
0x42f: {  	[tilespmem:s22], [sflag:$0x2] =	stream.linear.gather [spmem:s21], $0x80, $0x38;
	[tilespmem:$0x18D80] =	vst v63  }
0x430: {  	s24 =	simm.s32 $0x10A00;
	s21 =	sld [smem:$0x7DB]  }
0x431: {  	[tilespmem:s24], [sflag:$0x2] =	stream.linear.gather [spmem:s23], $0x80, $0x38;
	[tilespmem:$0x18D80] =	vst v63  }
0x432: {  	s22 =	simm.s32 $0x10E00;
	s23 =	sld [smem:$0x7DC]  }
0x433: {  	[tilespmem:s22], [sflag:$0x2] =	stream.linear.gather [spmem:s21], $0x80, $0x38;
	[tilespmem:$0x18D80] =	vst v63  }
0x434: {  	s24 =	simm.s32 $0x11200;
	s21 =	sld [smem:$0x7DD]  }
0x435: {  	[tilespmem:s24], [sflag:$0x2] =	stream.linear.gather [spmem:s23], $0x80, $0x38;
	[tilespmem:$0x18D80] =	vst v63  }
0x436: {  	s22 =	simm.s32 $0x11600;
	s23 =	sld [smem:$0x7DE]  }
0x437: {  	[tilespmem:s22], [sflag:$0x2] =	stream.linear.gather [spmem:s21], $0x80, $0x38;
	[tilespmem:$0x18D80] =	vst v63  }
0x438: {  	s24 =	simm.s32 $0x11A00;
	s21 =	sld [smem:$0x7DF]  }
0x439: {  	[tilespmem:s24], [sflag:$0x2] =	stream.linear.gather [spmem:s23], $0x80, $0x38;
	[tilespmem:$0x18D80] =	vst v63  }
0x43a: {  	s22 =	simm.s32 $0x11E00;
	s23 =	sld [smem:$0x7E0]  }
0x43b: {  	[tilespmem:s22], [sflag:$0x2] =	stream.linear.gather [spmem:s21], $0x80, $0x38;
	[tilespmem:$0x18D80] =	vst v63  }
0x43c: {  	s24 =	simm.s32 $0x12200;
	s21 =	sld [smem:$0x7E1]  }
0x43d: {  	[tilespmem:s24], [sflag:$0x2] =	stream.linear.gather [spmem:s23], $0x80, $0x38;
	[tilespmem:$0x18D80] =	vst v63  }
0x43e: {  	s22 =	simm.s32 $0x12600;
	s23 =	sld [smem:$0x7E2]  }
0x43f: {  	[tilespmem:s22], [sflag:$0x2] =	stream.linear.gather [spmem:s21], $0x80, $0x38;
	[tilespmem:$0x18D80] =	vst v63  }
0x440: {  	s24 =	simm.s32 $0x12A00;
	s21 =	sld [smem:$0x7E3]  }
0x441: {  	[tilespmem:s24], [sflag:$0x2] =	stream.linear.gather [spmem:s23], $0x80, $0x38;
	[tilespmem:$0x18D80] =	vst v63  }
0x442: {  	s22 =	simm.s32 $0x12E00  }
0x443: {  	[tilespmem:s22], [sflag:$0x2] =	stream.linear.gather [spmem:s21], $0x80, $0x38;
	[tilespmem:$0x18D80] =	vst v63  }
0x444: {  	_ =	swait.ge [sflag:s0], $0x580  }
0x445: {  	[sflag:s0] =	ssyncset.done $0x0;
	s23 =	rddreg [dreg:$0x14]  }
0x446: {  	s24 =	simm.s32 $0x10680;
	s21 =	sld [smem:$0x7E4];
	[sflag:s0] =	ssyncadd.s32 $0xFFFFFA80  }
0x447: {  	[tilespmem:s24], [sflag:$0x2] =	stream.linear.gather [spmem:s23], $0x80, $0x38;
	[tilespmem:$0x18D80] =	vst v63  }
0x448: {  	s22 =	simm.s32 $0x10A80;
	s23 =	sld [smem:$0x7E5]  }
0x449: {  	[tilespmem:s22], [sflag:$0x2] =	stream.linear.gather [spmem:s21], $0x80, $0x38;
	[tilespmem:$0x18D80] =	vst v63  }
0x44a: {  	s24 =	simm.s32 $0x10E80;
	s21 =	sld [smem:$0x7E6]  }
0x44b: {  	[tilespmem:s24], [sflag:$0x2] =	stream.linear.gather [spmem:s23], $0x80, $0x38;
	[tilespmem:$0x18D80] =	vst v63  }
0x44c: {  	s22 =	simm.s32 $0x11280;
	s23 =	sld [smem:$0x7E7]  }
0x44d: {  	[tilespmem:s22], [sflag:$0x2] =	stream.linear.gather [spmem:s21], $0x80, $0x38;
	[tilespmem:$0x18D80] =	vst v63  }
0x44e: {  	s24 =	simm.s32 $0x11680;
	s21 =	sld [smem:$0x7E8]  }
0x44f: {  	[tilespmem:s24], [sflag:$0x2] =	stream.linear.gather [spmem:s23], $0x80, $0x38;
	[tilespmem:$0x18D80] =	vst v63  }
0x450: {  	s22 =	simm.s32 $0x11A80;
	s23 =	sld [smem:$0x7E9]  }
0x451: {  	[tilespmem:s22], [sflag:$0x2] =	stream.linear.gather [spmem:s21], $0x80, $0x38;
	[tilespmem:$0x18D80] =	vst v63  }
0x452: {  	s24 =	simm.s32 $0x11E80;
	s21 =	sld [smem:$0x7EA]  }
0x453: {  	[tilespmem:s24], [sflag:$0x2] =	stream.linear.gather [spmem:s23], $0x80, $0x38;
	[tilespmem:$0x18D80] =	vst v63  }
0x454: {  	s22 =	simm.s32 $0x12280;
	s23 =	sld [smem:$0x7EB]  }
0x455: {  	[tilespmem:s22], [sflag:$0x2] =	stream.linear.gather [spmem:s21], $0x80, $0x38;
	[tilespmem:$0x18D80] =	vst v63  }
0x456: {  	s24 =	simm.s32 $0x12680;
	s21 =	sld [smem:$0x7EC]  }
0x457: {  	[tilespmem:s24], [sflag:$0x2] =	stream.linear.gather [spmem:s23], $0x80, $0x38;
	[tilespmem:$0x18D80] =	vst v63  }
0x458: {  	s22 =	simm.s32 $0x12A80;
	s23 =	sld [smem:$0x7ED]  }
0x459: {  	[tilespmem:s22], [sflag:$0x2] =	stream.linear.gather [spmem:s21], $0x80, $0x38;
	[tilespmem:$0x18D80] =	vst v63  }
0x45a: {  	s24 =	simm.s32 $0x12E80  }
0x45b: {  	[tilespmem:s24], [sflag:$0x2] =	stream.linear.gather [spmem:s23], $0x80, $0x38;
	[tilespmem:$0x18D80] =	vst v63  }
0x45c: {  	_ =	swait.ge [sflag:s0], $0x580  }
0x45d: {  	[sflag:s0] =	ssyncset.done $0x0;
	s21 =	rddreg [dreg:$0x15]  }
0x45e: {  	s22 =	simm.s32 $0x10700;
	s23 =	sld [smem:$0x7EE];
	[sflag:s0] =	ssyncadd.s32 $0xFFFFFA80  }
0x45f: {  	[tilespmem:s22], [sflag:$0x2] =	stream.linear.gather [spmem:s21], $0x80, $0x38;
	[tilespmem:$0x18D80] =	vst v63  }
0x460: {  	s24 =	simm.s32 $0x10B00;
	s21 =	sld [smem:$0x7EF]  }
0x461: {  	[tilespmem:s24], [sflag:$0x2] =	stream.linear.gather [spmem:s23], $0x80, $0x38;
	[tilespmem:$0x18D80] =	vst v63  }
0x462: {  	s22 =	simm.s32 $0x10F00;
	s23 =	sld [smem:$0x7F0]  }
0x463: {  	[tilespmem:s22], [sflag:$0x2] =	stream.linear.gather [spmem:s21], $0x80, $0x38;
	[tilespmem:$0x18D80] =	vst v63  }
0x464: {  	s24 =	simm.s32 $0x11300;
	s21 =	sld [smem:$0x7F1]  }
0x465: {  	[tilespmem:s24], [sflag:$0x2] =	stream.linear.gather [spmem:s23], $0x80, $0x38;
	[tilespmem:$0x18D80] =	vst v63  }
0x466: {  	s22 =	simm.s32 $0x11700;
	s23 =	sld [smem:$0x7F2]  }
0x467: {  	[tilespmem:s22], [sflag:$0x2] =	stream.linear.gather [spmem:s21], $0x80, $0x38;
	[tilespmem:$0x18D80] =	vst v63  }
0x468: {  	s24 =	simm.s32 $0x11B00;
	s21 =	sld [smem:$0x7F3]  }
0x469: {  	[tilespmem:s24], [sflag:$0x2] =	stream.linear.gather [spmem:s23], $0x80, $0x38;
	[tilespmem:$0x18D80] =	vst v63  }
0x46a: {  	s22 =	simm.s32 $0x11F00;
	s23 =	sld [smem:$0x7F4]  }
0x46b: {  	[tilespmem:s22], [sflag:$0x2] =	stream.linear.gather [spmem:s21], $0x80, $0x38;
	[tilespmem:$0x18D80] =	vst v63  }
0x46c: {  	s24 =	simm.s32 $0x12300;
	s21 =	sld [smem:$0x7F5]  }
0x46d: {  	[tilespmem:s24], [sflag:$0x2] =	stream.linear.gather [spmem:s23], $0x80, $0x38;
	[tilespmem:$0x18D80] =	vst v63  }
0x46e: {  	s22 =	simm.s32 $0x12700;
	s23 =	sld [smem:$0x7F6]  }
0x46f: {  	[tilespmem:s22], [sflag:$0x2] =	stream.linear.gather [spmem:s21], $0x80, $0x38;
	[tilespmem:$0x18D80] =	vst v63  }
0x470: {  	s24 =	simm.s32 $0x12B00;
	s21 =	sld [smem:$0x7F7]  }
0x471: {  	[tilespmem:s24], [sflag:$0x2] =	stream.linear.gather [spmem:s23], $0x80, $0x38;
	[tilespmem:$0x18D80] =	vst v63  }
0x472: {  	s22 =	simm.s32 $0x12F00  }
0x473: {  	[tilespmem:s22], [sflag:$0x2] =	stream.linear.gather [spmem:s21], $0x80, $0x38;
	[tilespmem:$0x18D80] =	vst v63  }
0x474: {  	_ =	swait.ge [sflag:s0], $0x580  }
0x475: {  	[sflag:s0] =	ssyncset.done $0x0;
	s23 =	rddreg [dreg:$0x16]  }
0x476: {  	s24 =	simm.s32 $0x10780;
	s21 =	sld [smem:$0x7F8];
	[sflag:s0] =	ssyncadd.s32 $0xFFFFFA80  }
0x477: {  	[tilespmem:s24], [sflag:$0x2] =	stream.linear.gather [spmem:s23], $0x80, $0x38;
	[tilespmem:$0x18D80] =	vst v63  }
0x478: {  	s22 =	simm.s32 $0x10B80;
	s23 =	sld [smem:$0x7F9]  }
0x479: {  	[tilespmem:s22], [sflag:$0x2] =	stream.linear.gather [spmem:s21], $0x80, $0x38;
	[tilespmem:$0x18D80] =	vst v63  }
0x47a: {  	s24 =	simm.s32 $0x10F80;
	s21 =	sld [smem:$0x7FA]  }
0x47b: {  	[tilespmem:s24], [sflag:$0x2] =	stream.linear.gather [spmem:s23], $0x80, $0x38;
	[tilespmem:$0x18D80] =	vst v63  }
0x47c: {  	s22 =	simm.s32 $0x11380;
	s23 =	sld [smem:$0x7FB]  }
0x47d: {  	[tilespmem:s22], [sflag:$0x2] =	stream.linear.gather [spmem:s21], $0x80, $0x38;
	[tilespmem:$0x18D80] =	vst v63  }
0x47e: {  	s24 =	simm.s32 $0x11780;
	s21 =	sld [smem:$0x7FC]  }
0x47f: {  	[tilespmem:s24], [sflag:$0x2] =	stream.linear.gather [spmem:s23], $0x80, $0x38;
	[tilespmem:$0x18D80] =	vst v63  }
0x480: {  	s22 =	simm.s32 $0x11B80;
	s23 =	sld [smem:$0x7FD]  }
0x481: {  	[tilespmem:s22], [sflag:$0x2] =	stream.linear.gather [spmem:s21], $0x80, $0x38;
	[tilespmem:$0x18D80] =	vst v63  }
0x482: {  	s24 =	simm.s32 $0x11F80  }
0x483: {  	[tilespmem:s24], [sflag:$0x2] =	stream.linear.gather [spmem:s23], $0x80, $0x38;
	[tilespmem:$0x18D80] =	vst v63  }
0x484: {  	s22 =	simm.s32 $0x12380  }
0x485: {  	[tilespmem:s22], [sflag:$0x2] =	stream.linear.gather [spmem:s25], $0x80, $0x38;
	[tilespmem:$0x18D80] =	vst v63  }
0x486: {  	s23 =	simm.s32 $0x12780  }
0x487: {  	[tilespmem:s23], [sflag:$0x2] =	stream.linear.gather [spmem:s26], $0x80, $0x38;
	[tilespmem:$0x18D80] =	vst v63  }
0x488: {  	s24 =	simm.s32 $0x12B80  }
0x489: {  	[tilespmem:s24], [sflag:$0x2] =	stream.linear.gather [spmem:s28], $0x80, $0x38;
	[tilespmem:$0x18D80] =	vst v63  }
0x48a: {  	s21 =	simm.s32 $0x12F80  }
0x48b: {  	[tilespmem:s21], [sflag:$0x2] =	stream.linear.gather [spmem:s29], $0x80, $0x38;
	[tilespmem:$0x18D80] =	vst v63  }
0x48c: {  	s22 =	simm.s32 $0x0;
	_ =	swait.ge [sflag:s0], $0x580  }
0x48d: {  	s20 =	sand.u32 $0x3C00, s22;
	s23 =	sand.u32 $0x70, s22;
	[sflag:s0] =	ssyncset.done $0x0  }
0x48e: {  	s20 =	sor.u32 s23, s20;
	[sflag:s0] =	ssyncadd.s32 $0xFFFFFA80  }
0x48f: {  	v2 =	vld [tilespmem:s20+$0xD880]  }
0x490: {  	v3 =	vld [tilespmem:s20+$0xD800]  }
0x491: {  	v4 =	vld [tilespmem:s20+$0xD900]  }
0x492: {  	v5 =	vld [tilespmem:s20+$0xD980]  }
0x493: {  	v6 =	vld [tilespmem:s20+$0xDA00]  }
0x494: {  	v7 =	vld [tilespmem:s20+$0xDA80]  }
0x495: {  	v2 =	vadd.s32 v3, v2;
	v3 =	vld [tilespmem:s20+$0xDB00]  }
0x496: {  	v56 =	vld [tilespmem:s20+$0xDB80];
	v2 =	vadd.s32 v4, v2  }
0x497: {  	v57 =	vld [tilespmem:s20+$0x10400];
	v2 =	vadd.s32 v5, v2  }
0x498: {  	v58 =	vld [tilespmem:s20+$0x10480];
	v2 =	vadd.s32 v6, v2  }
0x499: {  	v59 =	vld [tilespmem:s20+$0x10500];
	v2 =	vadd.s32 v7, v2  }
0x49a: {  	v2 =	vadd.s32 v3, v2;
	v3 =	vld [tilespmem:s20+$0x10580]  }
0x49b: {  	v60 =	vld [tilespmem:s20+$0x10600];
	v2 =	vadd.s32 v56, v2  }
0x49c: {  	v61 =	vld [tilespmem:s20+$0x10680];
	v2 =	vadd.s32 v57, v2  }
0x49d: {  	v62 =	vld [tilespmem:s20+$0x10700];
	v2 =	vadd.s32 v58, v2  }
0x49e: {  	v63 =	vld [tilespmem:s20+$0x10780];
	v2 =	vadd.s32 v59, v2  }
0x49f: {  	v2 =	vadd.s32 v3, v2  }
0x4a0: {  	v2 =	vadd.s32 v60, v2  }
0x4a1: {  	v2 =	vadd.s32 v61, v2  }
0x4a2: {  	s22 =	simm.s32 $0x80;
	s24 =	simm.s32 $0x10;
	v2 =	vadd.s32 v62, v2  }
0x4a3: {  	s23 =	sand.u32 $0x3C00, s22;
	s21 =	sand.u32 $0x70, s24;
	s20 =	simm.s32 $0x13000;
	v2 =	vadd.s32 v63, v2  }
0x4a4: {  	s21 =	sor.u32 s21, s23;
	s23 =	simm.s32 $0x20;
	[tilespmem:s20+$0x0] =	vst v2  }
.LBB2_52:
0x4a5: {  	p0 =	sne.s32 s23, $0x570;
	v2 =	vld [tilespmem:s21+$0xD880]  }
0x4a6: {  	v3 =	vld [tilespmem:s21+$0xD800]  }
0x4a7: {  	v4 =	vld [tilespmem:s21+$0xD900]  }
0x4a8: {  	v5 =	vld [tilespmem:s21+$0xD980]  }
0x4a9: {  	v6 =	vld [tilespmem:s21+$0xDA00]  }
0x4aa: {  	v7 =	vld [tilespmem:s21+$0xDA80]  }
0x4ab: {  	v2 =	vadd.s32 v3, v2;
	v3 =	vld [tilespmem:s21+$0xDB00]  }
0x4ac: {  	v2 =	vadd.s32 v4, v2;
	v4 =	vld [tilespmem:s21+$0xDB80]  }
0x4ad: {  	v2 =	vadd.s32 v5, v2;
	v5 =	vld [tilespmem:s21+$0x10400]  }
0x4ae: {  	v2 =	vadd.s32 v6, v2;
	v6 =	vld [tilespmem:s21+$0x10480]  }
0x4af: {  	v2 =	vadd.s32 v7, v2;
	v7 =	vld [tilespmem:s21+$0x10500]  }
0x4b0: {  	v2 =	vadd.s32 v3, v2;
	v3 =	vld [tilespmem:s21+$0x10580]  }
0x4b1: {  	v2 =	vadd.s32 v4, v2;
	v4 =	vld [tilespmem:s21+$0x10600]  }
0x4b2: {  	v2 =	vadd.s32 v5, v2;
	v5 =	vld [tilespmem:s21+$0x10680]  }
0x4b3: {  	v2 =	vadd.s32 v6, v2;
	v6 =	vld [tilespmem:s21+$0x10700]  }
0x4b4: {  	v2 =	vadd.s32 v7, v2;
	v7 =	vld [tilespmem:s21+$0x10780]  }
0x4b5: {  	v2 =	vadd.s32 v3, v2  }
.Ltmp25:
0x4b6: {  	v2 =	vadd.s32 v4, v2;
	(pc) =	sbr.rel @p0 .LBB2_52-.Ltmp25, $4  }
0x4b7: {  	v2 =	vadd.s32 v5, v2  }
0x4b8: {  	s22 =	sadd.s32 $0x80, s22;
	v2 =	vadd.s32 v6, v2  }
0x4b9: {  	s20 =	sadd.s32 $0x10, s20;
	s24 =	sand.u32 $0x3C00, s22;
	s21 =	sand.u32 $0x70, s23;
	v2 =	vadd.s32 v7, v2  }
0x4ba: {  	s23 =	sadd.s32 $0x10, s23;
	s21 =	sor.u32 s21, s24;
	[tilespmem:s20+$0x0] =	vst v2  }
0x4bb: {  	v2 =	vld [tilespmem:s21+$0xD880]  }
0x4bc: {  	v3 =	vld [tilespmem:s21+$0xD800]  }
0x4bd: {  	v4 =	vld [tilespmem:s21+$0xD900]  }
0x4be: {  	v5 =	vld [tilespmem:s21+$0xD980]  }
0x4bf: {  	v6 =	vld [tilespmem:s21+$0xDA00]  }
0x4c0: {  	v7 =	vld [tilespmem:s21+$0xDA80]  }
0x4c1: {  	v2 =	vadd.s32 v3, v2;
	v3 =	vld [tilespmem:s21+$0xDB00]  }
0x4c2: {  	v56 =	vld [tilespmem:s21+$0xDB80];
	v2 =	vadd.s32 v4, v2  }
0x4c3: {  	v57 =	vld [tilespmem:s21+$0x10400];
	v2 =	vadd.s32 v5, v2  }
0x4c4: {  	v58 =	vld [tilespmem:s21+$0x10480];
	v2 =	vadd.s32 v6, v2  }
0x4c5: {  	v59 =	vld [tilespmem:s21+$0x10500];
	v2 =	vadd.s32 v7, v2  }
0x4c6: {  	v2 =	vadd.s32 v3, v2;
	v3 =	vld [tilespmem:s21+$0x10580]  }
0x4c7: {  	v60 =	vld [tilespmem:s21+$0x10600];
	v2 =	vadd.s32 v56, v2  }
0x4c8: {  	v61 =	vld [tilespmem:s21+$0x10680];
	v2 =	vadd.s32 v57, v2  }
0x4c9: {  	v62 =	vld [tilespmem:s21+$0x10700];
	v2 =	vadd.s32 v58, v2  }
0x4ca: {  	v63 =	vld [tilespmem:s21+$0x10780];
	v2 =	vadd.s32 v59, v2  }
0x4cb: {  	v2 =	vadd.s32 v3, v2  }
0x4cc: {  	v2 =	vadd.s32 v60, v2  }
0x4cd: {  	v2 =	vadd.s32 v61, v2  }
0x4ce: {  	v2 =	vadd.s32 v62, v2  }
0x4cf: {  	s20 =	sadd.s32 $0x10, s20;
	s24 =	simm.s32 $0x80;
	v2 =	vadd.s32 v63, v2  }
0x4d0: {  	s22 =	simm.s32 $0x100;
	s23 =	simm.s32 $0x13000;
	s21 =	rddreg [dreg:$0x9];
	[tilespmem:s20+$0x0] =	vst v2  }
0x4d1: {  	[hbm4b:s21+s24] =	stream.strided.scatter [tilespmem:s23], [sflag:$0x2], $0x580, s22, s24, $0x38;
	[tilespmem:$0x18D80] =	vst v63  }
0x4d2: {  	_ =	swait.ge [sflag:s0], $0x580  }
0x4d3: {  	s1 =	sadd.s32 $0x1, s1;
	s24 =	rddreg [dreg:$0xa]  }
0x4d4: {  	p0 =	sne.s32 s1, s24  }
.Ltmp26:
0x4d5: {  	_ = 	snop;
	(pc) =	sbr.rel @p0 .LBB2_1-.Ltmp26, $3  }
0x4d6: {  	_ =	sdelay $0x1  }
0x4d7: {  	[sflag:s0] =	ssyncset.done $0x0  }
0x4d8: {  	[sflag:s0] =	ssyncadd.s32 $0xFFFFFA80  }
0x4d9: {  	_ =	sfence.sel $0x180000  }
0x4da: {  	[bflag:$0x0] =	sbarrier.arrive $0xFFFF  }
0x4db: {  	_ =	strace $0x90000047  }
0x4dc: {  	s0 =	stileid.u32;
	[bflag:$0x2] =	sbarrier.arrive $0xFFFF  }
0x4dd: {  	p0 =	sne.s32 s0, $0x0;
	s0 =	rddreg [dreg:$0x4]  }
0x4de: {  	s0 =	sadd.s32 @!p0 $0x100000, s0  }
0x4df: {  	[sflag:s0] =	ssyncadd.tile.s32 @!p0 $0x1;
	_ =	shalt  }
.Lfunc_end2:
_tile_overlayer_lowered:
.L_overlay_start_2:
0x4e0: {  	(tag) =	ssettag $0x2  }
0x4e1: {  	s0 =	rddreg [dreg:$0x0];
	s2 =	stileid.u32  }
0x4e2: {  	s1 =	rddreg [dreg:$0x1];
	p0 =	sne.s32 s2, $0x0  }
0x4e3: {  	s3 =	rddreg [dreg:$0x2];
	[bflag:$0x3] =	sbarrier.arrive $0xFFFF;
	s2 =	simm.s32 @!p0 $0x1C02  }
0x4e4: {  	[timem:s3], [sflag:s2] =	dma.local @!p0 [hbm:s0], s1  }
0x4e5: {  	s0 =	simm.s32 @!p0 $0x2  }
0x4e6: {  	_ =	swait.ge @!p0 [sflag:s0], s1  }
0x4e7: {  	s1 =	ssub.s32 @!p0 $0x0, s1;
	[sflag:s0] =	ssyncset.done @!p0 $0x0  }
0x4e8: {  	[sflag:s0] =	ssyncadd.s32 @!p0 s1  }
0x4e9: {  	[bflag:$0x3] =	sbarrier.arrive $0xFFFF  }
0x4ea: {  	_ =	shalt  }

</sc_bundles>
